<compile_context>
chip_gen: v7x
topology: tpu7x:2x2x1
jax: 0.10.2.dev20260603
libtpu: 0.0.44.dev20260713+nightly
codegen_flags: <defaults>
</compile_context>

<pallas_src>
import functools

import numpy as np
import jax
import jax.numpy as jnp
from jax import lax
from jax.experimental import pallas as pl
from jax.experimental.pallas import tpu as pltpu
from jax.experimental.pallas import tpu_sc as plsc

_N_LEVELS = 16
_N_FEAT = 2
_LOG2_T = 16
_T = 1 << _LOG2_T
_BASE = 16
_FINEST = 400
_B = 262144
_PRIME1_I32 = np.int32(np.uint32(2654435761 % (2 ** 32)).view(np.int32))

_NC, _NS, _LANES = 2, 16, 16
_NTILES = _NC * _NS
_TPAD = 65536
_CHUNK = 4096


def _host_levels():
    b = np.exp((np.log(np.float32(_FINEST)) - np.log(np.float32(_BASE)))
               / np.float32(_N_LEVELS - 1)).astype(np.float32)
    return [float(np.floor(np.float32(_BASE) * np.float32(b) ** i))
            for i in range(_N_LEVELS)]


_LEVELS = _host_levels()
_SIZES = [((int(r) + 1) ** 2 if int(r) * int(r) < _T else _T) for r in _LEVELS]
_DENSE = [int(r) * int(r) < _T for r in _LEVELS]
_GS = [np.float32(np.float64(1.0) / np.float32(r)) for r in _LEVELS]
_RCP = [np.float32(np.float64(1.0) / np.float64(g)) for g in _GS]
_R_I32 = [np.int32(int(r)) for r in _LEVELS]

_GS_FLAT = np.zeros((_NTILES * _LANES,), np.float32)
_RCP_FLAT = np.zeros((_NTILES * _LANES,), np.float32)
_R_FLAT = np.zeros((_NTILES * _LANES,), np.int32)
for _w in range(_NTILES):
    _lvl = _w // 2
    _GS_FLAT[_w * _LANES:(_w + 1) * _LANES] = _GS[_lvl]
    _RCP_FLAT[_w * _LANES:(_w + 1) * _LANES] = _RCP[_lvl]
    _R_FLAT[_w * _LANES:(_w + 1) * _LANES] = _R_I32[_lvl]


def _body(x0_hbm, x1_hbm, tabs_hbm, gs_hbm, rcp_hbm, r_hbm,
          out_t_hbm, *rest):
    idx_outs = rest[:_N_LEVELS]
    (tab_v, gs_v, rcp_v, r_v, x0_v, x1_v, out_v, idx_v) = rest[_N_LEVELS:]

    wid = lax.axis_index("c") * _NS + lax.axis_index("s")
    level = wid // 2
    feature = wid % 2

    pltpu.sync_copy(gs_hbm, gs_v)
    pltpu.sync_copy(rcp_hbm, rcp_v)
    pltpu.sync_copy(r_hbm, r_v)
    pltpu.sync_copy(tabs_hbm.at[pl.ds(wid * _TPAD, _TPAD)], tab_v)

    lanes = lax.broadcasted_iota(jnp.int32, (_LANES,), 0)
    gs = plsc.load_gather(gs_v, [wid * _LANES + lanes])
    rcp = plsc.load_gather(rcp_v, [wid * _LANES + lanes])
    r_i = plsc.load_gather(r_v, [wid * _LANES + lanes])
    r_f = r_i.astype(jnp.float32)
    one = jnp.full((_LANES,), 1.0, jnp.float32)
    mask16 = jnp.full((_LANES,), _T - 1, jnp.int32)
    prime = jnp.full((_LANES,), _PRIME1_I32, jnp.int32)
    is_dense = wid < 2 * sum(_DENSE)

    def make_chunk_body(idx_ref):
      def chunk_body(n, _):
        base = n * _CHUNK
        pltpu.sync_copy(x0_hbm.at[pl.ds(base, _CHUNK)], x0_v)
        pltpu.sync_copy(x1_hbm.at[pl.ds(base, _CHUNK)], x1_v)

        def vec_body(j, _):
            s = j * _LANES
            x0 = x0_v[pl.ds(s, _LANES)]
            x1 = x1_v[pl.ds(s, _LANES)]
            bl0 = (x0 * rcp).astype(jnp.int32)
            bl1 = (x1 * rcp).astype(jnp.int32)
            bl0f = bl0.astype(jnp.float32)
            bl1f = bl1.astype(jnp.float32)
            gmin0 = bl0f * gs
            gmin1 = bl1f * gs
            d0 = (gmin0 + gs) - gmin0
            d1 = (gmin1 + gs) - gmin1
            w0 = (x0 - gmin0) / d0
            w1 = (x1 - gmin1) / d1

            dbase = bl0 * r_i + bl1
            di00 = dbase
            di01 = dbase + 1
            di10 = dbase + r_i
            di11 = dbase + r_i + 1
            ha = bl1 * prime
            hb = ha + prime
            b0p = bl0 + 1
            hi00 = (bl0 ^ ha) & mask16
            hi01 = (bl0 ^ hb) & mask16
            hi10 = (b0p ^ ha) & mask16
            hi11 = (b0p ^ hb) & mask16

            i00 = jnp.where(is_dense, di00, hi00)
            i01 = jnp.where(is_dense, di01, hi01)
            i10 = jnp.where(is_dense, di10, hi10)
            i11 = jnp.where(is_dense, di11, hi11)

            e00 = plsc.load_gather(tab_v, [i00])
            e01 = plsc.load_gather(tab_v, [i01])
            e10 = plsc.load_gather(tab_v, [i10])
            e11 = plsc.load_gather(tab_v, [i11])

            c0 = e00 * (one - w1) + e01 * w1
            c1 = e10 * (one - w1) + e11 * w1
            out_v[pl.ds(s, _LANES)] = c0 * (one - w0) + c1 * w0

            if idx_ref is not None:
                rows4 = (lanes + s) * 4
                plsc.store_scatter(idx_v, [rows4], i00)
                plsc.store_scatter(idx_v, [rows4 + 1], i01)
                plsc.store_scatter(idx_v, [rows4 + 2], i10)
                plsc.store_scatter(idx_v, [rows4 + 3], i11)
            return 0

        lax.fori_loop(0, _CHUNK // _LANES, vec_body, 0)

        pltpu.sync_copy(out_v, out_t_hbm.at[pl.ds(wid * _B + base, _CHUNK)])
        if idx_ref is not None:
            pltpu.sync_copy(idx_v, idx_ref.at[pl.ds(base * 4, _CHUNK * 4)])
        return 0
      return chunk_body

    @pl.when(feature == 1)
    def _():
        lax.fori_loop(0, _B // _CHUNK, make_chunk_body(None), 0)

    for i in range(_N_LEVELS):
        @pl.when(jnp.logical_and(level == i, feature == 0))
        def _(i=i):
            lax.fori_loop(0, _B // _CHUNK, make_chunk_body(idx_outs[i]), 0)


@jax.jit
def _run(x, *tables):
    x0 = x[:, 0]
    x1 = x[:, 1]
    slots = []
    for lvl in range(_N_LEVELS):
        for f in range(_N_FEAT):
            col = tables[lvl][:, f]
            pad = _TPAD - _SIZES[lvl]
            if pad:
                col = jnp.concatenate([col, jnp.zeros((pad,), jnp.float32)])
            slots.append(col)
    tabs = jnp.concatenate(slots)
    gs_arr = jnp.asarray(_GS_FLAT)
    rcp_arr = jnp.asarray(_RCP_FLAT)
    r_arr = jnp.asarray(_R_FLAT)

    out_type = ([jax.ShapeDtypeStruct((_NTILES * _B,), jnp.float32)] +
                [jax.ShapeDtypeStruct((_B * 4,), jnp.int32)] * _N_LEVELS)
    scratch = [
        pltpu.VMEM((_TPAD,), jnp.float32),
        pltpu.VMEM((_NTILES * _LANES,), jnp.float32),
        pltpu.VMEM((_NTILES * _LANES,), jnp.float32),
        pltpu.VMEM((_NTILES * _LANES,), jnp.int32),
        pltpu.VMEM((_CHUNK,), jnp.float32),
        pltpu.VMEM((_CHUNK,), jnp.float32),
        pltpu.VMEM((_CHUNK,), jnp.float32),
        pltpu.VMEM((_CHUNK * 4,), jnp.int32),
    ]
    mesh = plsc.VectorSubcoreMesh(core_axis_name="c", subcore_axis_name="s",
                                  num_cores=_NC, num_subcores=_NS)
    fn = pl.kernel(_body, out_type=out_type, mesh=mesh, scratch_types=scratch,
                   compiler_params=pltpu.CompilerParams(
                       needs_layout_passes=False))
    res = fn(x0, x1, tabs, gs_arr, rcp_arr, r_arr)
    return (res[0], *[a.reshape(_B, 4) for a in res[1:]])


def kernel(x, table_0, table_1, table_2, table_3, table_4, table_5, table_6,
           table_7, table_8, table_9, table_10, table_11, table_12, table_13,
           table_14, table_15):
    return _run(x, table_0, table_1, table_2, table_3, table_4, table_5,
                table_6, table_7, table_8, table_9, table_10, table_11,
                table_12, table_13, table_14, table_15)

# --- scband reference (transcript-rebuilt; emitter-appended) ---
"""Pipeline reference for scband-hash-embedder-11768210391672 (READ-ONLY COPY).

The authoritative reference and input builder live on the scoring server;
editing this copy changes nothing except your own understanding.
"""

import jax
import jax.numpy as jnp
import numpy as np

N_LEVELS = 16
N_FEAT = 2
LOG2_T = 16
T = 1 << LOG2_T
BASE = 16
FINEST = 400
IMG_H = 1.0
IMG_W = 1.0
B = 262144
PRIMES = (1, 2654435761)


def _levels():
    b = np.exp((np.log(np.float32(FINEST)) - np.log(np.float32(BASE))) / np.float32(N_LEVELS - 1)).astype(np.float32)
    return [float(np.floor(np.float32(BASE) * np.float32(b) ** i)) for i in range(N_LEVELS)]


def _table_size(r):
    ri = int(r)
    return (ri + 1) ** 2 if ri * ri < T else T


def setup_inputs(seed: int = 0):
    key = jax.random.key(seed)
    keys = jax.random.split(key, N_LEVELS + 1)
    x = jax.random.uniform(keys[0], (B, 2), dtype=jnp.float32)
    inp = {"x": x}
    for i, r in enumerate(_levels()):
        sz = _table_size(r)
        inp[f"table_{i}"] = jax.random.uniform(keys[i + 1], (sz, N_FEAT), dtype=jnp.float32, minval=-1e-4, maxval=1e-4)
    return inp


def _forward(x, tables):
    offsets = jnp.array([[0, 0], [0, 1], [1, 0], [1, 1]], dtype=jnp.int32)
    outs = []
    idx_all = []
    for i, r in enumerate(_levels()):
        gs = jnp.array([IMG_H / np.float32(r), IMG_W / np.float32(r)], dtype=jnp.float32)
        bl = jnp.floor(x / gs).astype(jnp.int32)
        gmin = bl.astype(jnp.float32) * gs
        gmax = gmin + gs
        coords = bl[:, None, :] + offsets[None, :, :]
        ri = int(r)
        if (ri + 1) ** 2 <= T:
            idx = (coords[..., 0].astype(jnp.float32) * np.float32(r) + coords[..., 1].astype(jnp.float32)).astype(jnp.int32)
        else:
            c = coords.astype(jnp.uint32)
            h = (c[..., 0] * jnp.uint32(PRIMES[0] % (2 ** 32))) ^ (c[..., 1] * jnp.uint32(PRIMES[1] % (2 ** 32)))
            idx = (h & jnp.uint32(T - 1)).astype(jnp.int32)
        idx_all.append(idx)
        emb = jnp.take(tables[i], idx, axis=0)
        w = (x - gmin) / (gmax - gmin)
        w0 = w[:, 0][:, None]
        w1 = w[:, 1][:, None]
        c0 = emb[:, 0] * (1.0 - w1) + emb[:, 1] * w1
        c1 = emb[:, 2] * (1.0 - w1) + emb[:, 3] * w1
        outs.append(c0 * (1.0 - w0) + c1 * w0)
    return jnp.concatenate(outs, axis=-1), idx_all


def reference(x, table_0, table_1, table_2, table_3, table_4, table_5, table_6, table_7,
              table_8, table_9, table_10, table_11, table_12, table_13, table_14, table_15):
    tabs = [table_0, table_1, table_2, table_3, table_4, table_5, table_6, table_7,
            table_8, table_9, table_10, table_11, table_12, table_13, table_14, table_15]
    out, idx_all = _forward(x, tabs)
    return (out, *idx_all)

if __name__ == "__main__":
    import jax
    _d = setup_inputs()
    print(jax.jit(kernel)(*tuple(_d.values())))

</pallas_src>

<mosaic_0001>
#map = affine_map<(d0, d1) -> (0)>
module attributes {stable_mosaic.version = 14 : i64} {
  func.func @_body(%arg0: i32, %arg1: i32, %arg2: memref<262144xf32, #tpu.memory_space<hbm>>, %arg3: memref<262144xf32, #tpu.memory_space<hbm>>, %arg4: memref<2097152xf32, #tpu.memory_space<hbm>>, %arg5: memref<512xf32, #tpu.memory_space<hbm>>, %arg6: memref<512xf32, #tpu.memory_space<hbm>>, %arg7: memref<512xi32, #tpu.memory_space<hbm>>, %arg8: memref<8388608xf32, #tpu.memory_space<hbm>>, %arg9: memref<1048576xi32, #tpu.memory_space<hbm>>, %arg10: memref<1048576xi32, #tpu.memory_space<hbm>>, %arg11: memref<1048576xi32, #tpu.memory_space<hbm>>, %arg12: memref<1048576xi32, #tpu.memory_space<hbm>>, %arg13: memref<1048576xi32, #tpu.memory_space<hbm>>, %arg14: memref<1048576xi32, #tpu.memory_space<hbm>>, %arg15: memref<1048576xi32, #tpu.memory_space<hbm>>, %arg16: memref<1048576xi32, #tpu.memory_space<hbm>>, %arg17: memref<1048576xi32, #tpu.memory_space<hbm>>, %arg18: memref<1048576xi32, #tpu.memory_space<hbm>>, %arg19: memref<1048576xi32, #tpu.memory_space<hbm>>, %arg20: memref<1048576xi32, #tpu.memory_space<hbm>>, %arg21: memref<1048576xi32, #tpu.memory_space<hbm>>, %arg22: memref<1048576xi32, #tpu.memory_space<hbm>>, %arg23: memref<1048576xi32, #tpu.memory_space<hbm>>, %arg24: memref<1048576xi32, #tpu.memory_space<hbm>>, %arg25: memref<65536xf32, #tpu.memory_space<vmem>>, %arg26: memref<512xf32, #tpu.memory_space<vmem>>, %arg27: memref<512xf32, #tpu.memory_space<vmem>>, %arg28: memref<512xi32, #tpu.memory_space<vmem>>, %arg29: memref<4096xf32, #tpu.memory_space<vmem>>, %arg30: memref<4096xf32, #tpu.memory_space<vmem>>, %arg31: memref<4096xf32, #tpu.memory_space<vmem>>, %arg32: memref<16384xi32, #tpu.memory_space<vmem>>) attributes {dimension_semantics = [#tpu.dimension_semantics<core_parallel>, #tpu.dimension_semantics<subcore_parallel>], iteration_bounds = array<i64: 2, 16>, scalar_prefetch = 0 : i64, scratch_operands = 8 : i64, tpu.core_type = #tpu.core_type<sc_vector_subcore>, window_params = [{transform_indices = #map}, {transform_indices = #map}, {transform_indices = #map}, {transform_indices = #map}, {transform_indices = #map}, {transform_indices = #map}, {transform_indices = #map}, {transform_indices = #map}, {transform_indices = #map}, {transform_indices = #map}, {transform_indices = #map}, {transform_indices = #map}, {transform_indices = #map}, {transform_indices = #map}, {transform_indices = #map}, {transform_indices = #map}, {transform_indices = #map}, {transform_indices = #map}, {transform_indices = #map}, {transform_indices = #map}, {transform_indices = #map}, {transform_indices = #map}, {transform_indices = #map}]} {
    %mul3A = arith.constant 16 : i32
    %mul3A_0 = arith.muli %arg0, %mul3A : i32
    %add3A = arith.addi %mul3A_0, %arg1 : i32
    %jit3A = arith.constant 2 : i32
    %div3A = arith.divsi %add3A, %jit3A : i32
    %sign3A = arith.constant 0 : i32
    %sign3A_1 = arith.cmpi sgt, %add3A, %sign3A : i32
    %sign3A_2 = arith.extui %sign3A_1 : i1 to i32
    %sign3A_3 = arith.constant 0 : i32
    %sign3A_4 = arith.cmpi slt, %add3A, %sign3A_3 : i32
    %sign3A_5 = arith.extui %sign3A_4 : i1 to i32
    %sign3A_6 = arith.subi %sign3A_2, %sign3A_5 : i32
    %sign3A_7 = arith.constant 0 : i32
    %sign3A_8 = arith.cmpi sgt, %jit3A, %sign3A_7 : i32
    %sign3A_9 = arith.extui %sign3A_8 : i1 to i32
    %sign3A_10 = arith.constant 0 : i32
    %sign3A_11 = arith.cmpi slt, %jit3A, %sign3A_10 : i32
    %sign3A_12 = arith.extui %sign3A_11 : i1 to i32
    %sign3A_13 = arith.subi %sign3A_9, %sign3A_12 : i32
    %ne3A = arith.cmpi ne, %sign3A_6, %sign3A_13 : i32
    %rem3A = arith.remsi %add3A, %jit3A : i32
    %ne3A_14 = arith.constant 0 : i32
    %ne3A_15 = arith.cmpi ne, %rem3A, %ne3A_14 : i32
    %and3A = arith.andi %ne3A, %ne3A_15 : i1
    %sub3A = arith.constant 1 : i32
    %sub3A_16 = arith.subi %div3A, %sub3A : i32
    %select_n3A = arith.select %and3A, %sub3A_16, %div3A : i32
    %jit3A_17 = arith.constant 2 : i32
    %eq3A = arith.constant 0 : i32
    %eq3A_18 = arith.cmpi eq, %jit3A_17, %eq3A : i32
    %jit3A_19 = arith.constant 1 : i32
    %select_n3A_20 = arith.select %eq3A_18, %jit3A_19, %jit3A_17 : i32
    %rem3A_21 = arith.remsi %add3A, %select_n3A_20 : i32
    %ne3A_22 = arith.constant 0 : i32
    %ne3A_23 = arith.cmpi ne, %rem3A_21, %ne3A_22 : i32
    %lt3A = arith.constant 0 : i32
    %lt3A_24 = arith.cmpi slt, %rem3A_21, %lt3A : i32
    %lt3A_25 = arith.constant 0 : i32
    %lt3A_26 = arith.cmpi slt, %select_n3A_20, %lt3A_25 : i32
    %ne3A_27 = arith.xori %lt3A_24, %lt3A_26 : i1
    %and3A_28 = arith.andi %ne3A_27, %ne3A_23 : i1
    %add3A_29 = arith.addi %rem3A_21, %select_n3A_20 : i32
    %select_n3A_30 = arith.select %and3A_28, %add3A_29, %rem3A_21 : i32
    "tpu.region"() ({
      %run_scoped3A = tpu.sem_alloc : memref<!tpu.dma_semaphore, #tpu.memory_space<semaphore_mem>>
      tpu.enqueue_dma source(%arg5 : memref<512xf32, #tpu.memory_space<hbm>>) target(%arg26 : memref<512xf32, #tpu.memory_space<vmem>>) target_semaphore(%run_scoped3A : memref<!tpu.dma_semaphore, #tpu.memory_space<semaphore_mem>>)
      tpu.wait_dma2 semaphore(%run_scoped3A : memref<!tpu.dma_semaphore, #tpu.memory_space<semaphore_mem>>) src(%arg5 : memref<512xf32, #tpu.memory_space<hbm>>) dst(%arg26 : memref<512xf32, #tpu.memory_space<vmem>>)
      tpu.yield
    }) : () -> ()
    "tpu.region"() ({
      %run_scoped3A = tpu.sem_alloc : memref<!tpu.dma_semaphore, #tpu.memory_space<semaphore_mem>>
      tpu.enqueue_dma source(%arg6 : memref<512xf32, #tpu.memory_space<hbm>>) target(%arg27 : memref<512xf32, #tpu.memory_space<vmem>>) target_semaphore(%run_scoped3A : memref<!tpu.dma_semaphore, #tpu.memory_space<semaphore_mem>>)
      tpu.wait_dma2 semaphore(%run_scoped3A : memref<!tpu.dma_semaphore, #tpu.memory_space<semaphore_mem>>) src(%arg6 : memref<512xf32, #tpu.memory_space<hbm>>) dst(%arg27 : memref<512xf32, #tpu.memory_space<vmem>>)
      tpu.yield
    }) : () -> ()
    "tpu.region"() ({
      %run_scoped3A = tpu.sem_alloc : memref<!tpu.dma_semaphore, #tpu.memory_space<semaphore_mem>>
      tpu.enqueue_dma source(%arg7 : memref<512xi32, #tpu.memory_space<hbm>>) target(%arg28 : memref<512xi32, #tpu.memory_space<vmem>>) target_semaphore(%run_scoped3A : memref<!tpu.dma_semaphore, #tpu.memory_space<semaphore_mem>>)
      tpu.wait_dma2 semaphore(%run_scoped3A : memref<!tpu.dma_semaphore, #tpu.memory_space<semaphore_mem>>) src(%arg7 : memref<512xi32, #tpu.memory_space<hbm>>) dst(%arg28 : memref<512xi32, #tpu.memory_space<vmem>>)
      tpu.yield
    }) : () -> ()
    %mul3A_31 = arith.constant 65536 : i32
    %mul3A_32 = arith.muli %add3A, %mul3A_31 : i32
    "tpu.region"() ({
      %run_scoped3A = tpu.sem_alloc : memref<!tpu.dma_semaphore, #tpu.memory_space<semaphore_mem>>
      %dma_start3A = tpu.memref_slice %arg4[%mul3A_32] : memref<2097152xf32, #tpu.memory_space<hbm>> -> memref<65536xf32, #tpu.memory_space<hbm>>
      %dma_start3A_186 = tpu.memref_slice %arg4[%mul3A_32] : memref<2097152xf32, #tpu.memory_space<hbm>> -> memref<65536xf32, #tpu.memory_space<hbm>>
      tpu.enqueue_dma source(%dma_start3A_186 : memref<65536xf32, #tpu.memory_space<hbm>>) target(%arg25 : memref<65536xf32, #tpu.memory_space<vmem>>) target_semaphore(%run_scoped3A : memref<!tpu.dma_semaphore, #tpu.memory_space<semaphore_mem>>)
      %dma_wait3A = tpu.memref_slice %arg4[%mul3A_32] : memref<2097152xf32, #tpu.memory_space<hbm>> -> memref<65536xf32, #tpu.memory_space<hbm>>
      %dma_wait3A_187 = tpu.memref_slice %arg4[%mul3A_32] : memref<2097152xf32, #tpu.memory_space<hbm>> -> memref<65536xf32, #tpu.memory_space<hbm>>
      tpu.wait_dma2 semaphore(%run_scoped3A : memref<!tpu.dma_semaphore, #tpu.memory_space<semaphore_mem>>) src(%dma_wait3A_187 : memref<65536xf32, #tpu.memory_space<hbm>>) dst(%arg25 : memref<65536xf32, #tpu.memory_space<vmem>>)
      tpu.yield
    }) : () -> ()
    %iota3A = tpu.iota {dimensions = array<i32: 0>} : vector<16xi32>
    %mul3A_33 = arith.constant 16 : i32
    %mul3A_34 = arith.muli %add3A, %mul3A_33 : i32
    %add3A_35 = vector.broadcast %mul3A_34 : i32 to vector<16xi32>
    %add3A_36 = arith.addi %add3A_35, %iota3A : vector<16xi32>
    %gather3A = tpu.vector_load_idx %arg26[%add3A_36] : memref<512xf32, #tpu.memory_space<vmem>>[vector<16xi32>], vector<16xf32>,
    %mul3A_37 = arith.constant 16 : i32
    %mul3A_38 = arith.muli %add3A, %mul3A_37 : i32
    %add3A_39 = vector.broadcast %mul3A_38 : i32 to vector<16xi32>
    %add3A_40 = arith.addi %add3A_39, %iota3A : vector<16xi32>
    %gather3A_41 = tpu.vector_load_idx %arg27[%add3A_40] : memref<512xf32, #tpu.memory_space<vmem>>[vector<16xi32>], vector<16xf32>,
    %mul3A_42 = arith.constant 16 : i32
    %mul3A_43 = arith.muli %add3A, %mul3A_42 : i32
    %add3A_44 = vector.broadcast %mul3A_43 : i32 to vector<16xi32>
    %add3A_45 = arith.addi %add3A_44, %iota3A : vector<16xi32>
    %gather3A_46 = tpu.vector_load_idx %arg28[%add3A_45] : memref<512xi32, #tpu.memory_space<vmem>>[vector<16xi32>], vector<16xi32>,
    %convert_element_type3A = arith.sitofp %gather3A_46 : vector<16xi32> to vector<16xf32>
    %broadcast_in_dim3A = arith.constant 1.000000e+00 : f32
    %broadcast_in_dim3A_47 = vector.broadcast %broadcast_in_dim3A : f32 to vector<16xf32>
    %broadcast_in_dim3A_48 = arith.constant 65535 : i32
    %broadcast_in_dim3A_49 = vector.broadcast %broadcast_in_dim3A_48 : i32 to vector<16xi32>
    %broadcast_in_dim3A_50 = arith.constant -1640531535 : i32
    %broadcast_in_dim3A_51 = vector.broadcast %broadcast_in_dim3A_50 : i32 to vector<16xi32>
    %lt3A_52 = arith.constant 26 : i32
    %lt3A_53 = arith.cmpi slt, %add3A, %lt3A_52 : i32
    %eq3A_54 = arith.constant 1 : i32
    %eq3A_55 = arith.cmpi eq, %select_n3A_30, %eq3A_54 : i32
    %convert_element_type3A_56 = arith.extui %eq3A_55 : i1 to i32
    %cond3A = arith.constant 0 : i32
    %cond3A_57 = arith.cmpi ne, %convert_element_type3A_56, %cond3A : i32
    scf.if %cond3A_57 {
      %scan3A = arith.constant 0 : i32
      %scan3A_186 = arith.constant 0 : i32
      %scan3A_187 = arith.constant 64 : i32
      %scan3A_188 = arith.addi %scan3A_186, %scan3A_187 : i32
      %scan3A_189 = arith.constant 1 : i32
      %scan3A_190 = scf.for %scan3A_192 = %scan3A_186 to %scan3A_188 step %scan3A_189 iter_args(%scan3A_193 = %scan3A) -> (i32)  : i32 {
        %mul3A_194 = arith.constant 4096 : i32
        %mul3A_195 = arith.muli %scan3A_192, %mul3A_194 : i32
        "tpu.region"() ({
          %run_scoped3A = tpu.sem_alloc : memref<!tpu.dma_semaphore, #tpu.memory_space<semaphore_mem>>
          %dma_start3A = tpu.memref_slice %arg2[%mul3A_195] : memref<262144xf32, #tpu.memory_space<hbm>> -> memref<4096xf32, #tpu.memory_space<hbm>>
          %dma_start3A_207 = tpu.memref_slice %arg2[%mul3A_195] : memref<262144xf32, #tpu.memory_space<hbm>> -> memref<4096xf32, #tpu.memory_space<hbm>>
          tpu.enqueue_dma source(%dma_start3A_207 : memref<4096xf32, #tpu.memory_space<hbm>>) target(%arg29 : memref<4096xf32, #tpu.memory_space<vmem>>) target_semaphore(%run_scoped3A : memref<!tpu.dma_semaphore, #tpu.memory_space<semaphore_mem>>)
          %dma_wait3A = tpu.memref_slice %arg2[%mul3A_195] : memref<262144xf32, #tpu.memory_space<hbm>> -> memref<4096xf32, #tpu.memory_space<hbm>>
          %dma_wait3A_208 = tpu.memref_slice %arg2[%mul3A_195] : memref<262144xf32, #tpu.memory_space<hbm>> -> memref<4096xf32, #tpu.memory_space<hbm>>
          tpu.wait_dma2 semaphore(%run_scoped3A : memref<!tpu.dma_semaphore, #tpu.memory_space<semaphore_mem>>) src(%dma_wait3A_208 : memref<4096xf32, #tpu.memory_space<hbm>>) dst(%arg29 : memref<4096xf32, #tpu.memory_space<vmem>>)
          tpu.yield
        }) : () -> ()
        "tpu.region"() ({
          %run_scoped3A = tpu.sem_alloc : memref<!tpu.dma_semaphore, #tpu.memory_space<semaphore_mem>>
          %dma_start3A = tpu.memref_slice %arg3[%mul3A_195] : memref<262144xf32, #tpu.memory_space<hbm>> -> memref<4096xf32, #tpu.memory_space<hbm>>
          %dma_start3A_207 = tpu.memref_slice %arg3[%mul3A_195] : memref<262144xf32, #tpu.memory_space<hbm>> -> memref<4096xf32, #tpu.memory_space<hbm>>
          tpu.enqueue_dma source(%dma_start3A_207 : memref<4096xf32, #tpu.memory_space<hbm>>) target(%arg30 : memref<4096xf32, #tpu.memory_space<vmem>>) target_semaphore(%run_scoped3A : memref<!tpu.dma_semaphore, #tpu.memory_space<semaphore_mem>>)
          %dma_wait3A = tpu.memref_slice %arg3[%mul3A_195] : memref<262144xf32, #tpu.memory_space<hbm>> -> memref<4096xf32, #tpu.memory_space<hbm>>
          %dma_wait3A_208 = tpu.memref_slice %arg3[%mul3A_195] : memref<262144xf32, #tpu.memory_space<hbm>> -> memref<4096xf32, #tpu.memory_space<hbm>>
          tpu.wait_dma2 semaphore(%run_scoped3A : memref<!tpu.dma_semaphore, #tpu.memory_space<semaphore_mem>>) src(%dma_wait3A_208 : memref<4096xf32, #tpu.memory_space<hbm>>) dst(%arg30 : memref<4096xf32, #tpu.memory_space<vmem>>)
          tpu.yield
        }) : () -> ()
        %scan3A_196 = arith.constant 0 : i32
        %scan3A_197 = arith.constant 0 : i32
        %scan3A_198 = arith.constant 256 : i32
        %scan3A_199 = arith.addi %scan3A_197, %scan3A_198 : i32
        %scan3A_200 = arith.constant 1 : i32
        %scan3A_201 = scf.for %scan3A_207 = %scan3A_197 to %scan3A_199 step %scan3A_200 iter_args(%scan3A_208 = %scan3A_196) -> (i32)  : i32 {
          %mul3A_209 = arith.constant 16 : i32
          %mul3A_210 = arith.muli %scan3A_207, %mul3A_209 : i32
          %get3A = arith.index_cast %mul3A_210 : i32 to index
          %get3A_211 = tpu.vector_load %arg29[%get3A] {strides = array<i32>} : memref<4096xf32, #tpu.memory_space<vmem>>, vector<16xf32>,
          %get3A_212 = arith.index_cast %mul3A_210 : i32 to index
          %get3A_213 = tpu.vector_load %arg30[%get3A_212] {strides = array<i32>} : memref<4096xf32, #tpu.memory_space<vmem>>, vector<16xf32>,
          %mul3A_214 = arith.mulf %get3A_211, %gather3A_41 : vector<16xf32>
          %convert_element_type3A_215 = arith.fptosi %mul3A_214 : vector<16xf32> to vector<16xi32>
          %mul3A_216 = arith.mulf %get3A_213, %gather3A_41 : vector<16xf32>
          %convert_element_type3A_217 = arith.fptosi %mul3A_216 : vector<16xf32> to vector<16xi32>
          %convert_element_type3A_218 = arith.sitofp %convert_element_type3A_215 : vector<16xi32> to vector<16xf32>
          %convert_element_type3A_219 = arith.sitofp %convert_element_type3A_217 : vector<16xi32> to vector<16xf32>
          %mul3A_220 = arith.mulf %convert_element_type3A_218, %gather3A : vector<16xf32>
          %mul3A_221 = arith.mulf %convert_element_type3A_219, %gather3A : vector<16xf32>
          %add3A_222 = arith.addf %mul3A_220, %gather3A : vector<16xf32>
          %sub3A_223 = arith.subf %add3A_222, %mul3A_220 : vector<16xf32>
          %add3A_224 = arith.addf %mul3A_221, %gather3A : vector<16xf32>
          %sub3A_225 = arith.subf %add3A_224, %mul3A_221 : vector<16xf32>
          %sub3A_226 = arith.subf %get3A_211, %mul3A_220 : vector<16xf32>
          %div3A_227 = arith.divf %sub3A_226, %sub3A_223 : vector<16xf32>
          %sub3A_228 = arith.subf %get3A_213, %mul3A_221 : vector<16xf32>
          %div3A_229 = arith.divf %sub3A_228, %sub3A_225 : vector<16xf32>
          %mul3A_230 = arith.muli %convert_element_type3A_215, %gather3A_46 : vector<16xi32>
          %add3A_231 = arith.addi %mul3A_230, %convert_element_type3A_217 : vector<16xi32>
          %add3A_232 = arith.constant 1 : i32
          %add3A_233 = vector.broadcast %add3A_232 : i32 to vector<16xi32>
          %add3A_234 = arith.addi %add3A_231, %add3A_233 : vector<16xi32>
          %add3A_235 = arith.addi %add3A_231, %gather3A_46 : vector<16xi32>
          %add3A_236 = arith.addi %add3A_231, %gather3A_46 : vector<16xi32>
          %add3A_237 = arith.constant 1 : i32
          %add3A_238 = vector.broadcast %add3A_237 : i32 to vector<16xi32>
          %add3A_239 = arith.addi %add3A_236, %add3A_238 : vector<16xi32>
          %mul3A_240 = arith.muli %convert_element_type3A_217, %broadcast_in_dim3A_51 : vector<16xi32>
          %add3A_241 = arith.addi %mul3A_240, %broadcast_in_dim3A_51 : vector<16xi32>
          %add3A_242 = arith.constant 1 : i32
          %add3A_243 = vector.broadcast %add3A_242 : i32 to vector<16xi32>
          %add3A_244 = arith.addi %convert_element_type3A_215, %add3A_243 : vector<16xi32>
          %xor3A = arith.xori %convert_element_type3A_215, %mul3A_240 : vector<16xi32>
          %and3A_245 = arith.andi %xor3A, %broadcast_in_dim3A_49 : vector<16xi32>
          %xor3A_246 = arith.xori %convert_element_type3A_215, %add3A_241 : vector<16xi32>
          %and3A_247 = arith.andi %xor3A_246, %broadcast_in_dim3A_49 : vector<16xi32>
          %xor3A_248 = arith.xori %add3A_244, %mul3A_240 : vector<16xi32>
          %and3A_249 = arith.andi %xor3A_248, %broadcast_in_dim3A_49 : vector<16xi32>
          %xor3A_250 = arith.xori %add3A_244, %add3A_241 : vector<16xi32>
          %and3A_251 = arith.andi %xor3A_250, %broadcast_in_dim3A_49 : vector<16xi32>
          %select_n3A_252 = arith.select %lt3A_53, %add3A_231, %and3A_245 : vector<16xi32>
          %select_n3A_253 = arith.select %lt3A_53, %add3A_234, %and3A_247 : vector<16xi32>
          %select_n3A_254 = arith.select %lt3A_53, %add3A_235, %and3A_249 : vector<16xi32>
          %select_n3A_255 = arith.select %lt3A_53, %add3A_239, %and3A_251 : vector<16xi32>
          %gather3A_256 = tpu.vector_load_idx %arg25[%select_n3A_252] : memref<65536xf32, #tpu.memory_space<vmem>>[vector<16xi32>], vector<16xf32>,
          %gather3A_257 = tpu.vector_load_idx %arg25[%select_n3A_253] : memref<65536xf32, #tpu.memory_space<vmem>>[vector<16xi32>], vector<16xf32>,
          %gather3A_258 = tpu.vector_load_idx %arg25[%select_n3A_254] : memref<65536xf32, #tpu.memory_space<vmem>>[vector<16xi32>], vector<16xf32>,
          %gather3A_259 = tpu.vector_load_idx %arg25[%select_n3A_255] : memref<65536xf32, #tpu.memory_space<vmem>>[vector<16xi32>], vector<16xf32>,
          %sub3A_260 = arith.subf %broadcast_in_dim3A_47, %div3A_229 : vector<16xf32>
          %mul3A_261 = arith.mulf %gather3A_256, %sub3A_260 : vector<16xf32>
          %mul3A_262 = arith.mulf %gather3A_257, %div3A_229 : vector<16xf32>
          %add3A_263 = arith.addf %mul3A_261, %mul3A_262 : vector<16xf32>
          %sub3A_264 = arith.subf %broadcast_in_dim3A_47, %div3A_229 : vector<16xf32>
          %mul3A_265 = arith.mulf %gather3A_258, %sub3A_264 : vector<16xf32>
          %mul3A_266 = arith.mulf %gather3A_259, %div3A_229 : vector<16xf32>
          %add3A_267 = arith.addf %mul3A_265, %mul3A_266 : vector<16xf32>
          %sub3A_268 = arith.subf %broadcast_in_dim3A_47, %div3A_227 : vector<16xf32>
          %mul3A_269 = arith.mulf %add3A_263, %sub3A_268 : vector<16xf32>
          %mul3A_270 = arith.mulf %add3A_267, %div3A_227 : vector<16xf32>
          %add3A_271 = arith.addf %mul3A_269, %mul3A_270 : vector<16xf32>
          %swap3A = arith.index_cast %mul3A_210 : i32 to index
          %swap3A_272 = tpu.vector_load %arg31[%swap3A] {strides = array<i32>} : memref<4096xf32, #tpu.memory_space<vmem>>, vector<16xf32>,
          tpu.vector_store %arg31[%swap3A], %add3A_271 {strides = array<i32>} : memref<4096xf32, #tpu.memory_space<vmem>>, vector<16xf32>,
          %scan3A_273 = arith.constant 0 : i32
          scf.yield %scan3A_273 : i32
        }
        %scan3A_202 = arith.constant 256 : i32
        %mul3A_203 = arith.constant 262144 : i32
        %mul3A_204 = arith.muli %add3A, %mul3A_203 : i32
        %add3A_205 = arith.addi %mul3A_204, %mul3A_195 : i32
        "tpu.region"() ({
          %run_scoped3A = tpu.sem_alloc : memref<!tpu.dma_semaphore, #tpu.memory_space<semaphore_mem>>
          %dma_start3A = tpu.memref_slice %arg8[%add3A_205] : memref<8388608xf32, #tpu.memory_space<hbm>> -> memref<4096xf32, #tpu.memory_space<hbm>>
          %dma_start3A_207 = tpu.memref_slice %arg8[%add3A_205] : memref<8388608xf32, #tpu.memory_space<hbm>> -> memref<4096xf32, #tpu.memory_space<hbm>>
          tpu.enqueue_dma source(%arg31 : memref<4096xf32, #tpu.memory_space<vmem>>) target(%dma_start3A_207 : memref<4096xf32, #tpu.memory_space<hbm>>) target_semaphore(%run_scoped3A : memref<!tpu.dma_semaphore, #tpu.memory_space<semaphore_mem>>)
          %dma_wait3A = tpu.memref_slice %arg8[%add3A_205] : memref<8388608xf32, #tpu.memory_space<hbm>> -> memref<4096xf32, #tpu.memory_space<hbm>>
          %dma_wait3A_208 = tpu.memref_slice %arg8[%add3A_205] : memref<8388608xf32, #tpu.memory_space<hbm>> -> memref<4096xf32, #tpu.memory_space<hbm>>
          tpu.wait_dma2 semaphore(%run_scoped3A : memref<!tpu.dma_semaphore, #tpu.memory_space<semaphore_mem>>) src(%arg31 : memref<4096xf32, #tpu.memory_space<vmem>>) dst(%dma_wait3A_208 : memref<4096xf32, #tpu.memory_space<hbm>>)
          tpu.yield
        }) : () -> ()
        %scan3A_206 = arith.constant 0 : i32
        scf.yield %scan3A_206 : i32
      }
      %scan3A_191 = arith.constant 64 : i32
    } else {
    }
    %eq3A_58 = arith.constant 0 : i32
    %eq3A_59 = arith.cmpi eq, %select_n3A, %eq3A_58 : i32
    %eq3A_60 = arith.constant 0 : i32
    %eq3A_61 = arith.cmpi eq, %select_n3A_30, %eq3A_60 : i32
    %and3A_62 = arith.andi %eq3A_59, %eq3A_61 : i1
    %convert_element_type3A_63 = arith.extui %and3A_62 : i1 to i32
    %cond3A_64 = arith.constant 0 : i32
    %cond3A_65 = arith.cmpi ne, %convert_element_type3A_63, %cond3A_64 : i32
    scf.if %cond3A_65 {
      %scan3A = arith.constant 0 : i32
      %scan3A_186 = arith.constant 0 : i32
      %scan3A_187 = arith.constant 64 : i32
      %scan3A_188 = arith.addi %scan3A_186, %scan3A_187 : i32
      %scan3A_189 = arith.constant 1 : i32
      %scan3A_190 = scf.for %scan3A_192 = %scan3A_186 to %scan3A_188 step %scan3A_189 iter_args(%scan3A_193 = %scan3A) -> (i32)  : i32 {
        %mul3A_194 = arith.constant 4096 : i32
        %mul3A_195 = arith.muli %scan3A_192, %mul3A_194 : i32
        "tpu.region"() ({
          %run_scoped3A = tpu.sem_alloc : memref<!tpu.dma_semaphore, #tpu.memory_space<semaphore_mem>>
          %dma_start3A = tpu.memref_slice %arg2[%mul3A_195] : memref<262144xf32, #tpu.memory_space<hbm>> -> memref<4096xf32, #tpu.memory_space<hbm>>
          %dma_start3A_209 = tpu.memref_slice %arg2[%mul3A_195] : memref<262144xf32, #tpu.memory_space<hbm>> -> memref<4096xf32, #tpu.memory_space<hbm>>
          tpu.enqueue_dma source(%dma_start3A_209 : memref<4096xf32, #tpu.memory_space<hbm>>) target(%arg29 : memref<4096xf32, #tpu.memory_space<vmem>>) target_semaphore(%run_scoped3A : memref<!tpu.dma_semaphore, #tpu.memory_space<semaphore_mem>>)
          %dma_wait3A = tpu.memref_slice %arg2[%mul3A_195] : memref<262144xf32, #tpu.memory_space<hbm>> -> memref<4096xf32, #tpu.memory_space<hbm>>
          %dma_wait3A_210 = tpu.memref_slice %arg2[%mul3A_195] : memref<262144xf32, #tpu.memory_space<hbm>> -> memref<4096xf32, #tpu.memory_space<hbm>>
          tpu.wait_dma2 semaphore(%run_scoped3A : memref<!tpu.dma_semaphore, #tpu.memory_space<semaphore_mem>>) src(%dma_wait3A_210 : memref<4096xf32, #tpu.memory_space<hbm>>) dst(%arg29 : memref<4096xf32, #tpu.memory_space<vmem>>)
          tpu.yield
        }) : () -> ()
        "tpu.region"() ({
          %run_scoped3A = tpu.sem_alloc : memref<!tpu.dma_semaphore, #tpu.memory_space<semaphore_mem>>
          %dma_start3A = tpu.memref_slice %arg3[%mul3A_195] : memref<262144xf32, #tpu.memory_space<hbm>> -> memref<4096xf32, #tpu.memory_space<hbm>>
          %dma_start3A_209 = tpu.memref_slice %arg3[%mul3A_195] : memref<262144xf32, #tpu.memory_space<hbm>> -> memref<4096xf32, #tpu.memory_space<hbm>>
          tpu.enqueue_dma source(%dma_start3A_209 : memref<4096xf32, #tpu.memory_space<hbm>>) target(%arg30 : memref<4096xf32, #tpu.memory_space<vmem>>) target_semaphore(%run_scoped3A : memref<!tpu.dma_semaphore, #tpu.memory_space<semaphore_mem>>)
          %dma_wait3A = tpu.memref_slice %arg3[%mul3A_195] : memref<262144xf32, #tpu.memory_space<hbm>> -> memref<4096xf32, #tpu.memory_space<hbm>>
          %dma_wait3A_210 = tpu.memref_slice %arg3[%mul3A_195] : memref<262144xf32, #tpu.memory_space<hbm>> -> memref<4096xf32, #tpu.memory_space<hbm>>
          tpu.wait_dma2 semaphore(%run_scoped3A : memref<!tpu.dma_semaphore, #tpu.memory_space<semaphore_mem>>) src(%dma_wait3A_210 : memref<4096xf32, #tpu.memory_space<hbm>>) dst(%arg30 : memref<4096xf32, #tpu.memory_space<vmem>>)
          tpu.yield
        }) : () -> ()
        %scan3A_196 = arith.constant 0 : i32
        %scan3A_197 = arith.constant 0 : i32
        %scan3A_198 = arith.constant 256 : i32
        %scan3A_199 = arith.addi %scan3A_197, %scan3A_198 : i32
        %scan3A_200 = arith.constant 1 : i32
        %scan3A_201 = scf.for %scan3A_209 = %scan3A_197 to %scan3A_199 step %scan3A_200 iter_args(%scan3A_210 = %scan3A_196) -> (i32)  : i32 {
          %mul3A_211 = arith.constant 16 : i32
          %mul3A_212 = arith.muli %scan3A_209, %mul3A_211 : i32
          %get3A = arith.index_cast %mul3A_212 : i32 to index
          %get3A_213 = tpu.vector_load %arg29[%get3A] {strides = array<i32>} : memref<4096xf32, #tpu.memory_space<vmem>>, vector<16xf32>,
          %get3A_214 = arith.index_cast %mul3A_212 : i32 to index
          %get3A_215 = tpu.vector_load %arg30[%get3A_214] {strides = array<i32>} : memref<4096xf32, #tpu.memory_space<vmem>>, vector<16xf32>,
          %mul3A_216 = arith.mulf %get3A_213, %gather3A_41 : vector<16xf32>
          %convert_element_type3A_217 = arith.fptosi %mul3A_216 : vector<16xf32> to vector<16xi32>
          %mul3A_218 = arith.mulf %get3A_215, %gather3A_41 : vector<16xf32>
          %convert_element_type3A_219 = arith.fptosi %mul3A_218 : vector<16xf32> to vector<16xi32>
          %convert_element_type3A_220 = arith.sitofp %convert_element_type3A_217 : vector<16xi32> to vector<16xf32>
          %convert_element_type3A_221 = arith.sitofp %convert_element_type3A_219 : vector<16xi32> to vector<16xf32>
          %mul3A_222 = arith.mulf %convert_element_type3A_220, %gather3A : vector<16xf32>
          %mul3A_223 = arith.mulf %convert_element_type3A_221, %gather3A : vector<16xf32>
          %add3A_224 = arith.addf %mul3A_222, %gather3A : vector<16xf32>
          %sub3A_225 = arith.subf %add3A_224, %mul3A_222 : vector<16xf32>
          %add3A_226 = arith.addf %mul3A_223, %gather3A : vector<16xf32>
          %sub3A_227 = arith.subf %add3A_226, %mul3A_223 : vector<16xf32>
          %sub3A_228 = arith.subf %get3A_213, %mul3A_222 : vector<16xf32>
          %div3A_229 = arith.divf %sub3A_228, %sub3A_225 : vector<16xf32>
          %sub3A_230 = arith.subf %get3A_215, %mul3A_223 : vector<16xf32>
          %div3A_231 = arith.divf %sub3A_230, %sub3A_227 : vector<16xf32>
          %mul3A_232 = arith.muli %convert_element_type3A_217, %gather3A_46 : vector<16xi32>
          %add3A_233 = arith.addi %mul3A_232, %convert_element_type3A_219 : vector<16xi32>
          %add3A_234 = arith.constant 1 : i32
          %add3A_235 = vector.broadcast %add3A_234 : i32 to vector<16xi32>
          %add3A_236 = arith.addi %add3A_233, %add3A_235 : vector<16xi32>
          %add3A_237 = arith.addi %add3A_233, %gather3A_46 : vector<16xi32>
          %add3A_238 = arith.addi %add3A_233, %gather3A_46 : vector<16xi32>
          %add3A_239 = arith.constant 1 : i32
          %add3A_240 = vector.broadcast %add3A_239 : i32 to vector<16xi32>
          %add3A_241 = arith.addi %add3A_238, %add3A_240 : vector<16xi32>
          %mul3A_242 = arith.muli %convert_element_type3A_219, %broadcast_in_dim3A_51 : vector<16xi32>
          %add3A_243 = arith.addi %mul3A_242, %broadcast_in_dim3A_51 : vector<16xi32>
          %add3A_244 = arith.constant 1 : i32
          %add3A_245 = vector.broadcast %add3A_244 : i32 to vector<16xi32>
          %add3A_246 = arith.addi %convert_element_type3A_217, %add3A_245 : vector<16xi32>
          %xor3A = arith.xori %convert_element_type3A_217, %mul3A_242 : vector<16xi32>
          %and3A_247 = arith.andi %xor3A, %broadcast_in_dim3A_49 : vector<16xi32>
          %xor3A_248 = arith.xori %convert_element_type3A_217, %add3A_243 : vector<16xi32>
          %and3A_249 = arith.andi %xor3A_248, %broadcast_in_dim3A_49 : vector<16xi32>
          %xor3A_250 = arith.xori %add3A_246, %mul3A_242 : vector<16xi32>
          %and3A_251 = arith.andi %xor3A_250, %broadcast_in_dim3A_49 : vector<16xi32>
          %xor3A_252 = arith.xori %add3A_246, %add3A_243 : vector<16xi32>
          %and3A_253 = arith.andi %xor3A_252, %broadcast_in_dim3A_49 : vector<16xi32>
          %select_n3A_254 = arith.select %lt3A_53, %add3A_233, %and3A_247 : vector<16xi32>
          %select_n3A_255 = arith.select %lt3A_53, %add3A_236, %and3A_249 : vector<16xi32>
          %select_n3A_256 = arith.select %lt3A_53, %add3A_237, %and3A_251 : vector<16xi32>
          %select_n3A_257 = arith.select %lt3A_53, %add3A_241, %and3A_253 : vector<16xi32>
          %gather3A_258 = tpu.vector_load_idx %arg25[%select_n3A_254] : memref<65536xf32, #tpu.memory_space<vmem>>[vector<16xi32>], vector<16xf32>,
          %gather3A_259 = tpu.vector_load_idx %arg25[%select_n3A_255] : memref<65536xf32, #tpu.memory_space<vmem>>[vector<16xi32>], vector<16xf32>,
          %gather3A_260 = tpu.vector_load_idx %arg25[%select_n3A_256] : memref<65536xf32, #tpu.memory_space<vmem>>[vector<16xi32>], vector<16xf32>,
          %gather3A_261 = tpu.vector_load_idx %arg25[%select_n3A_257] : memref<65536xf32, #tpu.memory_space<vmem>>[vector<16xi32>], vector<16xf32>,
          %sub3A_262 = arith.subf %broadcast_in_dim3A_47, %div3A_231 : vector<16xf32>
          %mul3A_263 = arith.mulf %gather3A_258, %sub3A_262 : vector<16xf32>
          %mul3A_264 = arith.mulf %gather3A_259, %div3A_231 : vector<16xf32>
          %add3A_265 = arith.addf %mul3A_263, %mul3A_264 : vector<16xf32>
          %sub3A_266 = arith.subf %broadcast_in_dim3A_47, %div3A_231 : vector<16xf32>
          %mul3A_267 = arith.mulf %gather3A_260, %sub3A_266 : vector<16xf32>
          %mul3A_268 = arith.mulf %gather3A_261, %div3A_231 : vector<16xf32>
          %add3A_269 = arith.addf %mul3A_267, %mul3A_268 : vector<16xf32>
          %sub3A_270 = arith.subf %broadcast_in_dim3A_47, %div3A_229 : vector<16xf32>
          %mul3A_271 = arith.mulf %add3A_265, %sub3A_270 : vector<16xf32>
          %mul3A_272 = arith.mulf %add3A_269, %div3A_229 : vector<16xf32>
          %add3A_273 = arith.addf %mul3A_271, %mul3A_272 : vector<16xf32>
          %swap3A = arith.index_cast %mul3A_212 : i32 to index
          %swap3A_274 = tpu.vector_load %arg31[%swap3A] {strides = array<i32>} : memref<4096xf32, #tpu.memory_space<vmem>>, vector<16xf32>,
          tpu.vector_store %arg31[%swap3A], %add3A_273 {strides = array<i32>} : memref<4096xf32, #tpu.memory_space<vmem>>, vector<16xf32>,
          %add3A_275 = vector.broadcast %mul3A_212 : i32 to vector<16xi32>
          %add3A_276 = arith.addi %iota3A, %add3A_275 : vector<16xi32>
          %mul3A_277 = arith.constant 4 : i32
          %mul3A_278 = vector.broadcast %mul3A_277 : i32 to vector<16xi32>
          %mul3A_279 = arith.muli %add3A_276, %mul3A_278 : vector<16xi32>
          tpu.vector_store_idx %arg32[%mul3A_279], %select_n3A_254 : memref<16384xi32, #tpu.memory_space<vmem>>[vector<16xi32>], vector<16xi32>,
          %add3A_280 = arith.constant 1 : i32
          %add3A_281 = vector.broadcast %add3A_280 : i32 to vector<16xi32>
          %add3A_282 = arith.addi %mul3A_279, %add3A_281 : vector<16xi32>
          tpu.vector_store_idx %arg32[%add3A_282], %select_n3A_255 : memref<16384xi32, #tpu.memory_space<vmem>>[vector<16xi32>], vector<16xi32>,
          %add3A_283 = arith.constant 2 : i32
          %add3A_284 = vector.broadcast %add3A_283 : i32 to vector<16xi32>
          %add3A_285 = arith.addi %mul3A_279, %add3A_284 : vector<16xi32>
          tpu.vector_store_idx %arg32[%add3A_285], %select_n3A_256 : memref<16384xi32, #tpu.memory_space<vmem>>[vector<16xi32>], vector<16xi32>,
          %add3A_286 = arith.constant 3 : i32
          %add3A_287 = vector.broadcast %add3A_286 : i32 to vector<16xi32>
          %add3A_288 = arith.addi %mul3A_279, %add3A_287 : vector<16xi32>
          tpu.vector_store_idx %arg32[%add3A_288], %select_n3A_257 : memref<16384xi32, #tpu.memory_space<vmem>>[vector<16xi32>], vector<16xi32>,
          %scan3A_289 = arith.constant 0 : i32
          scf.yield %scan3A_289 : i32
        }
        %scan3A_202 = arith.constant 256 : i32
        %mul3A_203 = arith.constant 262144 : i32
        %mul3A_204 = arith.muli %add3A, %mul3A_203 : i32
        %add3A_205 = arith.addi %mul3A_204, %mul3A_195 : i32
        "tpu.region"() ({
          %run_scoped3A = tpu.sem_alloc : memref<!tpu.dma_semaphore, #tpu.memory_space<semaphore_mem>>
          %dma_start3A = tpu.memref_slice %arg8[%add3A_205] : memref<8388608xf32, #tpu.memory_space<hbm>> -> memref<4096xf32, #tpu.memory_space<hbm>>
          %dma_start3A_209 = tpu.memref_slice %arg8[%add3A_205] : memref<8388608xf32, #tpu.memory_space<hbm>> -> memref<4096xf32, #tpu.memory_space<hbm>>
          tpu.enqueue_dma source(%arg31 : memref<4096xf32, #tpu.memory_space<vmem>>) target(%dma_start3A_209 : memref<4096xf32, #tpu.memory_space<hbm>>) target_semaphore(%run_scoped3A : memref<!tpu.dma_semaphore, #tpu.memory_space<semaphore_mem>>)
          %dma_wait3A = tpu.memref_slice %arg8[%add3A_205] : memref<8388608xf32, #tpu.memory_space<hbm>> -> memref<4096xf32, #tpu.memory_space<hbm>>
          %dma_wait3A_210 = tpu.memref_slice %arg8[%add3A_205] : memref<8388608xf32, #tpu.memory_space<hbm>> -> memref<4096xf32, #tpu.memory_space<hbm>>
          tpu.wait_dma2 semaphore(%run_scoped3A : memref<!tpu.dma_semaphore, #tpu.memory_space<semaphore_mem>>) src(%arg31 : memref<4096xf32, #tpu.memory_space<vmem>>) dst(%dma_wait3A_210 : memref<4096xf32, #tpu.memory_space<hbm>>)
          tpu.yield
        }) : () -> ()
        %mul3A_206 = arith.constant 4 : i32
        %mul3A_207 = arith.muli %mul3A_195, %mul3A_206 : i32
        "tpu.region"() ({
          %run_scoped3A = tpu.sem_alloc : memref<!tpu.dma_semaphore, #tpu.memory_space<semaphore_mem>>
          %dma_start3A = tpu.memref_slice %arg9[%mul3A_207] : memref<1048576xi32, #tpu.memory_space<hbm>> -> memref<16384xi32, #tpu.memory_space<hbm>>
          %dma_start3A_209 = tpu.memref_slice %arg9[%mul3A_207] : memref<1048576xi32, #tpu.memory_space<hbm>> -> memref<16384xi32, #tpu.memory_space<hbm>>
          tpu.enqueue_dma source(%arg32 : memref<16384xi32, #tpu.memory_space<vmem>>) target(%dma_start3A_209 : memref<16384xi32, #tpu.memory_space<hbm>>) target_semaphore(%run_scoped3A : memref<!tpu.dma_semaphore, #tpu.memory_space<semaphore_mem>>)
          %dma_wait3A = tpu.memref_slice %arg9[%mul3A_207] : memref<1048576xi32, #tpu.memory_space<hbm>> -> memref<16384xi32, #tpu.memory_space<hbm>>
          %dma_wait3A_210 = tpu.memref_slice %arg9[%mul3A_207] : memref<1048576xi32, #tpu.memory_space<hbm>> -> memref<16384xi32, #tpu.memory_space<hbm>>
          tpu.wait_dma2 semaphore(%run_scoped3A : memref<!tpu.dma_semaphore, #tpu.memory_space<semaphore_mem>>) src(%arg32 : memref<16384xi32, #tpu.memory_space<vmem>>) dst(%dma_wait3A_210 : memref<16384xi32, #tpu.memory_space<hbm>>)
          tpu.yield
        }) : () -> ()
        %scan3A_208 = arith.constant 0 : i32
        scf.yield %scan3A_208 : i32
      }
      %scan3A_191 = arith.constant 64 : i32
    } else {
    }
    %eq3A_66 = arith.constant 1 : i32
    %eq3A_67 = arith.cmpi eq, %select_n3A, %eq3A_66 : i32
    %eq3A_68 = arith.constant 0 : i32
    %eq3A_69 = arith.cmpi eq, %select_n3A_30, %eq3A_68 : i32
    %and3A_70 = arith.andi %eq3A_67, %eq3A_69 : i1
    %convert_element_type3A_71 = arith.extui %and3A_70 : i1 to i32
    %cond3A_72 = arith.constant 0 : i32
    %cond3A_73 = arith.cmpi ne, %convert_element_type3A_71, %cond3A_72 : i32
    scf.if %cond3A_73 {
      %scan3A = arith.constant 0 : i32
      %scan3A_186 = arith.constant 0 : i32
      %scan3A_187 = arith.constant 64 : i32
      %scan3A_188 = arith.addi %scan3A_186, %scan3A_187 : i32
      %scan3A_189 = arith.constant 1 : i32
      %scan3A_190 = scf.for %scan3A_192 = %scan3A_186 to %scan3A_188 step %scan3A_189 iter_args(%scan3A_193 = %scan3A) -> (i32)  : i32 {
        %mul3A_194 = arith.constant 4096 : i32
        %mul3A_195 = arith.muli %scan3A_192, %mul3A_194 : i32
        "tpu.region"() ({
          %run_scoped3A = tpu.sem_alloc : memref<!tpu.dma_semaphore, #tpu.memory_space<semaphore_mem>>
          %dma_start3A = tpu.memref_slice %arg2[%mul3A_195] : memref<262144xf32, #tpu.memory_space<hbm>> -> memref<4096xf32, #tpu.memory_space<hbm>>
          %dma_start3A_209 = tpu.memref_slice %arg2[%mul3A_195] : memref<262144xf32, #tpu.memory_space<hbm>> -> memref<4096xf32, #tpu.memory_space<hbm>>
          tpu.enqueue_dma source(%dma_start3A_209 : memref<4096xf32, #tpu.memory_space<hbm>>) target(%arg29 : memref<4096xf32, #tpu.memory_space<vmem>>) target_semaphore(%run_scoped3A : memref<!tpu.dma_semaphore, #tpu.memory_space<semaphore_mem>>)
          %dma_wait3A = tpu.memref_slice %arg2[%mul3A_195] : memref<262144xf32, #tpu.memory_space<hbm>> -> memref<4096xf32, #tpu.memory_space<hbm>>
          %dma_wait3A_210 = tpu.memref_slice %arg2[%mul3A_195] : memref<262144xf32, #tpu.memory_space<hbm>> -> memref<4096xf32, #tpu.memory_space<hbm>>
          tpu.wait_dma2 semaphore(%run_scoped3A : memref<!tpu.dma_semaphore, #tpu.memory_space<semaphore_mem>>) src(%dma_wait3A_210 : memref<4096xf32, #tpu.memory_space<hbm>>) dst(%arg29 : memref<4096xf32, #tpu.memory_space<vmem>>)
          tpu.yield
        }) : () -> ()
        "tpu.region"() ({
          %run_scoped3A = tpu.sem_alloc : memref<!tpu.dma_semaphore, #tpu.memory_space<semaphore_mem>>
          %dma_start3A = tpu.memref_slice %arg3[%mul3A_195] : memref<262144xf32, #tpu.memory_space<hbm>> -> memref<4096xf32, #tpu.memory_space<hbm>>
          %dma_start3A_209 = tpu.memref_slice %arg3[%mul3A_195] : memref<262144xf32, #tpu.memory_space<hbm>> -> memref<4096xf32, #tpu.memory_space<hbm>>
          tpu.enqueue_dma source(%dma_start3A_209 : memref<4096xf32, #tpu.memory_space<hbm>>) target(%arg30 : memref<4096xf32, #tpu.memory_space<vmem>>) target_semaphore(%run_scoped3A : memref<!tpu.dma_semaphore, #tpu.memory_space<semaphore_mem>>)
          %dma_wait3A = tpu.memref_slice %arg3[%mul3A_195] : memref<262144xf32, #tpu.memory_space<hbm>> -> memref<4096xf32, #tpu.memory_space<hbm>>
          %dma_wait3A_210 = tpu.memref_slice %arg3[%mul3A_195] : memref<262144xf32, #tpu.memory_space<hbm>> -> memref<4096xf32, #tpu.memory_space<hbm>>
          tpu.wait_dma2 semaphore(%run_scoped3A : memref<!tpu.dma_semaphore, #tpu.memory_space<semaphore_mem>>) src(%dma_wait3A_210 : memref<4096xf32, #tpu.memory_space<hbm>>) dst(%arg30 : memref<4096xf32, #tpu.memory_space<vmem>>)
          tpu.yield
        }) : () -> ()
        %scan3A_196 = arith.constant 0 : i32
        %scan3A_197 = arith.constant 0 : i32
        %scan3A_198 = arith.constant 256 : i32
        %scan3A_199 = arith.addi %scan3A_197, %scan3A_198 : i32
        %scan3A_200 = arith.constant 1 : i32
        %scan3A_201 = scf.for %scan3A_209 = %scan3A_197 to %scan3A_199 step %scan3A_200 iter_args(%scan3A_210 = %scan3A_196) -> (i32)  : i32 {
          %mul3A_211 = arith.constant 16 : i32
          %mul3A_212 = arith.muli %scan3A_209, %mul3A_211 : i32
          %get3A = arith.index_cast %mul3A_212 : i32 to index
          %get3A_213 = tpu.vector_load %arg29[%get3A] {strides = array<i32>} : memref<4096xf32, #tpu.memory_space<vmem>>, vector<16xf32>,
          %get3A_214 = arith.index_cast %mul3A_212 : i32 to index
          %get3A_215 = tpu.vector_load %arg30[%get3A_214] {strides = array<i32>} : memref<4096xf32, #tpu.memory_space<vmem>>, vector<16xf32>,
          %mul3A_216 = arith.mulf %get3A_213, %gather3A_41 : vector<16xf32>
          %convert_element_type3A_217 = arith.fptosi %mul3A_216 : vector<16xf32> to vector<16xi32>
          %mul3A_218 = arith.mulf %get3A_215, %gather3A_41 : vector<16xf32>
          %convert_element_type3A_219 = arith.fptosi %mul3A_218 : vector<16xf32> to vector<16xi32>
          %convert_element_type3A_220 = arith.sitofp %convert_element_type3A_217 : vector<16xi32> to vector<16xf32>
          %convert_element_type3A_221 = arith.sitofp %convert_element_type3A_219 : vector<16xi32> to vector<16xf32>
          %mul3A_222 = arith.mulf %convert_element_type3A_220, %gather3A : vector<16xf32>
          %mul3A_223 = arith.mulf %convert_element_type3A_221, %gather3A : vector<16xf32>
          %add3A_224 = arith.addf %mul3A_222, %gather3A : vector<16xf32>
          %sub3A_225 = arith.subf %add3A_224, %mul3A_222 : vector<16xf32>
          %add3A_226 = arith.addf %mul3A_223, %gather3A : vector<16xf32>
          %sub3A_227 = arith.subf %add3A_226, %mul3A_223 : vector<16xf32>
          %sub3A_228 = arith.subf %get3A_213, %mul3A_222 : vector<16xf32>
          %div3A_229 = arith.divf %sub3A_228, %sub3A_225 : vector<16xf32>
          %sub3A_230 = arith.subf %get3A_215, %mul3A_223 : vector<16xf32>
          %div3A_231 = arith.divf %sub3A_230, %sub3A_227 : vector<16xf32>
          %mul3A_232 = arith.muli %convert_element_type3A_217, %gather3A_46 : vector<16xi32>
          %add3A_233 = arith.addi %mul3A_232, %convert_element_type3A_219 : vector<16xi32>
          %add3A_234 = arith.constant 1 : i32
          %add3A_235 = vector.broadcast %add3A_234 : i32 to vector<16xi32>
          %add3A_236 = arith.addi %add3A_233, %add3A_235 : vector<16xi32>
          %add3A_237 = arith.addi %add3A_233, %gather3A_46 : vector<16xi32>
          %add3A_238 = arith.addi %add3A_233, %gather3A_46 : vector<16xi32>
          %add3A_239 = arith.constant 1 : i32
          %add3A_240 = vector.broadcast %add3A_239 : i32 to vector<16xi32>
          %add3A_241 = arith.addi %add3A_238, %add3A_240 : vector<16xi32>
          %mul3A_242 = arith.muli %convert_element_type3A_219, %broadcast_in_dim3A_51 : vector<16xi32>
          %add3A_243 = arith.addi %mul3A_242, %broadcast_in_dim3A_51 : vector<16xi32>
          %add3A_244 = arith.constant 1 : i32
          %add3A_245 = vector.broadcast %add3A_244 : i32 to vector<16xi32>
          %add3A_246 = arith.addi %convert_element_type3A_217, %add3A_245 : vector<16xi32>
          %xor3A = arith.xori %convert_element_type3A_217, %mul3A_242 : vector<16xi32>
          %and3A_247 = arith.andi %xor3A, %broadcast_in_dim3A_49 : vector<16xi32>
          %xor3A_248 = arith.xori %convert_element_type3A_217, %add3A_243 : vector<16xi32>
          %and3A_249 = arith.andi %xor3A_248, %broadcast_in_dim3A_49 : vector<16xi32>
          %xor3A_250 = arith.xori %add3A_246, %mul3A_242 : vector<16xi32>
          %and3A_251 = arith.andi %xor3A_250, %broadcast_in_dim3A_49 : vector<16xi32>
          %xor3A_252 = arith.xori %add3A_246, %add3A_243 : vector<16xi32>
          %and3A_253 = arith.andi %xor3A_252, %broadcast_in_dim3A_49 : vector<16xi32>
          %select_n3A_254 = arith.select %lt3A_53, %add3A_233, %and3A_247 : vector<16xi32>
          %select_n3A_255 = arith.select %lt3A_53, %add3A_236, %and3A_249 : vector<16xi32>
          %select_n3A_256 = arith.select %lt3A_53, %add3A_237, %and3A_251 : vector<16xi32>
          %select_n3A_257 = arith.select %lt3A_53, %add3A_241, %and3A_253 : vector<16xi32>
          %gather3A_258 = tpu.vector_load_idx %arg25[%select_n3A_254] : memref<65536xf32, #tpu.memory_space<vmem>>[vector<16xi32>], vector<16xf32>,
          %gather3A_259 = tpu.vector_load_idx %arg25[%select_n3A_255] : memref<65536xf32, #tpu.memory_space<vmem>>[vector<16xi32>], vector<16xf32>,
          %gather3A_260 = tpu.vector_load_idx %arg25[%select_n3A_256] : memref<65536xf32, #tpu.memory_space<vmem>>[vector<16xi32>], vector<16xf32>,
          %gather3A_261 = tpu.vector_load_idx %arg25[%select_n3A_257] : memref<65536xf32, #tpu.memory_space<vmem>>[vector<16xi32>], vector<16xf32>,
          %sub3A_262 = arith.subf %broadcast_in_dim3A_47, %div3A_231 : vector<16xf32>
          %mul3A_263 = arith.mulf %gather3A_258, %sub3A_262 : vector<16xf32>
          %mul3A_264 = arith.mulf %gather3A_259, %div3A_231 : vector<16xf32>
          %add3A_265 = arith.addf %mul3A_263, %mul3A_264 : vector<16xf32>
          %sub3A_266 = arith.subf %broadcast_in_dim3A_47, %div3A_231 : vector<16xf32>
          %mul3A_267 = arith.mulf %gather3A_260, %sub3A_266 : vector<16xf32>
          %mul3A_268 = arith.mulf %gather3A_261, %div3A_231 : vector<16xf32>
          %add3A_269 = arith.addf %mul3A_267, %mul3A_268 : vector<16xf32>
          %sub3A_270 = arith.subf %broadcast_in_dim3A_47, %div3A_229 : vector<16xf32>
          %mul3A_271 = arith.mulf %add3A_265, %sub3A_270 : vector<16xf32>
          %mul3A_272 = arith.mulf %add3A_269, %div3A_229 : vector<16xf32>
          %add3A_273 = arith.addf %mul3A_271, %mul3A_272 : vector<16xf32>
          %swap3A = arith.index_cast %mul3A_212 : i32 to index
          %swap3A_274 = tpu.vector_load %arg31[%swap3A] {strides = array<i32>} : memref<4096xf32, #tpu.memory_space<vmem>>, vector<16xf32>,
          tpu.vector_store %arg31[%swap3A], %add3A_273 {strides = array<i32>} : memref<4096xf32, #tpu.memory_space<vmem>>, vector<16xf32>,
          %add3A_275 = vector.broadcast %mul3A_212 : i32 to vector<16xi32>
          %add3A_276 = arith.addi %iota3A, %add3A_275 : vector<16xi32>
          %mul3A_277 = arith.constant 4 : i32
          %mul3A_278 = vector.broadcast %mul3A_277 : i32 to vector<16xi32>
          %mul3A_279 = arith.muli %add3A_276, %mul3A_278 : vector<16xi32>
          tpu.vector_store_idx %arg32[%mul3A_279], %select_n3A_254 : memref<16384xi32, #tpu.memory_space<vmem>>[vector<16xi32>], vector<16xi32>,
          %add3A_280 = arith.constant 1 : i32
          %add3A_281 = vector.broadcast %add3A_280 : i32 to vector<16xi32>
          %add3A_282 = arith.addi %mul3A_279, %add3A_281 : vector<16xi32>
          tpu.vector_store_idx %arg32[%add3A_282], %select_n3A_255 : memref<16384xi32, #tpu.memory_space<vmem>>[vector<16xi32>], vector<16xi32>,
          %add3A_283 = arith.constant 2 : i32
          %add3A_284 = vector.broadcast %add3A_283 : i32 to vector<16xi32>
          %add3A_285 = arith.addi %mul3A_279, %add3A_284 : vector<16xi32>
          tpu.vector_store_idx %arg32[%add3A_285], %select_n3A_256 : memref<16384xi32, #tpu.memory_space<vmem>>[vector<16xi32>], vector<16xi32>,
          %add3A_286 = arith.constant 3 : i32
          %add3A_287 = vector.broadcast %add3A_286 : i32 to vector<16xi32>
          %add3A_288 = arith.addi %mul3A_279, %add3A_287 : vector<16xi32>
          tpu.vector_store_idx %arg32[%add3A_288], %select_n3A_257 : memref<16384xi32, #tpu.memory_space<vmem>>[vector<16xi32>], vector<16xi32>,
          %scan3A_289 = arith.constant 0 : i32
          scf.yield %scan3A_289 : i32
        }
        %scan3A_202 = arith.constant 256 : i32
        %mul3A_203 = arith.constant 262144 : i32
        %mul3A_204 = arith.muli %add3A, %mul3A_203 : i32
        %add3A_205 = arith.addi %mul3A_204, %mul3A_195 : i32
        "tpu.region"() ({
          %run_scoped3A = tpu.sem_alloc : memref<!tpu.dma_semaphore, #tpu.memory_space<semaphore_mem>>
          %dma_start3A = tpu.memref_slice %arg8[%add3A_205] : memref<8388608xf32, #tpu.memory_space<hbm>> -> memref<4096xf32, #tpu.memory_space<hbm>>
          %dma_start3A_209 = tpu.memref_slice %arg8[%add3A_205] : memref<8388608xf32, #tpu.memory_space<hbm>> -> memref<4096xf32, #tpu.memory_space<hbm>>
          tpu.enqueue_dma source(%arg31 : memref<4096xf32, #tpu.memory_space<vmem>>) target(%dma_start3A_209 : memref<4096xf32, #tpu.memory_space<hbm>>) target_semaphore(%run_scoped3A : memref<!tpu.dma_semaphore, #tpu.memory_space<semaphore_mem>>)
          %dma_wait3A = tpu.memref_slice %arg8[%add3A_205] : memref<8388608xf32, #tpu.memory_space<hbm>> -> memref<4096xf32, #tpu.memory_space<hbm>>
          %dma_wait3A_210 = tpu.memref_slice %arg8[%add3A_205] : memref<8388608xf32, #tpu.memory_space<hbm>> -> memref<4096xf32, #tpu.memory_space<hbm>>
          tpu.wait_dma2 semaphore(%run_scoped3A : memref<!tpu.dma_semaphore, #tpu.memory_space<semaphore_mem>>) src(%arg31 : memref<4096xf32, #tpu.memory_space<vmem>>) dst(%dma_wait3A_210 : memref<4096xf32, #tpu.memory_space<hbm>>)
          tpu.yield
        }) : () -> ()
        %mul3A_206 = arith.constant 4 : i32
        %mul3A_207 = arith.muli %mul3A_195, %mul3A_206 : i32
        "tpu.region"() ({
          %run_scoped3A = tpu.sem_alloc : memref<!tpu.dma_semaphore, #tpu.memory_space<semaphore_mem>>
          %dma_start3A = tpu.memref_slice %arg10[%mul3A_207] : memref<1048576xi32, #tpu.memory_space<hbm>> -> memref<16384xi32, #tpu.memory_space<hbm>>
          %dma_start3A_209 = tpu.memref_slice %arg10[%mul3A_207] : memref<1048576xi32, #tpu.memory_space<hbm>> -> memref<16384xi32, #tpu.memory_space<hbm>>
          tpu.enqueue_dma source(%arg32 : memref<16384xi32, #tpu.memory_space<vmem>>) target(%dma_start3A_209 : memref<16384xi32, #tpu.memory_space<hbm>>) target_semaphore(%run_scoped3A : memref<!tpu.dma_semaphore, #tpu.memory_space<semaphore_mem>>)
          %dma_wait3A = tpu.memref_slice %arg10[%mul3A_207] : memref<1048576xi32, #tpu.memory_space<hbm>> -> memref<16384xi32, #tpu.memory_space<hbm>>
          %dma_wait3A_210 = tpu.memref_slice %arg10[%mul3A_207] : memref<1048576xi32, #tpu.memory_space<hbm>> -> memref<16384xi32, #tpu.memory_space<hbm>>
          tpu.wait_dma2 semaphore(%run_scoped3A : memref<!tpu.dma_semaphore, #tpu.memory_space<semaphore_mem>>) src(%arg32 : memref<16384xi32, #tpu.memory_space<vmem>>) dst(%dma_wait3A_210 : memref<16384xi32, #tpu.memory_space<hbm>>)
          tpu.yield
        }) : () -> ()
        %scan3A_208 = arith.constant 0 : i32
        scf.yield %scan3A_208 : i32
      }
      %scan3A_191 = arith.constant 64 : i32
    } else {
    }
    %eq3A_74 = arith.constant 2 : i32
    %eq3A_75 = arith.cmpi eq, %select_n3A, %eq3A_74 : i32
    %eq3A_76 = arith.constant 0 : i32
    %eq3A_77 = arith.cmpi eq, %select_n3A_30, %eq3A_76 : i32
    %and3A_78 = arith.andi %eq3A_75, %eq3A_77 : i1
    %convert_element_type3A_79 = arith.extui %and3A_78 : i1 to i32
    %cond3A_80 = arith.constant 0 : i32
    %cond3A_81 = arith.cmpi ne, %convert_element_type3A_79, %cond3A_80 : i32
    scf.if %cond3A_81 {
      %scan3A = arith.constant 0 : i32
      %scan3A_186 = arith.constant 0 : i32
      %scan3A_187 = arith.constant 64 : i32
      %scan3A_188 = arith.addi %scan3A_186, %scan3A_187 : i32
      %scan3A_189 = arith.constant 1 : i32
      %scan3A_190 = scf.for %scan3A_192 = %scan3A_186 to %scan3A_188 step %scan3A_189 iter_args(%scan3A_193 = %scan3A) -> (i32)  : i32 {
        %mul3A_194 = arith.constant 4096 : i32
        %mul3A_195 = arith.muli %scan3A_192, %mul3A_194 : i32
        "tpu.region"() ({
          %run_scoped3A = tpu.sem_alloc : memref<!tpu.dma_semaphore, #tpu.memory_space<semaphore_mem>>
          %dma_start3A = tpu.memref_slice %arg2[%mul3A_195] : memref<262144xf32, #tpu.memory_space<hbm>> -> memref<4096xf32, #tpu.memory_space<hbm>>
          %dma_start3A_209 = tpu.memref_slice %arg2[%mul3A_195] : memref<262144xf32, #tpu.memory_space<hbm>> -> memref<4096xf32, #tpu.memory_space<hbm>>
          tpu.enqueue_dma source(%dma_start3A_209 : memref<4096xf32, #tpu.memory_space<hbm>>) target(%arg29 : memref<4096xf32, #tpu.memory_space<vmem>>) target_semaphore(%run_scoped3A : memref<!tpu.dma_semaphore, #tpu.memory_space<semaphore_mem>>)
          %dma_wait3A = tpu.memref_slice %arg2[%mul3A_195] : memref<262144xf32, #tpu.memory_space<hbm>> -> memref<4096xf32, #tpu.memory_space<hbm>>
          %dma_wait3A_210 = tpu.memref_slice %arg2[%mul3A_195] : memref<262144xf32, #tpu.memory_space<hbm>> -> memref<4096xf32, #tpu.memory_space<hbm>>
          tpu.wait_dma2 semaphore(%run_scoped3A : memref<!tpu.dma_semaphore, #tpu.memory_space<semaphore_mem>>) src(%dma_wait3A_210 : memref<4096xf32, #tpu.memory_space<hbm>>) dst(%arg29 : memref<4096xf32, #tpu.memory_space<vmem>>)
          tpu.yield
        }) : () -> ()
        "tpu.region"() ({
          %run_scoped3A = tpu.sem_alloc : memref<!tpu.dma_semaphore, #tpu.memory_space<semaphore_mem>>
          %dma_start3A = tpu.memref_slice %arg3[%mul3A_195] : memref<262144xf32, #tpu.memory_space<hbm>> -> memref<4096xf32, #tpu.memory_space<hbm>>
          %dma_start3A_209 = tpu.memref_slice %arg3[%mul3A_195] : memref<262144xf32, #tpu.memory_space<hbm>> -> memref<4096xf32, #tpu.memory_space<hbm>>
          tpu.enqueue_dma source(%dma_start3A_209 : memref<4096xf32, #tpu.memory_space<hbm>>) target(%arg30 : memref<4096xf32, #tpu.memory_space<vmem>>) target_semaphore(%run_scoped3A : memref<!tpu.dma_semaphore, #tpu.memory_space<semaphore_mem>>)
          %dma_wait3A = tpu.memref_slice %arg3[%mul3A_195] : memref<262144xf32, #tpu.memory_space<hbm>> -> memref<4096xf32, #tpu.memory_space<hbm>>
          %dma_wait3A_210 = tpu.memref_slice %arg3[%mul3A_195] : memref<262144xf32, #tpu.memory_space<hbm>> -> memref<4096xf32, #tpu.memory_space<hbm>>
          tpu.wait_dma2 semaphore(%run_scoped3A : memref<!tpu.dma_semaphore, #tpu.memory_space<semaphore_mem>>) src(%dma_wait3A_210 : memref<4096xf32, #tpu.memory_space<hbm>>) dst(%arg30 : memref<4096xf32, #tpu.memory_space<vmem>>)
          tpu.yield
        }) : () -> ()
        %scan3A_196 = arith.constant 0 : i32
        %scan3A_197 = arith.constant 0 : i32
        %scan3A_198 = arith.constant 256 : i32
        %scan3A_199 = arith.addi %scan3A_197, %scan3A_198 : i32
        %scan3A_200 = arith.constant 1 : i32
        %scan3A_201 = scf.for %scan3A_209 = %scan3A_197 to %scan3A_199 step %scan3A_200 iter_args(%scan3A_210 = %scan3A_196) -> (i32)  : i32 {
          %mul3A_211 = arith.constant 16 : i32
          %mul3A_212 = arith.muli %scan3A_209, %mul3A_211 : i32
          %get3A = arith.index_cast %mul3A_212 : i32 to index
          %get3A_213 = tpu.vector_load %arg29[%get3A] {strides = array<i32>} : memref<4096xf32, #tpu.memory_space<vmem>>, vector<16xf32>,
          %get3A_214 = arith.index_cast %mul3A_212 : i32 to index
          %get3A_215 = tpu.vector_load %arg30[%get3A_214] {strides = array<i32>} : memref<4096xf32, #tpu.memory_space<vmem>>, vector<16xf32>,
          %mul3A_216 = arith.mulf %get3A_213, %gather3A_41 : vector<16xf32>
          %convert_element_type3A_217 = arith.fptosi %mul3A_216 : vector<16xf32> to vector<16xi32>
          %mul3A_218 = arith.mulf %get3A_215, %gather3A_41 : vector<16xf32>
          %convert_element_type3A_219 = arith.fptosi %mul3A_218 : vector<16xf32> to vector<16xi32>
          %convert_element_type3A_220 = arith.sitofp %convert_element_type3A_217 : vector<16xi32> to vector<16xf32>
          %convert_element_type3A_221 = arith.sitofp %convert_element_type3A_219 : vector<16xi32> to vector<16xf32>
          %mul3A_222 = arith.mulf %convert_element_type3A_220, %gather3A : vector<16xf32>
          %mul3A_223 = arith.mulf %convert_element_type3A_221, %gather3A : vector<16xf32>
          %add3A_224 = arith.addf %mul3A_222, %gather3A : vector<16xf32>
          %sub3A_225 = arith.subf %add3A_224, %mul3A_222 : vector<16xf32>
          %add3A_226 = arith.addf %mul3A_223, %gather3A : vector<16xf32>
          %sub3A_227 = arith.subf %add3A_226, %mul3A_223 : vector<16xf32>
          %sub3A_228 = arith.subf %get3A_213, %mul3A_222 : vector<16xf32>
          %div3A_229 = arith.divf %sub3A_228, %sub3A_225 : vector<16xf32>
          %sub3A_230 = arith.subf %get3A_215, %mul3A_223 : vector<16xf32>
          %div3A_231 = arith.divf %sub3A_230, %sub3A_227 : vector<16xf32>
          %mul3A_232 = arith.muli %convert_element_type3A_217, %gather3A_46 : vector<16xi32>
          %add3A_233 = arith.addi %mul3A_232, %convert_element_type3A_219 : vector<16xi32>
          %add3A_234 = arith.constant 1 : i32
          %add3A_235 = vector.broadcast %add3A_234 : i32 to vector<16xi32>
          %add3A_236 = arith.addi %add3A_233, %add3A_235 : vector<16xi32>
          %add3A_237 = arith.addi %add3A_233, %gather3A_46 : vector<16xi32>
          %add3A_238 = arith.addi %add3A_233, %gather3A_46 : vector<16xi32>
          %add3A_239 = arith.constant 1 : i32
          %add3A_240 = vector.broadcast %add3A_239 : i32 to vector<16xi32>
          %add3A_241 = arith.addi %add3A_238, %add3A_240 : vector<16xi32>
          %mul3A_242 = arith.muli %convert_element_type3A_219, %broadcast_in_dim3A_51 : vector<16xi32>
          %add3A_243 = arith.addi %mul3A_242, %broadcast_in_dim3A_51 : vector<16xi32>
          %add3A_244 = arith.constant 1 : i32
          %add3A_245 = vector.broadcast %add3A_244 : i32 to vector<16xi32>
          %add3A_246 = arith.addi %convert_element_type3A_217, %add3A_245 : vector<16xi32>
          %xor3A = arith.xori %convert_element_type3A_217, %mul3A_242 : vector<16xi32>
          %and3A_247 = arith.andi %xor3A, %broadcast_in_dim3A_49 : vector<16xi32>
          %xor3A_248 = arith.xori %convert_element_type3A_217, %add3A_243 : vector<16xi32>
          %and3A_249 = arith.andi %xor3A_248, %broadcast_in_dim3A_49 : vector<16xi32>
          %xor3A_250 = arith.xori %add3A_246, %mul3A_242 : vector<16xi32>
          %and3A_251 = arith.andi %xor3A_250, %broadcast_in_dim3A_49 : vector<16xi32>
          %xor3A_252 = arith.xori %add3A_246, %add3A_243 : vector<16xi32>
          %and3A_253 = arith.andi %xor3A_252, %broadcast_in_dim3A_49 : vector<16xi32>
          %select_n3A_254 = arith.select %lt3A_53, %add3A_233, %and3A_247 : vector<16xi32>
          %select_n3A_255 = arith.select %lt3A_53, %add3A_236, %and3A_249 : vector<16xi32>
          %select_n3A_256 = arith.select %lt3A_53, %add3A_237, %and3A_251 : vector<16xi32>
          %select_n3A_257 = arith.select %lt3A_53, %add3A_241, %and3A_253 : vector<16xi32>
          %gather3A_258 = tpu.vector_load_idx %arg25[%select_n3A_254] : memref<65536xf32, #tpu.memory_space<vmem>>[vector<16xi32>], vector<16xf32>,
          %gather3A_259 = tpu.vector_load_idx %arg25[%select_n3A_255] : memref<65536xf32, #tpu.memory_space<vmem>>[vector<16xi32>], vector<16xf32>,
          %gather3A_260 = tpu.vector_load_idx %arg25[%select_n3A_256] : memref<65536xf32, #tpu.memory_space<vmem>>[vector<16xi32>], vector<16xf32>,
          %gather3A_261 = tpu.vector_load_idx %arg25[%select_n3A_257] : memref<65536xf32, #tpu.memory_space<vmem>>[vector<16xi32>], vector<16xf32>,
          %sub3A_262 = arith.subf %broadcast_in_dim3A_47, %div3A_231 : vector<16xf32>
          %mul3A_263 = arith.mulf %gather3A_258, %sub3A_262 : vector<16xf32>
          %mul3A_264 = arith.mulf %gather3A_259, %div3A_231 : vector<16xf32>
          %add3A_265 = arith.addf %mul3A_263, %mul3A_264 : vector<16xf32>
          %sub3A_266 = arith.subf %broadcast_in_dim3A_47, %div3A_231 : vector<16xf32>
          %mul3A_267 = arith.mulf %gather3A_260, %sub3A_266 : vector<16xf32>
          %mul3A_268 = arith.mulf %gather3A_261, %div3A_231 : vector<16xf32>
          %add3A_269 = arith.addf %mul3A_267, %mul3A_268 : vector<16xf32>
          %sub3A_270 = arith.subf %broadcast_in_dim3A_47, %div3A_229 : vector<16xf32>
          %mul3A_271 = arith.mulf %add3A_265, %sub3A_270 : vector<16xf32>
          %mul3A_272 = arith.mulf %add3A_269, %div3A_229 : vector<16xf32>
          %add3A_273 = arith.addf %mul3A_271, %mul3A_272 : vector<16xf32>
          %swap3A = arith.index_cast %mul3A_212 : i32 to index
          %swap3A_274 = tpu.vector_load %arg31[%swap3A] {strides = array<i32>} : memref<4096xf32, #tpu.memory_space<vmem>>, vector<16xf32>,
          tpu.vector_store %arg31[%swap3A], %add3A_273 {strides = array<i32>} : memref<4096xf32, #tpu.memory_space<vmem>>, vector<16xf32>,
          %add3A_275 = vector.broadcast %mul3A_212 : i32 to vector<16xi32>
          %add3A_276 = arith.addi %iota3A, %add3A_275 : vector<16xi32>
          %mul3A_277 = arith.constant 4 : i32
          %mul3A_278 = vector.broadcast %mul3A_277 : i32 to vector<16xi32>
          %mul3A_279 = arith.muli %add3A_276, %mul3A_278 : vector<16xi32>
          tpu.vector_store_idx %arg32[%mul3A_279], %select_n3A_254 : memref<16384xi32, #tpu.memory_space<vmem>>[vector<16xi32>], vector<16xi32>,
          %add3A_280 = arith.constant 1 : i32
          %add3A_281 = vector.broadcast %add3A_280 : i32 to vector<16xi32>
          %add3A_282 = arith.addi %mul3A_279, %add3A_281 : vector<16xi32>
          tpu.vector_store_idx %arg32[%add3A_282], %select_n3A_255 : memref<16384xi32, #tpu.memory_space<vmem>>[vector<16xi32>], vector<16xi32>,
          %add3A_283 = arith.constant 2 : i32
          %add3A_284 = vector.broadcast %add3A_283 : i32 to vector<16xi32>
          %add3A_285 = arith.addi %mul3A_279, %add3A_284 : vector<16xi32>
          tpu.vector_store_idx %arg32[%add3A_285], %select_n3A_256 : memref<16384xi32, #tpu.memory_space<vmem>>[vector<16xi32>], vector<16xi32>,
          %add3A_286 = arith.constant 3 : i32
          %add3A_287 = vector.broadcast %add3A_286 : i32 to vector<16xi32>
          %add3A_288 = arith.addi %mul3A_279, %add3A_287 : vector<16xi32>
          tpu.vector_store_idx %arg32[%add3A_288], %select_n3A_257 : memref<16384xi32, #tpu.memory_space<vmem>>[vector<16xi32>], vector<16xi32>,
          %scan3A_289 = arith.constant 0 : i32
          scf.yield %scan3A_289 : i32
        }
        %scan3A_202 = arith.constant 256 : i32
        %mul3A_203 = arith.constant 262144 : i32
        %mul3A_204 = arith.muli %add3A, %mul3A_203 : i32
        %add3A_205 = arith.addi %mul3A_204, %mul3A_195 : i32
        "tpu.region"() ({
          %run_scoped3A = tpu.sem_alloc : memref<!tpu.dma_semaphore, #tpu.memory_space<semaphore_mem>>
          %dma_start3A = tpu.memref_slice %arg8[%add3A_205] : memref<8388608xf32, #tpu.memory_space<hbm>> -> memref<4096xf32, #tpu.memory_space<hbm>>
          %dma_start3A_209 = tpu.memref_slice %arg8[%add3A_205] : memref<8388608xf32, #tpu.memory_space<hbm>> -> memref<4096xf32, #tpu.memory_space<hbm>>
          tpu.enqueue_dma source(%arg31 : memref<4096xf32, #tpu.memory_space<vmem>>) target(%dma_start3A_209 : memref<4096xf32, #tpu.memory_space<hbm>>) target_semaphore(%run_scoped3A : memref<!tpu.dma_semaphore, #tpu.memory_space<semaphore_mem>>)
          %dma_wait3A = tpu.memref_slice %arg8[%add3A_205] : memref<8388608xf32, #tpu.memory_space<hbm>> -> memref<4096xf32, #tpu.memory_space<hbm>>
          %dma_wait3A_210 = tpu.memref_slice %arg8[%add3A_205] : memref<8388608xf32, #tpu.memory_space<hbm>> -> memref<4096xf32, #tpu.memory_space<hbm>>
          tpu.wait_dma2 semaphore(%run_scoped3A : memref<!tpu.dma_semaphore, #tpu.memory_space<semaphore_mem>>) src(%arg31 : memref<4096xf32, #tpu.memory_space<vmem>>) dst(%dma_wait3A_210 : memref<4096xf32, #tpu.memory_space<hbm>>)
          tpu.yield
        }) : () -> ()
        %mul3A_206 = arith.constant 4 : i32
        %mul3A_207 = arith.muli %mul3A_195, %mul3A_206 : i32
        "tpu.region"() ({
          %run_scoped3A = tpu.sem_alloc : memref<!tpu.dma_semaphore, #tpu.memory_space<semaphore_mem>>
          %dma_start3A = tpu.memref_slice %arg11[%mul3A_207] : memref<1048576xi32, #tpu.memory_space<hbm>> -> memref<16384xi32, #tpu.memory_space<hbm>>
          %dma_start3A_209 = tpu.memref_slice %arg11[%mul3A_207] : memref<1048576xi32, #tpu.memory_space<hbm>> -> memref<16384xi32, #tpu.memory_space<hbm>>
          tpu.enqueue_dma source(%arg32 : memref<16384xi32, #tpu.memory_space<vmem>>) target(%dma_start3A_209 : memref<16384xi32, #tpu.memory_space<hbm>>) target_semaphore(%run_scoped3A : memref<!tpu.dma_semaphore, #tpu.memory_space<semaphore_mem>>)
          %dma_wait3A = tpu.memref_slice %arg11[%mul3A_207] : memref<1048576xi32, #tpu.memory_space<hbm>> -> memref<16384xi32, #tpu.memory_space<hbm>>
          %dma_wait3A_210 = tpu.memref_slice %arg11[%mul3A_207] : memref<1048576xi32, #tpu.memory_space<hbm>> -> memref<16384xi32, #tpu.memory_space<hbm>>
          tpu.wait_dma2 semaphore(%run_scoped3A : memref<!tpu.dma_semaphore, #tpu.memory_space<semaphore_mem>>) src(%arg32 : memref<16384xi32, #tpu.memory_space<vmem>>) dst(%dma_wait3A_210 : memref<16384xi32, #tpu.memory_space<hbm>>)
          tpu.yield
        }) : () -> ()
        %scan3A_208 = arith.constant 0 : i32
        scf.yield %scan3A_208 : i32
      }
      %scan3A_191 = arith.constant 64 : i32
    } else {
    }
    %eq3A_82 = arith.constant 3 : i32
    %eq3A_83 = arith.cmpi eq, %select_n3A, %eq3A_82 : i32
    %eq3A_84 = arith.constant 0 : i32
    %eq3A_85 = arith.cmpi eq, %select_n3A_30, %eq3A_84 : i32
    %and3A_86 = arith.andi %eq3A_83, %eq3A_85 : i1
    %convert_element_type3A_87 = arith.extui %and3A_86 : i1 to i32
    %cond3A_88 = arith.constant 0 : i32
    %cond3A_89 = arith.cmpi ne, %convert_element_type3A_87, %cond3A_88 : i32
    scf.if %cond3A_89 {
      %scan3A = arith.constant 0 : i32
      %scan3A_186 = arith.constant 0 : i32
      %scan3A_187 = arith.constant 64 : i32
      %scan3A_188 = arith.addi %scan3A_186, %scan3A_187 : i32
      %scan3A_189 = arith.constant 1 : i32
      %scan3A_190 = scf.for %scan3A_192 = %scan3A_186 to %scan3A_188 step %scan3A_189 iter_args(%scan3A_193 = %scan3A) -> (i32)  : i32 {
        %mul3A_194 = arith.constant 4096 : i32
        %mul3A_195 = arith.muli %scan3A_192, %mul3A_194 : i32
        "tpu.region"() ({
          %run_scoped3A = tpu.sem_alloc : memref<!tpu.dma_semaphore, #tpu.memory_space<semaphore_mem>>
          %dma_start3A = tpu.memref_slice %arg2[%mul3A_195] : memref<262144xf32, #tpu.memory_space<hbm>> -> memref<4096xf32, #tpu.memory_space<hbm>>
          %dma_start3A_209 = tpu.memref_slice %arg2[%mul3A_195] : memref<262144xf32, #tpu.memory_space<hbm>> -> memref<4096xf32, #tpu.memory_space<hbm>>
          tpu.enqueue_dma source(%dma_start3A_209 : memref<4096xf32, #tpu.memory_space<hbm>>) target(%arg29 : memref<4096xf32, #tpu.memory_space<vmem>>) target_semaphore(%run_scoped3A : memref<!tpu.dma_semaphore, #tpu.memory_space<semaphore_mem>>)
          %dma_wait3A = tpu.memref_slice %arg2[%mul3A_195] : memref<262144xf32, #tpu.memory_space<hbm>> -> memref<4096xf32, #tpu.memory_space<hbm>>
          %dma_wait3A_210 = tpu.memref_slice %arg2[%mul3A_195] : memref<262144xf32, #tpu.memory_space<hbm>> -> memref<4096xf32, #tpu.memory_space<hbm>>
          tpu.wait_dma2 semaphore(%run_scoped3A : memref<!tpu.dma_semaphore, #tpu.memory_space<semaphore_mem>>) src(%dma_wait3A_210 : memref<4096xf32, #tpu.memory_space<hbm>>) dst(%arg29 : memref<4096xf32, #tpu.memory_space<vmem>>)
          tpu.yield
        }) : () -> ()
        "tpu.region"() ({
          %run_scoped3A = tpu.sem_alloc : memref<!tpu.dma_semaphore, #tpu.memory_space<semaphore_mem>>
          %dma_start3A = tpu.memref_slice %arg3[%mul3A_195] : memref<262144xf32, #tpu.memory_space<hbm>> -> memref<4096xf32, #tpu.memory_space<hbm>>
          %dma_start3A_209 = tpu.memref_slice %arg3[%mul3A_195] : memref<262144xf32, #tpu.memory_space<hbm>> -> memref<4096xf32, #tpu.memory_space<hbm>>
          tpu.enqueue_dma source(%dma_start3A_209 : memref<4096xf32, #tpu.memory_space<hbm>>) target(%arg30 : memref<4096xf32, #tpu.memory_space<vmem>>) target_semaphore(%run_scoped3A : memref<!tpu.dma_semaphore, #tpu.memory_space<semaphore_mem>>)
          %dma_wait3A = tpu.memref_slice %arg3[%mul3A_195] : memref<262144xf32, #tpu.memory_space<hbm>> -> memref<4096xf32, #tpu.memory_space<hbm>>
          %dma_wait3A_210 = tpu.memref_slice %arg3[%mul3A_195] : memref<262144xf32, #tpu.memory_space<hbm>> -> memref<4096xf32, #tpu.memory_space<hbm>>
          tpu.wait_dma2 semaphore(%run_scoped3A : memref<!tpu.dma_semaphore, #tpu.memory_space<semaphore_mem>>) src(%dma_wait3A_210 : memref<4096xf32, #tpu.memory_space<hbm>>) dst(%arg30 : memref<4096xf32, #tpu.memory_space<vmem>>)
          tpu.yield
        }) : () -> ()
        %scan3A_196 = arith.constant 0 : i32
        %scan3A_197 = arith.constant 0 : i32
        %scan3A_198 = arith.constant 256 : i32
        %scan3A_199 = arith.addi %scan3A_197, %scan3A_198 : i32
        %scan3A_200 = arith.constant 1 : i32
        %scan3A_201 = scf.for %scan3A_209 = %scan3A_197 to %scan3A_199 step %scan3A_200 iter_args(%scan3A_210 = %scan3A_196) -> (i32)  : i32 {
          %mul3A_211 = arith.constant 16 : i32
          %mul3A_212 = arith.muli %scan3A_209, %mul3A_211 : i32
          %get3A = arith.index_cast %mul3A_212 : i32 to index
          %get3A_213 = tpu.vector_load %arg29[%get3A] {strides = array<i32>} : memref<4096xf32, #tpu.memory_space<vmem>>, vector<16xf32>,
          %get3A_214 = arith.index_cast %mul3A_212 : i32 to index
          %get3A_215 = tpu.vector_load %arg30[%get3A_214] {strides = array<i32>} : memref<4096xf32, #tpu.memory_space<vmem>>, vector<16xf32>,
          %mul3A_216 = arith.mulf %get3A_213, %gather3A_41 : vector<16xf32>
          %convert_element_type3A_217 = arith.fptosi %mul3A_216 : vector<16xf32> to vector<16xi32>
          %mul3A_218 = arith.mulf %get3A_215, %gather3A_41 : vector<16xf32>
          %convert_element_type3A_219 = arith.fptosi %mul3A_218 : vector<16xf32> to vector<16xi32>
          %convert_element_type3A_220 = arith.sitofp %convert_element_type3A_217 : vector<16xi32> to vector<16xf32>
          %convert_element_type3A_221 = arith.sitofp %convert_element_type3A_219 : vector<16xi32> to vector<16xf32>
          %mul3A_222 = arith.mulf %convert_element_type3A_220, %gather3A : vector<16xf32>
          %mul3A_223 = arith.mulf %convert_element_type3A_221, %gather3A : vector<16xf32>
          %add3A_224 = arith.addf %mul3A_222, %gather3A : vector<16xf32>
          %sub3A_225 = arith.subf %add3A_224, %mul3A_222 : vector<16xf32>
          %add3A_226 = arith.addf %mul3A_223, %gather3A : vector<16xf32>
          %sub3A_227 = arith.subf %add3A_226, %mul3A_223 : vector<16xf32>
          %sub3A_228 = arith.subf %get3A_213, %mul3A_222 : vector<16xf32>
          %div3A_229 = arith.divf %sub3A_228, %sub3A_225 : vector<16xf32>
          %sub3A_230 = arith.subf %get3A_215, %mul3A_223 : vector<16xf32>
          %div3A_231 = arith.divf %sub3A_230, %sub3A_227 : vector<16xf32>
          %mul3A_232 = arith.muli %convert_element_type3A_217, %gather3A_46 : vector<16xi32>
          %add3A_233 = arith.addi %mul3A_232, %convert_element_type3A_219 : vector<16xi32>
          %add3A_234 = arith.constant 1 : i32
          %add3A_235 = vector.broadcast %add3A_234 : i32 to vector<16xi32>
          %add3A_236 = arith.addi %add3A_233, %add3A_235 : vector<16xi32>
          %add3A_237 = arith.addi %add3A_233, %gather3A_46 : vector<16xi32>
          %add3A_238 = arith.addi %add3A_233, %gather3A_46 : vector<16xi32>
          %add3A_239 = arith.constant 1 : i32
          %add3A_240 = vector.broadcast %add3A_239 : i32 to vector<16xi32>
          %add3A_241 = arith.addi %add3A_238, %add3A_240 : vector<16xi32>
          %mul3A_242 = arith.muli %convert_element_type3A_219, %broadcast_in_dim3A_51 : vector<16xi32>
          %add3A_243 = arith.addi %mul3A_242, %broadcast_in_dim3A_51 : vector<16xi32>
          %add3A_244 = arith.constant 1 : i32
          %add3A_245 = vector.broadcast %add3A_244 : i32 to vector<16xi32>
          %add3A_246 = arith.addi %convert_element_type3A_217, %add3A_245 : vector<16xi32>
          %xor3A = arith.xori %convert_element_type3A_217, %mul3A_242 : vector<16xi32>
          %and3A_247 = arith.andi %xor3A, %broadcast_in_dim3A_49 : vector<16xi32>
          %xor3A_248 = arith.xori %convert_element_type3A_217, %add3A_243 : vector<16xi32>
          %and3A_249 = arith.andi %xor3A_248, %broadcast_in_dim3A_49 : vector<16xi32>
          %xor3A_250 = arith.xori %add3A_246, %mul3A_242 : vector<16xi32>
          %and3A_251 = arith.andi %xor3A_250, %broadcast_in_dim3A_49 : vector<16xi32>
          %xor3A_252 = arith.xori %add3A_246, %add3A_243 : vector<16xi32>
          %and3A_253 = arith.andi %xor3A_252, %broadcast_in_dim3A_49 : vector<16xi32>
          %select_n3A_254 = arith.select %lt3A_53, %add3A_233, %and3A_247 : vector<16xi32>
          %select_n3A_255 = arith.select %lt3A_53, %add3A_236, %and3A_249 : vector<16xi32>
          %select_n3A_256 = arith.select %lt3A_53, %add3A_237, %and3A_251 : vector<16xi32>
          %select_n3A_257 = arith.select %lt3A_53, %add3A_241, %and3A_253 : vector<16xi32>
          %gather3A_258 = tpu.vector_load_idx %arg25[%select_n3A_254] : memref<65536xf32, #tpu.memory_space<vmem>>[vector<16xi32>], vector<16xf32>,
          %gather3A_259 = tpu.vector_load_idx %arg25[%select_n3A_255] : memref<65536xf32, #tpu.memory_space<vmem>>[vector<16xi32>], vector<16xf32>,
          %gather3A_260 = tpu.vector_load_idx %arg25[%select_n3A_256] : memref<65536xf32, #tpu.memory_space<vmem>>[vector<16xi32>], vector<16xf32>,
          %gather3A_261 = tpu.vector_load_idx %arg25[%select_n3A_257] : memref<65536xf32, #tpu.memory_space<vmem>>[vector<16xi32>], vector<16xf32>,
          %sub3A_262 = arith.subf %broadcast_in_dim3A_47, %div3A_231 : vector<16xf32>
          %mul3A_263 = arith.mulf %gather3A_258, %sub3A_262 : vector<16xf32>
          %mul3A_264 = arith.mulf %gather3A_259, %div3A_231 : vector<16xf32>
          %add3A_265 = arith.addf %mul3A_263, %mul3A_264 : vector<16xf32>
          %sub3A_266 = arith.subf %broadcast_in_dim3A_47, %div3A_231 : vector<16xf32>
          %mul3A_267 = arith.mulf %gather3A_260, %sub3A_266 : vector<16xf32>
          %mul3A_268 = arith.mulf %gather3A_261, %div3A_231 : vector<16xf32>
          %add3A_269 = arith.addf %mul3A_267, %mul3A_268 : vector<16xf32>
          %sub3A_270 = arith.subf %broadcast_in_dim3A_47, %div3A_229 : vector<16xf32>
          %mul3A_271 = arith.mulf %add3A_265, %sub3A_270 : vector<16xf32>
          %mul3A_272 = arith.mulf %add3A_269, %div3A_229 : vector<16xf32>
          %add3A_273 = arith.addf %mul3A_271, %mul3A_272 : vector<16xf32>
          %swap3A = arith.index_cast %mul3A_212 : i32 to index
          %swap3A_274 = tpu.vector_load %arg31[%swap3A] {strides = array<i32>} : memref<4096xf32, #tpu.memory_space<vmem>>, vector<16xf32>,
          tpu.vector_store %arg31[%swap3A], %add3A_273 {strides = array<i32>} : memref<4096xf32, #tpu.memory_space<vmem>>, vector<16xf32>,
          %add3A_275 = vector.broadcast %mul3A_212 : i32 to vector<16xi32>
          %add3A_276 = arith.addi %iota3A, %add3A_275 : vector<16xi32>
          %mul3A_277 = arith.constant 4 : i32
          %mul3A_278 = vector.broadcast %mul3A_277 : i32 to vector<16xi32>
          %mul3A_279 = arith.muli %add3A_276, %mul3A_278 : vector<16xi32>
          tpu.vector_store_idx %arg32[%mul3A_279], %select_n3A_254 : memref<16384xi32, #tpu.memory_space<vmem>>[vector<16xi32>], vector<16xi32>,
          %add3A_280 = arith.constant 1 : i32
          %add3A_281 = vector.broadcast %add3A_280 : i32 to vector<16xi32>
          %add3A_282 = arith.addi %mul3A_279, %add3A_281 : vector<16xi32>
          tpu.vector_store_idx %arg32[%add3A_282], %select_n3A_255 : memref<16384xi32, #tpu.memory_space<vmem>>[vector<16xi32>], vector<16xi32>,
          %add3A_283 = arith.constant 2 : i32
          %add3A_284 = vector.broadcast %add3A_283 : i32 to vector<16xi32>
          %add3A_285 = arith.addi %mul3A_279, %add3A_284 : vector<16xi32>
          tpu.vector_store_idx %arg32[%add3A_285], %select_n3A_256 : memref<16384xi32, #tpu.memory_space<vmem>>[vector<16xi32>], vector<16xi32>,
          %add3A_286 = arith.constant 3 : i32
          %add3A_287 = vector.broadcast %add3A_286 : i32 to vector<16xi32>
          %add3A_288 = arith.addi %mul3A_279, %add3A_287 : vector<16xi32>
          tpu.vector_store_idx %arg32[%add3A_288], %select_n3A_257 : memref<16384xi32, #tpu.memory_space<vmem>>[vector<16xi32>], vector<16xi32>,
          %scan3A_289 = arith.constant 0 : i32
          scf.yield %scan3A_289 : i32
        }
        %scan3A_202 = arith.constant 256 : i32
        %mul3A_203 = arith.constant 262144 : i32
        %mul3A_204 = arith.muli %add3A, %mul3A_203 : i32
        %add3A_205 = arith.addi %mul3A_204, %mul3A_195 : i32
        "tpu.region"() ({
          %run_scoped3A = tpu.sem_alloc : memref<!tpu.dma_semaphore, #tpu.memory_space<semaphore_mem>>
          %dma_start3A = tpu.memref_slice %arg8[%add3A_205] : memref<8388608xf32, #tpu.memory_space<hbm>> -> memref<4096xf32, #tpu.memory_space<hbm>>
          %dma_start3A_209 = tpu.memref_slice %arg8[%add3A_205] : memref<8388608xf32, #tpu.memory_space<hbm>> -> memref<4096xf32, #tpu.memory_space<hbm>>
          tpu.enqueue_dma source(%arg31 : memref<4096xf32, #tpu.memory_space<vmem>>) target(%dma_start3A_209 : memref<4096xf32, #tpu.memory_space<hbm>>) target_semaphore(%run_scoped3A : memref<!tpu.dma_semaphore, #tpu.memory_space<semaphore_mem>>)
          %dma_wait3A = tpu.memref_slice %arg8[%add3A_205] : memref<8388608xf32, #tpu.memory_space<hbm>> -> memref<4096xf32, #tpu.memory_space<hbm>>
          %dma_wait3A_210 = tpu.memref_slice %arg8[%add3A_205] : memref<8388608xf32, #tpu.memory_space<hbm>> -> memref<4096xf32, #tpu.memory_space<hbm>>
          tpu.wait_dma2 semaphore(%run_scoped3A : memref<!tpu.dma_semaphore, #tpu.memory_space<semaphore_mem>>) src(%arg31 : memref<4096xf32, #tpu.memory_space<vmem>>) dst(%dma_wait3A_210 : memref<4096xf32, #tpu.memory_space<hbm>>)
          tpu.yield
        }) : () -> ()
        %mul3A_206 = arith.constant 4 : i32
        %mul3A_207 = arith.muli %mul3A_195, %mul3A_206 : i32
        "tpu.region"() ({
          %run_scoped3A = tpu.sem_alloc : memref<!tpu.dma_semaphore, #tpu.memory_space<semaphore_mem>>
          %dma_start3A = tpu.memref_slice %arg12[%mul3A_207] : memref<1048576xi32, #tpu.memory_space<hbm>> -> memref<16384xi32, #tpu.memory_space<hbm>>
          %dma_start3A_209 = tpu.memref_slice %arg12[%mul3A_207] : memref<1048576xi32, #tpu.memory_space<hbm>> -> memref<16384xi32, #tpu.memory_space<hbm>>
          tpu.enqueue_dma source(%arg32 : memref<16384xi32, #tpu.memory_space<vmem>>) target(%dma_start3A_209 : memref<16384xi32, #tpu.memory_space<hbm>>) target_semaphore(%run_scoped3A : memref<!tpu.dma_semaphore, #tpu.memory_space<semaphore_mem>>)
          %dma_wait3A = tpu.memref_slice %arg12[%mul3A_207] : memref<1048576xi32, #tpu.memory_space<hbm>> -> memref<16384xi32, #tpu.memory_space<hbm>>
          %dma_wait3A_210 = tpu.memref_slice %arg12[%mul3A_207] : memref<1048576xi32, #tpu.memory_space<hbm>> -> memref<16384xi32, #tpu.memory_space<hbm>>
          tpu.wait_dma2 semaphore(%run_scoped3A : memref<!tpu.dma_semaphore, #tpu.memory_space<semaphore_mem>>) src(%arg32 : memref<16384xi32, #tpu.memory_space<vmem>>) dst(%dma_wait3A_210 : memref<16384xi32, #tpu.memory_space<hbm>>)
          tpu.yield
        }) : () -> ()
        %scan3A_208 = arith.constant 0 : i32
        scf.yield %scan3A_208 : i32
      }
      %scan3A_191 = arith.constant 64 : i32
    } else {
    }
    %eq3A_90 = arith.constant 4 : i32
    %eq3A_91 = arith.cmpi eq, %select_n3A, %eq3A_90 : i32
    %eq3A_92 = arith.constant 0 : i32
    %eq3A_93 = arith.cmpi eq, %select_n3A_30, %eq3A_92 : i32
    %and3A_94 = arith.andi %eq3A_91, %eq3A_93 : i1
    %convert_element_type3A_95 = arith.extui %and3A_94 : i1 to i32
    %cond3A_96 = arith.constant 0 : i32
    %cond3A_97 = arith.cmpi ne, %convert_element_type3A_95, %cond3A_96 : i32
    scf.if %cond3A_97 {
      %scan3A = arith.constant 0 : i32
      %scan3A_186 = arith.constant 0 : i32
      %scan3A_187 = arith.constant 64 : i32
      %scan3A_188 = arith.addi %scan3A_186, %scan3A_187 : i32
      %scan3A_189 = arith.constant 1 : i32
      %scan3A_190 = scf.for %scan3A_192 = %scan3A_186 to %scan3A_188 step %scan3A_189 iter_args(%scan3A_193 = %scan3A) -> (i32)  : i32 {
        %mul3A_194 = arith.constant 4096 : i32
        %mul3A_195 = arith.muli %scan3A_192, %mul3A_194 : i32
        "tpu.region"() ({
          %run_scoped3A = tpu.sem_alloc : memref<!tpu.dma_semaphore, #tpu.memory_space<semaphore_mem>>
          %dma_start3A = tpu.memref_slice %arg2[%mul3A_195] : memref<262144xf32, #tpu.memory_space<hbm>> -> memref<4096xf32, #tpu.memory_space<hbm>>
          %dma_start3A_209 = tpu.memref_slice %arg2[%mul3A_195] : memref<262144xf32, #tpu.memory_space<hbm>> -> memref<4096xf32, #tpu.memory_space<hbm>>
          tpu.enqueue_dma source(%dma_start3A_209 : memref<4096xf32, #tpu.memory_space<hbm>>) target(%arg29 : memref<4096xf32, #tpu.memory_space<vmem>>) target_semaphore(%run_scoped3A : memref<!tpu.dma_semaphore, #tpu.memory_space<semaphore_mem>>)
          %dma_wait3A = tpu.memref_slice %arg2[%mul3A_195] : memref<262144xf32, #tpu.memory_space<hbm>> -> memref<4096xf32, #tpu.memory_space<hbm>>
          %dma_wait3A_210 = tpu.memref_slice %arg2[%mul3A_195] : memref<262144xf32, #tpu.memory_space<hbm>> -> memref<4096xf32, #tpu.memory_space<hbm>>
          tpu.wait_dma2 semaphore(%run_scoped3A : memref<!tpu.dma_semaphore, #tpu.memory_space<semaphore_mem>>) src(%dma_wait3A_210 : memref<4096xf32, #tpu.memory_space<hbm>>) dst(%arg29 : memref<4096xf32, #tpu.memory_space<vmem>>)
          tpu.yield
        }) : () -> ()
        "tpu.region"() ({
          %run_scoped3A = tpu.sem_alloc : memref<!tpu.dma_semaphore, #tpu.memory_space<semaphore_mem>>
          %dma_start3A = tpu.memref_slice %arg3[%mul3A_195] : memref<262144xf32, #tpu.memory_space<hbm>> -> memref<4096xf32, #tpu.memory_space<hbm>>
          %dma_start3A_209 = tpu.memref_slice %arg3[%mul3A_195] : memref<262144xf32, #tpu.memory_space<hbm>> -> memref<4096xf32, #tpu.memory_space<hbm>>
          tpu.enqueue_dma source(%dma_start3A_209 : memref<4096xf32, #tpu.memory_space<hbm>>) target(%arg30 : memref<4096xf32, #tpu.memory_space<vmem>>) target_semaphore(%run_scoped3A : memref<!tpu.dma_semaphore, #tpu.memory_space<semaphore_mem>>)
          %dma_wait3A = tpu.memref_slice %arg3[%mul3A_195] : memref<262144xf32, #tpu.memory_space<hbm>> -> memref<4096xf32, #tpu.memory_space<hbm>>
          %dma_wait3A_210 = tpu.memref_slice %arg3[%mul3A_195] : memref<262144xf32, #tpu.memory_space<hbm>> -> memref<4096xf32, #tpu.memory_space<hbm>>
          tpu.wait_dma2 semaphore(%run_scoped3A : memref<!tpu.dma_semaphore, #tpu.memory_space<semaphore_mem>>) src(%dma_wait3A_210 : memref<4096xf32, #tpu.memory_space<hbm>>) dst(%arg30 : memref<4096xf32, #tpu.memory_space<vmem>>)
          tpu.yield
        }) : () -> ()
        %scan3A_196 = arith.constant 0 : i32
        %scan3A_197 = arith.constant 0 : i32
        %scan3A_198 = arith.constant 256 : i32
        %scan3A_199 = arith.addi %scan3A_197, %scan3A_198 : i32
        %scan3A_200 = arith.constant 1 : i32
        %scan3A_201 = scf.for %scan3A_209 = %scan3A_197 to %scan3A_199 step %scan3A_200 iter_args(%scan3A_210 = %scan3A_196) -> (i32)  : i32 {
          %mul3A_211 = arith.constant 16 : i32
          %mul3A_212 = arith.muli %scan3A_209, %mul3A_211 : i32
          %get3A = arith.index_cast %mul3A_212 : i32 to index
          %get3A_213 = tpu.vector_load %arg29[%get3A] {strides = array<i32>} : memref<4096xf32, #tpu.memory_space<vmem>>, vector<16xf32>,
          %get3A_214 = arith.index_cast %mul3A_212 : i32 to index
          %get3A_215 = tpu.vector_load %arg30[%get3A_214] {strides = array<i32>} : memref<4096xf32, #tpu.memory_space<vmem>>, vector<16xf32>,
          %mul3A_216 = arith.mulf %get3A_213, %gather3A_41 : vector<16xf32>
          %convert_element_type3A_217 = arith.fptosi %mul3A_216 : vector<16xf32> to vector<16xi32>
          %mul3A_218 = arith.mulf %get3A_215, %gather3A_41 : vector<16xf32>
          %convert_element_type3A_219 = arith.fptosi %mul3A_218 : vector<16xf32> to vector<16xi32>
          %convert_element_type3A_220 = arith.sitofp %convert_element_type3A_217 : vector<16xi32> to vector<16xf32>
          %convert_element_type3A_221 = arith.sitofp %convert_element_type3A_219 : vector<16xi32> to vector<16xf32>
          %mul3A_222 = arith.mulf %convert_element_type3A_220, %gather3A : vector<16xf32>
          %mul3A_223 = arith.mulf %convert_element_type3A_221, %gather3A : vector<16xf32>
          %add3A_224 = arith.addf %mul3A_222, %gather3A : vector<16xf32>
          %sub3A_225 = arith.subf %add3A_224, %mul3A_222 : vector<16xf32>
          %add3A_226 = arith.addf %mul3A_223, %gather3A : vector<16xf32>
          %sub3A_227 = arith.subf %add3A_226, %mul3A_223 : vector<16xf32>
          %sub3A_228 = arith.subf %get3A_213, %mul3A_222 : vector<16xf32>
          %div3A_229 = arith.divf %sub3A_228, %sub3A_225 : vector<16xf32>
          %sub3A_230 = arith.subf %get3A_215, %mul3A_223 : vector<16xf32>
          %div3A_231 = arith.divf %sub3A_230, %sub3A_227 : vector<16xf32>
          %mul3A_232 = arith.muli %convert_element_type3A_217, %gather3A_46 : vector<16xi32>
          %add3A_233 = arith.addi %mul3A_232, %convert_element_type3A_219 : vector<16xi32>
          %add3A_234 = arith.constant 1 : i32
          %add3A_235 = vector.broadcast %add3A_234 : i32 to vector<16xi32>
          %add3A_236 = arith.addi %add3A_233, %add3A_235 : vector<16xi32>
          %add3A_237 = arith.addi %add3A_233, %gather3A_46 : vector<16xi32>
          %add3A_238 = arith.addi %add3A_233, %gather3A_46 : vector<16xi32>
          %add3A_239 = arith.constant 1 : i32
          %add3A_240 = vector.broadcast %add3A_239 : i32 to vector<16xi32>
          %add3A_241 = arith.addi %add3A_238, %add3A_240 : vector<16xi32>
          %mul3A_242 = arith.muli %convert_element_type3A_219, %broadcast_in_dim3A_51 : vector<16xi32>
          %add3A_243 = arith.addi %mul3A_242, %broadcast_in_dim3A_51 : vector<16xi32>
          %add3A_244 = arith.constant 1 : i32
          %add3A_245 = vector.broadcast %add3A_244 : i32 to vector<16xi32>
          %add3A_246 = arith.addi %convert_element_type3A_217, %add3A_245 : vector<16xi32>
          %xor3A = arith.xori %convert_element_type3A_217, %mul3A_242 : vector<16xi32>
          %and3A_247 = arith.andi %xor3A, %broadcast_in_dim3A_49 : vector<16xi32>
          %xor3A_248 = arith.xori %convert_element_type3A_217, %add3A_243 : vector<16xi32>
          %and3A_249 = arith.andi %xor3A_248, %broadcast_in_dim3A_49 : vector<16xi32>
          %xor3A_250 = arith.xori %add3A_246, %mul3A_242 : vector<16xi32>
          %and3A_251 = arith.andi %xor3A_250, %broadcast_in_dim3A_49 : vector<16xi32>
          %xor3A_252 = arith.xori %add3A_246, %add3A_243 : vector<16xi32>
          %and3A_253 = arith.andi %xor3A_252, %broadcast_in_dim3A_49 : vector<16xi32>
          %select_n3A_254 = arith.select %lt3A_53, %add3A_233, %and3A_247 : vector<16xi32>
          %select_n3A_255 = arith.select %lt3A_53, %add3A_236, %and3A_249 : vector<16xi32>
          %select_n3A_256 = arith.select %lt3A_53, %add3A_237, %and3A_251 : vector<16xi32>
          %select_n3A_257 = arith.select %lt3A_53, %add3A_241, %and3A_253 : vector<16xi32>
          %gather3A_258 = tpu.vector_load_idx %arg25[%select_n3A_254] : memref<65536xf32, #tpu.memory_space<vmem>>[vector<16xi32>], vector<16xf32>,
          %gather3A_259 = tpu.vector_load_idx %arg25[%select_n3A_255] : memref<65536xf32, #tpu.memory_space<vmem>>[vector<16xi32>], vector<16xf32>,
          %gather3A_260 = tpu.vector_load_idx %arg25[%select_n3A_256] : memref<65536xf32, #tpu.memory_space<vmem>>[vector<16xi32>], vector<16xf32>,
          %gather3A_261 = tpu.vector_load_idx %arg25[%select_n3A_257] : memref<65536xf32, #tpu.memory_space<vmem>>[vector<16xi32>], vector<16xf32>,
          %sub3A_262 = arith.subf %broadcast_in_dim3A_47, %div3A_231 : vector<16xf32>
          %mul3A_263 = arith.mulf %gather3A_258, %sub3A_262 : vector<16xf32>
          %mul3A_264 = arith.mulf %gather3A_259, %div3A_231 : vector<16xf32>
          %add3A_265 = arith.addf %mul3A_263, %mul3A_264 : vector<16xf32>
          %sub3A_266 = arith.subf %broadcast_in_dim3A_47, %div3A_231 : vector<16xf32>
          %mul3A_267 = arith.mulf %gather3A_260, %sub3A_266 : vector<16xf32>
          %mul3A_268 = arith.mulf %gather3A_261, %div3A_231 : vector<16xf32>
          %add3A_269 = arith.addf %mul3A_267, %mul3A_268 : vector<16xf32>
          %sub3A_270 = arith.subf %broadcast_in_dim3A_47, %div3A_229 : vector<16xf32>
          %mul3A_271 = arith.mulf %add3A_265, %sub3A_270 : vector<16xf32>
          %mul3A_272 = arith.mulf %add3A_269, %div3A_229 : vector<16xf32>
          %add3A_273 = arith.addf %mul3A_271, %mul3A_272 : vector<16xf32>
          %swap3A = arith.index_cast %mul3A_212 : i32 to index
          %swap3A_274 = tpu.vector_load %arg31[%swap3A] {strides = array<i32>} : memref<4096xf32, #tpu.memory_space<vmem>>, vector<16xf32>,
          tpu.vector_store %arg31[%swap3A], %add3A_273 {strides = array<i32>} : memref<4096xf32, #tpu.memory_space<vmem>>, vector<16xf32>,
          %add3A_275 = vector.broadcast %mul3A_212 : i32 to vector<16xi32>
          %add3A_276 = arith.addi %iota3A, %add3A_275 : vector<16xi32>
          %mul3A_277 = arith.constant 4 : i32
          %mul3A_278 = vector.broadcast %mul3A_277 : i32 to vector<16xi32>
          %mul3A_279 = arith.muli %add3A_276, %mul3A_278 : vector<16xi32>
          tpu.vector_store_idx %arg32[%mul3A_279], %select_n3A_254 : memref<16384xi32, #tpu.memory_space<vmem>>[vector<16xi32>], vector<16xi32>,
          %add3A_280 = arith.constant 1 : i32
          %add3A_281 = vector.broadcast %add3A_280 : i32 to vector<16xi32>
          %add3A_282 = arith.addi %mul3A_279, %add3A_281 : vector<16xi32>
          tpu.vector_store_idx %arg32[%add3A_282], %select_n3A_255 : memref<16384xi32, #tpu.memory_space<vmem>>[vector<16xi32>], vector<16xi32>,
          %add3A_283 = arith.constant 2 : i32
          %add3A_284 = vector.broadcast %add3A_283 : i32 to vector<16xi32>
          %add3A_285 = arith.addi %mul3A_279, %add3A_284 : vector<16xi32>
          tpu.vector_store_idx %arg32[%add3A_285], %select_n3A_256 : memref<16384xi32, #tpu.memory_space<vmem>>[vector<16xi32>], vector<16xi32>,
          %add3A_286 = arith.constant 3 : i32
          %add3A_287 = vector.broadcast %add3A_286 : i32 to vector<16xi32>
          %add3A_288 = arith.addi %mul3A_279, %add3A_287 : vector<16xi32>
          tpu.vector_store_idx %arg32[%add3A_288], %select_n3A_257 : memref<16384xi32, #tpu.memory_space<vmem>>[vector<16xi32>], vector<16xi32>,
          %scan3A_289 = arith.constant 0 : i32
          scf.yield %scan3A_289 : i32
        }
        %scan3A_202 = arith.constant 256 : i32
        %mul3A_203 = arith.constant 262144 : i32
        %mul3A_204 = arith.muli %add3A, %mul3A_203 : i32
        %add3A_205 = arith.addi %mul3A_204, %mul3A_195 : i32
        "tpu.region"() ({
          %run_scoped3A = tpu.sem_alloc : memref<!tpu.dma_semaphore, #tpu.memory_space<semaphore_mem>>
          %dma_start3A = tpu.memref_slice %arg8[%add3A_205] : memref<8388608xf32, #tpu.memory_space<hbm>> -> memref<4096xf32, #tpu.memory_space<hbm>>
          %dma_start3A_209 = tpu.memref_slice %arg8[%add3A_205] : memref<8388608xf32, #tpu.memory_space<hbm>> -> memref<4096xf32, #tpu.memory_space<hbm>>
          tpu.enqueue_dma source(%arg31 : memref<4096xf32, #tpu.memory_space<vmem>>) target(%dma_start3A_209 : memref<4096xf32, #tpu.memory_space<hbm>>) target_semaphore(%run_scoped3A : memref<!tpu.dma_semaphore, #tpu.memory_space<semaphore_mem>>)
          %dma_wait3A = tpu.memref_slice %arg8[%add3A_205] : memref<8388608xf32, #tpu.memory_space<hbm>> -> memref<4096xf32, #tpu.memory_space<hbm>>
          %dma_wait3A_210 = tpu.memref_slice %arg8[%add3A_205] : memref<8388608xf32, #tpu.memory_space<hbm>> -> memref<4096xf32, #tpu.memory_space<hbm>>
          tpu.wait_dma2 semaphore(%run_scoped3A : memref<!tpu.dma_semaphore, #tpu.memory_space<semaphore_mem>>) src(%arg31 : memref<4096xf32, #tpu.memory_space<vmem>>) dst(%dma_wait3A_210 : memref<4096xf32, #tpu.memory_space<hbm>>)
          tpu.yield
        }) : () -> ()
        %mul3A_206 = arith.constant 4 : i32
        %mul3A_207 = arith.muli %mul3A_195, %mul3A_206 : i32
        "tpu.region"() ({
          %run_scoped3A = tpu.sem_alloc : memref<!tpu.dma_semaphore, #tpu.memory_space<semaphore_mem>>
          %dma_start3A = tpu.memref_slice %arg13[%mul3A_207] : memref<1048576xi32, #tpu.memory_space<hbm>> -> memref<16384xi32, #tpu.memory_space<hbm>>
          %dma_start3A_209 = tpu.memref_slice %arg13[%mul3A_207] : memref<1048576xi32, #tpu.memory_space<hbm>> -> memref<16384xi32, #tpu.memory_space<hbm>>
          tpu.enqueue_dma source(%arg32 : memref<16384xi32, #tpu.memory_space<vmem>>) target(%dma_start3A_209 : memref<16384xi32, #tpu.memory_space<hbm>>) target_semaphore(%run_scoped3A : memref<!tpu.dma_semaphore, #tpu.memory_space<semaphore_mem>>)
          %dma_wait3A = tpu.memref_slice %arg13[%mul3A_207] : memref<1048576xi32, #tpu.memory_space<hbm>> -> memref<16384xi32, #tpu.memory_space<hbm>>
          %dma_wait3A_210 = tpu.memref_slice %arg13[%mul3A_207] : memref<1048576xi32, #tpu.memory_space<hbm>> -> memref<16384xi32, #tpu.memory_space<hbm>>
          tpu.wait_dma2 semaphore(%run_scoped3A : memref<!tpu.dma_semaphore, #tpu.memory_space<semaphore_mem>>) src(%arg32 : memref<16384xi32, #tpu.memory_space<vmem>>) dst(%dma_wait3A_210 : memref<16384xi32, #tpu.memory_space<hbm>>)
          tpu.yield
        }) : () -> ()
        %scan3A_208 = arith.constant 0 : i32
        scf.yield %scan3A_208 : i32
      }
      %scan3A_191 = arith.constant 64 : i32
    } else {
    }
    %eq3A_98 = arith.constant 5 : i32
    %eq3A_99 = arith.cmpi eq, %select_n3A, %eq3A_98 : i32
    %eq3A_100 = arith.constant 0 : i32
    %eq3A_101 = arith.cmpi eq, %select_n3A_30, %eq3A_100 : i32
    %and3A_102 = arith.andi %eq3A_99, %eq3A_101 : i1
    %convert_element_type3A_103 = arith.extui %and3A_102 : i1 to i32
    %cond3A_104 = arith.constant 0 : i32
    %cond3A_105 = arith.cmpi ne, %convert_element_type3A_103, %cond3A_104 : i32
    scf.if %cond3A_105 {
      %scan3A = arith.constant 0 : i32
      %scan3A_186 = arith.constant 0 : i32
      %scan3A_187 = arith.constant 64 : i32
      %scan3A_188 = arith.addi %scan3A_186, %scan3A_187 : i32
      %scan3A_189 = arith.constant 1 : i32
      %scan3A_190 = scf.for %scan3A_192 = %scan3A_186 to %scan3A_188 step %scan3A_189 iter_args(%scan3A_193 = %scan3A) -> (i32)  : i32 {
        %mul3A_194 = arith.constant 4096 : i32
        %mul3A_195 = arith.muli %scan3A_192, %mul3A_194 : i32
        "tpu.region"() ({
          %run_scoped3A = tpu.sem_alloc : memref<!tpu.dma_semaphore, #tpu.memory_space<semaphore_mem>>
          %dma_start3A = tpu.memref_slice %arg2[%mul3A_195] : memref<262144xf32, #tpu.memory_space<hbm>> -> memref<4096xf32, #tpu.memory_space<hbm>>
          %dma_start3A_209 = tpu.memref_slice %arg2[%mul3A_195] : memref<262144xf32, #tpu.memory_space<hbm>> -> memref<4096xf32, #tpu.memory_space<hbm>>
          tpu.enqueue_dma source(%dma_start3A_209 : memref<4096xf32, #tpu.memory_space<hbm>>) target(%arg29 : memref<4096xf32, #tpu.memory_space<vmem>>) target_semaphore(%run_scoped3A : memref<!tpu.dma_semaphore, #tpu.memory_space<semaphore_mem>>)
          %dma_wait3A = tpu.memref_slice %arg2[%mul3A_195] : memref<262144xf32, #tpu.memory_space<hbm>> -> memref<4096xf32, #tpu.memory_space<hbm>>
          %dma_wait3A_210 = tpu.memref_slice %arg2[%mul3A_195] : memref<262144xf32, #tpu.memory_space<hbm>> -> memref<4096xf32, #tpu.memory_space<hbm>>
          tpu.wait_dma2 semaphore(%run_scoped3A : memref<!tpu.dma_semaphore, #tpu.memory_space<semaphore_mem>>) src(%dma_wait3A_210 : memref<4096xf32, #tpu.memory_space<hbm>>) dst(%arg29 : memref<4096xf32, #tpu.memory_space<vmem>>)
          tpu.yield
        }) : () -> ()
        "tpu.region"() ({
          %run_scoped3A = tpu.sem_alloc : memref<!tpu.dma_semaphore, #tpu.memory_space<semaphore_mem>>
          %dma_start3A = tpu.memref_slice %arg3[%mul3A_195] : memref<262144xf32, #tpu.memory_space<hbm>> -> memref<4096xf32, #tpu.memory_space<hbm>>
          %dma_start3A_209 = tpu.memref_slice %arg3[%mul3A_195] : memref<262144xf32, #tpu.memory_space<hbm>> -> memref<4096xf32, #tpu.memory_space<hbm>>
          tpu.enqueue_dma source(%dma_start3A_209 : memref<4096xf32, #tpu.memory_space<hbm>>) target(%arg30 : memref<4096xf32, #tpu.memory_space<vmem>>) target_semaphore(%run_scoped3A : memref<!tpu.dma_semaphore, #tpu.memory_space<semaphore_mem>>)
          %dma_wait3A = tpu.memref_slice %arg3[%mul3A_195] : memref<262144xf32, #tpu.memory_space<hbm>> -> memref<4096xf32, #tpu.memory_space<hbm>>
          %dma_wait3A_210 = tpu.memref_slice %arg3[%mul3A_195] : memref<262144xf32, #tpu.memory_space<hbm>> -> memref<4096xf32, #tpu.memory_space<hbm>>
          tpu.wait_dma2 semaphore(%run_scoped3A : memref<!tpu.dma_semaphore, #tpu.memory_space<semaphore_mem>>) src(%dma_wait3A_210 : memref<4096xf32, #tpu.memory_space<hbm>>) dst(%arg30 : memref<4096xf32, #tpu.memory_space<vmem>>)
          tpu.yield
        }) : () -> ()
        %scan3A_196 = arith.constant 0 : i32
        %scan3A_197 = arith.constant 0 : i32
        %scan3A_198 = arith.constant 256 : i32
        %scan3A_199 = arith.addi %scan3A_197, %scan3A_198 : i32
        %scan3A_200 = arith.constant 1 : i32
        %scan3A_201 = scf.for %scan3A_209 = %scan3A_197 to %scan3A_199 step %scan3A_200 iter_args(%scan3A_210 = %scan3A_196) -> (i32)  : i32 {
          %mul3A_211 = arith.constant 16 : i32
          %mul3A_212 = arith.muli %scan3A_209, %mul3A_211 : i32
          %get3A = arith.index_cast %mul3A_212 : i32 to index
          %get3A_213 = tpu.vector_load %arg29[%get3A] {strides = array<i32>} : memref<4096xf32, #tpu.memory_space<vmem>>, vector<16xf32>,
          %get3A_214 = arith.index_cast %mul3A_212 : i32 to index
          %get3A_215 = tpu.vector_load %arg30[%get3A_214] {strides = array<i32>} : memref<4096xf32, #tpu.memory_space<vmem>>, vector<16xf32>,
          %mul3A_216 = arith.mulf %get3A_213, %gather3A_41 : vector<16xf32>
          %convert_element_type3A_217 = arith.fptosi %mul3A_216 : vector<16xf32> to vector<16xi32>
          %mul3A_218 = arith.mulf %get3A_215, %gather3A_41 : vector<16xf32>
          %convert_element_type3A_219 = arith.fptosi %mul3A_218 : vector<16xf32> to vector<16xi32>
          %convert_element_type3A_220 = arith.sitofp %convert_element_type3A_217 : vector<16xi32> to vector<16xf32>
          %convert_element_type3A_221 = arith.sitofp %convert_element_type3A_219 : vector<16xi32> to vector<16xf32>
          %mul3A_222 = arith.mulf %convert_element_type3A_220, %gather3A : vector<16xf32>
          %mul3A_223 = arith.mulf %convert_element_type3A_221, %gather3A : vector<16xf32>
          %add3A_224 = arith.addf %mul3A_222, %gather3A : vector<16xf32>
          %sub3A_225 = arith.subf %add3A_224, %mul3A_222 : vector<16xf32>
          %add3A_226 = arith.addf %mul3A_223, %gather3A : vector<16xf32>
          %sub3A_227 = arith.subf %add3A_226, %mul3A_223 : vector<16xf32>
          %sub3A_228 = arith.subf %get3A_213, %mul3A_222 : vector<16xf32>
          %div3A_229 = arith.divf %sub3A_228, %sub3A_225 : vector<16xf32>
          %sub3A_230 = arith.subf %get3A_215, %mul3A_223 : vector<16xf32>
          %div3A_231 = arith.divf %sub3A_230, %sub3A_227 : vector<16xf32>
          %mul3A_232 = arith.muli %convert_element_type3A_217, %gather3A_46 : vector<16xi32>
          %add3A_233 = arith.addi %mul3A_232, %convert_element_type3A_219 : vector<16xi32>
          %add3A_234 = arith.constant 1 : i32
          %add3A_235 = vector.broadcast %add3A_234 : i32 to vector<16xi32>
          %add3A_236 = arith.addi %add3A_233, %add3A_235 : vector<16xi32>
          %add3A_237 = arith.addi %add3A_233, %gather3A_46 : vector<16xi32>
          %add3A_238 = arith.addi %add3A_233, %gather3A_46 : vector<16xi32>
          %add3A_239 = arith.constant 1 : i32
          %add3A_240 = vector.broadcast %add3A_239 : i32 to vector<16xi32>
          %add3A_241 = arith.addi %add3A_238, %add3A_240 : vector<16xi32>
          %mul3A_242 = arith.muli %convert_element_type3A_219, %broadcast_in_dim3A_51 : vector<16xi32>
          %add3A_243 = arith.addi %mul3A_242, %broadcast_in_dim3A_51 : vector<16xi32>
          %add3A_244 = arith.constant 1 : i32
          %add3A_245 = vector.broadcast %add3A_244 : i32 to vector<16xi32>
          %add3A_246 = arith.addi %convert_element_type3A_217, %add3A_245 : vector<16xi32>
          %xor3A = arith.xori %convert_element_type3A_217, %mul3A_242 : vector<16xi32>
          %and3A_247 = arith.andi %xor3A, %broadcast_in_dim3A_49 : vector<16xi32>
          %xor3A_248 = arith.xori %convert_element_type3A_217, %add3A_243 : vector<16xi32>
          %and3A_249 = arith.andi %xor3A_248, %broadcast_in_dim3A_49 : vector<16xi32>
          %xor3A_250 = arith.xori %add3A_246, %mul3A_242 : vector<16xi32>
          %and3A_251 = arith.andi %xor3A_250, %broadcast_in_dim3A_49 : vector<16xi32>
          %xor3A_252 = arith.xori %add3A_246, %add3A_243 : vector<16xi32>
          %and3A_253 = arith.andi %xor3A_252, %broadcast_in_dim3A_49 : vector<16xi32>
          %select_n3A_254 = arith.select %lt3A_53, %add3A_233, %and3A_247 : vector<16xi32>
          %select_n3A_255 = arith.select %lt3A_53, %add3A_236, %and3A_249 : vector<16xi32>
          %select_n3A_256 = arith.select %lt3A_53, %add3A_237, %and3A_251 : vector<16xi32>
          %select_n3A_257 = arith.select %lt3A_53, %add3A_241, %and3A_253 : vector<16xi32>
          %gather3A_258 = tpu.vector_load_idx %arg25[%select_n3A_254] : memref<65536xf32, #tpu.memory_space<vmem>>[vector<16xi32>], vector<16xf32>,
          %gather3A_259 = tpu.vector_load_idx %arg25[%select_n3A_255] : memref<65536xf32, #tpu.memory_space<vmem>>[vector<16xi32>], vector<16xf32>,
          %gather3A_260 = tpu.vector_load_idx %arg25[%select_n3A_256] : memref<65536xf32, #tpu.memory_space<vmem>>[vector<16xi32>], vector<16xf32>,
          %gather3A_261 = tpu.vector_load_idx %arg25[%select_n3A_257] : memref<65536xf32, #tpu.memory_space<vmem>>[vector<16xi32>], vector<16xf32>,
          %sub3A_262 = arith.subf %broadcast_in_dim3A_47, %div3A_231 : vector<16xf32>
          %mul3A_263 = arith.mulf %gather3A_258, %sub3A_262 : vector<16xf32>
          %mul3A_264 = arith.mulf %gather3A_259, %div3A_231 : vector<16xf32>
          %add3A_265 = arith.addf %mul3A_263, %mul3A_264 : vector<16xf32>
          %sub3A_266 = arith.subf %broadcast_in_dim3A_47, %div3A_231 : vector<16xf32>
          %mul3A_267 = arith.mulf %gather3A_260, %sub3A_266 : vector<16xf32>
          %mul3A_268 = arith.mulf %gather3A_261, %div3A_231 : vector<16xf32>
          %add3A_269 = arith.addf %mul3A_267, %mul3A_268 : vector<16xf32>
          %sub3A_270 = arith.subf %broadcast_in_dim3A_47, %div3A_229 : vector<16xf32>
          %mul3A_271 = arith.mulf %add3A_265, %sub3A_270 : vector<16xf32>
          %mul3A_272 = arith.mulf %add3A_269, %div3A_229 : vector<16xf32>
          %add3A_273 = arith.addf %mul3A_271, %mul3A_272 : vector<16xf32>
          %swap3A = arith.index_cast %mul3A_212 : i32 to index
          %swap3A_274 = tpu.vector_load %arg31[%swap3A] {strides = array<i32>} : memref<4096xf32, #tpu.memory_space<vmem>>, vector<16xf32>,
          tpu.vector_store %arg31[%swap3A], %add3A_273 {strides = array<i32>} : memref<4096xf32, #tpu.memory_space<vmem>>, vector<16xf32>,
          %add3A_275 = vector.broadcast %mul3A_212 : i32 to vector<16xi32>
          %add3A_276 = arith.addi %iota3A, %add3A_275 : vector<16xi32>
          %mul3A_277 = arith.constant 4 : i32
          %mul3A_278 = vector.broadcast %mul3A_277 : i32 to vector<16xi32>
          %mul3A_279 = arith.muli %add3A_276, %mul3A_278 : vector<16xi32>
          tpu.vector_store_idx %arg32[%mul3A_279], %select_n3A_254 : memref<16384xi32, #tpu.memory_space<vmem>>[vector<16xi32>], vector<16xi32>,
          %add3A_280 = arith.constant 1 : i32
          %add3A_281 = vector.broadcast %add3A_280 : i32 to vector<16xi32>
          %add3A_282 = arith.addi %mul3A_279, %add3A_281 : vector<16xi32>
          tpu.vector_store_idx %arg32[%add3A_282], %select_n3A_255 : memref<16384xi32, #tpu.memory_space<vmem>>[vector<16xi32>], vector<16xi32>,
          %add3A_283 = arith.constant 2 : i32
          %add3A_284 = vector.broadcast %add3A_283 : i32 to vector<16xi32>
          %add3A_285 = arith.addi %mul3A_279, %add3A_284 : vector<16xi32>
          tpu.vector_store_idx %arg32[%add3A_285], %select_n3A_256 : memref<16384xi32, #tpu.memory_space<vmem>>[vector<16xi32>], vector<16xi32>,
          %add3A_286 = arith.constant 3 : i32
          %add3A_287 = vector.broadcast %add3A_286 : i32 to vector<16xi32>
          %add3A_288 = arith.addi %mul3A_279, %add3A_287 : vector<16xi32>
          tpu.vector_store_idx %arg32[%add3A_288], %select_n3A_257 : memref<16384xi32, #tpu.memory_space<vmem>>[vector<16xi32>], vector<16xi32>,
          %scan3A_289 = arith.constant 0 : i32
          scf.yield %scan3A_289 : i32
        }
        %scan3A_202 = arith.constant 256 : i32
        %mul3A_203 = arith.constant 262144 : i32
        %mul3A_204 = arith.muli %add3A, %mul3A_203 : i32
        %add3A_205 = arith.addi %mul3A_204, %mul3A_195 : i32
        "tpu.region"() ({
          %run_scoped3A = tpu.sem_alloc : memref<!tpu.dma_semaphore, #tpu.memory_space<semaphore_mem>>
          %dma_start3A = tpu.memref_slice %arg8[%add3A_205] : memref<8388608xf32, #tpu.memory_space<hbm>> -> memref<4096xf32, #tpu.memory_space<hbm>>
          %dma_start3A_209 = tpu.memref_slice %arg8[%add3A_205] : memref<8388608xf32, #tpu.memory_space<hbm>> -> memref<4096xf32, #tpu.memory_space<hbm>>
          tpu.enqueue_dma source(%arg31 : memref<4096xf32, #tpu.memory_space<vmem>>) target(%dma_start3A_209 : memref<4096xf32, #tpu.memory_space<hbm>>) target_semaphore(%run_scoped3A : memref<!tpu.dma_semaphore, #tpu.memory_space<semaphore_mem>>)
          %dma_wait3A = tpu.memref_slice %arg8[%add3A_205] : memref<8388608xf32, #tpu.memory_space<hbm>> -> memref<4096xf32, #tpu.memory_space<hbm>>
          %dma_wait3A_210 = tpu.memref_slice %arg8[%add3A_205] : memref<8388608xf32, #tpu.memory_space<hbm>> -> memref<4096xf32, #tpu.memory_space<hbm>>
          tpu.wait_dma2 semaphore(%run_scoped3A : memref<!tpu.dma_semaphore, #tpu.memory_space<semaphore_mem>>) src(%arg31 : memref<4096xf32, #tpu.memory_space<vmem>>) dst(%dma_wait3A_210 : memref<4096xf32, #tpu.memory_space<hbm>>)
          tpu.yield
        }) : () -> ()
        %mul3A_206 = arith.constant 4 : i32
        %mul3A_207 = arith.muli %mul3A_195, %mul3A_206 : i32
        "tpu.region"() ({
          %run_scoped3A = tpu.sem_alloc : memref<!tpu.dma_semaphore, #tpu.memory_space<semaphore_mem>>
          %dma_start3A = tpu.memref_slice %arg14[%mul3A_207] : memref<1048576xi32, #tpu.memory_space<hbm>> -> memref<16384xi32, #tpu.memory_space<hbm>>
          %dma_start3A_209 = tpu.memref_slice %arg14[%mul3A_207] : memref<1048576xi32, #tpu.memory_space<hbm>> -> memref<16384xi32, #tpu.memory_space<hbm>>
          tpu.enqueue_dma source(%arg32 : memref<16384xi32, #tpu.memory_space<vmem>>) target(%dma_start3A_209 : memref<16384xi32, #tpu.memory_space<hbm>>) target_semaphore(%run_scoped3A : memref<!tpu.dma_semaphore, #tpu.memory_space<semaphore_mem>>)
          %dma_wait3A = tpu.memref_slice %arg14[%mul3A_207] : memref<1048576xi32, #tpu.memory_space<hbm>> -> memref<16384xi32, #tpu.memory_space<hbm>>
          %dma_wait3A_210 = tpu.memref_slice %arg14[%mul3A_207] : memref<1048576xi32, #tpu.memory_space<hbm>> -> memref<16384xi32, #tpu.memory_space<hbm>>
          tpu.wait_dma2 semaphore(%run_scoped3A : memref<!tpu.dma_semaphore, #tpu.memory_space<semaphore_mem>>) src(%arg32 : memref<16384xi32, #tpu.memory_space<vmem>>) dst(%dma_wait3A_210 : memref<16384xi32, #tpu.memory_space<hbm>>)
          tpu.yield
        }) : () -> ()
        %scan3A_208 = arith.constant 0 : i32
        scf.yield %scan3A_208 : i32
      }
      %scan3A_191 = arith.constant 64 : i32
    } else {
    }
    %eq3A_106 = arith.constant 6 : i32
    %eq3A_107 = arith.cmpi eq, %select_n3A, %eq3A_106 : i32
    %eq3A_108 = arith.constant 0 : i32
    %eq3A_109 = arith.cmpi eq, %select_n3A_30, %eq3A_108 : i32
    %and3A_110 = arith.andi %eq3A_107, %eq3A_109 : i1
    %convert_element_type3A_111 = arith.extui %and3A_110 : i1 to i32
    %cond3A_112 = arith.constant 0 : i32
    %cond3A_113 = arith.cmpi ne, %convert_element_type3A_111, %cond3A_112 : i32
    scf.if %cond3A_113 {
      %scan3A = arith.constant 0 : i32
      %scan3A_186 = arith.constant 0 : i32
      %scan3A_187 = arith.constant 64 : i32
      %scan3A_188 = arith.addi %scan3A_186, %scan3A_187 : i32
      %scan3A_189 = arith.constant 1 : i32
      %scan3A_190 = scf.for %scan3A_192 = %scan3A_186 to %scan3A_188 step %scan3A_189 iter_args(%scan3A_193 = %scan3A) -> (i32)  : i32 {
        %mul3A_194 = arith.constant 4096 : i32
        %mul3A_195 = arith.muli %scan3A_192, %mul3A_194 : i32
        "tpu.region"() ({
          %run_scoped3A = tpu.sem_alloc : memref<!tpu.dma_semaphore, #tpu.memory_space<semaphore_mem>>
          %dma_start3A = tpu.memref_slice %arg2[%mul3A_195] : memref<262144xf32, #tpu.memory_space<hbm>> -> memref<4096xf32, #tpu.memory_space<hbm>>
          %dma_start3A_209 = tpu.memref_slice %arg2[%mul3A_195] : memref<262144xf32, #tpu.memory_space<hbm>> -> memref<4096xf32, #tpu.memory_space<hbm>>
          tpu.enqueue_dma source(%dma_start3A_209 : memref<4096xf32, #tpu.memory_space<hbm>>) target(%arg29 : memref<4096xf32, #tpu.memory_space<vmem>>) target_semaphore(%run_scoped3A : memref<!tpu.dma_semaphore, #tpu.memory_space<semaphore_mem>>)
          %dma_wait3A = tpu.memref_slice %arg2[%mul3A_195] : memref<262144xf32, #tpu.memory_space<hbm>> -> memref<4096xf32, #tpu.memory_space<hbm>>
          %dma_wait3A_210 = tpu.memref_slice %arg2[%mul3A_195] : memref<262144xf32, #tpu.memory_space<hbm>> -> memref<4096xf32, #tpu.memory_space<hbm>>
          tpu.wait_dma2 semaphore(%run_scoped3A : memref<!tpu.dma_semaphore, #tpu.memory_space<semaphore_mem>>) src(%dma_wait3A_210 : memref<4096xf32, #tpu.memory_space<hbm>>) dst(%arg29 : memref<4096xf32, #tpu.memory_space<vmem>>)
          tpu.yield
        }) : () -> ()
        "tpu.region"() ({
          %run_scoped3A = tpu.sem_alloc : memref<!tpu.dma_semaphore, #tpu.memory_space<semaphore_mem>>
          %dma_start3A = tpu.memref_slice %arg3[%mul3A_195] : memref<262144xf32, #tpu.memory_space<hbm>> -> memref<4096xf32, #tpu.memory_space<hbm>>
          %dma_start3A_209 = tpu.memref_slice %arg3[%mul3A_195] : memref<262144xf32, #tpu.memory_space<hbm>> -> memref<4096xf32, #tpu.memory_space<hbm>>
          tpu.enqueue_dma source(%dma_start3A_209 : memref<4096xf32, #tpu.memory_space<hbm>>) target(%arg30 : memref<4096xf32, #tpu.memory_space<vmem>>) target_semaphore(%run_scoped3A : memref<!tpu.dma_semaphore, #tpu.memory_space<semaphore_mem>>)
          %dma_wait3A = tpu.memref_slice %arg3[%mul3A_195] : memref<262144xf32, #tpu.memory_space<hbm>> -> memref<4096xf32, #tpu.memory_space<hbm>>
          %dma_wait3A_210 = tpu.memref_slice %arg3[%mul3A_195] : memref<262144xf32, #tpu.memory_space<hbm>> -> memref<4096xf32, #tpu.memory_space<hbm>>
          tpu.wait_dma2 semaphore(%run_scoped3A : memref<!tpu.dma_semaphore, #tpu.memory_space<semaphore_mem>>) src(%dma_wait3A_210 : memref<4096xf32, #tpu.memory_space<hbm>>) dst(%arg30 : memref<4096xf32, #tpu.memory_space<vmem>>)
          tpu.yield
        }) : () -> ()
        %scan3A_196 = arith.constant 0 : i32
        %scan3A_197 = arith.constant 0 : i32
        %scan3A_198 = arith.constant 256 : i32
        %scan3A_199 = arith.addi %scan3A_197, %scan3A_198 : i32
        %scan3A_200 = arith.constant 1 : i32
        %scan3A_201 = scf.for %scan3A_209 = %scan3A_197 to %scan3A_199 step %scan3A_200 iter_args(%scan3A_210 = %scan3A_196) -> (i32)  : i32 {
          %mul3A_211 = arith.constant 16 : i32
          %mul3A_212 = arith.muli %scan3A_209, %mul3A_211 : i32
          %get3A = arith.index_cast %mul3A_212 : i32 to index
          %get3A_213 = tpu.vector_load %arg29[%get3A] {strides = array<i32>} : memref<4096xf32, #tpu.memory_space<vmem>>, vector<16xf32>,
          %get3A_214 = arith.index_cast %mul3A_212 : i32 to index
          %get3A_215 = tpu.vector_load %arg30[%get3A_214] {strides = array<i32>} : memref<4096xf32, #tpu.memory_space<vmem>>, vector<16xf32>,
          %mul3A_216 = arith.mulf %get3A_213, %gather3A_41 : vector<16xf32>
          %convert_element_type3A_217 = arith.fptosi %mul3A_216 : vector<16xf32> to vector<16xi32>
          %mul3A_218 = arith.mulf %get3A_215, %gather3A_41 : vector<16xf32>
          %convert_element_type3A_219 = arith.fptosi %mul3A_218 : vector<16xf32> to vector<16xi32>
          %convert_element_type3A_220 = arith.sitofp %convert_element_type3A_217 : vector<16xi32> to vector<16xf32>
          %convert_element_type3A_221 = arith.sitofp %convert_element_type3A_219 : vector<16xi32> to vector<16xf32>
          %mul3A_222 = arith.mulf %convert_element_type3A_220, %gather3A : vector<16xf32>
          %mul3A_223 = arith.mulf %convert_element_type3A_221, %gather3A : vector<16xf32>
          %add3A_224 = arith.addf %mul3A_222, %gather3A : vector<16xf32>
          %sub3A_225 = arith.subf %add3A_224, %mul3A_222 : vector<16xf32>
          %add3A_226 = arith.addf %mul3A_223, %gather3A : vector<16xf32>
          %sub3A_227 = arith.subf %add3A_226, %mul3A_223 : vector<16xf32>
          %sub3A_228 = arith.subf %get3A_213, %mul3A_222 : vector<16xf32>
          %div3A_229 = arith.divf %sub3A_228, %sub3A_225 : vector<16xf32>
          %sub3A_230 = arith.subf %get3A_215, %mul3A_223 : vector<16xf32>
          %div3A_231 = arith.divf %sub3A_230, %sub3A_227 : vector<16xf32>
          %mul3A_232 = arith.muli %convert_element_type3A_217, %gather3A_46 : vector<16xi32>
          %add3A_233 = arith.addi %mul3A_232, %convert_element_type3A_219 : vector<16xi32>
          %add3A_234 = arith.constant 1 : i32
          %add3A_235 = vector.broadcast %add3A_234 : i32 to vector<16xi32>
          %add3A_236 = arith.addi %add3A_233, %add3A_235 : vector<16xi32>
          %add3A_237 = arith.addi %add3A_233, %gather3A_46 : vector<16xi32>
          %add3A_238 = arith.addi %add3A_233, %gather3A_46 : vector<16xi32>
          %add3A_239 = arith.constant 1 : i32
          %add3A_240 = vector.broadcast %add3A_239 : i32 to vector<16xi32>
          %add3A_241 = arith.addi %add3A_238, %add3A_240 : vector<16xi32>
          %mul3A_242 = arith.muli %convert_element_type3A_219, %broadcast_in_dim3A_51 : vector<16xi32>
          %add3A_243 = arith.addi %mul3A_242, %broadcast_in_dim3A_51 : vector<16xi32>
          %add3A_244 = arith.constant 1 : i32
          %add3A_245 = vector.broadcast %add3A_244 : i32 to vector<16xi32>
          %add3A_246 = arith.addi %convert_element_type3A_217, %add3A_245 : vector<16xi32>
          %xor3A = arith.xori %convert_element_type3A_217, %mul3A_242 : vector<16xi32>
          %and3A_247 = arith.andi %xor3A, %broadcast_in_dim3A_49 : vector<16xi32>
          %xor3A_248 = arith.xori %convert_element_type3A_217, %add3A_243 : vector<16xi32>
          %and3A_249 = arith.andi %xor3A_248, %broadcast_in_dim3A_49 : vector<16xi32>
          %xor3A_250 = arith.xori %add3A_246, %mul3A_242 : vector<16xi32>
          %and3A_251 = arith.andi %xor3A_250, %broadcast_in_dim3A_49 : vector<16xi32>
          %xor3A_252 = arith.xori %add3A_246, %add3A_243 : vector<16xi32>
          %and3A_253 = arith.andi %xor3A_252, %broadcast_in_dim3A_49 : vector<16xi32>
          %select_n3A_254 = arith.select %lt3A_53, %add3A_233, %and3A_247 : vector<16xi32>
          %select_n3A_255 = arith.select %lt3A_53, %add3A_236, %and3A_249 : vector<16xi32>
          %select_n3A_256 = arith.select %lt3A_53, %add3A_237, %and3A_251 : vector<16xi32>
          %select_n3A_257 = arith.select %lt3A_53, %add3A_241, %and3A_253 : vector<16xi32>
          %gather3A_258 = tpu.vector_load_idx %arg25[%select_n3A_254] : memref<65536xf32, #tpu.memory_space<vmem>>[vector<16xi32>], vector<16xf32>,
          %gather3A_259 = tpu.vector_load_idx %arg25[%select_n3A_255] : memref<65536xf32, #tpu.memory_space<vmem>>[vector<16xi32>], vector<16xf32>,
          %gather3A_260 = tpu.vector_load_idx %arg25[%select_n3A_256] : memref<65536xf32, #tpu.memory_space<vmem>>[vector<16xi32>], vector<16xf32>,
          %gather3A_261 = tpu.vector_load_idx %arg25[%select_n3A_257] : memref<65536xf32, #tpu.memory_space<vmem>>[vector<16xi32>], vector<16xf32>,
          %sub3A_262 = arith.subf %broadcast_in_dim3A_47, %div3A_231 : vector<16xf32>
          %mul3A_263 = arith.mulf %gather3A_258, %sub3A_262 : vector<16xf32>
          %mul3A_264 = arith.mulf %gather3A_259, %div3A_231 : vector<16xf32>
          %add3A_265 = arith.addf %mul3A_263, %mul3A_264 : vector<16xf32>
          %sub3A_266 = arith.subf %broadcast_in_dim3A_47, %div3A_231 : vector<16xf32>
          %mul3A_267 = arith.mulf %gather3A_260, %sub3A_266 : vector<16xf32>
          %mul3A_268 = arith.mulf %gather3A_261, %div3A_231 : vector<16xf32>
          %add3A_269 = arith.addf %mul3A_267, %mul3A_268 : vector<16xf32>
          %sub3A_270 = arith.subf %broadcast_in_dim3A_47, %div3A_229 : vector<16xf32>
          %mul3A_271 = arith.mulf %add3A_265, %sub3A_270 : vector<16xf32>
          %mul3A_272 = arith.mulf %add3A_269, %div3A_229 : vector<16xf32>
          %add3A_273 = arith.addf %mul3A_271, %mul3A_272 : vector<16xf32>
          %swap3A = arith.index_cast %mul3A_212 : i32 to index
          %swap3A_274 = tpu.vector_load %arg31[%swap3A] {strides = array<i32>} : memref<4096xf32, #tpu.memory_space<vmem>>, vector<16xf32>,
          tpu.vector_store %arg31[%swap3A], %add3A_273 {strides = array<i32>} : memref<4096xf32, #tpu.memory_space<vmem>>, vector<16xf32>,
          %add3A_275 = vector.broadcast %mul3A_212 : i32 to vector<16xi32>
          %add3A_276 = arith.addi %iota3A, %add3A_275 : vector<16xi32>
          %mul3A_277 = arith.constant 4 : i32
          %mul3A_278 = vector.broadcast %mul3A_277 : i32 to vector<16xi32>
          %mul3A_279 = arith.muli %add3A_276, %mul3A_278 : vector<16xi32>
          tpu.vector_store_idx %arg32[%mul3A_279], %select_n3A_254 : memref<16384xi32, #tpu.memory_space<vmem>>[vector<16xi32>], vector<16xi32>,
          %add3A_280 = arith.constant 1 : i32
          %add3A_281 = vector.broadcast %add3A_280 : i32 to vector<16xi32>
          %add3A_282 = arith.addi %mul3A_279, %add3A_281 : vector<16xi32>
          tpu.vector_store_idx %arg32[%add3A_282], %select_n3A_255 : memref<16384xi32, #tpu.memory_space<vmem>>[vector<16xi32>], vector<16xi32>,
          %add3A_283 = arith.constant 2 : i32
          %add3A_284 = vector.broadcast %add3A_283 : i32 to vector<16xi32>
          %add3A_285 = arith.addi %mul3A_279, %add3A_284 : vector<16xi32>
          tpu.vector_store_idx %arg32[%add3A_285], %select_n3A_256 : memref<16384xi32, #tpu.memory_space<vmem>>[vector<16xi32>], vector<16xi32>,
          %add3A_286 = arith.constant 3 : i32
          %add3A_287 = vector.broadcast %add3A_286 : i32 to vector<16xi32>
          %add3A_288 = arith.addi %mul3A_279, %add3A_287 : vector<16xi32>
          tpu.vector_store_idx %arg32[%add3A_288], %select_n3A_257 : memref<16384xi32, #tpu.memory_space<vmem>>[vector<16xi32>], vector<16xi32>,
          %scan3A_289 = arith.constant 0 : i32
          scf.yield %scan3A_289 : i32
        }
        %scan3A_202 = arith.constant 256 : i32
        %mul3A_203 = arith.constant 262144 : i32
        %mul3A_204 = arith.muli %add3A, %mul3A_203 : i32
        %add3A_205 = arith.addi %mul3A_204, %mul3A_195 : i32
        "tpu.region"() ({
          %run_scoped3A = tpu.sem_alloc : memref<!tpu.dma_semaphore, #tpu.memory_space<semaphore_mem>>
          %dma_start3A = tpu.memref_slice %arg8[%add3A_205] : memref<8388608xf32, #tpu.memory_space<hbm>> -> memref<4096xf32, #tpu.memory_space<hbm>>
          %dma_start3A_209 = tpu.memref_slice %arg8[%add3A_205] : memref<8388608xf32, #tpu.memory_space<hbm>> -> memref<4096xf32, #tpu.memory_space<hbm>>
          tpu.enqueue_dma source(%arg31 : memref<4096xf32, #tpu.memory_space<vmem>>) target(%dma_start3A_209 : memref<4096xf32, #tpu.memory_space<hbm>>) target_semaphore(%run_scoped3A : memref<!tpu.dma_semaphore, #tpu.memory_space<semaphore_mem>>)
          %dma_wait3A = tpu.memref_slice %arg8[%add3A_205] : memref<8388608xf32, #tpu.memory_space<hbm>> -> memref<4096xf32, #tpu.memory_space<hbm>>
          %dma_wait3A_210 = tpu.memref_slice %arg8[%add3A_205] : memref<8388608xf32, #tpu.memory_space<hbm>> -> memref<4096xf32, #tpu.memory_space<hbm>>
          tpu.wait_dma2 semaphore(%run_scoped3A : memref<!tpu.dma_semaphore, #tpu.memory_space<semaphore_mem>>) src(%arg31 : memref<4096xf32, #tpu.memory_space<vmem>>) dst(%dma_wait3A_210 : memref<4096xf32, #tpu.memory_space<hbm>>)
          tpu.yield
        }) : () -> ()
        %mul3A_206 = arith.constant 4 : i32
        %mul3A_207 = arith.muli %mul3A_195, %mul3A_206 : i32
        "tpu.region"() ({
          %run_scoped3A = tpu.sem_alloc : memref<!tpu.dma_semaphore, #tpu.memory_space<semaphore_mem>>
          %dma_start3A = tpu.memref_slice %arg15[%mul3A_207] : memref<1048576xi32, #tpu.memory_space<hbm>> -> memref<16384xi32, #tpu.memory_space<hbm>>
          %dma_start3A_209 = tpu.memref_slice %arg15[%mul3A_207] : memref<1048576xi32, #tpu.memory_space<hbm>> -> memref<16384xi32, #tpu.memory_space<hbm>>
          tpu.enqueue_dma source(%arg32 : memref<16384xi32, #tpu.memory_space<vmem>>) target(%dma_start3A_209 : memref<16384xi32, #tpu.memory_space<hbm>>) target_semaphore(%run_scoped3A : memref<!tpu.dma_semaphore, #tpu.memory_space<semaphore_mem>>)
          %dma_wait3A = tpu.memref_slice %arg15[%mul3A_207] : memref<1048576xi32, #tpu.memory_space<hbm>> -> memref<16384xi32, #tpu.memory_space<hbm>>
          %dma_wait3A_210 = tpu.memref_slice %arg15[%mul3A_207] : memref<1048576xi32, #tpu.memory_space<hbm>> -> memref<16384xi32, #tpu.memory_space<hbm>>
          tpu.wait_dma2 semaphore(%run_scoped3A : memref<!tpu.dma_semaphore, #tpu.memory_space<semaphore_mem>>) src(%arg32 : memref<16384xi32, #tpu.memory_space<vmem>>) dst(%dma_wait3A_210 : memref<16384xi32, #tpu.memory_space<hbm>>)
          tpu.yield
        }) : () -> ()
        %scan3A_208 = arith.constant 0 : i32
        scf.yield %scan3A_208 : i32
      }
      %scan3A_191 = arith.constant 64 : i32
    } else {
    }
    %eq3A_114 = arith.constant 7 : i32
    %eq3A_115 = arith.cmpi eq, %select_n3A, %eq3A_114 : i32
    %eq3A_116 = arith.constant 0 : i32
    %eq3A_117 = arith.cmpi eq, %select_n3A_30, %eq3A_116 : i32
    %and3A_118 = arith.andi %eq3A_115, %eq3A_117 : i1
    %convert_element_type3A_119 = arith.extui %and3A_118 : i1 to i32
    %cond3A_120 = arith.constant 0 : i32
    %cond3A_121 = arith.cmpi ne, %convert_element_type3A_119, %cond3A_120 : i32
    scf.if %cond3A_121 {
      %scan3A = arith.constant 0 : i32
      %scan3A_186 = arith.constant 0 : i32
      %scan3A_187 = arith.constant 64 : i32
      %scan3A_188 = arith.addi %scan3A_186, %scan3A_187 : i32
      %scan3A_189 = arith.constant 1 : i32
      %scan3A_190 = scf.for %scan3A_192 = %scan3A_186 to %scan3A_188 step %scan3A_189 iter_args(%scan3A_193 = %scan3A) -> (i32)  : i32 {
        %mul3A_194 = arith.constant 4096 : i32
        %mul3A_195 = arith.muli %scan3A_192, %mul3A_194 : i32
        "tpu.region"() ({
          %run_scoped3A = tpu.sem_alloc : memref<!tpu.dma_semaphore, #tpu.memory_space<semaphore_mem>>
          %dma_start3A = tpu.memref_slice %arg2[%mul3A_195] : memref<262144xf32, #tpu.memory_space<hbm>> -> memref<4096xf32, #tpu.memory_space<hbm>>
          %dma_start3A_209 = tpu.memref_slice %arg2[%mul3A_195] : memref<262144xf32, #tpu.memory_space<hbm>> -> memref<4096xf32, #tpu.memory_space<hbm>>
          tpu.enqueue_dma source(%dma_start3A_209 : memref<4096xf32, #tpu.memory_space<hbm>>) target(%arg29 : memref<4096xf32, #tpu.memory_space<vmem>>) target_semaphore(%run_scoped3A : memref<!tpu.dma_semaphore, #tpu.memory_space<semaphore_mem>>)
          %dma_wait3A = tpu.memref_slice %arg2[%mul3A_195] : memref<262144xf32, #tpu.memory_space<hbm>> -> memref<4096xf32, #tpu.memory_space<hbm>>
          %dma_wait3A_210 = tpu.memref_slice %arg2[%mul3A_195] : memref<262144xf32, #tpu.memory_space<hbm>> -> memref<4096xf32, #tpu.memory_space<hbm>>
          tpu.wait_dma2 semaphore(%run_scoped3A : memref<!tpu.dma_semaphore, #tpu.memory_space<semaphore_mem>>) src(%dma_wait3A_210 : memref<4096xf32, #tpu.memory_space<hbm>>) dst(%arg29 : memref<4096xf32, #tpu.memory_space<vmem>>)
          tpu.yield
        }) : () -> ()
        "tpu.region"() ({
          %run_scoped3A = tpu.sem_alloc : memref<!tpu.dma_semaphore, #tpu.memory_space<semaphore_mem>>
          %dma_start3A = tpu.memref_slice %arg3[%mul3A_195] : memref<262144xf32, #tpu.memory_space<hbm>> -> memref<4096xf32, #tpu.memory_space<hbm>>
          %dma_start3A_209 = tpu.memref_slice %arg3[%mul3A_195] : memref<262144xf32, #tpu.memory_space<hbm>> -> memref<4096xf32, #tpu.memory_space<hbm>>
          tpu.enqueue_dma source(%dma_start3A_209 : memref<4096xf32, #tpu.memory_space<hbm>>) target(%arg30 : memref<4096xf32, #tpu.memory_space<vmem>>) target_semaphore(%run_scoped3A : memref<!tpu.dma_semaphore, #tpu.memory_space<semaphore_mem>>)
          %dma_wait3A = tpu.memref_slice %arg3[%mul3A_195] : memref<262144xf32, #tpu.memory_space<hbm>> -> memref<4096xf32, #tpu.memory_space<hbm>>
          %dma_wait3A_210 = tpu.memref_slice %arg3[%mul3A_195] : memref<262144xf32, #tpu.memory_space<hbm>> -> memref<4096xf32, #tpu.memory_space<hbm>>
          tpu.wait_dma2 semaphore(%run_scoped3A : memref<!tpu.dma_semaphore, #tpu.memory_space<semaphore_mem>>) src(%dma_wait3A_210 : memref<4096xf32, #tpu.memory_space<hbm>>) dst(%arg30 : memref<4096xf32, #tpu.memory_space<vmem>>)
          tpu.yield
        }) : () -> ()
        %scan3A_196 = arith.constant 0 : i32
        %scan3A_197 = arith.constant 0 : i32
        %scan3A_198 = arith.constant 256 : i32
        %scan3A_199 = arith.addi %scan3A_197, %scan3A_198 : i32
        %scan3A_200 = arith.constant 1 : i32
        %scan3A_201 = scf.for %scan3A_209 = %scan3A_197 to %scan3A_199 step %scan3A_200 iter_args(%scan3A_210 = %scan3A_196) -> (i32)  : i32 {
          %mul3A_211 = arith.constant 16 : i32
          %mul3A_212 = arith.muli %scan3A_209, %mul3A_211 : i32
          %get3A = arith.index_cast %mul3A_212 : i32 to index
          %get3A_213 = tpu.vector_load %arg29[%get3A] {strides = array<i32>} : memref<4096xf32, #tpu.memory_space<vmem>>, vector<16xf32>,
          %get3A_214 = arith.index_cast %mul3A_212 : i32 to index
          %get3A_215 = tpu.vector_load %arg30[%get3A_214] {strides = array<i32>} : memref<4096xf32, #tpu.memory_space<vmem>>, vector<16xf32>,
          %mul3A_216 = arith.mulf %get3A_213, %gather3A_41 : vector<16xf32>
          %convert_element_type3A_217 = arith.fptosi %mul3A_216 : vector<16xf32> to vector<16xi32>
          %mul3A_218 = arith.mulf %get3A_215, %gather3A_41 : vector<16xf32>
          %convert_element_type3A_219 = arith.fptosi %mul3A_218 : vector<16xf32> to vector<16xi32>
          %convert_element_type3A_220 = arith.sitofp %convert_element_type3A_217 : vector<16xi32> to vector<16xf32>
          %convert_element_type3A_221 = arith.sitofp %convert_element_type3A_219 : vector<16xi32> to vector<16xf32>
          %mul3A_222 = arith.mulf %convert_element_type3A_220, %gather3A : vector<16xf32>
          %mul3A_223 = arith.mulf %convert_element_type3A_221, %gather3A : vector<16xf32>
          %add3A_224 = arith.addf %mul3A_222, %gather3A : vector<16xf32>
          %sub3A_225 = arith.subf %add3A_224, %mul3A_222 : vector<16xf32>
          %add3A_226 = arith.addf %mul3A_223, %gather3A : vector<16xf32>
          %sub3A_227 = arith.subf %add3A_226, %mul3A_223 : vector<16xf32>
          %sub3A_228 = arith.subf %get3A_213, %mul3A_222 : vector<16xf32>
          %div3A_229 = arith.divf %sub3A_228, %sub3A_225 : vector<16xf32>
          %sub3A_230 = arith.subf %get3A_215, %mul3A_223 : vector<16xf32>
          %div3A_231 = arith.divf %sub3A_230, %sub3A_227 : vector<16xf32>
          %mul3A_232 = arith.muli %convert_element_type3A_217, %gather3A_46 : vector<16xi32>
          %add3A_233 = arith.addi %mul3A_232, %convert_element_type3A_219 : vector<16xi32>
          %add3A_234 = arith.constant 1 : i32
          %add3A_235 = vector.broadcast %add3A_234 : i32 to vector<16xi32>
          %add3A_236 = arith.addi %add3A_233, %add3A_235 : vector<16xi32>
          %add3A_237 = arith.addi %add3A_233, %gather3A_46 : vector<16xi32>
          %add3A_238 = arith.addi %add3A_233, %gather3A_46 : vector<16xi32>
          %add3A_239 = arith.constant 1 : i32
          %add3A_240 = vector.broadcast %add3A_239 : i32 to vector<16xi32>
          %add3A_241 = arith.addi %add3A_238, %add3A_240 : vector<16xi32>
          %mul3A_242 = arith.muli %convert_element_type3A_219, %broadcast_in_dim3A_51 : vector<16xi32>
          %add3A_243 = arith.addi %mul3A_242, %broadcast_in_dim3A_51 : vector<16xi32>
          %add3A_244 = arith.constant 1 : i32
          %add3A_245 = vector.broadcast %add3A_244 : i32 to vector<16xi32>
          %add3A_246 = arith.addi %convert_element_type3A_217, %add3A_245 : vector<16xi32>
          %xor3A = arith.xori %convert_element_type3A_217, %mul3A_242 : vector<16xi32>
          %and3A_247 = arith.andi %xor3A, %broadcast_in_dim3A_49 : vector<16xi32>
          %xor3A_248 = arith.xori %convert_element_type3A_217, %add3A_243 : vector<16xi32>
          %and3A_249 = arith.andi %xor3A_248, %broadcast_in_dim3A_49 : vector<16xi32>
          %xor3A_250 = arith.xori %add3A_246, %mul3A_242 : vector<16xi32>
          %and3A_251 = arith.andi %xor3A_250, %broadcast_in_dim3A_49 : vector<16xi32>
          %xor3A_252 = arith.xori %add3A_246, %add3A_243 : vector<16xi32>
          %and3A_253 = arith.andi %xor3A_252, %broadcast_in_dim3A_49 : vector<16xi32>
          %select_n3A_254 = arith.select %lt3A_53, %add3A_233, %and3A_247 : vector<16xi32>
          %select_n3A_255 = arith.select %lt3A_53, %add3A_236, %and3A_249 : vector<16xi32>
          %select_n3A_256 = arith.select %lt3A_53, %add3A_237, %and3A_251 : vector<16xi32>
          %select_n3A_257 = arith.select %lt3A_53, %add3A_241, %and3A_253 : vector<16xi32>
          %gather3A_258 = tpu.vector_load_idx %arg25[%select_n3A_254] : memref<65536xf32, #tpu.memory_space<vmem>>[vector<16xi32>], vector<16xf32>,
          %gather3A_259 = tpu.vector_load_idx %arg25[%select_n3A_255] : memref<65536xf32, #tpu.memory_space<vmem>>[vector<16xi32>], vector<16xf32>,
          %gather3A_260 = tpu.vector_load_idx %arg25[%select_n3A_256] : memref<65536xf32, #tpu.memory_space<vmem>>[vector<16xi32>], vector<16xf32>,
          %gather3A_261 = tpu.vector_load_idx %arg25[%select_n3A_257] : memref<65536xf32, #tpu.memory_space<vmem>>[vector<16xi32>], vector<16xf32>,
          %sub3A_262 = arith.subf %broadcast_in_dim3A_47, %div3A_231 : vector<16xf32>
          %mul3A_263 = arith.mulf %gather3A_258, %sub3A_262 : vector<16xf32>
          %mul3A_264 = arith.mulf %gather3A_259, %div3A_231 : vector<16xf32>
          %add3A_265 = arith.addf %mul3A_263, %mul3A_264 : vector<16xf32>
          %sub3A_266 = arith.subf %broadcast_in_dim3A_47, %div3A_231 : vector<16xf32>
          %mul3A_267 = arith.mulf %gather3A_260, %sub3A_266 : vector<16xf32>
          %mul3A_268 = arith.mulf %gather3A_261, %div3A_231 : vector<16xf32>
          %add3A_269 = arith.addf %mul3A_267, %mul3A_268 : vector<16xf32>
          %sub3A_270 = arith.subf %broadcast_in_dim3A_47, %div3A_229 : vector<16xf32>
          %mul3A_271 = arith.mulf %add3A_265, %sub3A_270 : vector<16xf32>
          %mul3A_272 = arith.mulf %add3A_269, %div3A_229 : vector<16xf32>
          %add3A_273 = arith.addf %mul3A_271, %mul3A_272 : vector<16xf32>
          %swap3A = arith.index_cast %mul3A_212 : i32 to index
          %swap3A_274 = tpu.vector_load %arg31[%swap3A] {strides = array<i32>} : memref<4096xf32, #tpu.memory_space<vmem>>, vector<16xf32>,
          tpu.vector_store %arg31[%swap3A], %add3A_273 {strides = array<i32>} : memref<4096xf32, #tpu.memory_space<vmem>>, vector<16xf32>,
          %add3A_275 = vector.broadcast %mul3A_212 : i32 to vector<16xi32>
          %add3A_276 = arith.addi %iota3A, %add3A_275 : vector<16xi32>
          %mul3A_277 = arith.constant 4 : i32
          %mul3A_278 = vector.broadcast %mul3A_277 : i32 to vector<16xi32>
          %mul3A_279 = arith.muli %add3A_276, %mul3A_278 : vector<16xi32>
          tpu.vector_store_idx %arg32[%mul3A_279], %select_n3A_254 : memref<16384xi32, #tpu.memory_space<vmem>>[vector<16xi32>], vector<16xi32>,
          %add3A_280 = arith.constant 1 : i32
          %add3A_281 = vector.broadcast %add3A_280 : i32 to vector<16xi32>
          %add3A_282 = arith.addi %mul3A_279, %add3A_281 : vector<16xi32>
          tpu.vector_store_idx %arg32[%add3A_282], %select_n3A_255 : memref<16384xi32, #tpu.memory_space<vmem>>[vector<16xi32>], vector<16xi32>,
          %add3A_283 = arith.constant 2 : i32
          %add3A_284 = vector.broadcast %add3A_283 : i32 to vector<16xi32>
          %add3A_285 = arith.addi %mul3A_279, %add3A_284 : vector<16xi32>
          tpu.vector_store_idx %arg32[%add3A_285], %select_n3A_256 : memref<16384xi32, #tpu.memory_space<vmem>>[vector<16xi32>], vector<16xi32>,
          %add3A_286 = arith.constant 3 : i32
          %add3A_287 = vector.broadcast %add3A_286 : i32 to vector<16xi32>
          %add3A_288 = arith.addi %mul3A_279, %add3A_287 : vector<16xi32>
          tpu.vector_store_idx %arg32[%add3A_288], %select_n3A_257 : memref<16384xi32, #tpu.memory_space<vmem>>[vector<16xi32>], vector<16xi32>,
          %scan3A_289 = arith.constant 0 : i32
          scf.yield %scan3A_289 : i32
        }
        %scan3A_202 = arith.constant 256 : i32
        %mul3A_203 = arith.constant 262144 : i32
        %mul3A_204 = arith.muli %add3A, %mul3A_203 : i32
        %add3A_205 = arith.addi %mul3A_204, %mul3A_195 : i32
        "tpu.region"() ({
          %run_scoped3A = tpu.sem_alloc : memref<!tpu.dma_semaphore, #tpu.memory_space<semaphore_mem>>
          %dma_start3A = tpu.memref_slice %arg8[%add3A_205] : memref<8388608xf32, #tpu.memory_space<hbm>> -> memref<4096xf32, #tpu.memory_space<hbm>>
          %dma_start3A_209 = tpu.memref_slice %arg8[%add3A_205] : memref<8388608xf32, #tpu.memory_space<hbm>> -> memref<4096xf32, #tpu.memory_space<hbm>>
          tpu.enqueue_dma source(%arg31 : memref<4096xf32, #tpu.memory_space<vmem>>) target(%dma_start3A_209 : memref<4096xf32, #tpu.memory_space<hbm>>) target_semaphore(%run_scoped3A : memref<!tpu.dma_semaphore, #tpu.memory_space<semaphore_mem>>)
          %dma_wait3A = tpu.memref_slice %arg8[%add3A_205] : memref<8388608xf32, #tpu.memory_space<hbm>> -> memref<4096xf32, #tpu.memory_space<hbm>>
          %dma_wait3A_210 = tpu.memref_slice %arg8[%add3A_205] : memref<8388608xf32, #tpu.memory_space<hbm>> -> memref<4096xf32, #tpu.memory_space<hbm>>
          tpu.wait_dma2 semaphore(%run_scoped3A : memref<!tpu.dma_semaphore, #tpu.memory_space<semaphore_mem>>) src(%arg31 : memref<4096xf32, #tpu.memory_space<vmem>>) dst(%dma_wait3A_210 : memref<4096xf32, #tpu.memory_space<hbm>>)
          tpu.yield
        }) : () -> ()
        %mul3A_206 = arith.constant 4 : i32
        %mul3A_207 = arith.muli %mul3A_195, %mul3A_206 : i32
        "tpu.region"() ({
          %run_scoped3A = tpu.sem_alloc : memref<!tpu.dma_semaphore, #tpu.memory_space<semaphore_mem>>
          %dma_start3A = tpu.memref_slice %arg16[%mul3A_207] : memref<1048576xi32, #tpu.memory_space<hbm>> -> memref<16384xi32, #tpu.memory_space<hbm>>
          %dma_start3A_209 = tpu.memref_slice %arg16[%mul3A_207] : memref<1048576xi32, #tpu.memory_space<hbm>> -> memref<16384xi32, #tpu.memory_space<hbm>>
          tpu.enqueue_dma source(%arg32 : memref<16384xi32, #tpu.memory_space<vmem>>) target(%dma_start3A_209 : memref<16384xi32, #tpu.memory_space<hbm>>) target_semaphore(%run_scoped3A : memref<!tpu.dma_semaphore, #tpu.memory_space<semaphore_mem>>)
          %dma_wait3A = tpu.memref_slice %arg16[%mul3A_207] : memref<1048576xi32, #tpu.memory_space<hbm>> -> memref<16384xi32, #tpu.memory_space<hbm>>
          %dma_wait3A_210 = tpu.memref_slice %arg16[%mul3A_207] : memref<1048576xi32, #tpu.memory_space<hbm>> -> memref<16384xi32, #tpu.memory_space<hbm>>
          tpu.wait_dma2 semaphore(%run_scoped3A : memref<!tpu.dma_semaphore, #tpu.memory_space<semaphore_mem>>) src(%arg32 : memref<16384xi32, #tpu.memory_space<vmem>>) dst(%dma_wait3A_210 : memref<16384xi32, #tpu.memory_space<hbm>>)
          tpu.yield
        }) : () -> ()
        %scan3A_208 = arith.constant 0 : i32
        scf.yield %scan3A_208 : i32
      }
      %scan3A_191 = arith.constant 64 : i32
    } else {
    }
    %eq3A_122 = arith.constant 8 : i32
    %eq3A_123 = arith.cmpi eq, %select_n3A, %eq3A_122 : i32
    %eq3A_124 = arith.constant 0 : i32
    %eq3A_125 = arith.cmpi eq, %select_n3A_30, %eq3A_124 : i32
    %and3A_126 = arith.andi %eq3A_123, %eq3A_125 : i1
    %convert_element_type3A_127 = arith.extui %and3A_126 : i1 to i32
    %cond3A_128 = arith.constant 0 : i32
    %cond3A_129 = arith.cmpi ne, %convert_element_type3A_127, %cond3A_128 : i32
    scf.if %cond3A_129 {
      %scan3A = arith.constant 0 : i32
      %scan3A_186 = arith.constant 0 : i32
      %scan3A_187 = arith.constant 64 : i32
      %scan3A_188 = arith.addi %scan3A_186, %scan3A_187 : i32
      %scan3A_189 = arith.constant 1 : i32
      %scan3A_190 = scf.for %scan3A_192 = %scan3A_186 to %scan3A_188 step %scan3A_189 iter_args(%scan3A_193 = %scan3A) -> (i32)  : i32 {
        %mul3A_194 = arith.constant 4096 : i32
        %mul3A_195 = arith.muli %scan3A_192, %mul3A_194 : i32
        "tpu.region"() ({
          %run_scoped3A = tpu.sem_alloc : memref<!tpu.dma_semaphore, #tpu.memory_space<semaphore_mem>>
          %dma_start3A = tpu.memref_slice %arg2[%mul3A_195] : memref<262144xf32, #tpu.memory_space<hbm>> -> memref<4096xf32, #tpu.memory_space<hbm>>
          %dma_start3A_209 = tpu.memref_slice %arg2[%mul3A_195] : memref<262144xf32, #tpu.memory_space<hbm>> -> memref<4096xf32, #tpu.memory_space<hbm>>
          tpu.enqueue_dma source(%dma_start3A_209 : memref<4096xf32, #tpu.memory_space<hbm>>) target(%arg29 : memref<4096xf32, #tpu.memory_space<vmem>>) target_semaphore(%run_scoped3A : memref<!tpu.dma_semaphore, #tpu.memory_space<semaphore_mem>>)
          %dma_wait3A = tpu.memref_slice %arg2[%mul3A_195] : memref<262144xf32, #tpu.memory_space<hbm>> -> memref<4096xf32, #tpu.memory_space<hbm>>
          %dma_wait3A_210 = tpu.memref_slice %arg2[%mul3A_195] : memref<262144xf32, #tpu.memory_space<hbm>> -> memref<4096xf32, #tpu.memory_space<hbm>>
          tpu.wait_dma2 semaphore(%run_scoped3A : memref<!tpu.dma_semaphore, #tpu.memory_space<semaphore_mem>>) src(%dma_wait3A_210 : memref<4096xf32, #tpu.memory_space<hbm>>) dst(%arg29 : memref<4096xf32, #tpu.memory_space<vmem>>)
          tpu.yield
        }) : () -> ()
        "tpu.region"() ({
          %run_scoped3A = tpu.sem_alloc : memref<!tpu.dma_semaphore, #tpu.memory_space<semaphore_mem>>
          %dma_start3A = tpu.memref_slice %arg3[%mul3A_195] : memref<262144xf32, #tpu.memory_space<hbm>> -> memref<4096xf32, #tpu.memory_space<hbm>>
          %dma_start3A_209 = tpu.memref_slice %arg3[%mul3A_195] : memref<262144xf32, #tpu.memory_space<hbm>> -> memref<4096xf32, #tpu.memory_space<hbm>>
          tpu.enqueue_dma source(%dma_start3A_209 : memref<4096xf32, #tpu.memory_space<hbm>>) target(%arg30 : memref<4096xf32, #tpu.memory_space<vmem>>) target_semaphore(%run_scoped3A : memref<!tpu.dma_semaphore, #tpu.memory_space<semaphore_mem>>)
          %dma_wait3A = tpu.memref_slice %arg3[%mul3A_195] : memref<262144xf32, #tpu.memory_space<hbm>> -> memref<4096xf32, #tpu.memory_space<hbm>>
          %dma_wait3A_210 = tpu.memref_slice %arg3[%mul3A_195] : memref<262144xf32, #tpu.memory_space<hbm>> -> memref<4096xf32, #tpu.memory_space<hbm>>
          tpu.wait_dma2 semaphore(%run_scoped3A : memref<!tpu.dma_semaphore, #tpu.memory_space<semaphore_mem>>) src(%dma_wait3A_210 : memref<4096xf32, #tpu.memory_space<hbm>>) dst(%arg30 : memref<4096xf32, #tpu.memory_space<vmem>>)
          tpu.yield
        }) : () -> ()
        %scan3A_196 = arith.constant 0 : i32
        %scan3A_197 = arith.constant 0 : i32
        %scan3A_198 = arith.constant 256 : i32
        %scan3A_199 = arith.addi %scan3A_197, %scan3A_198 : i32
        %scan3A_200 = arith.constant 1 : i32
        %scan3A_201 = scf.for %scan3A_209 = %scan3A_197 to %scan3A_199 step %scan3A_200 iter_args(%scan3A_210 = %scan3A_196) -> (i32)  : i32 {
          %mul3A_211 = arith.constant 16 : i32
          %mul3A_212 = arith.muli %scan3A_209, %mul3A_211 : i32
          %get3A = arith.index_cast %mul3A_212 : i32 to index
          %get3A_213 = tpu.vector_load %arg29[%get3A] {strides = array<i32>} : memref<4096xf32, #tpu.memory_space<vmem>>, vector<16xf32>,
          %get3A_214 = arith.index_cast %mul3A_212 : i32 to index
          %get3A_215 = tpu.vector_load %arg30[%get3A_214] {strides = array<i32>} : memref<4096xf32, #tpu.memory_space<vmem>>, vector<16xf32>,
          %mul3A_216 = arith.mulf %get3A_213, %gather3A_41 : vector<16xf32>
          %convert_element_type3A_217 = arith.fptosi %mul3A_216 : vector<16xf32> to vector<16xi32>
          %mul3A_218 = arith.mulf %get3A_215, %gather3A_41 : vector<16xf32>
          %convert_element_type3A_219 = arith.fptosi %mul3A_218 : vector<16xf32> to vector<16xi32>
          %convert_element_type3A_220 = arith.sitofp %convert_element_type3A_217 : vector<16xi32> to vector<16xf32>
          %convert_element_type3A_221 = arith.sitofp %convert_element_type3A_219 : vector<16xi32> to vector<16xf32>
          %mul3A_222 = arith.mulf %convert_element_type3A_220, %gather3A : vector<16xf32>
          %mul3A_223 = arith.mulf %convert_element_type3A_221, %gather3A : vector<16xf32>
          %add3A_224 = arith.addf %mul3A_222, %gather3A : vector<16xf32>
          %sub3A_225 = arith.subf %add3A_224, %mul3A_222 : vector<16xf32>
          %add3A_226 = arith.addf %mul3A_223, %gather3A : vector<16xf32>
          %sub3A_227 = arith.subf %add3A_226, %mul3A_223 : vector<16xf32>
          %sub3A_228 = arith.subf %get3A_213, %mul3A_222 : vector<16xf32>
          %div3A_229 = arith.divf %sub3A_228, %sub3A_225 : vector<16xf32>
          %sub3A_230 = arith.subf %get3A_215, %mul3A_223 : vector<16xf32>
          %div3A_231 = arith.divf %sub3A_230, %sub3A_227 : vector<16xf32>
          %mul3A_232 = arith.muli %convert_element_type3A_217, %gather3A_46 : vector<16xi32>
          %add3A_233 = arith.addi %mul3A_232, %convert_element_type3A_219 : vector<16xi32>
          %add3A_234 = arith.constant 1 : i32
          %add3A_235 = vector.broadcast %add3A_234 : i32 to vector<16xi32>
          %add3A_236 = arith.addi %add3A_233, %add3A_235 : vector<16xi32>
          %add3A_237 = arith.addi %add3A_233, %gather3A_46 : vector<16xi32>
          %add3A_238 = arith.addi %add3A_233, %gather3A_46 : vector<16xi32>
          %add3A_239 = arith.constant 1 : i32
          %add3A_240 = vector.broadcast %add3A_239 : i32 to vector<16xi32>
          %add3A_241 = arith.addi %add3A_238, %add3A_240 : vector<16xi32>
          %mul3A_242 = arith.muli %convert_element_type3A_219, %broadcast_in_dim3A_51 : vector<16xi32>
          %add3A_243 = arith.addi %mul3A_242, %broadcast_in_dim3A_51 : vector<16xi32>
          %add3A_244 = arith.constant 1 : i32
          %add3A_245 = vector.broadcast %add3A_244 : i32 to vector<16xi32>
          %add3A_246 = arith.addi %convert_element_type3A_217, %add3A_245 : vector<16xi32>
          %xor3A = arith.xori %convert_element_type3A_217, %mul3A_242 : vector<16xi32>
          %and3A_247 = arith.andi %xor3A, %broadcast_in_dim3A_49 : vector<16xi32>
          %xor3A_248 = arith.xori %convert_element_type3A_217, %add3A_243 : vector<16xi32>
          %and3A_249 = arith.andi %xor3A_248, %broadcast_in_dim3A_49 : vector<16xi32>
          %xor3A_250 = arith.xori %add3A_246, %mul3A_242 : vector<16xi32>
          %and3A_251 = arith.andi %xor3A_250, %broadcast_in_dim3A_49 : vector<16xi32>
          %xor3A_252 = arith.xori %add3A_246, %add3A_243 : vector<16xi32>
          %and3A_253 = arith.andi %xor3A_252, %broadcast_in_dim3A_49 : vector<16xi32>
          %select_n3A_254 = arith.select %lt3A_53, %add3A_233, %and3A_247 : vector<16xi32>
          %select_n3A_255 = arith.select %lt3A_53, %add3A_236, %and3A_249 : vector<16xi32>
          %select_n3A_256 = arith.select %lt3A_53, %add3A_237, %and3A_251 : vector<16xi32>
          %select_n3A_257 = arith.select %lt3A_53, %add3A_241, %and3A_253 : vector<16xi32>
          %gather3A_258 = tpu.vector_load_idx %arg25[%select_n3A_254] : memref<65536xf32, #tpu.memory_space<vmem>>[vector<16xi32>], vector<16xf32>,
          %gather3A_259 = tpu.vector_load_idx %arg25[%select_n3A_255] : memref<65536xf32, #tpu.memory_space<vmem>>[vector<16xi32>], vector<16xf32>,
          %gather3A_260 = tpu.vector_load_idx %arg25[%select_n3A_256] : memref<65536xf32, #tpu.memory_space<vmem>>[vector<16xi32>], vector<16xf32>,
          %gather3A_261 = tpu.vector_load_idx %arg25[%select_n3A_257] : memref<65536xf32, #tpu.memory_space<vmem>>[vector<16xi32>], vector<16xf32>,
          %sub3A_262 = arith.subf %broadcast_in_dim3A_47, %div3A_231 : vector<16xf32>
          %mul3A_263 = arith.mulf %gather3A_258, %sub3A_262 : vector<16xf32>
          %mul3A_264 = arith.mulf %gather3A_259, %div3A_231 : vector<16xf32>
          %add3A_265 = arith.addf %mul3A_263, %mul3A_264 : vector<16xf32>
          %sub3A_266 = arith.subf %broadcast_in_dim3A_47, %div3A_231 : vector<16xf32>
          %mul3A_267 = arith.mulf %gather3A_260, %sub3A_266 : vector<16xf32>
          %mul3A_268 = arith.mulf %gather3A_261, %div3A_231 : vector<16xf32>
          %add3A_269 = arith.addf %mul3A_267, %mul3A_268 : vector<16xf32>
          %sub3A_270 = arith.subf %broadcast_in_dim3A_47, %div3A_229 : vector<16xf32>
          %mul3A_271 = arith.mulf %add3A_265, %sub3A_270 : vector<16xf32>
          %mul3A_272 = arith.mulf %add3A_269, %div3A_229 : vector<16xf32>
          %add3A_273 = arith.addf %mul3A_271, %mul3A_272 : vector<16xf32>
          %swap3A = arith.index_cast %mul3A_212 : i32 to index
          %swap3A_274 = tpu.vector_load %arg31[%swap3A] {strides = array<i32>} : memref<4096xf32, #tpu.memory_space<vmem>>, vector<16xf32>,
          tpu.vector_store %arg31[%swap3A], %add3A_273 {strides = array<i32>} : memref<4096xf32, #tpu.memory_space<vmem>>, vector<16xf32>,
          %add3A_275 = vector.broadcast %mul3A_212 : i32 to vector<16xi32>
          %add3A_276 = arith.addi %iota3A, %add3A_275 : vector<16xi32>
          %mul3A_277 = arith.constant 4 : i32
          %mul3A_278 = vector.broadcast %mul3A_277 : i32 to vector<16xi32>
          %mul3A_279 = arith.muli %add3A_276, %mul3A_278 : vector<16xi32>
          tpu.vector_store_idx %arg32[%mul3A_279], %select_n3A_254 : memref<16384xi32, #tpu.memory_space<vmem>>[vector<16xi32>], vector<16xi32>,
          %add3A_280 = arith.constant 1 : i32
          %add3A_281 = vector.broadcast %add3A_280 : i32 to vector<16xi32>
          %add3A_282 = arith.addi %mul3A_279, %add3A_281 : vector<16xi32>
          tpu.vector_store_idx %arg32[%add3A_282], %select_n3A_255 : memref<16384xi32, #tpu.memory_space<vmem>>[vector<16xi32>], vector<16xi32>,
          %add3A_283 = arith.constant 2 : i32
          %add3A_284 = vector.broadcast %add3A_283 : i32 to vector<16xi32>
          %add3A_285 = arith.addi %mul3A_279, %add3A_284 : vector<16xi32>
          tpu.vector_store_idx %arg32[%add3A_285], %select_n3A_256 : memref<16384xi32, #tpu.memory_space<vmem>>[vector<16xi32>], vector<16xi32>,
          %add3A_286 = arith.constant 3 : i32
          %add3A_287 = vector.broadcast %add3A_286 : i32 to vector<16xi32>
          %add3A_288 = arith.addi %mul3A_279, %add3A_287 : vector<16xi32>
          tpu.vector_store_idx %arg32[%add3A_288], %select_n3A_257 : memref<16384xi32, #tpu.memory_space<vmem>>[vector<16xi32>], vector<16xi32>,
          %scan3A_289 = arith.constant 0 : i32
          scf.yield %scan3A_289 : i32
        }
        %scan3A_202 = arith.constant 256 : i32
        %mul3A_203 = arith.constant 262144 : i32
        %mul3A_204 = arith.muli %add3A, %mul3A_203 : i32
        %add3A_205 = arith.addi %mul3A_204, %mul3A_195 : i32
        "tpu.region"() ({
          %run_scoped3A = tpu.sem_alloc : memref<!tpu.dma_semaphore, #tpu.memory_space<semaphore_mem>>
          %dma_start3A = tpu.memref_slice %arg8[%add3A_205] : memref<8388608xf32, #tpu.memory_space<hbm>> -> memref<4096xf32, #tpu.memory_space<hbm>>
          %dma_start3A_209 = tpu.memref_slice %arg8[%add3A_205] : memref<8388608xf32, #tpu.memory_space<hbm>> -> memref<4096xf32, #tpu.memory_space<hbm>>
          tpu.enqueue_dma source(%arg31 : memref<4096xf32, #tpu.memory_space<vmem>>) target(%dma_start3A_209 : memref<4096xf32, #tpu.memory_space<hbm>>) target_semaphore(%run_scoped3A : memref<!tpu.dma_semaphore, #tpu.memory_space<semaphore_mem>>)
          %dma_wait3A = tpu.memref_slice %arg8[%add3A_205] : memref<8388608xf32, #tpu.memory_space<hbm>> -> memref<4096xf32, #tpu.memory_space<hbm>>
          %dma_wait3A_210 = tpu.memref_slice %arg8[%add3A_205] : memref<8388608xf32, #tpu.memory_space<hbm>> -> memref<4096xf32, #tpu.memory_space<hbm>>
          tpu.wait_dma2 semaphore(%run_scoped3A : memref<!tpu.dma_semaphore, #tpu.memory_space<semaphore_mem>>) src(%arg31 : memref<4096xf32, #tpu.memory_space<vmem>>) dst(%dma_wait3A_210 : memref<4096xf32, #tpu.memory_space<hbm>>)
          tpu.yield
        }) : () -> ()
        %mul3A_206 = arith.constant 4 : i32
        %mul3A_207 = arith.muli %mul3A_195, %mul3A_206 : i32
        "tpu.region"() ({
          %run_scoped3A = tpu.sem_alloc : memref<!tpu.dma_semaphore, #tpu.memory_space<semaphore_mem>>
          %dma_start3A = tpu.memref_slice %arg17[%mul3A_207] : memref<1048576xi32, #tpu.memory_space<hbm>> -> memref<16384xi32, #tpu.memory_space<hbm>>
          %dma_start3A_209 = tpu.memref_slice %arg17[%mul3A_207] : memref<1048576xi32, #tpu.memory_space<hbm>> -> memref<16384xi32, #tpu.memory_space<hbm>>
          tpu.enqueue_dma source(%arg32 : memref<16384xi32, #tpu.memory_space<vmem>>) target(%dma_start3A_209 : memref<16384xi32, #tpu.memory_space<hbm>>) target_semaphore(%run_scoped3A : memref<!tpu.dma_semaphore, #tpu.memory_space<semaphore_mem>>)
          %dma_wait3A = tpu.memref_slice %arg17[%mul3A_207] : memref<1048576xi32, #tpu.memory_space<hbm>> -> memref<16384xi32, #tpu.memory_space<hbm>>
          %dma_wait3A_210 = tpu.memref_slice %arg17[%mul3A_207] : memref<1048576xi32, #tpu.memory_space<hbm>> -> memref<16384xi32, #tpu.memory_space<hbm>>
          tpu.wait_dma2 semaphore(%run_scoped3A : memref<!tpu.dma_semaphore, #tpu.memory_space<semaphore_mem>>) src(%arg32 : memref<16384xi32, #tpu.memory_space<vmem>>) dst(%dma_wait3A_210 : memref<16384xi32, #tpu.memory_space<hbm>>)
          tpu.yield
        }) : () -> ()
        %scan3A_208 = arith.constant 0 : i32
        scf.yield %scan3A_208 : i32
      }
      %scan3A_191 = arith.constant 64 : i32
    } else {
    }
    %eq3A_130 = arith.constant 9 : i32
    %eq3A_131 = arith.cmpi eq, %select_n3A, %eq3A_130 : i32
    %eq3A_132 = arith.constant 0 : i32
    %eq3A_133 = arith.cmpi eq, %select_n3A_30, %eq3A_132 : i32
    %and3A_134 = arith.andi %eq3A_131, %eq3A_133 : i1
    %convert_element_type3A_135 = arith.extui %and3A_134 : i1 to i32
    %cond3A_136 = arith.constant 0 : i32
    %cond3A_137 = arith.cmpi ne, %convert_element_type3A_135, %cond3A_136 : i32
    scf.if %cond3A_137 {
      %scan3A = arith.constant 0 : i32
      %scan3A_186 = arith.constant 0 : i32
      %scan3A_187 = arith.constant 64 : i32
      %scan3A_188 = arith.addi %scan3A_186, %scan3A_187 : i32
      %scan3A_189 = arith.constant 1 : i32
      %scan3A_190 = scf.for %scan3A_192 = %scan3A_186 to %scan3A_188 step %scan3A_189 iter_args(%scan3A_193 = %scan3A) -> (i32)  : i32 {
        %mul3A_194 = arith.constant 4096 : i32
        %mul3A_195 = arith.muli %scan3A_192, %mul3A_194 : i32
        "tpu.region"() ({
          %run_scoped3A = tpu.sem_alloc : memref<!tpu.dma_semaphore, #tpu.memory_space<semaphore_mem>>
          %dma_start3A = tpu.memref_slice %arg2[%mul3A_195] : memref<262144xf32, #tpu.memory_space<hbm>> -> memref<4096xf32, #tpu.memory_space<hbm>>
          %dma_start3A_209 = tpu.memref_slice %arg2[%mul3A_195] : memref<262144xf32, #tpu.memory_space<hbm>> -> memref<4096xf32, #tpu.memory_space<hbm>>
          tpu.enqueue_dma source(%dma_start3A_209 : memref<4096xf32, #tpu.memory_space<hbm>>) target(%arg29 : memref<4096xf32, #tpu.memory_space<vmem>>) target_semaphore(%run_scoped3A : memref<!tpu.dma_semaphore, #tpu.memory_space<semaphore_mem>>)
          %dma_wait3A = tpu.memref_slice %arg2[%mul3A_195] : memref<262144xf32, #tpu.memory_space<hbm>> -> memref<4096xf32, #tpu.memory_space<hbm>>
          %dma_wait3A_210 = tpu.memref_slice %arg2[%mul3A_195] : memref<262144xf32, #tpu.memory_space<hbm>> -> memref<4096xf32, #tpu.memory_space<hbm>>
          tpu.wait_dma2 semaphore(%run_scoped3A : memref<!tpu.dma_semaphore, #tpu.memory_space<semaphore_mem>>) src(%dma_wait3A_210 : memref<4096xf32, #tpu.memory_space<hbm>>) dst(%arg29 : memref<4096xf32, #tpu.memory_space<vmem>>)
          tpu.yield
        }) : () -> ()
        "tpu.region"() ({
          %run_scoped3A = tpu.sem_alloc : memref<!tpu.dma_semaphore, #tpu.memory_space<semaphore_mem>>
          %dma_start3A = tpu.memref_slice %arg3[%mul3A_195] : memref<262144xf32, #tpu.memory_space<hbm>> -> memref<4096xf32, #tpu.memory_space<hbm>>
          %dma_start3A_209 = tpu.memref_slice %arg3[%mul3A_195] : memref<262144xf32, #tpu.memory_space<hbm>> -> memref<4096xf32, #tpu.memory_space<hbm>>
          tpu.enqueue_dma source(%dma_start3A_209 : memref<4096xf32, #tpu.memory_space<hbm>>) target(%arg30 : memref<4096xf32, #tpu.memory_space<vmem>>) target_semaphore(%run_scoped3A : memref<!tpu.dma_semaphore, #tpu.memory_space<semaphore_mem>>)
          %dma_wait3A = tpu.memref_slice %arg3[%mul3A_195] : memref<262144xf32, #tpu.memory_space<hbm>> -> memref<4096xf32, #tpu.memory_space<hbm>>
          %dma_wait3A_210 = tpu.memref_slice %arg3[%mul3A_195] : memref<262144xf32, #tpu.memory_space<hbm>> -> memref<4096xf32, #tpu.memory_space<hbm>>
          tpu.wait_dma2 semaphore(%run_scoped3A : memref<!tpu.dma_semaphore, #tpu.memory_space<semaphore_mem>>) src(%dma_wait3A_210 : memref<4096xf32, #tpu.memory_space<hbm>>) dst(%arg30 : memref<4096xf32, #tpu.memory_space<vmem>>)
          tpu.yield
        }) : () -> ()
        %scan3A_196 = arith.constant 0 : i32
        %scan3A_197 = arith.constant 0 : i32
        %scan3A_198 = arith.constant 256 : i32
        %scan3A_199 = arith.addi %scan3A_197, %scan3A_198 : i32
        %scan3A_200 = arith.constant 1 : i32
        %scan3A_201 = scf.for %scan3A_209 = %scan3A_197 to %scan3A_199 step %scan3A_200 iter_args(%scan3A_210 = %scan3A_196) -> (i32)  : i32 {
          %mul3A_211 = arith.constant 16 : i32
          %mul3A_212 = arith.muli %scan3A_209, %mul3A_211 : i32
          %get3A = arith.index_cast %mul3A_212 : i32 to index
          %get3A_213 = tpu.vector_load %arg29[%get3A] {strides = array<i32>} : memref<4096xf32, #tpu.memory_space<vmem>>, vector<16xf32>,
          %get3A_214 = arith.index_cast %mul3A_212 : i32 to index
          %get3A_215 = tpu.vector_load %arg30[%get3A_214] {strides = array<i32>} : memref<4096xf32, #tpu.memory_space<vmem>>, vector<16xf32>,
          %mul3A_216 = arith.mulf %get3A_213, %gather3A_41 : vector<16xf32>
          %convert_element_type3A_217 = arith.fptosi %mul3A_216 : vector<16xf32> to vector<16xi32>
          %mul3A_218 = arith.mulf %get3A_215, %gather3A_41 : vector<16xf32>
          %convert_element_type3A_219 = arith.fptosi %mul3A_218 : vector<16xf32> to vector<16xi32>
          %convert_element_type3A_220 = arith.sitofp %convert_element_type3A_217 : vector<16xi32> to vector<16xf32>
          %convert_element_type3A_221 = arith.sitofp %convert_element_type3A_219 : vector<16xi32> to vector<16xf32>
          %mul3A_222 = arith.mulf %convert_element_type3A_220, %gather3A : vector<16xf32>
          %mul3A_223 = arith.mulf %convert_element_type3A_221, %gather3A : vector<16xf32>
          %add3A_224 = arith.addf %mul3A_222, %gather3A : vector<16xf32>
          %sub3A_225 = arith.subf %add3A_224, %mul3A_222 : vector<16xf32>
          %add3A_226 = arith.addf %mul3A_223, %gather3A : vector<16xf32>
          %sub3A_227 = arith.subf %add3A_226, %mul3A_223 : vector<16xf32>
          %sub3A_228 = arith.subf %get3A_213, %mul3A_222 : vector<16xf32>
          %div3A_229 = arith.divf %sub3A_228, %sub3A_225 : vector<16xf32>
          %sub3A_230 = arith.subf %get3A_215, %mul3A_223 : vector<16xf32>
          %div3A_231 = arith.divf %sub3A_230, %sub3A_227 : vector<16xf32>
          %mul3A_232 = arith.muli %convert_element_type3A_217, %gather3A_46 : vector<16xi32>
          %add3A_233 = arith.addi %mul3A_232, %convert_element_type3A_219 : vector<16xi32>
          %add3A_234 = arith.constant 1 : i32
          %add3A_235 = vector.broadcast %add3A_234 : i32 to vector<16xi32>
          %add3A_236 = arith.addi %add3A_233, %add3A_235 : vector<16xi32>
          %add3A_237 = arith.addi %add3A_233, %gather3A_46 : vector<16xi32>
          %add3A_238 = arith.addi %add3A_233, %gather3A_46 : vector<16xi32>
          %add3A_239 = arith.constant 1 : i32
          %add3A_240 = vector.broadcast %add3A_239 : i32 to vector<16xi32>
          %add3A_241 = arith.addi %add3A_238, %add3A_240 : vector<16xi32>
          %mul3A_242 = arith.muli %convert_element_type3A_219, %broadcast_in_dim3A_51 : vector<16xi32>
          %add3A_243 = arith.addi %mul3A_242, %broadcast_in_dim3A_51 : vector<16xi32>
          %add3A_244 = arith.constant 1 : i32
          %add3A_245 = vector.broadcast %add3A_244 : i32 to vector<16xi32>
          %add3A_246 = arith.addi %convert_element_type3A_217, %add3A_245 : vector<16xi32>
          %xor3A = arith.xori %convert_element_type3A_217, %mul3A_242 : vector<16xi32>
          %and3A_247 = arith.andi %xor3A, %broadcast_in_dim3A_49 : vector<16xi32>
          %xor3A_248 = arith.xori %convert_element_type3A_217, %add3A_243 : vector<16xi32>
          %and3A_249 = arith.andi %xor3A_248, %broadcast_in_dim3A_49 : vector<16xi32>
          %xor3A_250 = arith.xori %add3A_246, %mul3A_242 : vector<16xi32>
          %and3A_251 = arith.andi %xor3A_250, %broadcast_in_dim3A_49 : vector<16xi32>
          %xor3A_252 = arith.xori %add3A_246, %add3A_243 : vector<16xi32>
          %and3A_253 = arith.andi %xor3A_252, %broadcast_in_dim3A_49 : vector<16xi32>
          %select_n3A_254 = arith.select %lt3A_53, %add3A_233, %and3A_247 : vector<16xi32>
          %select_n3A_255 = arith.select %lt3A_53, %add3A_236, %and3A_249 : vector<16xi32>
          %select_n3A_256 = arith.select %lt3A_53, %add3A_237, %and3A_251 : vector<16xi32>
          %select_n3A_257 = arith.select %lt3A_53, %add3A_241, %and3A_253 : vector<16xi32>
          %gather3A_258 = tpu.vector_load_idx %arg25[%select_n3A_254] : memref<65536xf32, #tpu.memory_space<vmem>>[vector<16xi32>], vector<16xf32>,
          %gather3A_259 = tpu.vector_load_idx %arg25[%select_n3A_255] : memref<65536xf32, #tpu.memory_space<vmem>>[vector<16xi32>], vector<16xf32>,
          %gather3A_260 = tpu.vector_load_idx %arg25[%select_n3A_256] : memref<65536xf32, #tpu.memory_space<vmem>>[vector<16xi32>], vector<16xf32>,
          %gather3A_261 = tpu.vector_load_idx %arg25[%select_n3A_257] : memref<65536xf32, #tpu.memory_space<vmem>>[vector<16xi32>], vector<16xf32>,
          %sub3A_262 = arith.subf %broadcast_in_dim3A_47, %div3A_231 : vector<16xf32>
          %mul3A_263 = arith.mulf %gather3A_258, %sub3A_262 : vector<16xf32>
          %mul3A_264 = arith.mulf %gather3A_259, %div3A_231 : vector<16xf32>
          %add3A_265 = arith.addf %mul3A_263, %mul3A_264 : vector<16xf32>
          %sub3A_266 = arith.subf %broadcast_in_dim3A_47, %div3A_231 : vector<16xf32>
          %mul3A_267 = arith.mulf %gather3A_260, %sub3A_266 : vector<16xf32>
          %mul3A_268 = arith.mulf %gather3A_261, %div3A_231 : vector<16xf32>
          %add3A_269 = arith.addf %mul3A_267, %mul3A_268 : vector<16xf32>
          %sub3A_270 = arith.subf %broadcast_in_dim3A_47, %div3A_229 : vector<16xf32>
          %mul3A_271 = arith.mulf %add3A_265, %sub3A_270 : vector<16xf32>
          %mul3A_272 = arith.mulf %add3A_269, %div3A_229 : vector<16xf32>
          %add3A_273 = arith.addf %mul3A_271, %mul3A_272 : vector<16xf32>
          %swap3A = arith.index_cast %mul3A_212 : i32 to index
          %swap3A_274 = tpu.vector_load %arg31[%swap3A] {strides = array<i32>} : memref<4096xf32, #tpu.memory_space<vmem>>, vector<16xf32>,
          tpu.vector_store %arg31[%swap3A], %add3A_273 {strides = array<i32>} : memref<4096xf32, #tpu.memory_space<vmem>>, vector<16xf32>,
          %add3A_275 = vector.broadcast %mul3A_212 : i32 to vector<16xi32>
          %add3A_276 = arith.addi %iota3A, %add3A_275 : vector<16xi32>
          %mul3A_277 = arith.constant 4 : i32
          %mul3A_278 = vector.broadcast %mul3A_277 : i32 to vector<16xi32>
          %mul3A_279 = arith.muli %add3A_276, %mul3A_278 : vector<16xi32>
          tpu.vector_store_idx %arg32[%mul3A_279], %select_n3A_254 : memref<16384xi32, #tpu.memory_space<vmem>>[vector<16xi32>], vector<16xi32>,
          %add3A_280 = arith.constant 1 : i32
          %add3A_281 = vector.broadcast %add3A_280 : i32 to vector<16xi32>
          %add3A_282 = arith.addi %mul3A_279, %add3A_281 : vector<16xi32>
          tpu.vector_store_idx %arg32[%add3A_282], %select_n3A_255 : memref<16384xi32, #tpu.memory_space<vmem>>[vector<16xi32>], vector<16xi32>,
          %add3A_283 = arith.constant 2 : i32
          %add3A_284 = vector.broadcast %add3A_283 : i32 to vector<16xi32>
          %add3A_285 = arith.addi %mul3A_279, %add3A_284 : vector<16xi32>
          tpu.vector_store_idx %arg32[%add3A_285], %select_n3A_256 : memref<16384xi32, #tpu.memory_space<vmem>>[vector<16xi32>], vector<16xi32>,
          %add3A_286 = arith.constant 3 : i32
          %add3A_287 = vector.broadcast %add3A_286 : i32 to vector<16xi32>
          %add3A_288 = arith.addi %mul3A_279, %add3A_287 : vector<16xi32>
          tpu.vector_store_idx %arg32[%add3A_288], %select_n3A_257 : memref<16384xi32, #tpu.memory_space<vmem>>[vector<16xi32>], vector<16xi32>,
          %scan3A_289 = arith.constant 0 : i32
          scf.yield %scan3A_289 : i32
        }
        %scan3A_202 = arith.constant 256 : i32
        %mul3A_203 = arith.constant 262144 : i32
        %mul3A_204 = arith.muli %add3A, %mul3A_203 : i32
        %add3A_205 = arith.addi %mul3A_204, %mul3A_195 : i32
        "tpu.region"() ({
          %run_scoped3A = tpu.sem_alloc : memref<!tpu.dma_semaphore, #tpu.memory_space<semaphore_mem>>
          %dma_start3A = tpu.memref_slice %arg8[%add3A_205] : memref<8388608xf32, #tpu.memory_space<hbm>> -> memref<4096xf32, #tpu.memory_space<hbm>>
          %dma_start3A_209 = tpu.memref_slice %arg8[%add3A_205] : memref<8388608xf32, #tpu.memory_space<hbm>> -> memref<4096xf32, #tpu.memory_space<hbm>>
          tpu.enqueue_dma source(%arg31 : memref<4096xf32, #tpu.memory_space<vmem>>) target(%dma_start3A_209 : memref<4096xf32, #tpu.memory_space<hbm>>) target_semaphore(%run_scoped3A : memref<!tpu.dma_semaphore, #tpu.memory_space<semaphore_mem>>)
          %dma_wait3A = tpu.memref_slice %arg8[%add3A_205] : memref<8388608xf32, #tpu.memory_space<hbm>> -> memref<4096xf32, #tpu.memory_space<hbm>>
          %dma_wait3A_210 = tpu.memref_slice %arg8[%add3A_205] : memref<8388608xf32, #tpu.memory_space<hbm>> -> memref<4096xf32, #tpu.memory_space<hbm>>
          tpu.wait_dma2 semaphore(%run_scoped3A : memref<!tpu.dma_semaphore, #tpu.memory_space<semaphore_mem>>) src(%arg31 : memref<4096xf32, #tpu.memory_space<vmem>>) dst(%dma_wait3A_210 : memref<4096xf32, #tpu.memory_space<hbm>>)
          tpu.yield
        }) : () -> ()
        %mul3A_206 = arith.constant 4 : i32
        %mul3A_207 = arith.muli %mul3A_195, %mul3A_206 : i32
        "tpu.region"() ({
          %run_scoped3A = tpu.sem_alloc : memref<!tpu.dma_semaphore, #tpu.memory_space<semaphore_mem>>
          %dma_start3A = tpu.memref_slice %arg18[%mul3A_207] : memref<1048576xi32, #tpu.memory_space<hbm>> -> memref<16384xi32, #tpu.memory_space<hbm>>
          %dma_start3A_209 = tpu.memref_slice %arg18[%mul3A_207] : memref<1048576xi32, #tpu.memory_space<hbm>> -> memref<16384xi32, #tpu.memory_space<hbm>>
          tpu.enqueue_dma source(%arg32 : memref<16384xi32, #tpu.memory_space<vmem>>) target(%dma_start3A_209 : memref<16384xi32, #tpu.memory_space<hbm>>) target_semaphore(%run_scoped3A : memref<!tpu.dma_semaphore, #tpu.memory_space<semaphore_mem>>)
          %dma_wait3A = tpu.memref_slice %arg18[%mul3A_207] : memref<1048576xi32, #tpu.memory_space<hbm>> -> memref<16384xi32, #tpu.memory_space<hbm>>
          %dma_wait3A_210 = tpu.memref_slice %arg18[%mul3A_207] : memref<1048576xi32, #tpu.memory_space<hbm>> -> memref<16384xi32, #tpu.memory_space<hbm>>
          tpu.wait_dma2 semaphore(%run_scoped3A : memref<!tpu.dma_semaphore, #tpu.memory_space<semaphore_mem>>) src(%arg32 : memref<16384xi32, #tpu.memory_space<vmem>>) dst(%dma_wait3A_210 : memref<16384xi32, #tpu.memory_space<hbm>>)
          tpu.yield
        }) : () -> ()
        %scan3A_208 = arith.constant 0 : i32
        scf.yield %scan3A_208 : i32
      }
      %scan3A_191 = arith.constant 64 : i32
    } else {
    }
    %eq3A_138 = arith.constant 10 : i32
    %eq3A_139 = arith.cmpi eq, %select_n3A, %eq3A_138 : i32
    %eq3A_140 = arith.constant 0 : i32
    %eq3A_141 = arith.cmpi eq, %select_n3A_30, %eq3A_140 : i32
    %and3A_142 = arith.andi %eq3A_139, %eq3A_141 : i1
    %convert_element_type3A_143 = arith.extui %and3A_142 : i1 to i32
    %cond3A_144 = arith.constant 0 : i32
    %cond3A_145 = arith.cmpi ne, %convert_element_type3A_143, %cond3A_144 : i32
    scf.if %cond3A_145 {
      %scan3A = arith.constant 0 : i32
      %scan3A_186 = arith.constant 0 : i32
      %scan3A_187 = arith.constant 64 : i32
      %scan3A_188 = arith.addi %scan3A_186, %scan3A_187 : i32
      %scan3A_189 = arith.constant 1 : i32
      %scan3A_190 = scf.for %scan3A_192 = %scan3A_186 to %scan3A_188 step %scan3A_189 iter_args(%scan3A_193 = %scan3A) -> (i32)  : i32 {
        %mul3A_194 = arith.constant 4096 : i32
        %mul3A_195 = arith.muli %scan3A_192, %mul3A_194 : i32
        "tpu.region"() ({
          %run_scoped3A = tpu.sem_alloc : memref<!tpu.dma_semaphore, #tpu.memory_space<semaphore_mem>>
          %dma_start3A = tpu.memref_slice %arg2[%mul3A_195] : memref<262144xf32, #tpu.memory_space<hbm>> -> memref<4096xf32, #tpu.memory_space<hbm>>
          %dma_start3A_209 = tpu.memref_slice %arg2[%mul3A_195] : memref<262144xf32, #tpu.memory_space<hbm>> -> memref<4096xf32, #tpu.memory_space<hbm>>
          tpu.enqueue_dma source(%dma_start3A_209 : memref<4096xf32, #tpu.memory_space<hbm>>) target(%arg29 : memref<4096xf32, #tpu.memory_space<vmem>>) target_semaphore(%run_scoped3A : memref<!tpu.dma_semaphore, #tpu.memory_space<semaphore_mem>>)
          %dma_wait3A = tpu.memref_slice %arg2[%mul3A_195] : memref<262144xf32, #tpu.memory_space<hbm>> -> memref<4096xf32, #tpu.memory_space<hbm>>
          %dma_wait3A_210 = tpu.memref_slice %arg2[%mul3A_195] : memref<262144xf32, #tpu.memory_space<hbm>> -> memref<4096xf32, #tpu.memory_space<hbm>>
          tpu.wait_dma2 semaphore(%run_scoped3A : memref<!tpu.dma_semaphore, #tpu.memory_space<semaphore_mem>>) src(%dma_wait3A_210 : memref<4096xf32, #tpu.memory_space<hbm>>) dst(%arg29 : memref<4096xf32, #tpu.memory_space<vmem>>)
          tpu.yield
        }) : () -> ()
        "tpu.region"() ({
          %run_scoped3A = tpu.sem_alloc : memref<!tpu.dma_semaphore, #tpu.memory_space<semaphore_mem>>
          %dma_start3A = tpu.memref_slice %arg3[%mul3A_195] : memref<262144xf32, #tpu.memory_space<hbm>> -> memref<4096xf32, #tpu.memory_space<hbm>>
          %dma_start3A_209 = tpu.memref_slice %arg3[%mul3A_195] : memref<262144xf32, #tpu.memory_space<hbm>> -> memref<4096xf32, #tpu.memory_space<hbm>>
          tpu.enqueue_dma source(%dma_start3A_209 : memref<4096xf32, #tpu.memory_space<hbm>>) target(%arg30 : memref<4096xf32, #tpu.memory_space<vmem>>) target_semaphore(%run_scoped3A : memref<!tpu.dma_semaphore, #tpu.memory_space<semaphore_mem>>)
          %dma_wait3A = tpu.memref_slice %arg3[%mul3A_195] : memref<262144xf32, #tpu.memory_space<hbm>> -> memref<4096xf32, #tpu.memory_space<hbm>>
          %dma_wait3A_210 = tpu.memref_slice %arg3[%mul3A_195] : memref<262144xf32, #tpu.memory_space<hbm>> -> memref<4096xf32, #tpu.memory_space<hbm>>
          tpu.wait_dma2 semaphore(%run_scoped3A : memref<!tpu.dma_semaphore, #tpu.memory_space<semaphore_mem>>) src(%dma_wait3A_210 : memref<4096xf32, #tpu.memory_space<hbm>>) dst(%arg30 : memref<4096xf32, #tpu.memory_space<vmem>>)
          tpu.yield
        }) : () -> ()
        %scan3A_196 = arith.constant 0 : i32
        %scan3A_197 = arith.constant 0 : i32
        %scan3A_198 = arith.constant 256 : i32
        %scan3A_199 = arith.addi %scan3A_197, %scan3A_198 : i32
        %scan3A_200 = arith.constant 1 : i32
        %scan3A_201 = scf.for %scan3A_209 = %scan3A_197 to %scan3A_199 step %scan3A_200 iter_args(%scan3A_210 = %scan3A_196) -> (i32)  : i32 {
          %mul3A_211 = arith.constant 16 : i32
          %mul3A_212 = arith.muli %scan3A_209, %mul3A_211 : i32
          %get3A = arith.index_cast %mul3A_212 : i32 to index
          %get3A_213 = tpu.vector_load %arg29[%get3A] {strides = array<i32>} : memref<4096xf32, #tpu.memory_space<vmem>>, vector<16xf32>,
          %get3A_214 = arith.index_cast %mul3A_212 : i32 to index
          %get3A_215 = tpu.vector_load %arg30[%get3A_214] {strides = array<i32>} : memref<4096xf32, #tpu.memory_space<vmem>>, vector<16xf32>,
          %mul3A_216 = arith.mulf %get3A_213, %gather3A_41 : vector<16xf32>
          %convert_element_type3A_217 = arith.fptosi %mul3A_216 : vector<16xf32> to vector<16xi32>
          %mul3A_218 = arith.mulf %get3A_215, %gather3A_41 : vector<16xf32>
          %convert_element_type3A_219 = arith.fptosi %mul3A_218 : vector<16xf32> to vector<16xi32>
          %convert_element_type3A_220 = arith.sitofp %convert_element_type3A_217 : vector<16xi32> to vector<16xf32>
          %convert_element_type3A_221 = arith.sitofp %convert_element_type3A_219 : vector<16xi32> to vector<16xf32>
          %mul3A_222 = arith.mulf %convert_element_type3A_220, %gather3A : vector<16xf32>
          %mul3A_223 = arith.mulf %convert_element_type3A_221, %gather3A : vector<16xf32>
          %add3A_224 = arith.addf %mul3A_222, %gather3A : vector<16xf32>
          %sub3A_225 = arith.subf %add3A_224, %mul3A_222 : vector<16xf32>
          %add3A_226 = arith.addf %mul3A_223, %gather3A : vector<16xf32>
          %sub3A_227 = arith.subf %add3A_226, %mul3A_223 : vector<16xf32>
          %sub3A_228 = arith.subf %get3A_213, %mul3A_222 : vector<16xf32>
          %div3A_229 = arith.divf %sub3A_228, %sub3A_225 : vector<16xf32>
          %sub3A_230 = arith.subf %get3A_215, %mul3A_223 : vector<16xf32>
          %div3A_231 = arith.divf %sub3A_230, %sub3A_227 : vector<16xf32>
          %mul3A_232 = arith.muli %convert_element_type3A_217, %gather3A_46 : vector<16xi32>
          %add3A_233 = arith.addi %mul3A_232, %convert_element_type3A_219 : vector<16xi32>
          %add3A_234 = arith.constant 1 : i32
          %add3A_235 = vector.broadcast %add3A_234 : i32 to vector<16xi32>
          %add3A_236 = arith.addi %add3A_233, %add3A_235 : vector<16xi32>
          %add3A_237 = arith.addi %add3A_233, %gather3A_46 : vector<16xi32>
          %add3A_238 = arith.addi %add3A_233, %gather3A_46 : vector<16xi32>
          %add3A_239 = arith.constant 1 : i32
          %add3A_240 = vector.broadcast %add3A_239 : i32 to vector<16xi32>
          %add3A_241 = arith.addi %add3A_238, %add3A_240 : vector<16xi32>
          %mul3A_242 = arith.muli %convert_element_type3A_219, %broadcast_in_dim3A_51 : vector<16xi32>
          %add3A_243 = arith.addi %mul3A_242, %broadcast_in_dim3A_51 : vector<16xi32>
          %add3A_244 = arith.constant 1 : i32
          %add3A_245 = vector.broadcast %add3A_244 : i32 to vector<16xi32>
          %add3A_246 = arith.addi %convert_element_type3A_217, %add3A_245 : vector<16xi32>
          %xor3A = arith.xori %convert_element_type3A_217, %mul3A_242 : vector<16xi32>
          %and3A_247 = arith.andi %xor3A, %broadcast_in_dim3A_49 : vector<16xi32>
          %xor3A_248 = arith.xori %convert_element_type3A_217, %add3A_243 : vector<16xi32>
          %and3A_249 = arith.andi %xor3A_248, %broadcast_in_dim3A_49 : vector<16xi32>
          %xor3A_250 = arith.xori %add3A_246, %mul3A_242 : vector<16xi32>
          %and3A_251 = arith.andi %xor3A_250, %broadcast_in_dim3A_49 : vector<16xi32>
          %xor3A_252 = arith.xori %add3A_246, %add3A_243 : vector<16xi32>
          %and3A_253 = arith.andi %xor3A_252, %broadcast_in_dim3A_49 : vector<16xi32>
          %select_n3A_254 = arith.select %lt3A_53, %add3A_233, %and3A_247 : vector<16xi32>
          %select_n3A_255 = arith.select %lt3A_53, %add3A_236, %and3A_249 : vector<16xi32>
          %select_n3A_256 = arith.select %lt3A_53, %add3A_237, %and3A_251 : vector<16xi32>
          %select_n3A_257 = arith.select %lt3A_53, %add3A_241, %and3A_253 : vector<16xi32>
          %gather3A_258 = tpu.vector_load_idx %arg25[%select_n3A_254] : memref<65536xf32, #tpu.memory_space<vmem>>[vector<16xi32>], vector<16xf32>,
          %gather3A_259 = tpu.vector_load_idx %arg25[%select_n3A_255] : memref<65536xf32, #tpu.memory_space<vmem>>[vector<16xi32>], vector<16xf32>,
          %gather3A_260 = tpu.vector_load_idx %arg25[%select_n3A_256] : memref<65536xf32, #tpu.memory_space<vmem>>[vector<16xi32>], vector<16xf32>,
          %gather3A_261 = tpu.vector_load_idx %arg25[%select_n3A_257] : memref<65536xf32, #tpu.memory_space<vmem>>[vector<16xi32>], vector<16xf32>,
          %sub3A_262 = arith.subf %broadcast_in_dim3A_47, %div3A_231 : vector<16xf32>
          %mul3A_263 = arith.mulf %gather3A_258, %sub3A_262 : vector<16xf32>
          %mul3A_264 = arith.mulf %gather3A_259, %div3A_231 : vector<16xf32>
          %add3A_265 = arith.addf %mul3A_263, %mul3A_264 : vector<16xf32>
          %sub3A_266 = arith.subf %broadcast_in_dim3A_47, %div3A_231 : vector<16xf32>
          %mul3A_267 = arith.mulf %gather3A_260, %sub3A_266 : vector<16xf32>
          %mul3A_268 = arith.mulf %gather3A_261, %div3A_231 : vector<16xf32>
          %add3A_269 = arith.addf %mul3A_267, %mul3A_268 : vector<16xf32>
          %sub3A_270 = arith.subf %broadcast_in_dim3A_47, %div3A_229 : vector<16xf32>
          %mul3A_271 = arith.mulf %add3A_265, %sub3A_270 : vector<16xf32>
          %mul3A_272 = arith.mulf %add3A_269, %div3A_229 : vector<16xf32>
          %add3A_273 = arith.addf %mul3A_271, %mul3A_272 : vector<16xf32>
          %swap3A = arith.index_cast %mul3A_212 : i32 to index
          %swap3A_274 = tpu.vector_load %arg31[%swap3A] {strides = array<i32>} : memref<4096xf32, #tpu.memory_space<vmem>>, vector<16xf32>,
          tpu.vector_store %arg31[%swap3A], %add3A_273 {strides = array<i32>} : memref<4096xf32, #tpu.memory_space<vmem>>, vector<16xf32>,
          %add3A_275 = vector.broadcast %mul3A_212 : i32 to vector<16xi32>
          %add3A_276 = arith.addi %iota3A, %add3A_275 : vector<16xi32>
          %mul3A_277 = arith.constant 4 : i32
          %mul3A_278 = vector.broadcast %mul3A_277 : i32 to vector<16xi32>
          %mul3A_279 = arith.muli %add3A_276, %mul3A_278 : vector<16xi32>
          tpu.vector_store_idx %arg32[%mul3A_279], %select_n3A_254 : memref<16384xi32, #tpu.memory_space<vmem>>[vector<16xi32>], vector<16xi32>,
          %add3A_280 = arith.constant 1 : i32
          %add3A_281 = vector.broadcast %add3A_280 : i32 to vector<16xi32>
          %add3A_282 = arith.addi %mul3A_279, %add3A_281 : vector<16xi32>
          tpu.vector_store_idx %arg32[%add3A_282], %select_n3A_255 : memref<16384xi32, #tpu.memory_space<vmem>>[vector<16xi32>], vector<16xi32>,
          %add3A_283 = arith.constant 2 : i32
          %add3A_284 = vector.broadcast %add3A_283 : i32 to vector<16xi32>
          %add3A_285 = arith.addi %mul3A_279, %add3A_284 : vector<16xi32>
          tpu.vector_store_idx %arg32[%add3A_285], %select_n3A_256 : memref<16384xi32, #tpu.memory_space<vmem>>[vector<16xi32>], vector<16xi32>,
          %add3A_286 = arith.constant 3 : i32
          %add3A_287 = vector.broadcast %add3A_286 : i32 to vector<16xi32>
          %add3A_288 = arith.addi %mul3A_279, %add3A_287 : vector<16xi32>
          tpu.vector_store_idx %arg32[%add3A_288], %select_n3A_257 : memref<16384xi32, #tpu.memory_space<vmem>>[vector<16xi32>], vector<16xi32>,
          %scan3A_289 = arith.constant 0 : i32
          scf.yield %scan3A_289 : i32
        }
        %scan3A_202 = arith.constant 256 : i32
        %mul3A_203 = arith.constant 262144 : i32
        %mul3A_204 = arith.muli %add3A, %mul3A_203 : i32
        %add3A_205 = arith.addi %mul3A_204, %mul3A_195 : i32
        "tpu.region"() ({
          %run_scoped3A = tpu.sem_alloc : memref<!tpu.dma_semaphore, #tpu.memory_space<semaphore_mem>>
          %dma_start3A = tpu.memref_slice %arg8[%add3A_205] : memref<8388608xf32, #tpu.memory_space<hbm>> -> memref<4096xf32, #tpu.memory_space<hbm>>
          %dma_start3A_209 = tpu.memref_slice %arg8[%add3A_205] : memref<8388608xf32, #tpu.memory_space<hbm>> -> memref<4096xf32, #tpu.memory_space<hbm>>
          tpu.enqueue_dma source(%arg31 : memref<4096xf32, #tpu.memory_space<vmem>>) target(%dma_start3A_209 : memref<4096xf32, #tpu.memory_space<hbm>>) target_semaphore(%run_scoped3A : memref<!tpu.dma_semaphore, #tpu.memory_space<semaphore_mem>>)
          %dma_wait3A = tpu.memref_slice %arg8[%add3A_205] : memref<8388608xf32, #tpu.memory_space<hbm>> -> memref<4096xf32, #tpu.memory_space<hbm>>
          %dma_wait3A_210 = tpu.memref_slice %arg8[%add3A_205] : memref<8388608xf32, #tpu.memory_space<hbm>> -> memref<4096xf32, #tpu.memory_space<hbm>>
          tpu.wait_dma2 semaphore(%run_scoped3A : memref<!tpu.dma_semaphore, #tpu.memory_space<semaphore_mem>>) src(%arg31 : memref<4096xf32, #tpu.memory_space<vmem>>) dst(%dma_wait3A_210 : memref<4096xf32, #tpu.memory_space<hbm>>)
          tpu.yield
        }) : () -> ()
        %mul3A_206 = arith.constant 4 : i32
        %mul3A_207 = arith.muli %mul3A_195, %mul3A_206 : i32
        "tpu.region"() ({
          %run_scoped3A = tpu.sem_alloc : memref<!tpu.dma_semaphore, #tpu.memory_space<semaphore_mem>>
          %dma_start3A = tpu.memref_slice %arg19[%mul3A_207] : memref<1048576xi32, #tpu.memory_space<hbm>> -> memref<16384xi32, #tpu.memory_space<hbm>>
          %dma_start3A_209 = tpu.memref_slice %arg19[%mul3A_207] : memref<1048576xi32, #tpu.memory_space<hbm>> -> memref<16384xi32, #tpu.memory_space<hbm>>
          tpu.enqueue_dma source(%arg32 : memref<16384xi32, #tpu.memory_space<vmem>>) target(%dma_start3A_209 : memref<16384xi32, #tpu.memory_space<hbm>>) target_semaphore(%run_scoped3A : memref<!tpu.dma_semaphore, #tpu.memory_space<semaphore_mem>>)
          %dma_wait3A = tpu.memref_slice %arg19[%mul3A_207] : memref<1048576xi32, #tpu.memory_space<hbm>> -> memref<16384xi32, #tpu.memory_space<hbm>>
          %dma_wait3A_210 = tpu.memref_slice %arg19[%mul3A_207] : memref<1048576xi32, #tpu.memory_space<hbm>> -> memref<16384xi32, #tpu.memory_space<hbm>>
          tpu.wait_dma2 semaphore(%run_scoped3A : memref<!tpu.dma_semaphore, #tpu.memory_space<semaphore_mem>>) src(%arg32 : memref<16384xi32, #tpu.memory_space<vmem>>) dst(%dma_wait3A_210 : memref<16384xi32, #tpu.memory_space<hbm>>)
          tpu.yield
        }) : () -> ()
        %scan3A_208 = arith.constant 0 : i32
        scf.yield %scan3A_208 : i32
      }
      %scan3A_191 = arith.constant 64 : i32
    } else {
    }
    %eq3A_146 = arith.constant 11 : i32
    %eq3A_147 = arith.cmpi eq, %select_n3A, %eq3A_146 : i32
    %eq3A_148 = arith.constant 0 : i32
    %eq3A_149 = arith.cmpi eq, %select_n3A_30, %eq3A_148 : i32
    %and3A_150 = arith.andi %eq3A_147, %eq3A_149 : i1
    %convert_element_type3A_151 = arith.extui %and3A_150 : i1 to i32
    %cond3A_152 = arith.constant 0 : i32
    %cond3A_153 = arith.cmpi ne, %convert_element_type3A_151, %cond3A_152 : i32
    scf.if %cond3A_153 {
      %scan3A = arith.constant 0 : i32
      %scan3A_186 = arith.constant 0 : i32
      %scan3A_187 = arith.constant 64 : i32
      %scan3A_188 = arith.addi %scan3A_186, %scan3A_187 : i32
      %scan3A_189 = arith.constant 1 : i32
      %scan3A_190 = scf.for %scan3A_192 = %scan3A_186 to %scan3A_188 step %scan3A_189 iter_args(%scan3A_193 = %scan3A) -> (i32)  : i32 {
        %mul3A_194 = arith.constant 4096 : i32
        %mul3A_195 = arith.muli %scan3A_192, %mul3A_194 : i32
        "tpu.region"() ({
          %run_scoped3A = tpu.sem_alloc : memref<!tpu.dma_semaphore, #tpu.memory_space<semaphore_mem>>
          %dma_start3A = tpu.memref_slice %arg2[%mul3A_195] : memref<262144xf32, #tpu.memory_space<hbm>> -> memref<4096xf32, #tpu.memory_space<hbm>>
          %dma_start3A_209 = tpu.memref_slice %arg2[%mul3A_195] : memref<262144xf32, #tpu.memory_space<hbm>> -> memref<4096xf32, #tpu.memory_space<hbm>>
          tpu.enqueue_dma source(%dma_start3A_209 : memref<4096xf32, #tpu.memory_space<hbm>>) target(%arg29 : memref<4096xf32, #tpu.memory_space<vmem>>) target_semaphore(%run_scoped3A : memref<!tpu.dma_semaphore, #tpu.memory_space<semaphore_mem>>)
          %dma_wait3A = tpu.memref_slice %arg2[%mul3A_195] : memref<262144xf32, #tpu.memory_space<hbm>> -> memref<4096xf32, #tpu.memory_space<hbm>>
          %dma_wait3A_210 = tpu.memref_slice %arg2[%mul3A_195] : memref<262144xf32, #tpu.memory_space<hbm>> -> memref<4096xf32, #tpu.memory_space<hbm>>
          tpu.wait_dma2 semaphore(%run_scoped3A : memref<!tpu.dma_semaphore, #tpu.memory_space<semaphore_mem>>) src(%dma_wait3A_210 : memref<4096xf32, #tpu.memory_space<hbm>>) dst(%arg29 : memref<4096xf32, #tpu.memory_space<vmem>>)
          tpu.yield
        }) : () -> ()
        "tpu.region"() ({
          %run_scoped3A = tpu.sem_alloc : memref<!tpu.dma_semaphore, #tpu.memory_space<semaphore_mem>>
          %dma_start3A = tpu.memref_slice %arg3[%mul3A_195] : memref<262144xf32, #tpu.memory_space<hbm>> -> memref<4096xf32, #tpu.memory_space<hbm>>
          %dma_start3A_209 = tpu.memref_slice %arg3[%mul3A_195] : memref<262144xf32, #tpu.memory_space<hbm>> -> memref<4096xf32, #tpu.memory_space<hbm>>
          tpu.enqueue_dma source(%dma_start3A_209 : memref<4096xf32, #tpu.memory_space<hbm>>) target(%arg30 : memref<4096xf32, #tpu.memory_space<vmem>>) target_semaphore(%run_scoped3A : memref<!tpu.dma_semaphore, #tpu.memory_space<semaphore_mem>>)
          %dma_wait3A = tpu.memref_slice %arg3[%mul3A_195] : memref<262144xf32, #tpu.memory_space<hbm>> -> memref<4096xf32, #tpu.memory_space<hbm>>
          %dma_wait3A_210 = tpu.memref_slice %arg3[%mul3A_195] : memref<262144xf32, #tpu.memory_space<hbm>> -> memref<4096xf32, #tpu.memory_space<hbm>>
          tpu.wait_dma2 semaphore(%run_scoped3A : memref<!tpu.dma_semaphore, #tpu.memory_space<semaphore_mem>>) src(%dma_wait3A_210 : memref<4096xf32, #tpu.memory_space<hbm>>) dst(%arg30 : memref<4096xf32, #tpu.memory_space<vmem>>)
          tpu.yield
        }) : () -> ()
        %scan3A_196 = arith.constant 0 : i32
        %scan3A_197 = arith.constant 0 : i32
        %scan3A_198 = arith.constant 256 : i32
        %scan3A_199 = arith.addi %scan3A_197, %scan3A_198 : i32
        %scan3A_200 = arith.constant 1 : i32
        %scan3A_201 = scf.for %scan3A_209 = %scan3A_197 to %scan3A_199 step %scan3A_200 iter_args(%scan3A_210 = %scan3A_196) -> (i32)  : i32 {
          %mul3A_211 = arith.constant 16 : i32
          %mul3A_212 = arith.muli %scan3A_209, %mul3A_211 : i32
          %get3A = arith.index_cast %mul3A_212 : i32 to index
          %get3A_213 = tpu.vector_load %arg29[%get3A] {strides = array<i32>} : memref<4096xf32, #tpu.memory_space<vmem>>, vector<16xf32>,
          %get3A_214 = arith.index_cast %mul3A_212 : i32 to index
          %get3A_215 = tpu.vector_load %arg30[%get3A_214] {strides = array<i32>} : memref<4096xf32, #tpu.memory_space<vmem>>, vector<16xf32>,
          %mul3A_216 = arith.mulf %get3A_213, %gather3A_41 : vector<16xf32>
          %convert_element_type3A_217 = arith.fptosi %mul3A_216 : vector<16xf32> to vector<16xi32>
          %mul3A_218 = arith.mulf %get3A_215, %gather3A_41 : vector<16xf32>
          %convert_element_type3A_219 = arith.fptosi %mul3A_218 : vector<16xf32> to vector<16xi32>
          %convert_element_type3A_220 = arith.sitofp %convert_element_type3A_217 : vector<16xi32> to vector<16xf32>
          %convert_element_type3A_221 = arith.sitofp %convert_element_type3A_219 : vector<16xi32> to vector<16xf32>
          %mul3A_222 = arith.mulf %convert_element_type3A_220, %gather3A : vector<16xf32>
          %mul3A_223 = arith.mulf %convert_element_type3A_221, %gather3A : vector<16xf32>
          %add3A_224 = arith.addf %mul3A_222, %gather3A : vector<16xf32>
          %sub3A_225 = arith.subf %add3A_224, %mul3A_222 : vector<16xf32>
          %add3A_226 = arith.addf %mul3A_223, %gather3A : vector<16xf32>
          %sub3A_227 = arith.subf %add3A_226, %mul3A_223 : vector<16xf32>
          %sub3A_228 = arith.subf %get3A_213, %mul3A_222 : vector<16xf32>
          %div3A_229 = arith.divf %sub3A_228, %sub3A_225 : vector<16xf32>
          %sub3A_230 = arith.subf %get3A_215, %mul3A_223 : vector<16xf32>
          %div3A_231 = arith.divf %sub3A_230, %sub3A_227 : vector<16xf32>
          %mul3A_232 = arith.muli %convert_element_type3A_217, %gather3A_46 : vector<16xi32>
          %add3A_233 = arith.addi %mul3A_232, %convert_element_type3A_219 : vector<16xi32>
          %add3A_234 = arith.constant 1 : i32
          %add3A_235 = vector.broadcast %add3A_234 : i32 to vector<16xi32>
          %add3A_236 = arith.addi %add3A_233, %add3A_235 : vector<16xi32>
          %add3A_237 = arith.addi %add3A_233, %gather3A_46 : vector<16xi32>
          %add3A_238 = arith.addi %add3A_233, %gather3A_46 : vector<16xi32>
          %add3A_239 = arith.constant 1 : i32
          %add3A_240 = vector.broadcast %add3A_239 : i32 to vector<16xi32>
          %add3A_241 = arith.addi %add3A_238, %add3A_240 : vector<16xi32>
          %mul3A_242 = arith.muli %convert_element_type3A_219, %broadcast_in_dim3A_51 : vector<16xi32>
          %add3A_243 = arith.addi %mul3A_242, %broadcast_in_dim3A_51 : vector<16xi32>
          %add3A_244 = arith.constant 1 : i32
          %add3A_245 = vector.broadcast %add3A_244 : i32 to vector<16xi32>
          %add3A_246 = arith.addi %convert_element_type3A_217, %add3A_245 : vector<16xi32>
          %xor3A = arith.xori %convert_element_type3A_217, %mul3A_242 : vector<16xi32>
          %and3A_247 = arith.andi %xor3A, %broadcast_in_dim3A_49 : vector<16xi32>
          %xor3A_248 = arith.xori %convert_element_type3A_217, %add3A_243 : vector<16xi32>
          %and3A_249 = arith.andi %xor3A_248, %broadcast_in_dim3A_49 : vector<16xi32>
          %xor3A_250 = arith.xori %add3A_246, %mul3A_242 : vector<16xi32>
          %and3A_251 = arith.andi %xor3A_250, %broadcast_in_dim3A_49 : vector<16xi32>
          %xor3A_252 = arith.xori %add3A_246, %add3A_243 : vector<16xi32>
          %and3A_253 = arith.andi %xor3A_252, %broadcast_in_dim3A_49 : vector<16xi32>
          %select_n3A_254 = arith.select %lt3A_53, %add3A_233, %and3A_247 : vector<16xi32>
          %select_n3A_255 = arith.select %lt3A_53, %add3A_236, %and3A_249 : vector<16xi32>
          %select_n3A_256 = arith.select %lt3A_53, %add3A_237, %and3A_251 : vector<16xi32>
          %select_n3A_257 = arith.select %lt3A_53, %add3A_241, %and3A_253 : vector<16xi32>
          %gather3A_258 = tpu.vector_load_idx %arg25[%select_n3A_254] : memref<65536xf32, #tpu.memory_space<vmem>>[vector<16xi32>], vector<16xf32>,
          %gather3A_259 = tpu.vector_load_idx %arg25[%select_n3A_255] : memref<65536xf32, #tpu.memory_space<vmem>>[vector<16xi32>], vector<16xf32>,
          %gather3A_260 = tpu.vector_load_idx %arg25[%select_n3A_256] : memref<65536xf32, #tpu.memory_space<vmem>>[vector<16xi32>], vector<16xf32>,
          %gather3A_261 = tpu.vector_load_idx %arg25[%select_n3A_257] : memref<65536xf32, #tpu.memory_space<vmem>>[vector<16xi32>], vector<16xf32>,
          %sub3A_262 = arith.subf %broadcast_in_dim3A_47, %div3A_231 : vector<16xf32>
          %mul3A_263 = arith.mulf %gather3A_258, %sub3A_262 : vector<16xf32>
          %mul3A_264 = arith.mulf %gather3A_259, %div3A_231 : vector<16xf32>
          %add3A_265 = arith.addf %mul3A_263, %mul3A_264 : vector<16xf32>
          %sub3A_266 = arith.subf %broadcast_in_dim3A_47, %div3A_231 : vector<16xf32>
          %mul3A_267 = arith.mulf %gather3A_260, %sub3A_266 : vector<16xf32>
          %mul3A_268 = arith.mulf %gather3A_261, %div3A_231 : vector<16xf32>
          %add3A_269 = arith.addf %mul3A_267, %mul3A_268 : vector<16xf32>
          %sub3A_270 = arith.subf %broadcast_in_dim3A_47, %div3A_229 : vector<16xf32>
          %mul3A_271 = arith.mulf %add3A_265, %sub3A_270 : vector<16xf32>
          %mul3A_272 = arith.mulf %add3A_269, %div3A_229 : vector<16xf32>
          %add3A_273 = arith.addf %mul3A_271, %mul3A_272 : vector<16xf32>
          %swap3A = arith.index_cast %mul3A_212 : i32 to index
          %swap3A_274 = tpu.vector_load %arg31[%swap3A] {strides = array<i32>} : memref<4096xf32, #tpu.memory_space<vmem>>, vector<16xf32>,
          tpu.vector_store %arg31[%swap3A], %add3A_273 {strides = array<i32>} : memref<4096xf32, #tpu.memory_space<vmem>>, vector<16xf32>,
          %add3A_275 = vector.broadcast %mul3A_212 : i32 to vector<16xi32>
          %add3A_276 = arith.addi %iota3A, %add3A_275 : vector<16xi32>
          %mul3A_277 = arith.constant 4 : i32
          %mul3A_278 = vector.broadcast %mul3A_277 : i32 to vector<16xi32>
          %mul3A_279 = arith.muli %add3A_276, %mul3A_278 : vector<16xi32>
          tpu.vector_store_idx %arg32[%mul3A_279], %select_n3A_254 : memref<16384xi32, #tpu.memory_space<vmem>>[vector<16xi32>], vector<16xi32>,
          %add3A_280 = arith.constant 1 : i32
          %add3A_281 = vector.broadcast %add3A_280 : i32 to vector<16xi32>
          %add3A_282 = arith.addi %mul3A_279, %add3A_281 : vector<16xi32>
          tpu.vector_store_idx %arg32[%add3A_282], %select_n3A_255 : memref<16384xi32, #tpu.memory_space<vmem>>[vector<16xi32>], vector<16xi32>,
          %add3A_283 = arith.constant 2 : i32
          %add3A_284 = vector.broadcast %add3A_283 : i32 to vector<16xi32>
          %add3A_285 = arith.addi %mul3A_279, %add3A_284 : vector<16xi32>
          tpu.vector_store_idx %arg32[%add3A_285], %select_n3A_256 : memref<16384xi32, #tpu.memory_space<vmem>>[vector<16xi32>], vector<16xi32>,
          %add3A_286 = arith.constant 3 : i32
          %add3A_287 = vector.broadcast %add3A_286 : i32 to vector<16xi32>
          %add3A_288 = arith.addi %mul3A_279, %add3A_287 : vector<16xi32>
          tpu.vector_store_idx %arg32[%add3A_288], %select_n3A_257 : memref<16384xi32, #tpu.memory_space<vmem>>[vector<16xi32>], vector<16xi32>,
          %scan3A_289 = arith.constant 0 : i32
          scf.yield %scan3A_289 : i32
        }
        %scan3A_202 = arith.constant 256 : i32
        %mul3A_203 = arith.constant 262144 : i32
        %mul3A_204 = arith.muli %add3A, %mul3A_203 : i32
        %add3A_205 = arith.addi %mul3A_204, %mul3A_195 : i32
        "tpu.region"() ({
          %run_scoped3A = tpu.sem_alloc : memref<!tpu.dma_semaphore, #tpu.memory_space<semaphore_mem>>
          %dma_start3A = tpu.memref_slice %arg8[%add3A_205] : memref<8388608xf32, #tpu.memory_space<hbm>> -> memref<4096xf32, #tpu.memory_space<hbm>>
          %dma_start3A_209 = tpu.memref_slice %arg8[%add3A_205] : memref<8388608xf32, #tpu.memory_space<hbm>> -> memref<4096xf32, #tpu.memory_space<hbm>>
          tpu.enqueue_dma source(%arg31 : memref<4096xf32, #tpu.memory_space<vmem>>) target(%dma_start3A_209 : memref<4096xf32, #tpu.memory_space<hbm>>) target_semaphore(%run_scoped3A : memref<!tpu.dma_semaphore, #tpu.memory_space<semaphore_mem>>)
          %dma_wait3A = tpu.memref_slice %arg8[%add3A_205] : memref<8388608xf32, #tpu.memory_space<hbm>> -> memref<4096xf32, #tpu.memory_space<hbm>>
          %dma_wait3A_210 = tpu.memref_slice %arg8[%add3A_205] : memref<8388608xf32, #tpu.memory_space<hbm>> -> memref<4096xf32, #tpu.memory_space<hbm>>
          tpu.wait_dma2 semaphore(%run_scoped3A : memref<!tpu.dma_semaphore, #tpu.memory_space<semaphore_mem>>) src(%arg31 : memref<4096xf32, #tpu.memory_space<vmem>>) dst(%dma_wait3A_210 : memref<4096xf32, #tpu.memory_space<hbm>>)
          tpu.yield
        }) : () -> ()
        %mul3A_206 = arith.constant 4 : i32
        %mul3A_207 = arith.muli %mul3A_195, %mul3A_206 : i32
        "tpu.region"() ({
          %run_scoped3A = tpu.sem_alloc : memref<!tpu.dma_semaphore, #tpu.memory_space<semaphore_mem>>
          %dma_start3A = tpu.memref_slice %arg20[%mul3A_207] : memref<1048576xi32, #tpu.memory_space<hbm>> -> memref<16384xi32, #tpu.memory_space<hbm>>
          %dma_start3A_209 = tpu.memref_slice %arg20[%mul3A_207] : memref<1048576xi32, #tpu.memory_space<hbm>> -> memref<16384xi32, #tpu.memory_space<hbm>>
          tpu.enqueue_dma source(%arg32 : memref<16384xi32, #tpu.memory_space<vmem>>) target(%dma_start3A_209 : memref<16384xi32, #tpu.memory_space<hbm>>) target_semaphore(%run_scoped3A : memref<!tpu.dma_semaphore, #tpu.memory_space<semaphore_mem>>)
          %dma_wait3A = tpu.memref_slice %arg20[%mul3A_207] : memref<1048576xi32, #tpu.memory_space<hbm>> -> memref<16384xi32, #tpu.memory_space<hbm>>
          %dma_wait3A_210 = tpu.memref_slice %arg20[%mul3A_207] : memref<1048576xi32, #tpu.memory_space<hbm>> -> memref<16384xi32, #tpu.memory_space<hbm>>
          tpu.wait_dma2 semaphore(%run_scoped3A : memref<!tpu.dma_semaphore, #tpu.memory_space<semaphore_mem>>) src(%arg32 : memref<16384xi32, #tpu.memory_space<vmem>>) dst(%dma_wait3A_210 : memref<16384xi32, #tpu.memory_space<hbm>>)
          tpu.yield
        }) : () -> ()
        %scan3A_208 = arith.constant 0 : i32
        scf.yield %scan3A_208 : i32
      }
      %scan3A_191 = arith.constant 64 : i32
    } else {
    }
    %eq3A_154 = arith.constant 12 : i32
    %eq3A_155 = arith.cmpi eq, %select_n3A, %eq3A_154 : i32
    %eq3A_156 = arith.constant 0 : i32
    %eq3A_157 = arith.cmpi eq, %select_n3A_30, %eq3A_156 : i32
    %and3A_158 = arith.andi %eq3A_155, %eq3A_157 : i1
    %convert_element_type3A_159 = arith.extui %and3A_158 : i1 to i32
    %cond3A_160 = arith.constant 0 : i32
    %cond3A_161 = arith.cmpi ne, %convert_element_type3A_159, %cond3A_160 : i32
    scf.if %cond3A_161 {
      %scan3A = arith.constant 0 : i32
      %scan3A_186 = arith.constant 0 : i32
      %scan3A_187 = arith.constant 64 : i32
      %scan3A_188 = arith.addi %scan3A_186, %scan3A_187 : i32
      %scan3A_189 = arith.constant 1 : i32
      %scan3A_190 = scf.for %scan3A_192 = %scan3A_186 to %scan3A_188 step %scan3A_189 iter_args(%scan3A_193 = %scan3A) -> (i32)  : i32 {
        %mul3A_194 = arith.constant 4096 : i32
        %mul3A_195 = arith.muli %scan3A_192, %mul3A_194 : i32
        "tpu.region"() ({
          %run_scoped3A = tpu.sem_alloc : memref<!tpu.dma_semaphore, #tpu.memory_space<semaphore_mem>>
          %dma_start3A = tpu.memref_slice %arg2[%mul3A_195] : memref<262144xf32, #tpu.memory_space<hbm>> -> memref<4096xf32, #tpu.memory_space<hbm>>
          %dma_start3A_209 = tpu.memref_slice %arg2[%mul3A_195] : memref<262144xf32, #tpu.memory_space<hbm>> -> memref<4096xf32, #tpu.memory_space<hbm>>
          tpu.enqueue_dma source(%dma_start3A_209 : memref<4096xf32, #tpu.memory_space<hbm>>) target(%arg29 : memref<4096xf32, #tpu.memory_space<vmem>>) target_semaphore(%run_scoped3A : memref<!tpu.dma_semaphore, #tpu.memory_space<semaphore_mem>>)
          %dma_wait3A = tpu.memref_slice %arg2[%mul3A_195] : memref<262144xf32, #tpu.memory_space<hbm>> -> memref<4096xf32, #tpu.memory_space<hbm>>
          %dma_wait3A_210 = tpu.memref_slice %arg2[%mul3A_195] : memref<262144xf32, #tpu.memory_space<hbm>> -> memref<4096xf32, #tpu.memory_space<hbm>>
          tpu.wait_dma2 semaphore(%run_scoped3A : memref<!tpu.dma_semaphore, #tpu.memory_space<semaphore_mem>>) src(%dma_wait3A_210 : memref<4096xf32, #tpu.memory_space<hbm>>) dst(%arg29 : memref<4096xf32, #tpu.memory_space<vmem>>)
          tpu.yield
        }) : () -> ()
        "tpu.region"() ({
          %run_scoped3A = tpu.sem_alloc : memref<!tpu.dma_semaphore, #tpu.memory_space<semaphore_mem>>
          %dma_start3A = tpu.memref_slice %arg3[%mul3A_195] : memref<262144xf32, #tpu.memory_space<hbm>> -> memref<4096xf32, #tpu.memory_space<hbm>>
          %dma_start3A_209 = tpu.memref_slice %arg3[%mul3A_195] : memref<262144xf32, #tpu.memory_space<hbm>> -> memref<4096xf32, #tpu.memory_space<hbm>>
          tpu.enqueue_dma source(%dma_start3A_209 : memref<4096xf32, #tpu.memory_space<hbm>>) target(%arg30 : memref<4096xf32, #tpu.memory_space<vmem>>) target_semaphore(%run_scoped3A : memref<!tpu.dma_semaphore, #tpu.memory_space<semaphore_mem>>)
          %dma_wait3A = tpu.memref_slice %arg3[%mul3A_195] : memref<262144xf32, #tpu.memory_space<hbm>> -> memref<4096xf32, #tpu.memory_space<hbm>>
          %dma_wait3A_210 = tpu.memref_slice %arg3[%mul3A_195] : memref<262144xf32, #tpu.memory_space<hbm>> -> memref<4096xf32, #tpu.memory_space<hbm>>
          tpu.wait_dma2 semaphore(%run_scoped3A : memref<!tpu.dma_semaphore, #tpu.memory_space<semaphore_mem>>) src(%dma_wait3A_210 : memref<4096xf32, #tpu.memory_space<hbm>>) dst(%arg30 : memref<4096xf32, #tpu.memory_space<vmem>>)
          tpu.yield
        }) : () -> ()
        %scan3A_196 = arith.constant 0 : i32
        %scan3A_197 = arith.constant 0 : i32
        %scan3A_198 = arith.constant 256 : i32
        %scan3A_199 = arith.addi %scan3A_197, %scan3A_198 : i32
        %scan3A_200 = arith.constant 1 : i32
        %scan3A_201 = scf.for %scan3A_209 = %scan3A_197 to %scan3A_199 step %scan3A_200 iter_args(%scan3A_210 = %scan3A_196) -> (i32)  : i32 {
          %mul3A_211 = arith.constant 16 : i32
          %mul3A_212 = arith.muli %scan3A_209, %mul3A_211 : i32
          %get3A = arith.index_cast %mul3A_212 : i32 to index
          %get3A_213 = tpu.vector_load %arg29[%get3A] {strides = array<i32>} : memref<4096xf32, #tpu.memory_space<vmem>>, vector<16xf32>,
          %get3A_214 = arith.index_cast %mul3A_212 : i32 to index
          %get3A_215 = tpu.vector_load %arg30[%get3A_214] {strides = array<i32>} : memref<4096xf32, #tpu.memory_space<vmem>>, vector<16xf32>,
          %mul3A_216 = arith.mulf %get3A_213, %gather3A_41 : vector<16xf32>
          %convert_element_type3A_217 = arith.fptosi %mul3A_216 : vector<16xf32> to vector<16xi32>
          %mul3A_218 = arith.mulf %get3A_215, %gather3A_41 : vector<16xf32>
          %convert_element_type3A_219 = arith.fptosi %mul3A_218 : vector<16xf32> to vector<16xi32>
          %convert_element_type3A_220 = arith.sitofp %convert_element_type3A_217 : vector<16xi32> to vector<16xf32>
          %convert_element_type3A_221 = arith.sitofp %convert_element_type3A_219 : vector<16xi32> to vector<16xf32>
          %mul3A_222 = arith.mulf %convert_element_type3A_220, %gather3A : vector<16xf32>
          %mul3A_223 = arith.mulf %convert_element_type3A_221, %gather3A : vector<16xf32>
          %add3A_224 = arith.addf %mul3A_222, %gather3A : vector<16xf32>
          %sub3A_225 = arith.subf %add3A_224, %mul3A_222 : vector<16xf32>
          %add3A_226 = arith.addf %mul3A_223, %gather3A : vector<16xf32>
          %sub3A_227 = arith.subf %add3A_226, %mul3A_223 : vector<16xf32>
          %sub3A_228 = arith.subf %get3A_213, %mul3A_222 : vector<16xf32>
          %div3A_229 = arith.divf %sub3A_228, %sub3A_225 : vector<16xf32>
          %sub3A_230 = arith.subf %get3A_215, %mul3A_223 : vector<16xf32>
          %div3A_231 = arith.divf %sub3A_230, %sub3A_227 : vector<16xf32>
          %mul3A_232 = arith.muli %convert_element_type3A_217, %gather3A_46 : vector<16xi32>
          %add3A_233 = arith.addi %mul3A_232, %convert_element_type3A_219 : vector<16xi32>
          %add3A_234 = arith.constant 1 : i32
          %add3A_235 = vector.broadcast %add3A_234 : i32 to vector<16xi32>
          %add3A_236 = arith.addi %add3A_233, %add3A_235 : vector<16xi32>
          %add3A_237 = arith.addi %add3A_233, %gather3A_46 : vector<16xi32>
          %add3A_238 = arith.addi %add3A_233, %gather3A_46 : vector<16xi32>
          %add3A_239 = arith.constant 1 : i32
          %add3A_240 = vector.broadcast %add3A_239 : i32 to vector<16xi32>
          %add3A_241 = arith.addi %add3A_238, %add3A_240 : vector<16xi32>
          %mul3A_242 = arith.muli %convert_element_type3A_219, %broadcast_in_dim3A_51 : vector<16xi32>
          %add3A_243 = arith.addi %mul3A_242, %broadcast_in_dim3A_51 : vector<16xi32>
          %add3A_244 = arith.constant 1 : i32
          %add3A_245 = vector.broadcast %add3A_244 : i32 to vector<16xi32>
          %add3A_246 = arith.addi %convert_element_type3A_217, %add3A_245 : vector<16xi32>
          %xor3A = arith.xori %convert_element_type3A_217, %mul3A_242 : vector<16xi32>
          %and3A_247 = arith.andi %xor3A, %broadcast_in_dim3A_49 : vector<16xi32>
          %xor3A_248 = arith.xori %convert_element_type3A_217, %add3A_243 : vector<16xi32>
          %and3A_249 = arith.andi %xor3A_248, %broadcast_in_dim3A_49 : vector<16xi32>
          %xor3A_250 = arith.xori %add3A_246, %mul3A_242 : vector<16xi32>
          %and3A_251 = arith.andi %xor3A_250, %broadcast_in_dim3A_49 : vector<16xi32>
          %xor3A_252 = arith.xori %add3A_246, %add3A_243 : vector<16xi32>
          %and3A_253 = arith.andi %xor3A_252, %broadcast_in_dim3A_49 : vector<16xi32>
          %select_n3A_254 = arith.select %lt3A_53, %add3A_233, %and3A_247 : vector<16xi32>
          %select_n3A_255 = arith.select %lt3A_53, %add3A_236, %and3A_249 : vector<16xi32>
          %select_n3A_256 = arith.select %lt3A_53, %add3A_237, %and3A_251 : vector<16xi32>
          %select_n3A_257 = arith.select %lt3A_53, %add3A_241, %and3A_253 : vector<16xi32>
          %gather3A_258 = tpu.vector_load_idx %arg25[%select_n3A_254] : memref<65536xf32, #tpu.memory_space<vmem>>[vector<16xi32>], vector<16xf32>,
          %gather3A_259 = tpu.vector_load_idx %arg25[%select_n3A_255] : memref<65536xf32, #tpu.memory_space<vmem>>[vector<16xi32>], vector<16xf32>,
          %gather3A_260 = tpu.vector_load_idx %arg25[%select_n3A_256] : memref<65536xf32, #tpu.memory_space<vmem>>[vector<16xi32>], vector<16xf32>,
          %gather3A_261 = tpu.vector_load_idx %arg25[%select_n3A_257] : memref<65536xf32, #tpu.memory_space<vmem>>[vector<16xi32>], vector<16xf32>,
          %sub3A_262 = arith.subf %broadcast_in_dim3A_47, %div3A_231 : vector<16xf32>
          %mul3A_263 = arith.mulf %gather3A_258, %sub3A_262 : vector<16xf32>
          %mul3A_264 = arith.mulf %gather3A_259, %div3A_231 : vector<16xf32>
          %add3A_265 = arith.addf %mul3A_263, %mul3A_264 : vector<16xf32>
          %sub3A_266 = arith.subf %broadcast_in_dim3A_47, %div3A_231 : vector<16xf32>
          %mul3A_267 = arith.mulf %gather3A_260, %sub3A_266 : vector<16xf32>
          %mul3A_268 = arith.mulf %gather3A_261, %div3A_231 : vector<16xf32>
          %add3A_269 = arith.addf %mul3A_267, %mul3A_268 : vector<16xf32>
          %sub3A_270 = arith.subf %broadcast_in_dim3A_47, %div3A_229 : vector<16xf32>
          %mul3A_271 = arith.mulf %add3A_265, %sub3A_270 : vector<16xf32>
          %mul3A_272 = arith.mulf %add3A_269, %div3A_229 : vector<16xf32>
          %add3A_273 = arith.addf %mul3A_271, %mul3A_272 : vector<16xf32>
          %swap3A = arith.index_cast %mul3A_212 : i32 to index
          %swap3A_274 = tpu.vector_load %arg31[%swap3A] {strides = array<i32>} : memref<4096xf32, #tpu.memory_space<vmem>>, vector<16xf32>,
          tpu.vector_store %arg31[%swap3A], %add3A_273 {strides = array<i32>} : memref<4096xf32, #tpu.memory_space<vmem>>, vector<16xf32>,
          %add3A_275 = vector.broadcast %mul3A_212 : i32 to vector<16xi32>
          %add3A_276 = arith.addi %iota3A, %add3A_275 : vector<16xi32>
          %mul3A_277 = arith.constant 4 : i32
          %mul3A_278 = vector.broadcast %mul3A_277 : i32 to vector<16xi32>
          %mul3A_279 = arith.muli %add3A_276, %mul3A_278 : vector<16xi32>
          tpu.vector_store_idx %arg32[%mul3A_279], %select_n3A_254 : memref<16384xi32, #tpu.memory_space<vmem>>[vector<16xi32>], vector<16xi32>,
          %add3A_280 = arith.constant 1 : i32
          %add3A_281 = vector.broadcast %add3A_280 : i32 to vector<16xi32>
          %add3A_282 = arith.addi %mul3A_279, %add3A_281 : vector<16xi32>
          tpu.vector_store_idx %arg32[%add3A_282], %select_n3A_255 : memref<16384xi32, #tpu.memory_space<vmem>>[vector<16xi32>], vector<16xi32>,
          %add3A_283 = arith.constant 2 : i32
          %add3A_284 = vector.broadcast %add3A_283 : i32 to vector<16xi32>
          %add3A_285 = arith.addi %mul3A_279, %add3A_284 : vector<16xi32>
          tpu.vector_store_idx %arg32[%add3A_285], %select_n3A_256 : memref<16384xi32, #tpu.memory_space<vmem>>[vector<16xi32>], vector<16xi32>,
          %add3A_286 = arith.constant 3 : i32
          %add3A_287 = vector.broadcast %add3A_286 : i32 to vector<16xi32>
          %add3A_288 = arith.addi %mul3A_279, %add3A_287 : vector<16xi32>
          tpu.vector_store_idx %arg32[%add3A_288], %select_n3A_257 : memref<16384xi32, #tpu.memory_space<vmem>>[vector<16xi32>], vector<16xi32>,
          %scan3A_289 = arith.constant 0 : i32
          scf.yield %scan3A_289 : i32
        }
        %scan3A_202 = arith.constant 256 : i32
        %mul3A_203 = arith.constant 262144 : i32
        %mul3A_204 = arith.muli %add3A, %mul3A_203 : i32
        %add3A_205 = arith.addi %mul3A_204, %mul3A_195 : i32
        "tpu.region"() ({
          %run_scoped3A = tpu.sem_alloc : memref<!tpu.dma_semaphore, #tpu.memory_space<semaphore_mem>>
          %dma_start3A = tpu.memref_slice %arg8[%add3A_205] : memref<8388608xf32, #tpu.memory_space<hbm>> -> memref<4096xf32, #tpu.memory_space<hbm>>
          %dma_start3A_209 = tpu.memref_slice %arg8[%add3A_205] : memref<8388608xf32, #tpu.memory_space<hbm>> -> memref<4096xf32, #tpu.memory_space<hbm>>
          tpu.enqueue_dma source(%arg31 : memref<4096xf32, #tpu.memory_space<vmem>>) target(%dma_start3A_209 : memref<4096xf32, #tpu.memory_space<hbm>>) target_semaphore(%run_scoped3A : memref<!tpu.dma_semaphore, #tpu.memory_space<semaphore_mem>>)
          %dma_wait3A = tpu.memref_slice %arg8[%add3A_205] : memref<8388608xf32, #tpu.memory_space<hbm>> -> memref<4096xf32, #tpu.memory_space<hbm>>
          %dma_wait3A_210 = tpu.memref_slice %arg8[%add3A_205] : memref<8388608xf32, #tpu.memory_space<hbm>> -> memref<4096xf32, #tpu.memory_space<hbm>>
          tpu.wait_dma2 semaphore(%run_scoped3A : memref<!tpu.dma_semaphore, #tpu.memory_space<semaphore_mem>>) src(%arg31 : memref<4096xf32, #tpu.memory_space<vmem>>) dst(%dma_wait3A_210 : memref<4096xf32, #tpu.memory_space<hbm>>)
          tpu.yield
        }) : () -> ()
        %mul3A_206 = arith.constant 4 : i32
        %mul3A_207 = arith.muli %mul3A_195, %mul3A_206 : i32
        "tpu.region"() ({
          %run_scoped3A = tpu.sem_alloc : memref<!tpu.dma_semaphore, #tpu.memory_space<semaphore_mem>>
          %dma_start3A = tpu.memref_slice %arg21[%mul3A_207] : memref<1048576xi32, #tpu.memory_space<hbm>> -> memref<16384xi32, #tpu.memory_space<hbm>>
          %dma_start3A_209 = tpu.memref_slice %arg21[%mul3A_207] : memref<1048576xi32, #tpu.memory_space<hbm>> -> memref<16384xi32, #tpu.memory_space<hbm>>
          tpu.enqueue_dma source(%arg32 : memref<16384xi32, #tpu.memory_space<vmem>>) target(%dma_start3A_209 : memref<16384xi32, #tpu.memory_space<hbm>>) target_semaphore(%run_scoped3A : memref<!tpu.dma_semaphore, #tpu.memory_space<semaphore_mem>>)
          %dma_wait3A = tpu.memref_slice %arg21[%mul3A_207] : memref<1048576xi32, #tpu.memory_space<hbm>> -> memref<16384xi32, #tpu.memory_space<hbm>>
          %dma_wait3A_210 = tpu.memref_slice %arg21[%mul3A_207] : memref<1048576xi32, #tpu.memory_space<hbm>> -> memref<16384xi32, #tpu.memory_space<hbm>>
          tpu.wait_dma2 semaphore(%run_scoped3A : memref<!tpu.dma_semaphore, #tpu.memory_space<semaphore_mem>>) src(%arg32 : memref<16384xi32, #tpu.memory_space<vmem>>) dst(%dma_wait3A_210 : memref<16384xi32, #tpu.memory_space<hbm>>)
          tpu.yield
        }) : () -> ()
        %scan3A_208 = arith.constant 0 : i32
        scf.yield %scan3A_208 : i32
      }
      %scan3A_191 = arith.constant 64 : i32
    } else {
    }
    %eq3A_162 = arith.constant 13 : i32
    %eq3A_163 = arith.cmpi eq, %select_n3A, %eq3A_162 : i32
    %eq3A_164 = arith.constant 0 : i32
    %eq3A_165 = arith.cmpi eq, %select_n3A_30, %eq3A_164 : i32
    %and3A_166 = arith.andi %eq3A_163, %eq3A_165 : i1
    %convert_element_type3A_167 = arith.extui %and3A_166 : i1 to i32
    %cond3A_168 = arith.constant 0 : i32
    %cond3A_169 = arith.cmpi ne, %convert_element_type3A_167, %cond3A_168 : i32
    scf.if %cond3A_169 {
      %scan3A = arith.constant 0 : i32
      %scan3A_186 = arith.constant 0 : i32
      %scan3A_187 = arith.constant 64 : i32
      %scan3A_188 = arith.addi %scan3A_186, %scan3A_187 : i32
      %scan3A_189 = arith.constant 1 : i32
      %scan3A_190 = scf.for %scan3A_192 = %scan3A_186 to %scan3A_188 step %scan3A_189 iter_args(%scan3A_193 = %scan3A) -> (i32)  : i32 {
        %mul3A_194 = arith.constant 4096 : i32
        %mul3A_195 = arith.muli %scan3A_192, %mul3A_194 : i32
        "tpu.region"() ({
          %run_scoped3A = tpu.sem_alloc : memref<!tpu.dma_semaphore, #tpu.memory_space<semaphore_mem>>
          %dma_start3A = tpu.memref_slice %arg2[%mul3A_195] : memref<262144xf32, #tpu.memory_space<hbm>> -> memref<4096xf32, #tpu.memory_space<hbm>>
          %dma_start3A_209 = tpu.memref_slice %arg2[%mul3A_195] : memref<262144xf32, #tpu.memory_space<hbm>> -> memref<4096xf32, #tpu.memory_space<hbm>>
          tpu.enqueue_dma source(%dma_start3A_209 : memref<4096xf32, #tpu.memory_space<hbm>>) target(%arg29 : memref<4096xf32, #tpu.memory_space<vmem>>) target_semaphore(%run_scoped3A : memref<!tpu.dma_semaphore, #tpu.memory_space<semaphore_mem>>)
          %dma_wait3A = tpu.memref_slice %arg2[%mul3A_195] : memref<262144xf32, #tpu.memory_space<hbm>> -> memref<4096xf32, #tpu.memory_space<hbm>>
          %dma_wait3A_210 = tpu.memref_slice %arg2[%mul3A_195] : memref<262144xf32, #tpu.memory_space<hbm>> -> memref<4096xf32, #tpu.memory_space<hbm>>
          tpu.wait_dma2 semaphore(%run_scoped3A : memref<!tpu.dma_semaphore, #tpu.memory_space<semaphore_mem>>) src(%dma_wait3A_210 : memref<4096xf32, #tpu.memory_space<hbm>>) dst(%arg29 : memref<4096xf32, #tpu.memory_space<vmem>>)
          tpu.yield
        }) : () -> ()
        "tpu.region"() ({
          %run_scoped3A = tpu.sem_alloc : memref<!tpu.dma_semaphore, #tpu.memory_space<semaphore_mem>>
          %dma_start3A = tpu.memref_slice %arg3[%mul3A_195] : memref<262144xf32, #tpu.memory_space<hbm>> -> memref<4096xf32, #tpu.memory_space<hbm>>
          %dma_start3A_209 = tpu.memref_slice %arg3[%mul3A_195] : memref<262144xf32, #tpu.memory_space<hbm>> -> memref<4096xf32, #tpu.memory_space<hbm>>
          tpu.enqueue_dma source(%dma_start3A_209 : memref<4096xf32, #tpu.memory_space<hbm>>) target(%arg30 : memref<4096xf32, #tpu.memory_space<vmem>>) target_semaphore(%run_scoped3A : memref<!tpu.dma_semaphore, #tpu.memory_space<semaphore_mem>>)
          %dma_wait3A = tpu.memref_slice %arg3[%mul3A_195] : memref<262144xf32, #tpu.memory_space<hbm>> -> memref<4096xf32, #tpu.memory_space<hbm>>
          %dma_wait3A_210 = tpu.memref_slice %arg3[%mul3A_195] : memref<262144xf32, #tpu.memory_space<hbm>> -> memref<4096xf32, #tpu.memory_space<hbm>>
          tpu.wait_dma2 semaphore(%run_scoped3A : memref<!tpu.dma_semaphore, #tpu.memory_space<semaphore_mem>>) src(%dma_wait3A_210 : memref<4096xf32, #tpu.memory_space<hbm>>) dst(%arg30 : memref<4096xf32, #tpu.memory_space<vmem>>)
          tpu.yield
        }) : () -> ()
        %scan3A_196 = arith.constant 0 : i32
        %scan3A_197 = arith.constant 0 : i32
        %scan3A_198 = arith.constant 256 : i32
        %scan3A_199 = arith.addi %scan3A_197, %scan3A_198 : i32
        %scan3A_200 = arith.constant 1 : i32
        %scan3A_201 = scf.for %scan3A_209 = %scan3A_197 to %scan3A_199 step %scan3A_200 iter_args(%scan3A_210 = %scan3A_196) -> (i32)  : i32 {
          %mul3A_211 = arith.constant 16 : i32
          %mul3A_212 = arith.muli %scan3A_209, %mul3A_211 : i32
          %get3A = arith.index_cast %mul3A_212 : i32 to index
          %get3A_213 = tpu.vector_load %arg29[%get3A] {strides = array<i32>} : memref<4096xf32, #tpu.memory_space<vmem>>, vector<16xf32>,
          %get3A_214 = arith.index_cast %mul3A_212 : i32 to index
          %get3A_215 = tpu.vector_load %arg30[%get3A_214] {strides = array<i32>} : memref<4096xf32, #tpu.memory_space<vmem>>, vector<16xf32>,
          %mul3A_216 = arith.mulf %get3A_213, %gather3A_41 : vector<16xf32>
          %convert_element_type3A_217 = arith.fptosi %mul3A_216 : vector<16xf32> to vector<16xi32>
          %mul3A_218 = arith.mulf %get3A_215, %gather3A_41 : vector<16xf32>
          %convert_element_type3A_219 = arith.fptosi %mul3A_218 : vector<16xf32> to vector<16xi32>
          %convert_element_type3A_220 = arith.sitofp %convert_element_type3A_217 : vector<16xi32> to vector<16xf32>
          %convert_element_type3A_221 = arith.sitofp %convert_element_type3A_219 : vector<16xi32> to vector<16xf32>
          %mul3A_222 = arith.mulf %convert_element_type3A_220, %gather3A : vector<16xf32>
          %mul3A_223 = arith.mulf %convert_element_type3A_221, %gather3A : vector<16xf32>
          %add3A_224 = arith.addf %mul3A_222, %gather3A : vector<16xf32>
          %sub3A_225 = arith.subf %add3A_224, %mul3A_222 : vector<16xf32>
          %add3A_226 = arith.addf %mul3A_223, %gather3A : vector<16xf32>
          %sub3A_227 = arith.subf %add3A_226, %mul3A_223 : vector<16xf32>
          %sub3A_228 = arith.subf %get3A_213, %mul3A_222 : vector<16xf32>
          %div3A_229 = arith.divf %sub3A_228, %sub3A_225 : vector<16xf32>
          %sub3A_230 = arith.subf %get3A_215, %mul3A_223 : vector<16xf32>
          %div3A_231 = arith.divf %sub3A_230, %sub3A_227 : vector<16xf32>
          %mul3A_232 = arith.muli %convert_element_type3A_217, %gather3A_46 : vector<16xi32>
          %add3A_233 = arith.addi %mul3A_232, %convert_element_type3A_219 : vector<16xi32>
          %add3A_234 = arith.constant 1 : i32
          %add3A_235 = vector.broadcast %add3A_234 : i32 to vector<16xi32>
          %add3A_236 = arith.addi %add3A_233, %add3A_235 : vector<16xi32>
          %add3A_237 = arith.addi %add3A_233, %gather3A_46 : vector<16xi32>
          %add3A_238 = arith.addi %add3A_233, %gather3A_46 : vector<16xi32>
          %add3A_239 = arith.constant 1 : i32
          %add3A_240 = vector.broadcast %add3A_239 : i32 to vector<16xi32>
          %add3A_241 = arith.addi %add3A_238, %add3A_240 : vector<16xi32>
          %mul3A_242 = arith.muli %convert_element_type3A_219, %broadcast_in_dim3A_51 : vector<16xi32>
          %add3A_243 = arith.addi %mul3A_242, %broadcast_in_dim3A_51 : vector<16xi32>
          %add3A_244 = arith.constant 1 : i32
          %add3A_245 = vector.broadcast %add3A_244 : i32 to vector<16xi32>
          %add3A_246 = arith.addi %convert_element_type3A_217, %add3A_245 : vector<16xi32>
          %xor3A = arith.xori %convert_element_type3A_217, %mul3A_242 : vector<16xi32>
          %and3A_247 = arith.andi %xor3A, %broadcast_in_dim3A_49 : vector<16xi32>
          %xor3A_248 = arith.xori %convert_element_type3A_217, %add3A_243 : vector<16xi32>
          %and3A_249 = arith.andi %xor3A_248, %broadcast_in_dim3A_49 : vector<16xi32>
          %xor3A_250 = arith.xori %add3A_246, %mul3A_242 : vector<16xi32>
          %and3A_251 = arith.andi %xor3A_250, %broadcast_in_dim3A_49 : vector<16xi32>
          %xor3A_252 = arith.xori %add3A_246, %add3A_243 : vector<16xi32>
          %and3A_253 = arith.andi %xor3A_252, %broadcast_in_dim3A_49 : vector<16xi32>
          %select_n3A_254 = arith.select %lt3A_53, %add3A_233, %and3A_247 : vector<16xi32>
          %select_n3A_255 = arith.select %lt3A_53, %add3A_236, %and3A_249 : vector<16xi32>
          %select_n3A_256 = arith.select %lt3A_53, %add3A_237, %and3A_251 : vector<16xi32>
          %select_n3A_257 = arith.select %lt3A_53, %add3A_241, %and3A_253 : vector<16xi32>
          %gather3A_258 = tpu.vector_load_idx %arg25[%select_n3A_254] : memref<65536xf32, #tpu.memory_space<vmem>>[vector<16xi32>], vector<16xf32>,
          %gather3A_259 = tpu.vector_load_idx %arg25[%select_n3A_255] : memref<65536xf32, #tpu.memory_space<vmem>>[vector<16xi32>], vector<16xf32>,
          %gather3A_260 = tpu.vector_load_idx %arg25[%select_n3A_256] : memref<65536xf32, #tpu.memory_space<vmem>>[vector<16xi32>], vector<16xf32>,
          %gather3A_261 = tpu.vector_load_idx %arg25[%select_n3A_257] : memref<65536xf32, #tpu.memory_space<vmem>>[vector<16xi32>], vector<16xf32>,
          %sub3A_262 = arith.subf %broadcast_in_dim3A_47, %div3A_231 : vector<16xf32>
          %mul3A_263 = arith.mulf %gather3A_258, %sub3A_262 : vector<16xf32>
          %mul3A_264 = arith.mulf %gather3A_259, %div3A_231 : vector<16xf32>
          %add3A_265 = arith.addf %mul3A_263, %mul3A_264 : vector<16xf32>
          %sub3A_266 = arith.subf %broadcast_in_dim3A_47, %div3A_231 : vector<16xf32>
          %mul3A_267 = arith.mulf %gather3A_260, %sub3A_266 : vector<16xf32>
          %mul3A_268 = arith.mulf %gather3A_261, %div3A_231 : vector<16xf32>
          %add3A_269 = arith.addf %mul3A_267, %mul3A_268 : vector<16xf32>
          %sub3A_270 = arith.subf %broadcast_in_dim3A_47, %div3A_229 : vector<16xf32>
          %mul3A_271 = arith.mulf %add3A_265, %sub3A_270 : vector<16xf32>
          %mul3A_272 = arith.mulf %add3A_269, %div3A_229 : vector<16xf32>
          %add3A_273 = arith.addf %mul3A_271, %mul3A_272 : vector<16xf32>
          %swap3A = arith.index_cast %mul3A_212 : i32 to index
          %swap3A_274 = tpu.vector_load %arg31[%swap3A] {strides = array<i32>} : memref<4096xf32, #tpu.memory_space<vmem>>, vector<16xf32>,
          tpu.vector_store %arg31[%swap3A], %add3A_273 {strides = array<i32>} : memref<4096xf32, #tpu.memory_space<vmem>>, vector<16xf32>,
          %add3A_275 = vector.broadcast %mul3A_212 : i32 to vector<16xi32>
          %add3A_276 = arith.addi %iota3A, %add3A_275 : vector<16xi32>
          %mul3A_277 = arith.constant 4 : i32
          %mul3A_278 = vector.broadcast %mul3A_277 : i32 to vector<16xi32>
          %mul3A_279 = arith.muli %add3A_276, %mul3A_278 : vector<16xi32>
          tpu.vector_store_idx %arg32[%mul3A_279], %select_n3A_254 : memref<16384xi32, #tpu.memory_space<vmem>>[vector<16xi32>], vector<16xi32>,
          %add3A_280 = arith.constant 1 : i32
          %add3A_281 = vector.broadcast %add3A_280 : i32 to vector<16xi32>
          %add3A_282 = arith.addi %mul3A_279, %add3A_281 : vector<16xi32>
          tpu.vector_store_idx %arg32[%add3A_282], %select_n3A_255 : memref<16384xi32, #tpu.memory_space<vmem>>[vector<16xi32>], vector<16xi32>,
          %add3A_283 = arith.constant 2 : i32
          %add3A_284 = vector.broadcast %add3A_283 : i32 to vector<16xi32>
          %add3A_285 = arith.addi %mul3A_279, %add3A_284 : vector<16xi32>
          tpu.vector_store_idx %arg32[%add3A_285], %select_n3A_256 : memref<16384xi32, #tpu.memory_space<vmem>>[vector<16xi32>], vector<16xi32>,
          %add3A_286 = arith.constant 3 : i32
          %add3A_287 = vector.broadcast %add3A_286 : i32 to vector<16xi32>
          %add3A_288 = arith.addi %mul3A_279, %add3A_287 : vector<16xi32>
          tpu.vector_store_idx %arg32[%add3A_288], %select_n3A_257 : memref<16384xi32, #tpu.memory_space<vmem>>[vector<16xi32>], vector<16xi32>,
          %scan3A_289 = arith.constant 0 : i32
          scf.yield %scan3A_289 : i32
        }
        %scan3A_202 = arith.constant 256 : i32
        %mul3A_203 = arith.constant 262144 : i32
        %mul3A_204 = arith.muli %add3A, %mul3A_203 : i32
        %add3A_205 = arith.addi %mul3A_204, %mul3A_195 : i32
        "tpu.region"() ({
          %run_scoped3A = tpu.sem_alloc : memref<!tpu.dma_semaphore, #tpu.memory_space<semaphore_mem>>
          %dma_start3A = tpu.memref_slice %arg8[%add3A_205] : memref<8388608xf32, #tpu.memory_space<hbm>> -> memref<4096xf32, #tpu.memory_space<hbm>>
          %dma_start3A_209 = tpu.memref_slice %arg8[%add3A_205] : memref<8388608xf32, #tpu.memory_space<hbm>> -> memref<4096xf32, #tpu.memory_space<hbm>>
          tpu.enqueue_dma source(%arg31 : memref<4096xf32, #tpu.memory_space<vmem>>) target(%dma_start3A_209 : memref<4096xf32, #tpu.memory_space<hbm>>) target_semaphore(%run_scoped3A : memref<!tpu.dma_semaphore, #tpu.memory_space<semaphore_mem>>)
          %dma_wait3A = tpu.memref_slice %arg8[%add3A_205] : memref<8388608xf32, #tpu.memory_space<hbm>> -> memref<4096xf32, #tpu.memory_space<hbm>>
          %dma_wait3A_210 = tpu.memref_slice %arg8[%add3A_205] : memref<8388608xf32, #tpu.memory_space<hbm>> -> memref<4096xf32, #tpu.memory_space<hbm>>
          tpu.wait_dma2 semaphore(%run_scoped3A : memref<!tpu.dma_semaphore, #tpu.memory_space<semaphore_mem>>) src(%arg31 : memref<4096xf32, #tpu.memory_space<vmem>>) dst(%dma_wait3A_210 : memref<4096xf32, #tpu.memory_space<hbm>>)
          tpu.yield
        }) : () -> ()
        %mul3A_206 = arith.constant 4 : i32
        %mul3A_207 = arith.muli %mul3A_195, %mul3A_206 : i32
        "tpu.region"() ({
          %run_scoped3A = tpu.sem_alloc : memref<!tpu.dma_semaphore, #tpu.memory_space<semaphore_mem>>
          %dma_start3A = tpu.memref_slice %arg22[%mul3A_207] : memref<1048576xi32, #tpu.memory_space<hbm>> -> memref<16384xi32, #tpu.memory_space<hbm>>
          %dma_start3A_209 = tpu.memref_slice %arg22[%mul3A_207] : memref<1048576xi32, #tpu.memory_space<hbm>> -> memref<16384xi32, #tpu.memory_space<hbm>>
          tpu.enqueue_dma source(%arg32 : memref<16384xi32, #tpu.memory_space<vmem>>) target(%dma_start3A_209 : memref<16384xi32, #tpu.memory_space<hbm>>) target_semaphore(%run_scoped3A : memref<!tpu.dma_semaphore, #tpu.memory_space<semaphore_mem>>)
          %dma_wait3A = tpu.memref_slice %arg22[%mul3A_207] : memref<1048576xi32, #tpu.memory_space<hbm>> -> memref<16384xi32, #tpu.memory_space<hbm>>
          %dma_wait3A_210 = tpu.memref_slice %arg22[%mul3A_207] : memref<1048576xi32, #tpu.memory_space<hbm>> -> memref<16384xi32, #tpu.memory_space<hbm>>
          tpu.wait_dma2 semaphore(%run_scoped3A : memref<!tpu.dma_semaphore, #tpu.memory_space<semaphore_mem>>) src(%arg32 : memref<16384xi32, #tpu.memory_space<vmem>>) dst(%dma_wait3A_210 : memref<16384xi32, #tpu.memory_space<hbm>>)
          tpu.yield
        }) : () -> ()
        %scan3A_208 = arith.constant 0 : i32
        scf.yield %scan3A_208 : i32
      }
      %scan3A_191 = arith.constant 64 : i32
    } else {
    }
    %eq3A_170 = arith.constant 14 : i32
    %eq3A_171 = arith.cmpi eq, %select_n3A, %eq3A_170 : i32
    %eq3A_172 = arith.constant 0 : i32
    %eq3A_173 = arith.cmpi eq, %select_n3A_30, %eq3A_172 : i32
    %and3A_174 = arith.andi %eq3A_171, %eq3A_173 : i1
    %convert_element_type3A_175 = arith.extui %and3A_174 : i1 to i32
    %cond3A_176 = arith.constant 0 : i32
    %cond3A_177 = arith.cmpi ne, %convert_element_type3A_175, %cond3A_176 : i32
    scf.if %cond3A_177 {
      %scan3A = arith.constant 0 : i32
      %scan3A_186 = arith.constant 0 : i32
      %scan3A_187 = arith.constant 64 : i32
      %scan3A_188 = arith.addi %scan3A_186, %scan3A_187 : i32
      %scan3A_189 = arith.constant 1 : i32
      %scan3A_190 = scf.for %scan3A_192 = %scan3A_186 to %scan3A_188 step %scan3A_189 iter_args(%scan3A_193 = %scan3A) -> (i32)  : i32 {
        %mul3A_194 = arith.constant 4096 : i32
        %mul3A_195 = arith.muli %scan3A_192, %mul3A_194 : i32
        "tpu.region"() ({
          %run_scoped3A = tpu.sem_alloc : memref<!tpu.dma_semaphore, #tpu.memory_space<semaphore_mem>>
          %dma_start3A = tpu.memref_slice %arg2[%mul3A_195] : memref<262144xf32, #tpu.memory_space<hbm>> -> memref<4096xf32, #tpu.memory_space<hbm>>
          %dma_start3A_209 = tpu.memref_slice %arg2[%mul3A_195] : memref<262144xf32, #tpu.memory_space<hbm>> -> memref<4096xf32, #tpu.memory_space<hbm>>
          tpu.enqueue_dma source(%dma_start3A_209 : memref<4096xf32, #tpu.memory_space<hbm>>) target(%arg29 : memref<4096xf32, #tpu.memory_space<vmem>>) target_semaphore(%run_scoped3A : memref<!tpu.dma_semaphore, #tpu.memory_space<semaphore_mem>>)
          %dma_wait3A = tpu.memref_slice %arg2[%mul3A_195] : memref<262144xf32, #tpu.memory_space<hbm>> -> memref<4096xf32, #tpu.memory_space<hbm>>
          %dma_wait3A_210 = tpu.memref_slice %arg2[%mul3A_195] : memref<262144xf32, #tpu.memory_space<hbm>> -> memref<4096xf32, #tpu.memory_space<hbm>>
          tpu.wait_dma2 semaphore(%run_scoped3A : memref<!tpu.dma_semaphore, #tpu.memory_space<semaphore_mem>>) src(%dma_wait3A_210 : memref<4096xf32, #tpu.memory_space<hbm>>) dst(%arg29 : memref<4096xf32, #tpu.memory_space<vmem>>)
          tpu.yield
        }) : () -> ()
        "tpu.region"() ({
          %run_scoped3A = tpu.sem_alloc : memref<!tpu.dma_semaphore, #tpu.memory_space<semaphore_mem>>
          %dma_start3A = tpu.memref_slice %arg3[%mul3A_195] : memref<262144xf32, #tpu.memory_space<hbm>> -> memref<4096xf32, #tpu.memory_space<hbm>>
          %dma_start3A_209 = tpu.memref_slice %arg3[%mul3A_195] : memref<262144xf32, #tpu.memory_space<hbm>> -> memref<4096xf32, #tpu.memory_space<hbm>>
          tpu.enqueue_dma source(%dma_start3A_209 : memref<4096xf32, #tpu.memory_space<hbm>>) target(%arg30 : memref<4096xf32, #tpu.memory_space<vmem>>) target_semaphore(%run_scoped3A : memref<!tpu.dma_semaphore, #tpu.memory_space<semaphore_mem>>)
          %dma_wait3A = tpu.memref_slice %arg3[%mul3A_195] : memref<262144xf32, #tpu.memory_space<hbm>> -> memref<4096xf32, #tpu.memory_space<hbm>>
          %dma_wait3A_210 = tpu.memref_slice %arg3[%mul3A_195] : memref<262144xf32, #tpu.memory_space<hbm>> -> memref<4096xf32, #tpu.memory_space<hbm>>
          tpu.wait_dma2 semaphore(%run_scoped3A : memref<!tpu.dma_semaphore, #tpu.memory_space<semaphore_mem>>) src(%dma_wait3A_210 : memref<4096xf32, #tpu.memory_space<hbm>>) dst(%arg30 : memref<4096xf32, #tpu.memory_space<vmem>>)
          tpu.yield
        }) : () -> ()
        %scan3A_196 = arith.constant 0 : i32
        %scan3A_197 = arith.constant 0 : i32
        %scan3A_198 = arith.constant 256 : i32
        %scan3A_199 = arith.addi %scan3A_197, %scan3A_198 : i32
        %scan3A_200 = arith.constant 1 : i32
        %scan3A_201 = scf.for %scan3A_209 = %scan3A_197 to %scan3A_199 step %scan3A_200 iter_args(%scan3A_210 = %scan3A_196) -> (i32)  : i32 {
          %mul3A_211 = arith.constant 16 : i32
          %mul3A_212 = arith.muli %scan3A_209, %mul3A_211 : i32
          %get3A = arith.index_cast %mul3A_212 : i32 to index
          %get3A_213 = tpu.vector_load %arg29[%get3A] {strides = array<i32>} : memref<4096xf32, #tpu.memory_space<vmem>>, vector<16xf32>,
          %get3A_214 = arith.index_cast %mul3A_212 : i32 to index
          %get3A_215 = tpu.vector_load %arg30[%get3A_214] {strides = array<i32>} : memref<4096xf32, #tpu.memory_space<vmem>>, vector<16xf32>,
          %mul3A_216 = arith.mulf %get3A_213, %gather3A_41 : vector<16xf32>
          %convert_element_type3A_217 = arith.fptosi %mul3A_216 : vector<16xf32> to vector<16xi32>
          %mul3A_218 = arith.mulf %get3A_215, %gather3A_41 : vector<16xf32>
          %convert_element_type3A_219 = arith.fptosi %mul3A_218 : vector<16xf32> to vector<16xi32>
          %convert_element_type3A_220 = arith.sitofp %convert_element_type3A_217 : vector<16xi32> to vector<16xf32>
          %convert_element_type3A_221 = arith.sitofp %convert_element_type3A_219 : vector<16xi32> to vector<16xf32>
          %mul3A_222 = arith.mulf %convert_element_type3A_220, %gather3A : vector<16xf32>
          %mul3A_223 = arith.mulf %convert_element_type3A_221, %gather3A : vector<16xf32>
          %add3A_224 = arith.addf %mul3A_222, %gather3A : vector<16xf32>
          %sub3A_225 = arith.subf %add3A_224, %mul3A_222 : vector<16xf32>
          %add3A_226 = arith.addf %mul3A_223, %gather3A : vector<16xf32>
          %sub3A_227 = arith.subf %add3A_226, %mul3A_223 : vector<16xf32>
          %sub3A_228 = arith.subf %get3A_213, %mul3A_222 : vector<16xf32>
          %div3A_229 = arith.divf %sub3A_228, %sub3A_225 : vector<16xf32>
          %sub3A_230 = arith.subf %get3A_215, %mul3A_223 : vector<16xf32>
          %div3A_231 = arith.divf %sub3A_230, %sub3A_227 : vector<16xf32>
          %mul3A_232 = arith.muli %convert_element_type3A_217, %gather3A_46 : vector<16xi32>
          %add3A_233 = arith.addi %mul3A_232, %convert_element_type3A_219 : vector<16xi32>
          %add3A_234 = arith.constant 1 : i32
          %add3A_235 = vector.broadcast %add3A_234 : i32 to vector<16xi32>
          %add3A_236 = arith.addi %add3A_233, %add3A_235 : vector<16xi32>
          %add3A_237 = arith.addi %add3A_233, %gather3A_46 : vector<16xi32>
          %add3A_238 = arith.addi %add3A_233, %gather3A_46 : vector<16xi32>
          %add3A_239 = arith.constant 1 : i32
          %add3A_240 = vector.broadcast %add3A_239 : i32 to vector<16xi32>
          %add3A_241 = arith.addi %add3A_238, %add3A_240 : vector<16xi32>
          %mul3A_242 = arith.muli %convert_element_type3A_219, %broadcast_in_dim3A_51 : vector<16xi32>
          %add3A_243 = arith.addi %mul3A_242, %broadcast_in_dim3A_51 : vector<16xi32>
          %add3A_244 = arith.constant 1 : i32
          %add3A_245 = vector.broadcast %add3A_244 : i32 to vector<16xi32>
          %add3A_246 = arith.addi %convert_element_type3A_217, %add3A_245 : vector<16xi32>
          %xor3A = arith.xori %convert_element_type3A_217, %mul3A_242 : vector<16xi32>
          %and3A_247 = arith.andi %xor3A, %broadcast_in_dim3A_49 : vector<16xi32>
          %xor3A_248 = arith.xori %convert_element_type3A_217, %add3A_243 : vector<16xi32>
          %and3A_249 = arith.andi %xor3A_248, %broadcast_in_dim3A_49 : vector<16xi32>
          %xor3A_250 = arith.xori %add3A_246, %mul3A_242 : vector<16xi32>
          %and3A_251 = arith.andi %xor3A_250, %broadcast_in_dim3A_49 : vector<16xi32>
          %xor3A_252 = arith.xori %add3A_246, %add3A_243 : vector<16xi32>
          %and3A_253 = arith.andi %xor3A_252, %broadcast_in_dim3A_49 : vector<16xi32>
          %select_n3A_254 = arith.select %lt3A_53, %add3A_233, %and3A_247 : vector<16xi32>
          %select_n3A_255 = arith.select %lt3A_53, %add3A_236, %and3A_249 : vector<16xi32>
          %select_n3A_256 = arith.select %lt3A_53, %add3A_237, %and3A_251 : vector<16xi32>
          %select_n3A_257 = arith.select %lt3A_53, %add3A_241, %and3A_253 : vector<16xi32>
          %gather3A_258 = tpu.vector_load_idx %arg25[%select_n3A_254] : memref<65536xf32, #tpu.memory_space<vmem>>[vector<16xi32>], vector<16xf32>,
          %gather3A_259 = tpu.vector_load_idx %arg25[%select_n3A_255] : memref<65536xf32, #tpu.memory_space<vmem>>[vector<16xi32>], vector<16xf32>,
          %gather3A_260 = tpu.vector_load_idx %arg25[%select_n3A_256] : memref<65536xf32, #tpu.memory_space<vmem>>[vector<16xi32>], vector<16xf32>,
          %gather3A_261 = tpu.vector_load_idx %arg25[%select_n3A_257] : memref<65536xf32, #tpu.memory_space<vmem>>[vector<16xi32>], vector<16xf32>,
          %sub3A_262 = arith.subf %broadcast_in_dim3A_47, %div3A_231 : vector<16xf32>
          %mul3A_263 = arith.mulf %gather3A_258, %sub3A_262 : vector<16xf32>
          %mul3A_264 = arith.mulf %gather3A_259, %div3A_231 : vector<16xf32>
          %add3A_265 = arith.addf %mul3A_263, %mul3A_264 : vector<16xf32>
          %sub3A_266 = arith.subf %broadcast_in_dim3A_47, %div3A_231 : vector<16xf32>
          %mul3A_267 = arith.mulf %gather3A_260, %sub3A_266 : vector<16xf32>
          %mul3A_268 = arith.mulf %gather3A_261, %div3A_231 : vector<16xf32>
          %add3A_269 = arith.addf %mul3A_267, %mul3A_268 : vector<16xf32>
          %sub3A_270 = arith.subf %broadcast_in_dim3A_47, %div3A_229 : vector<16xf32>
          %mul3A_271 = arith.mulf %add3A_265, %sub3A_270 : vector<16xf32>
          %mul3A_272 = arith.mulf %add3A_269, %div3A_229 : vector<16xf32>
          %add3A_273 = arith.addf %mul3A_271, %mul3A_272 : vector<16xf32>
          %swap3A = arith.index_cast %mul3A_212 : i32 to index
          %swap3A_274 = tpu.vector_load %arg31[%swap3A] {strides = array<i32>} : memref<4096xf32, #tpu.memory_space<vmem>>, vector<16xf32>,
          tpu.vector_store %arg31[%swap3A], %add3A_273 {strides = array<i32>} : memref<4096xf32, #tpu.memory_space<vmem>>, vector<16xf32>,
          %add3A_275 = vector.broadcast %mul3A_212 : i32 to vector<16xi32>
          %add3A_276 = arith.addi %iota3A, %add3A_275 : vector<16xi32>
          %mul3A_277 = arith.constant 4 : i32
          %mul3A_278 = vector.broadcast %mul3A_277 : i32 to vector<16xi32>
          %mul3A_279 = arith.muli %add3A_276, %mul3A_278 : vector<16xi32>
          tpu.vector_store_idx %arg32[%mul3A_279], %select_n3A_254 : memref<16384xi32, #tpu.memory_space<vmem>>[vector<16xi32>], vector<16xi32>,
          %add3A_280 = arith.constant 1 : i32
          %add3A_281 = vector.broadcast %add3A_280 : i32 to vector<16xi32>
          %add3A_282 = arith.addi %mul3A_279, %add3A_281 : vector<16xi32>
          tpu.vector_store_idx %arg32[%add3A_282], %select_n3A_255 : memref<16384xi32, #tpu.memory_space<vmem>>[vector<16xi32>], vector<16xi32>,
          %add3A_283 = arith.constant 2 : i32
          %add3A_284 = vector.broadcast %add3A_283 : i32 to vector<16xi32>
          %add3A_285 = arith.addi %mul3A_279, %add3A_284 : vector<16xi32>
          tpu.vector_store_idx %arg32[%add3A_285], %select_n3A_256 : memref<16384xi32, #tpu.memory_space<vmem>>[vector<16xi32>], vector<16xi32>,
          %add3A_286 = arith.constant 3 : i32
          %add3A_287 = vector.broadcast %add3A_286 : i32 to vector<16xi32>
          %add3A_288 = arith.addi %mul3A_279, %add3A_287 : vector<16xi32>
          tpu.vector_store_idx %arg32[%add3A_288], %select_n3A_257 : memref<16384xi32, #tpu.memory_space<vmem>>[vector<16xi32>], vector<16xi32>,
          %scan3A_289 = arith.constant 0 : i32
          scf.yield %scan3A_289 : i32
        }
        %scan3A_202 = arith.constant 256 : i32
        %mul3A_203 = arith.constant 262144 : i32
        %mul3A_204 = arith.muli %add3A, %mul3A_203 : i32
        %add3A_205 = arith.addi %mul3A_204, %mul3A_195 : i32
        "tpu.region"() ({
          %run_scoped3A = tpu.sem_alloc : memref<!tpu.dma_semaphore, #tpu.memory_space<semaphore_mem>>
          %dma_start3A = tpu.memref_slice %arg8[%add3A_205] : memref<8388608xf32, #tpu.memory_space<hbm>> -> memref<4096xf32, #tpu.memory_space<hbm>>
          %dma_start3A_209 = tpu.memref_slice %arg8[%add3A_205] : memref<8388608xf32, #tpu.memory_space<hbm>> -> memref<4096xf32, #tpu.memory_space<hbm>>
          tpu.enqueue_dma source(%arg31 : memref<4096xf32, #tpu.memory_space<vmem>>) target(%dma_start3A_209 : memref<4096xf32, #tpu.memory_space<hbm>>) target_semaphore(%run_scoped3A : memref<!tpu.dma_semaphore, #tpu.memory_space<semaphore_mem>>)
          %dma_wait3A = tpu.memref_slice %arg8[%add3A_205] : memref<8388608xf32, #tpu.memory_space<hbm>> -> memref<4096xf32, #tpu.memory_space<hbm>>
          %dma_wait3A_210 = tpu.memref_slice %arg8[%add3A_205] : memref<8388608xf32, #tpu.memory_space<hbm>> -> memref<4096xf32, #tpu.memory_space<hbm>>
          tpu.wait_dma2 semaphore(%run_scoped3A : memref<!tpu.dma_semaphore, #tpu.memory_space<semaphore_mem>>) src(%arg31 : memref<4096xf32, #tpu.memory_space<vmem>>) dst(%dma_wait3A_210 : memref<4096xf32, #tpu.memory_space<hbm>>)
          tpu.yield
        }) : () -> ()
        %mul3A_206 = arith.constant 4 : i32
        %mul3A_207 = arith.muli %mul3A_195, %mul3A_206 : i32
        "tpu.region"() ({
          %run_scoped3A = tpu.sem_alloc : memref<!tpu.dma_semaphore, #tpu.memory_space<semaphore_mem>>
          %dma_start3A = tpu.memref_slice %arg23[%mul3A_207] : memref<1048576xi32, #tpu.memory_space<hbm>> -> memref<16384xi32, #tpu.memory_space<hbm>>
          %dma_start3A_209 = tpu.memref_slice %arg23[%mul3A_207] : memref<1048576xi32, #tpu.memory_space<hbm>> -> memref<16384xi32, #tpu.memory_space<hbm>>
          tpu.enqueue_dma source(%arg32 : memref<16384xi32, #tpu.memory_space<vmem>>) target(%dma_start3A_209 : memref<16384xi32, #tpu.memory_space<hbm>>) target_semaphore(%run_scoped3A : memref<!tpu.dma_semaphore, #tpu.memory_space<semaphore_mem>>)
          %dma_wait3A = tpu.memref_slice %arg23[%mul3A_207] : memref<1048576xi32, #tpu.memory_space<hbm>> -> memref<16384xi32, #tpu.memory_space<hbm>>
          %dma_wait3A_210 = tpu.memref_slice %arg23[%mul3A_207] : memref<1048576xi32, #tpu.memory_space<hbm>> -> memref<16384xi32, #tpu.memory_space<hbm>>
          tpu.wait_dma2 semaphore(%run_scoped3A : memref<!tpu.dma_semaphore, #tpu.memory_space<semaphore_mem>>) src(%arg32 : memref<16384xi32, #tpu.memory_space<vmem>>) dst(%dma_wait3A_210 : memref<16384xi32, #tpu.memory_space<hbm>>)
          tpu.yield
        }) : () -> ()
        %scan3A_208 = arith.constant 0 : i32
        scf.yield %scan3A_208 : i32
      }
      %scan3A_191 = arith.constant 64 : i32
    } else {
    }
    %eq3A_178 = arith.constant 15 : i32
    %eq3A_179 = arith.cmpi eq, %select_n3A, %eq3A_178 : i32
    %eq3A_180 = arith.constant 0 : i32
    %eq3A_181 = arith.cmpi eq, %select_n3A_30, %eq3A_180 : i32
    %and3A_182 = arith.andi %eq3A_179, %eq3A_181 : i1
    %convert_element_type3A_183 = arith.extui %and3A_182 : i1 to i32
    %cond3A_184 = arith.constant 0 : i32
    %cond3A_185 = arith.cmpi ne, %convert_element_type3A_183, %cond3A_184 : i32
    scf.if %cond3A_185 {
      %scan3A = arith.constant 0 : i32
      %scan3A_186 = arith.constant 0 : i32
      %scan3A_187 = arith.constant 64 : i32
      %scan3A_188 = arith.addi %scan3A_186, %scan3A_187 : i32
      %scan3A_189 = arith.constant 1 : i32
      %scan3A_190 = scf.for %scan3A_192 = %scan3A_186 to %scan3A_188 step %scan3A_189 iter_args(%scan3A_193 = %scan3A) -> (i32)  : i32 {
        %mul3A_194 = arith.constant 4096 : i32
        %mul3A_195 = arith.muli %scan3A_192, %mul3A_194 : i32
        "tpu.region"() ({
          %run_scoped3A = tpu.sem_alloc : memref<!tpu.dma_semaphore, #tpu.memory_space<semaphore_mem>>
          %dma_start3A = tpu.memref_slice %arg2[%mul3A_195] : memref<262144xf32, #tpu.memory_space<hbm>> -> memref<4096xf32, #tpu.memory_space<hbm>>
          %dma_start3A_209 = tpu.memref_slice %arg2[%mul3A_195] : memref<262144xf32, #tpu.memory_space<hbm>> -> memref<4096xf32, #tpu.memory_space<hbm>>
          tpu.enqueue_dma source(%dma_start3A_209 : memref<4096xf32, #tpu.memory_space<hbm>>) target(%arg29 : memref<4096xf32, #tpu.memory_space<vmem>>) target_semaphore(%run_scoped3A : memref<!tpu.dma_semaphore, #tpu.memory_space<semaphore_mem>>)
          %dma_wait3A = tpu.memref_slice %arg2[%mul3A_195] : memref<262144xf32, #tpu.memory_space<hbm>> -> memref<4096xf32, #tpu.memory_space<hbm>>
          %dma_wait3A_210 = tpu.memref_slice %arg2[%mul3A_195] : memref<262144xf32, #tpu.memory_space<hbm>> -> memref<4096xf32, #tpu.memory_space<hbm>>
          tpu.wait_dma2 semaphore(%run_scoped3A : memref<!tpu.dma_semaphore, #tpu.memory_space<semaphore_mem>>) src(%dma_wait3A_210 : memref<4096xf32, #tpu.memory_space<hbm>>) dst(%arg29 : memref<4096xf32, #tpu.memory_space<vmem>>)
          tpu.yield
        }) : () -> ()
        "tpu.region"() ({
          %run_scoped3A = tpu.sem_alloc : memref<!tpu.dma_semaphore, #tpu.memory_space<semaphore_mem>>
          %dma_start3A = tpu.memref_slice %arg3[%mul3A_195] : memref<262144xf32, #tpu.memory_space<hbm>> -> memref<4096xf32, #tpu.memory_space<hbm>>
          %dma_start3A_209 = tpu.memref_slice %arg3[%mul3A_195] : memref<262144xf32, #tpu.memory_space<hbm>> -> memref<4096xf32, #tpu.memory_space<hbm>>
          tpu.enqueue_dma source(%dma_start3A_209 : memref<4096xf32, #tpu.memory_space<hbm>>) target(%arg30 : memref<4096xf32, #tpu.memory_space<vmem>>) target_semaphore(%run_scoped3A : memref<!tpu.dma_semaphore, #tpu.memory_space<semaphore_mem>>)
          %dma_wait3A = tpu.memref_slice %arg3[%mul3A_195] : memref<262144xf32, #tpu.memory_space<hbm>> -> memref<4096xf32, #tpu.memory_space<hbm>>
          %dma_wait3A_210 = tpu.memref_slice %arg3[%mul3A_195] : memref<262144xf32, #tpu.memory_space<hbm>> -> memref<4096xf32, #tpu.memory_space<hbm>>
          tpu.wait_dma2 semaphore(%run_scoped3A : memref<!tpu.dma_semaphore, #tpu.memory_space<semaphore_mem>>) src(%dma_wait3A_210 : memref<4096xf32, #tpu.memory_space<hbm>>) dst(%arg30 : memref<4096xf32, #tpu.memory_space<vmem>>)
          tpu.yield
        }) : () -> ()
        %scan3A_196 = arith.constant 0 : i32
        %scan3A_197 = arith.constant 0 : i32
        %scan3A_198 = arith.constant 256 : i32
        %scan3A_199 = arith.addi %scan3A_197, %scan3A_198 : i32
        %scan3A_200 = arith.constant 1 : i32
        %scan3A_201 = scf.for %scan3A_209 = %scan3A_197 to %scan3A_199 step %scan3A_200 iter_args(%scan3A_210 = %scan3A_196) -> (i32)  : i32 {
          %mul3A_211 = arith.constant 16 : i32
          %mul3A_212 = arith.muli %scan3A_209, %mul3A_211 : i32
          %get3A = arith.index_cast %mul3A_212 : i32 to index
          %get3A_213 = tpu.vector_load %arg29[%get3A] {strides = array<i32>} : memref<4096xf32, #tpu.memory_space<vmem>>, vector<16xf32>,
          %get3A_214 = arith.index_cast %mul3A_212 : i32 to index
          %get3A_215 = tpu.vector_load %arg30[%get3A_214] {strides = array<i32>} : memref<4096xf32, #tpu.memory_space<vmem>>, vector<16xf32>,
          %mul3A_216 = arith.mulf %get3A_213, %gather3A_41 : vector<16xf32>
          %convert_element_type3A_217 = arith.fptosi %mul3A_216 : vector<16xf32> to vector<16xi32>
          %mul3A_218 = arith.mulf %get3A_215, %gather3A_41 : vector<16xf32>
          %convert_element_type3A_219 = arith.fptosi %mul3A_218 : vector<16xf32> to vector<16xi32>
          %convert_element_type3A_220 = arith.sitofp %convert_element_type3A_217 : vector<16xi32> to vector<16xf32>
          %convert_element_type3A_221 = arith.sitofp %convert_element_type3A_219 : vector<16xi32> to vector<16xf32>
          %mul3A_222 = arith.mulf %convert_element_type3A_220, %gather3A : vector<16xf32>
          %mul3A_223 = arith.mulf %convert_element_type3A_221, %gather3A : vector<16xf32>
          %add3A_224 = arith.addf %mul3A_222, %gather3A : vector<16xf32>
          %sub3A_225 = arith.subf %add3A_224, %mul3A_222 : vector<16xf32>
          %add3A_226 = arith.addf %mul3A_223, %gather3A : vector<16xf32>
          %sub3A_227 = arith.subf %add3A_226, %mul3A_223 : vector<16xf32>
          %sub3A_228 = arith.subf %get3A_213, %mul3A_222 : vector<16xf32>
          %div3A_229 = arith.divf %sub3A_228, %sub3A_225 : vector<16xf32>
          %sub3A_230 = arith.subf %get3A_215, %mul3A_223 : vector<16xf32>
          %div3A_231 = arith.divf %sub3A_230, %sub3A_227 : vector<16xf32>
          %mul3A_232 = arith.muli %convert_element_type3A_217, %gather3A_46 : vector<16xi32>
          %add3A_233 = arith.addi %mul3A_232, %convert_element_type3A_219 : vector<16xi32>
          %add3A_234 = arith.constant 1 : i32
          %add3A_235 = vector.broadcast %add3A_234 : i32 to vector<16xi32>
          %add3A_236 = arith.addi %add3A_233, %add3A_235 : vector<16xi32>
          %add3A_237 = arith.addi %add3A_233, %gather3A_46 : vector<16xi32>
          %add3A_238 = arith.addi %add3A_233, %gather3A_46 : vector<16xi32>
          %add3A_239 = arith.constant 1 : i32
          %add3A_240 = vector.broadcast %add3A_239 : i32 to vector<16xi32>
          %add3A_241 = arith.addi %add3A_238, %add3A_240 : vector<16xi32>
          %mul3A_242 = arith.muli %convert_element_type3A_219, %broadcast_in_dim3A_51 : vector<16xi32>
          %add3A_243 = arith.addi %mul3A_242, %broadcast_in_dim3A_51 : vector<16xi32>
          %add3A_244 = arith.constant 1 : i32
          %add3A_245 = vector.broadcast %add3A_244 : i32 to vector<16xi32>
          %add3A_246 = arith.addi %convert_element_type3A_217, %add3A_245 : vector<16xi32>
          %xor3A = arith.xori %convert_element_type3A_217, %mul3A_242 : vector<16xi32>
          %and3A_247 = arith.andi %xor3A, %broadcast_in_dim3A_49 : vector<16xi32>
          %xor3A_248 = arith.xori %convert_element_type3A_217, %add3A_243 : vector<16xi32>
          %and3A_249 = arith.andi %xor3A_248, %broadcast_in_dim3A_49 : vector<16xi32>
          %xor3A_250 = arith.xori %add3A_246, %mul3A_242 : vector<16xi32>
          %and3A_251 = arith.andi %xor3A_250, %broadcast_in_dim3A_49 : vector<16xi32>
          %xor3A_252 = arith.xori %add3A_246, %add3A_243 : vector<16xi32>
          %and3A_253 = arith.andi %xor3A_252, %broadcast_in_dim3A_49 : vector<16xi32>
          %select_n3A_254 = arith.select %lt3A_53, %add3A_233, %and3A_247 : vector<16xi32>
          %select_n3A_255 = arith.select %lt3A_53, %add3A_236, %and3A_249 : vector<16xi32>
          %select_n3A_256 = arith.select %lt3A_53, %add3A_237, %and3A_251 : vector<16xi32>
          %select_n3A_257 = arith.select %lt3A_53, %add3A_241, %and3A_253 : vector<16xi32>
          %gather3A_258 = tpu.vector_load_idx %arg25[%select_n3A_254] : memref<65536xf32, #tpu.memory_space<vmem>>[vector<16xi32>], vector<16xf32>,
          %gather3A_259 = tpu.vector_load_idx %arg25[%select_n3A_255] : memref<65536xf32, #tpu.memory_space<vmem>>[vector<16xi32>], vector<16xf32>,
          %gather3A_260 = tpu.vector_load_idx %arg25[%select_n3A_256] : memref<65536xf32, #tpu.memory_space<vmem>>[vector<16xi32>], vector<16xf32>,
          %gather3A_261 = tpu.vector_load_idx %arg25[%select_n3A_257] : memref<65536xf32, #tpu.memory_space<vmem>>[vector<16xi32>], vector<16xf32>,
          %sub3A_262 = arith.subf %broadcast_in_dim3A_47, %div3A_231 : vector<16xf32>
          %mul3A_263 = arith.mulf %gather3A_258, %sub3A_262 : vector<16xf32>
          %mul3A_264 = arith.mulf %gather3A_259, %div3A_231 : vector<16xf32>
          %add3A_265 = arith.addf %mul3A_263, %mul3A_264 : vector<16xf32>
          %sub3A_266 = arith.subf %broadcast_in_dim3A_47, %div3A_231 : vector<16xf32>
          %mul3A_267 = arith.mulf %gather3A_260, %sub3A_266 : vector<16xf32>
          %mul3A_268 = arith.mulf %gather3A_261, %div3A_231 : vector<16xf32>
          %add3A_269 = arith.addf %mul3A_267, %mul3A_268 : vector<16xf32>
          %sub3A_270 = arith.subf %broadcast_in_dim3A_47, %div3A_229 : vector<16xf32>
          %mul3A_271 = arith.mulf %add3A_265, %sub3A_270 : vector<16xf32>
          %mul3A_272 = arith.mulf %add3A_269, %div3A_229 : vector<16xf32>
          %add3A_273 = arith.addf %mul3A_271, %mul3A_272 : vector<16xf32>
          %swap3A = arith.index_cast %mul3A_212 : i32 to index
          %swap3A_274 = tpu.vector_load %arg31[%swap3A] {strides = array<i32>} : memref<4096xf32, #tpu.memory_space<vmem>>, vector<16xf32>,
          tpu.vector_store %arg31[%swap3A], %add3A_273 {strides = array<i32>} : memref<4096xf32, #tpu.memory_space<vmem>>, vector<16xf32>,
          %add3A_275 = vector.broadcast %mul3A_212 : i32 to vector<16xi32>
          %add3A_276 = arith.addi %iota3A, %add3A_275 : vector<16xi32>
          %mul3A_277 = arith.constant 4 : i32
          %mul3A_278 = vector.broadcast %mul3A_277 : i32 to vector<16xi32>
          %mul3A_279 = arith.muli %add3A_276, %mul3A_278 : vector<16xi32>
          tpu.vector_store_idx %arg32[%mul3A_279], %select_n3A_254 : memref<16384xi32, #tpu.memory_space<vmem>>[vector<16xi32>], vector<16xi32>,
          %add3A_280 = arith.constant 1 : i32
          %add3A_281 = vector.broadcast %add3A_280 : i32 to vector<16xi32>
          %add3A_282 = arith.addi %mul3A_279, %add3A_281 : vector<16xi32>
          tpu.vector_store_idx %arg32[%add3A_282], %select_n3A_255 : memref<16384xi32, #tpu.memory_space<vmem>>[vector<16xi32>], vector<16xi32>,
          %add3A_283 = arith.constant 2 : i32
          %add3A_284 = vector.broadcast %add3A_283 : i32 to vector<16xi32>
          %add3A_285 = arith.addi %mul3A_279, %add3A_284 : vector<16xi32>
          tpu.vector_store_idx %arg32[%add3A_285], %select_n3A_256 : memref<16384xi32, #tpu.memory_space<vmem>>[vector<16xi32>], vector<16xi32>,
          %add3A_286 = arith.constant 3 : i32
          %add3A_287 = vector.broadcast %add3A_286 : i32 to vector<16xi32>
          %add3A_288 = arith.addi %mul3A_279, %add3A_287 : vector<16xi32>
          tpu.vector_store_idx %arg32[%add3A_288], %select_n3A_257 : memref<16384xi32, #tpu.memory_space<vmem>>[vector<16xi32>], vector<16xi32>,
          %scan3A_289 = arith.constant 0 : i32
          scf.yield %scan3A_289 : i32
        }
        %scan3A_202 = arith.constant 256 : i32
        %mul3A_203 = arith.constant 262144 : i32
        %mul3A_204 = arith.muli %add3A, %mul3A_203 : i32
        %add3A_205 = arith.addi %mul3A_204, %mul3A_195 : i32
        "tpu.region"() ({
          %run_scoped3A = tpu.sem_alloc : memref<!tpu.dma_semaphore, #tpu.memory_space<semaphore_mem>>
          %dma_start3A = tpu.memref_slice %arg8[%add3A_205] : memref<8388608xf32, #tpu.memory_space<hbm>> -> memref<4096xf32, #tpu.memory_space<hbm>>
          %dma_start3A_209 = tpu.memref_slice %arg8[%add3A_205] : memref<8388608xf32, #tpu.memory_space<hbm>> -> memref<4096xf32, #tpu.memory_space<hbm>>
          tpu.enqueue_dma source(%arg31 : memref<4096xf32, #tpu.memory_space<vmem>>) target(%dma_start3A_209 : memref<4096xf32, #tpu.memory_space<hbm>>) target_semaphore(%run_scoped3A : memref<!tpu.dma_semaphore, #tpu.memory_space<semaphore_mem>>)
          %dma_wait3A = tpu.memref_slice %arg8[%add3A_205] : memref<8388608xf32, #tpu.memory_space<hbm>> -> memref<4096xf32, #tpu.memory_space<hbm>>
          %dma_wait3A_210 = tpu.memref_slice %arg8[%add3A_205] : memref<8388608xf32, #tpu.memory_space<hbm>> -> memref<4096xf32, #tpu.memory_space<hbm>>
          tpu.wait_dma2 semaphore(%run_scoped3A : memref<!tpu.dma_semaphore, #tpu.memory_space<semaphore_mem>>) src(%arg31 : memref<4096xf32, #tpu.memory_space<vmem>>) dst(%dma_wait3A_210 : memref<4096xf32, #tpu.memory_space<hbm>>)
          tpu.yield
        }) : () -> ()
        %mul3A_206 = arith.constant 4 : i32
        %mul3A_207 = arith.muli %mul3A_195, %mul3A_206 : i32
        "tpu.region"() ({
          %run_scoped3A = tpu.sem_alloc : memref<!tpu.dma_semaphore, #tpu.memory_space<semaphore_mem>>
          %dma_start3A = tpu.memref_slice %arg24[%mul3A_207] : memref<1048576xi32, #tpu.memory_space<hbm>> -> memref<16384xi32, #tpu.memory_space<hbm>>
          %dma_start3A_209 = tpu.memref_slice %arg24[%mul3A_207] : memref<1048576xi32, #tpu.memory_space<hbm>> -> memref<16384xi32, #tpu.memory_space<hbm>>
          tpu.enqueue_dma source(%arg32 : memref<16384xi32, #tpu.memory_space<vmem>>) target(%dma_start3A_209 : memref<16384xi32, #tpu.memory_space<hbm>>) target_semaphore(%run_scoped3A : memref<!tpu.dma_semaphore, #tpu.memory_space<semaphore_mem>>)
          %dma_wait3A = tpu.memref_slice %arg24[%mul3A_207] : memref<1048576xi32, #tpu.memory_space<hbm>> -> memref<16384xi32, #tpu.memory_space<hbm>>
          %dma_wait3A_210 = tpu.memref_slice %arg24[%mul3A_207] : memref<1048576xi32, #tpu.memory_space<hbm>> -> memref<16384xi32, #tpu.memory_space<hbm>>
          tpu.wait_dma2 semaphore(%run_scoped3A : memref<!tpu.dma_semaphore, #tpu.memory_space<semaphore_mem>>) src(%arg32 : memref<16384xi32, #tpu.memory_space<vmem>>) dst(%dma_wait3A_210 : memref<16384xi32, #tpu.memory_space<hbm>>)
          tpu.yield
        }) : () -> ()
        %scan3A_208 = arith.constant 0 : i32
        scf.yield %scan3A_208 : i32
      }
      %scan3A_191 = arith.constant 64 : i32
    } else {
    }
    return
  }
}

</mosaic_0001>

<sc_bundles>
// kernel: _run.3.cloned.1.call-start
scs
__scs_entry_jumppad:
0x0: {  	(pc) =	sbr.rel $0x88, $3  }
0x1: {  	(tag) =	ssettag $0x0;
	lr =	simm.s32 $0x1  }
0x2: {  	[smem:$0x3F90] =	sst lr;
	_ =	strace $0xD0000000  }
0x3: {  	_ = 	snop  }
0x4: {  	_ = 	snop  }
0x5: {  	_ = 	snop  }
0x6: {  	_ = 	snop  }
0x7: {  	_ = 	snop  }
__scs_overlays_trampoline_lowered:
0x8: {  	[smem:$0x3F9F] =	sst s0  }
0x9: {  	[smem:$0x3FA0] =	sst s1  }
0xa: {  	[smem:$0x3FA1] =	sst s2  }
0xb: {  	[smem:$0x3FA2] =	sst s3  }
0xc: {  	[smem:$0x3FA3] =	sst s4  }
0xd: {  	[smem:$0x3FA4] =	sst s5  }
0xe: {  	[smem:$0x3FA5] =	sst s6  }
0xf: {  	[smem:$0x3FA6] =	sst s7  }
0x10: {  	[smem:$0x3FA7] =	sst s8  }
0x11: {  	[smem:$0x3FA8] =	sst s9;
	s0 =	simm.s32 @!p0 $0x0  }
0x12: {  	s1 =	sld [smem:$0x3F8E];
	s0 =	simm.s32 @p0 $0x1  }
0x13: {  	[smem:$0x3FA9] =	sst s0;
	s0 =	simm.s32 @!p1 $0x0  }
0x14: {  	s2 =	sld [smem:$0x3F8D];
	s0 =	simm.s32 @p1 $0x1  }
0x15: {  	[smem:$0x3FAA] =	sst s0;
	s0 =	simm.s32 @!p2 $0x0  }
0x16: {  	s3 =	sld [smem:$0x3FDB];
	s0 =	simm.s32 @p2 $0x1  }
0x17: {  	s4 =	simm.s32 $0x1BF5;
	[smem:$0x3FAC] =	sst s0  }
0x18: {  	s0 =	sld [smem:$0x3F8F];
	_ =	swait.ge [sflag:s4], $0x0  }
0x19: {  	s7 =	sld [smem:$0x3F90]  }
0x1a: {  	s8 =	sadd.s32 $0xFFFFE003, lr  }
0x1b: {  	s9 =	sadd.s32 $0xFFFFFEF7, lr;
	s5 =	simm.s32 $0xFFFFFFFF;
	p2 =	slt.u32 s8, $0xFFFFF086  }
0x1c: {  	p1 =	slt.u32 s9, $0xF7A;
	s5 =	simm.s32 @!p2 $0x0  }
0x1d: {  	s5 =	simm.s32 @p1 $0x1;
	p0 =	seq.s32 s7, s2  }
0x1e: {  	s7 =	smul.u32 @!p0 $0xF7A, s2;
	p2 =	seq.s32 @!p0 s5, $0x0  }
0x1f: {  	s9 =	smul.u32 $0xF7A, s1;
	s8 =	simm.s32 @!p0 $0x1BF5;
	p2 =	por !p2, p0  }
0x20: {  	[sflag:s8] =	ssyncset.s32 @!p0 $0xFFFFF086;
	s6 =	sadd.s32 @!p0 s3, s7;
	s7 =	simm.s32 @!p0 $0x108  }
0x21: {  	s3 =	sadd.s32 s3, s9;
	s6 =	sadd.s32 @!p0 $0x88, s6;
	s7 =	simm.s32 @p2 $0x1082  }
0x22: {  	[simem:s7], [sflag:s8] =	dma.local @!p0 [hbm:s6], $0xF7A  }
0x23: {  	s9 =	sor.u32 $0xD0000000, s2;
	s6 =	simm.s32 $0x108;
	_ =	swait.ge @!p0 [sflag:s8], $0x0  }
0x24: {  	s3 =	sadd.s32 $0x88, s3;
	s6 =	simm.s32 @!p1 $0x1082;
	[sflag:s4] =	ssyncset.s32 $0xFFFFF086  }
0x25: {  	[simem:s6], [sflag:s4] =	dma.local [hbm:s3], $0xF7A  }
0x26: {  	[smem:$0x3F90] =	sst s1;
	(tag) =	ssettag s2;
	_ =	strace s9  }
0x27: {  	s1 =	sld [smem:$0x3FA0]  }
0x28: {  	s2 =	sld [smem:$0x3FA1]  }
0x29: {  	s4 =	sld [smem:$0x3FA3]  }
0x2a: {  	p0 =	seq.s32 s5, $0x0;
	s5 =	sld [smem:$0x3FA4]  }
0x2b: {  	s6 =	sld [smem:$0x3FA5]  }
0x2c: {  	s7 =	sld [smem:$0x3FA6]  }
0x2d: {  	s3 =	simm.s32 $0x108;
	s8 =	sld [smem:$0x3FA7]  }
0x2e: {  	s3 =	simm.s32 @!p0 $0x1082;
	s9 =	sld [smem:$0x3FA8]  }
0x2f: {  	lr =	sadd.s32 s0, s3;
	s0 =	sld [smem:$0x3F9F]  }
0x30: {  	s3 =	sld [smem:$0x3FA2]  }
0x31: {  	[smem:$0x3FAB] =	sst s10  }
0x32: {  	s10 =	sld [smem:$0x3FA9];
	_ =	sdelay $0x3  }
0x33: {  	p0 =	seq.s32 s10, $0x1;
	s10 =	sld [smem:$0x3FAB];
	_ =	sdelay $0x3  }
0x34: {  	[smem:$0x3FAB] =	sst s10  }
0x35: {  	s10 =	sld [smem:$0x3FAA];
	_ =	sdelay $0x3  }
0x36: {  	p1 =	seq.s32 s10, $0x1;
	s10 =	sld [smem:$0x3FAB];
	_ =	sdelay $0x3  }
0x37: {  	[smem:$0x3FAB] =	sst s10  }
0x38: {  	s10 =	sld [smem:$0x3FAC]  }
0x39: {  	_ = 	snop;
	(pc) =	sbr.ind lr, $3  }
0x3a: {  	_ = 	snop  }
0x3b: {  	_ = 	snop  }
0x3c: {  	p2 =	seq.s32 s10, $0x1;
	s10 =	sld [smem:$0x3FAB]  }
0x3d: {  	_ =	shalt  }
0x3e: {  	_ =	shalt  }
0x3f: {  	_ =	shalt  }
0x40: {  	_ =	shalt  }
0x41: {  	_ =	shalt  }
0x42: {  	_ =	shalt  }
0x43: {  	_ =	shalt  }
0x44: {  	_ =	shalt  }
0x45: {  	_ =	shalt  }
0x46: {  	_ =	shalt  }
0x47: {  	_ =	shalt  }
0x48: {  	_ =	shalt  }
0x49: {  	_ =	shalt  }
0x4a: {  	_ =	shalt  }
0x4b: {  	_ =	shalt  }
0x4c: {  	_ =	shalt  }
0x4d: {  	_ =	shalt  }
0x4e: {  	_ =	shalt  }
0x4f: {  	_ =	shalt  }
0x50: {  	_ =	shalt  }
0x51: {  	_ =	shalt  }
0x52: {  	_ =	shalt  }
0x53: {  	_ =	shalt  }
0x54: {  	_ =	shalt  }
0x55: {  	_ =	shalt  }
0x56: {  	_ =	shalt  }
0x57: {  	_ =	shalt  }
0x58: {  	_ =	shalt  }
0x59: {  	_ =	shalt  }
0x5a: {  	_ =	shalt  }
0x5b: {  	_ =	shalt  }
0x5c: {  	_ =	shalt  }
0x5d: {  	_ =	shalt  }
0x5e: {  	_ =	shalt  }
0x5f: {  	_ =	shalt  }
0x60: {  	_ =	shalt  }
0x61: {  	_ =	shalt  }
0x62: {  	_ =	shalt  }
0x63: {  	_ =	shalt  }
0x64: {  	_ =	shalt  }
0x65: {  	_ =	shalt  }
0x66: {  	_ =	shalt  }
0x67: {  	_ =	shalt  }
0x68: {  	_ =	shalt  }
0x69: {  	_ =	shalt  }
0x6a: {  	_ =	shalt  }
0x6b: {  	_ =	shalt  }
0x6c: {  	_ =	shalt  }
0x6d: {  	_ =	shalt  }
0x6e: {  	_ =	shalt  }
0x6f: {  	_ =	shalt  }
0x70: {  	_ =	shalt  }
0x71: {  	_ =	shalt  }
0x72: {  	_ =	shalt  }
0x73: {  	_ =	shalt  }
0x74: {  	_ =	shalt  }
0x75: {  	_ =	shalt  }
0x76: {  	_ =	shalt  }
0x77: {  	_ =	shalt  }
0x78: {  	_ =	shalt  }
0x79: {  	_ =	shalt  }
0x7a: {  	_ =	shalt  }
0x7b: {  	_ =	shalt  }
0x7c: {  	_ =	shalt  }
0x7d: {  	_ =	shalt  }
0x7e: {  	_ =	shalt  }
0x7f: {  	_ =	shalt  }
0x80: {  	_ =	shalt  }
0x81: {  	_ =	shalt  }
0x82: {  	_ =	shalt  }
0x83: {  	_ =	shalt  }
0x84: {  	_ =	shalt  }
0x85: {  	_ =	shalt  }
0x86: {  	_ =	shalt  }
0x87: {  	_ =	shalt  }
.Lfunc_end0:
.L_simem_size_0:
called_computation_lowered:
.L_overlay_start_0:
0x88: {  	s2 =	sld [smem:$0x3FD9]  }
0x89: {  	s3 =	sld [smem:$0x3FFE];
	_ =	sdelay $0x1  }
0x8a: {  	s1 =	srdreg.scid  }
0x8b: {  	s0 =	sand.u32 $0x1, s1  }
0x8c: {  	s22 =	sshll.u32 s0, $0xA;
	s2 =	sadd.s32 s3, s2  }
0x8d: {  	s2 =	sadd.s32 s2, s22  }
0x8e: {  	[smem:$0x3FB7] =	sst s2  }
0x8f: {  	_ = 	snop  }
0x90: {  	s15 =	sld [smem:$0x3FD0];
	_ =	sdelay $0x2  }
0x91: {  	s16 =	simm.s32 $0xA;
	s17 =	simm.s32 $0x10  }
0x92: {  	[smem:s17], [sflag:s16] =	dma.local [hbm:s15], $0x1  }
0x93: {  	_ =	swait.eq [sflag:s16], $0x1  }
0x94: {  	s2 =	sld [smem:$0x10]  }
0x95: {  	s3 =	sld [smem:$0x14]  }
0x96: {  	s4 =	sld [smem:$0x15];
	[sflag:s16] =	ssyncset.done $0x0  }
0x97: {  	s6 =	sld [smem:$0x16];
	[sflag:s16] =	ssyncadd.s32 $0xFFFFFFFF  }
0x98: {  	s5 =	sadd.s32 $0x1, s15;
	s10 =	sld [smem:$0x17]  }
0x99: {  	[smem:s17], [sflag:s16] =	dma.local [hbm:s5], $0x1  }
0x9a: {  	_ =	swait.eq [sflag:s16], $0x1  }
0x9b: {  	s12 =	sld [smem:$0x10]  }
0x9c: {  	s14 =	sld [smem:$0x11]  }
0x9d: {  	s5 =	sld [smem:$0x12]  }
0x9e: {  	s7 =	sld [smem:$0x13]  }
0x9f: {  	s8 =	sld [smem:$0x14]  }
0xa0: {  	s9 =	sld [smem:$0x15];
	[sflag:s16] =	ssyncset.done $0x0  }
0xa1: {  	s11 =	sld [smem:$0x16];
	[sflag:s16] =	ssyncadd.s32 $0xFFFFFFFF  }
0xa2: {  	s15 =	sadd.s32 $0x2, s15;
	s13 =	sld [smem:$0x17]  }
0xa3: {  	[smem:s17], [sflag:s16] =	dma.local [hbm:s15], $0x1  }
0xa4: {  	_ =	swait.eq [sflag:s16], $0x1  }
0xa5: {  	[sflag:s16] =	ssyncset.done $0x0  }
0xa6: {  	[sflag:s16] =	ssyncadd.s32 $0xFFFFFFFF  }
0xa7: {  	s15 =	sld [smem:$0x10];
	(tm) =	ssettm $0x1  }
0xa8: {  	s23 =	sld [smem:$0x3FFB];
	_ =	sdelay $0x3  }
0xa9: {  	_ =	strace s23  }
0xaa: {  	s16 =	sld [smem:$0x3FFC];
	_ =	sdelay $0x3  }
0xab: {  	_ =	strace s16  }
0xac: {  	s16 =	sld [smem:$0x3FFD];
	_ =	sdelay $0x3  }
0xad: {  	_ =	strace s16  }
0xae: {  	_ =	strace $0x8FFFFFFF  }
0xaf: {  	s24 =	sld [smem:$0x3FDB];
	_ =	sdelay $0x1  }
0xb0: {  	s25 =	simm.s32 $_scs_section_size  }
0xb1: {  	s18 =	simm.s32 $_size__tile_task_arg_handler_lowered;
	s19 =	simm.s32 $_tile_task_arg_handler_lowered  }
0xb2: {  	s29 =	simm.s32 $0x1BFF;
	s28 =	sshll.u32 s19, $0x1;
	s17 =	sadd.s32 s25, s24  }
0xb3: {  	s20 =	simm.s32 $0x60;
	s26 =	sshll.u32 s18, $0x1;
	s18 =	sadd.s32 s28, s17  }
0xb4: {  	[timem:s20], [sflag:s29] =	dma.local [hbm:s18], s26  }
0xb5: {  	_ =	swait.ge [sflag:s29], s26  }
0xb6: {  	s30 =	simm.s32 $_tile_overlayer_lowered;
	s16 =	ssub.s32 $0x0, s26;
	[sflag:s29] =	ssyncset.done $0x0  }
0xb7: {  	s31 =	simm.s32 $_size__tile_overlayer_lowered;
	s18 =	sshll.u32 s30, $0x1;
	[sflag:s29] =	ssyncadd.s32 s16  }
0xb8: {  	s21 =	simm.s32 $0x0;
	s18 =	sadd.s32 s18, s17;
	s16 =	sshll.u32 s31, $0x1  }
0xb9: {  	[timem:s21], [sflag:s29] =	dma.local [hbm:s18], s16  }
0xba: {  	_ =	swait.ge [sflag:s29], s16  }
0xbb: {  	s22 =	ssub.s32 $0x0, s16;
	[sflag:s29] =	ssyncset.done $0x0  }
0xbc: {  	[sflag:s29] =	ssyncadd.s32 s22;
	_ =	sdelay $0x1  }
0xbd: {  	s23 =	simm.s32 $0x1B8B  }
0xbe: {  	_ =	swait.ge [sflag:s23], $0x1  }
0xbf: {  	[sflag:s23] =	ssyncset.done $0x0  }
0xc0: {  	s25 =	simm.s32 $0x1B8E;
	s24 =	sld [smem:$0x3FFE];
	[sflag:s23] =	ssyncadd.s32 $0xFFFFFFFF  }
0xc1: {  	s26 =	simm.s32 $execute0_lowered;
	[smem:$0x3FD2] =	sst s25  }
0xc2: {  	s19 =	sshll.u32 s26, $0x1;
	_ =	strace $0x80000046;
	[dreg:$0x1] =	wrdreg $0xFFFFFFFF  }
0xc3: {  	s28 =	simm.s32 $_size_execute0_lowered;
	s17 =	sadd.s32 s17, s19;
	[dreg:$0x0] =	wrdreg $0x0  }
0xc4: {  	s19 =	sshll.u32 s28, $0x1;
	[dreg:$0x2] =	wrdreg s17  }
0xc5: {  	[dreg:$0x3] =	wrdreg s19  }
0xc6: {  	[dreg:$0x4] =	wrdreg $0xC0  }
0xc7: {  	_ =	task [dreg:s21], $0x5FFFF  }
0xc8: {  	[dreg:$0x1] =	wrdreg $0xFFFFFFFF  }
0xc9: {  	[dreg:$0x0] =	wrdreg $0x30  }
0xca: {  	[dreg:$0x2] =	wrdreg $0x0  }
0xcb: {  	[dreg:$0x3] =	wrdreg s14  }
0xcc: {  	[dreg:$0x4] =	wrdreg $0x9  }
0xcd: {  	_ =	task [dreg:s21], $0x5FFFF  }
0xce: {  	[dreg:$0x1] =	wrdreg $0xFFFFFFFF  }
0xcf: {  	[dreg:$0x0] =	wrdreg $0x60  }
0xd0: {  	[dreg:$0x2] =	wrdreg s10  }
0xd1: {  	[dreg:$0x3] =	wrdreg s12  }
0xd2: {  	[dreg:$0x4] =	wrdreg s24  }
0xd3: {  	[dreg:$0x5] =	wrdreg s6  }
0xd4: {  	[dreg:$0x6] =	wrdreg s4  }
0xd5: {  	[dreg:$0x7] =	wrdreg s3  }
0xd6: {  	[dreg:$0x8] =	wrdreg s2  }
0xd7: {  	[dreg:$0x9] =	wrdreg s15  }
0xd8: {  	[dreg:$0xa] =	wrdreg s13  }
0xd9: {  	[dreg:$0xb] =	wrdreg s11  }
0xda: {  	[dreg:$0xc] =	wrdreg s9  }
0xdb: {  	[dreg:$0xd] =	wrdreg s8  }
0xdc: {  	[dreg:$0xe] =	wrdreg s7  }
0xdd: {  	[dreg:$0xf] =	wrdreg s5  }
0xde: {  	_ =	task.clear_ibuf [dreg:s21], $0x10FFFF;
	_ =	strace $0x90000046  }
0xdf: {  	s29 =	simm.s32 $0x9;
	_ =	strace $0x80000048  }
0xe0: {  	_ =	swait.ge [sflag:s29], $0x1  }
0xe1: {  	[sflag:s29] =	ssyncadd.s32 $0xFFFFFFFF  }
0xe2: {  	_ =	strace $0x90000048  }
0xe3: {  	_ =	sfence  }
0xe4: {  	s30 =	sld [smem:$0x0];
	_ =	sdelay $0x2  }
0xe5: {  	s31 =	sshll.u32 s1, $0xD;
	s1 =	sshrl.u32 s1, $0x2  }
0xe6: {  	s3 =	sand.u32 $0x4000, s31;
	s1 =	sadd.s32 s1, s30  }
0xe7: {  	s0 =	sor.u32 s3, s0;
	s1 =	sshll.u32 s1, $0x11  }
0xe8: {  	s0 =	sor.u32 s1, s0  }
0xe9: {  	s0 =	sadd.s32 $0x8F2B, s0  }
0xea: {  	[sflag:s0] =	ssyncadd.remote.s32 $0x1  }
0xeb: {  	_ =	sfence.sel $0xFFFF  }
0xec: {  	[dreg:$0x0] =	wrdreg $0xFFFFFFFF;
	(pc) =	sbr.abs _section_cstart, $3  }
0xed: {  	[dreg:$0x1] =	wrdreg $0xFFFFFFFF  }
0xee: {  	_ =	task.clear_ibuf [dreg:s21], $0x2FFFF;
	_ =	strace $0x9FFFFFFF  }
0xef: {  	(tm) =	ssettm $0x7FFFFFFF  }
tec
_tile_task_arg_handler_lowered:
.L_overlay_start_1:
0x0: {  	(tag) =	ssettag $0x1  }
0x1: {  	s0 =	rddreg [dreg:$0x0]  }
0x2: {  	s1 =	rddreg [dreg:$0x1]  }
0x3: {  	s2 =	rddreg [dreg:$0x2]  }
0x4: {  	s3 =	rddreg [dreg:$0x3]  }
0x5: {  	s4 =	rddreg [dreg:$0x4]  }
0x6: {  	s5 =	rddreg [dreg:$0x5]  }
0x7: {  	s6 =	rddreg [dreg:$0x6]  }
0x8: {  	s7 =	rddreg [dreg:$0x7]  }
0x9: {  	s8 =	rddreg [dreg:$0x8]  }
0xa: {  	s9 =	rddreg [dreg:$0x9]  }
0xb: {  	s10 =	rddreg [dreg:$0xa]  }
0xc: {  	s11 =	rddreg [dreg:$0xb]  }
0xd: {  	s12 =	rddreg [dreg:$0xc]  }
0xe: {  	s13 =	rddreg [dreg:$0xd]  }
0xf: {  	[smem:s0] =	sst s1  }
0x10: {  	[smem:s0+$0x1] =	sst s2  }
0x11: {  	[smem:s0+$0x2] =	sst s3  }
0x12: {  	[smem:s0+$0x3] =	sst s4  }
0x13: {  	[smem:s0+$0x4] =	sst s5  }
0x14: {  	[smem:s0+$0x5] =	sst s6  }
0x15: {  	[smem:s0+$0x6] =	sst s7  }
0x16: {  	[smem:s0+$0x7] =	sst s8  }
0x17: {  	[smem:s0+$0x8] =	sst s9  }
0x18: {  	[smem:s0+$0x9] =	sst s10  }
0x19: {  	[smem:s0+$0xA] =	sst s11  }
0x1a: {  	[smem:s0+$0xB] =	sst s12  }
0x1b: {  	[smem:s0+$0xC] =	sst s13;
	_ =	shalt  }
.Lfunc_end2:
execute0_lowered:
.L_overlay_start_2:
0x1c: {  	(tag) =	ssettag $0x2  }
0x1d: {  	s0 =	rddreg [dreg:$0x0]  }
0x1e: {  	s1 =	rddreg [dreg:$0x1]  }
0x1f: {  	s2 =	rddreg [dreg:$0x2]  }
0x20: {  	s3 =	rddreg [dreg:$0x6]  }
0x21: {  	s9 =	rddreg [dreg:$0xb]  }
0x22: {  	s10 =	rddreg [dreg:$0xc];
	s4 =	srdreg.scid  }
0x23: {  	s12 =	rddreg [dreg:$0xd];
	s4 =	sand.u32 $0x1, s4  }
0x24: {  	s13 =	simm.s32 $0x0;
	s6 =	stileid.u32;
	s7 =	sshll.u32 s4, $0x4  }
0x25: {  	s30 =	simm.s32 $0x1;
	s8 =	sand.u32 $0x1, s6;
	s16 =	sor.u32 s6, s7  }
0x26: {  	[smem:$0x7FF] =	sst s13;
	p1 =	seq.s32 s8, $0x1;
	p0 =	seq.s32 s16, $0x0  }
0x27: {  	s17 =	sadd.s32 $0x40000, s2;
	s18 =	sadd.s32 $0x60000, s2;
	p0 =	por !p0, !p1  }
0x28: {  	s5 =	sld [smem:$0x1];
	s7 =	simm.s32 $0x1;
	p0 =	por !p0, !p0  }
0x29: {  	s19 =	sadd.s32 $0x80000, s2;
	s14 =	sshrl.u32 s16, $0x1;
	s7 =	simm.s32 @!p0 $0x0  }
0x2a: {  	s22 =	sadd.s32 $0xA0000, s2;
	s15 =	sld [smem:$0x0];
	s6 =	ssub.s32 s14, s7  }
0x2b: {  	[dreg:$0xe] =	wrdreg s5;
	s5 =	sor.u32 s8, s6;
	p6 =	seq.s32 s6, $0x6  }
0x2c: {  	_ =	strace $0x80000047;
	[dreg:$0xf] =	wrdreg s5;
	s5 =	simm.s32 @!p6 $0x0  }
0x2d: {  	s24 =	sadd.s32 $0xC0000, s2;
	s5 =	simm.s32 @p6 $0x1;
	p6 =	seq.s32 s6, $0x7  }
0x2e: {  	s25 =	sadd.s32 $0xE0000, s2;
	[smem:$0x7EB] =	sst s5;
	s5 =	simm.s32 @!p6 $0x0  }
0x2f: {  	s26 =	sadd.s32 $0x100000, s2;
	s5 =	simm.s32 @p6 $0x1;
	p6 =	seq.s32 s6, $0x8  }
0x30: {  	s28 =	sadd.s32 $0x120000, s2;
	[smem:$0x7ED] =	sst s5;
	s5 =	simm.s32 @!p6 $0x0  }
0x31: {  	s4 =	ssub.s32 $0x2, s4;
	s5 =	simm.s32 @p6 $0x1;
	p6 =	seq.s32 s6, $0x9  }
0x32: {  	s11 =	sshrl.u32 s4, $0x1;
	[smem:$0x7EE] =	sst s5;
	s5 =	simm.s32 @!p6 $0x0  }
0x33: {  	s20 =	sshll.u32 s16, $0xF;
	s5 =	simm.s32 @p6 $0x1;
	p6 =	seq.s32 s6, $0xA  }
0x34: {  	s21 =	sshll.u32 s16, $0xD;
	[smem:$0x7F1] =	sst s5;
	s5 =	simm.s32 @!p6 $0x0  }
0x35: {  	s20 =	sadd.s32 s3, s20;
	s5 =	simm.s32 @p6 $0x1;
	p6 =	seq.s32 s6, $0xB  }
0x36: {  	s3 =	sadd.s32 s2, s21;
	[smem:$0x7F3] =	sst s5;
	s5 =	simm.s32 @!p6 $0x0  }
0x37: {  	[dreg:$0x10] =	wrdreg s3;
	s5 =	simm.s32 @p6 $0x1;
	p6 =	seq.s32 s6, $0xC  }
0x38: {  	p1 =	seq.s32 s8, $0x0;
	[smem:$0x7F4] =	sst s5;
	s5 =	simm.s32 @!p6 $0x0  }
0x39: {  	p0 =	seq.s32 s6, $0x1;
	s5 =	simm.s32 @p6 $0x1;
	p6 =	seq.s32 s6, $0xD  }
0x3a: {  	p2 =	seq.s32 s6, $0x2;
	[smem:$0x7F7] =	sst s5;
	s5 =	simm.s32 @!p6 $0x0  }
0x3b: {  	p3 =	seq.s32 s6, $0x3;
	s5 =	simm.s32 @p6 $0x1;
	p6 =	seq.s32 s6, $0xE  }
0x3c: {  	p4 =	seq.s32 s6, $0x4;
	[smem:$0x7F9] =	sst s5;
	s5 =	simm.s32 @!p6 $0x0  }
0x3d: {  	p0 =	por !p1, !p0;
	s5 =	simm.s32 @p6 $0x1;
	p6 =	seq.s32 s6, $0xF  }
0x3e: {  	p2 =	por !p1, !p2;
	[smem:$0x7FA] =	sst s5;
	s5 =	simm.s32 @!p6 $0x0  }
0x3f: {  	s5 =	simm.s32 @p6 $0x1;
	p6 =	por !p0, !p0;
	p0 =	por !p2, !p2  }
0x40: {  	p5 =	seq.s32 s6, $0x5;
	p3 =	por !p1, !p3;
	s2 =	simm.s32 @!p0 $0x0  }
0x41: {  	s23 =	sld [smem:$0x7EB];
	s2 =	simm.s32 @p0 $0x1;
	p0 =	por !p3, !p3  }
0x42: {  	p4 =	por !p1, !p4;
	[smem:$0x7E7] =	sst s2;
	s2 =	simm.s32 @!p0 $0x0  }
0x43: {  	s29 =	sld [smem:$0x7ED];
	s2 =	simm.s32 @p0 $0x1;
	p0 =	por !p4, !p4  }
0x44: {  	p5 =	por !p1, !p5;
	[smem:$0x7E8] =	sst s2;
	s2 =	simm.s32 @!p0 $0x0  }
0x45: {  	s3 =	sld [smem:$0x7EE];
	s2 =	simm.s32 @p0 $0x1;
	p0 =	por !p5, !p5  }
0x46: {  	p3 =	seq.s32 s23, $0x1;
	[smem:$0x7E9] =	sst s2;
	s2 =	simm.s32 @!p0 $0x0  }
0x47: {  	s7 =	sld [smem:$0x7F4];
	s2 =	simm.s32 @p0 $0x1;
	p0 =	por !p1, !p3  }
0x48: {  	s4 =	ssub.s32 s4, s11;
	s8 =	sld [smem:$0x7F7];
	p0 =	por !p0, !p0  }
0x49: {  	p4 =	seq.s32 s29, $0x1;
	[smem:$0x7EA] =	sst s2;
	s2 =	simm.s32 @!p0 $0x0  }
0x4a: {  	[smem:$0x7FD] =	sst s5;
	s2 =	simm.s32 @p0 $0x1;
	p0 =	por !p1, !p4  }
0x4b: {  	s5 =	sld [smem:$0x7F1];
	p5 =	seq.s32 s3, $0x1;
	p0 =	por !p0, !p0  }
0x4c: {  	p2 =	por !p1, !p5;
	[smem:$0x7EC] =	sst s2;
	s2 =	simm.s32 @!p0 $0x0  }
0x4d: {  	s6 =	sld [smem:$0x7F3];
	s2 =	simm.s32 @p0 $0x1;
	p0 =	por !p2, !p2  }
0x4e: {  	p3 =	seq.s32 s5, $0x1;
	[smem:$0x7EF] =	sst s2;
	s2 =	simm.s32 @!p0 $0x0  }
0x4f: {  	s11 =	sld [smem:$0x7F9];
	s2 =	simm.s32 @p0 $0x1;
	p0 =	por !p1, !p3  }
0x50: {  	s31 =	simm.s32 $0x11600;
	s14 =	sld [smem:$0x7FA];
	p0 =	por !p0, !p0  }
0x51: {  	p4 =	seq.s32 s6, $0x1;
	[smem:$0x7F0] =	sst s2;
	s2 =	simm.s32 @!p0 $0x0  }
0x52: {  	s21 =	sld [smem:$0x7FD];
	s2 =	simm.s32 @p0 $0x1;
	p0 =	por !p1, !p4  }
0x53: {  	s23 =	smax.u32 s4, $0x1;
	p5 =	seq.s32 s7, $0x1;
	p0 =	por !p0, !p0  }
0x54: {  	p2 =	por !p1, !p5;
	[smem:$0x7F2] =	sst s2;
	s2 =	simm.s32 @!p0 $0x0  }
0x55: {  	s4 =	simm.s32 $0x10600;
	s2 =	simm.s32 @p0 $0x1;
	p0 =	por !p2, !p2  }
0x56: {  	p2 =	seq.s32 s8, $0x1;
	[smem:$0x7F5] =	sst s2;
	s2 =	simm.s32 @!p0 $0x0  }
0x57: {  	[dreg:$0x11] =	wrdreg s23;
	s2 =	simm.s32 @p0 $0x1;
	p0 =	por !p1, !p2  }
0x58: {  	s29 =	sshll.u32 s16, $0x4;
	s3 =	simm.s32 $0x12600;
	p0 =	por !p0, !p0  }
0x59: {  	p3 =	seq.s32 s11, $0x1;
	[smem:$0x7F6] =	sst s2;
	s2 =	simm.s32 @!p0 $0x0  }
0x5a: {  	p4 =	seq.s32 s14, $0x1;
	s2 =	simm.s32 @p0 $0x1;
	p0 =	por !p1, !p3  }
0x5b: {  	s6 =	simm.s32 $0x0;
	p2 =	por !p1, !p4;
	p0 =	por !p0, !p0  }
.Ltmp0:
0x5c: {  	[smem:$0x7F8] =	sst s2;
	s2 =	simm.s32 @!p0 $0x0;
	(pc) =	sbr.rel .LBB3_1-.Ltmp0, $4  }
0x5d: {  	p5 =	seq.s32 s21, $0x1;
	s2 =	simm.s32 @p0 $0x1;
	p0 =	por !p2, !p2  }
0x5e: {  	p2 =	por p1, p1;
	[smem:$0x7FB] =	sst s2;
	s2 =	simm.s32 @!p0 $0x0  }
0x5f: {  	v1 =	vlaneseq.u32;
	s2 =	simm.s32 @p0 $0x1;
	p0 =	por !p1, !p5;
	p1 =	por p6, p6  }
0x60: {  	v0 =	vor.u32 s29, v1;
	v1 =	vmul.u32 $0x4, v1;
	[smem:$0x7FC] =	sst s2;
	p3 =	por !p0, !p0;
	s2 =	simm.s32 $0x13600  }
.LBB3_86:
0x61: {  	s6 =	rddreg [dreg:$0x12]  }
0x62: {  	s5 =	rddreg [dreg:$0x11];
	s6 =	sadd.s32 $0x1, s6  }
0x63: {  	p0 =	sne.s32 s6, s5  }
.Ltmp1:
0x64: {  	_ = 	snop;
	(pc) =	sbr.rel @!p0 .LBB3_87-.Ltmp1, $1  }
0x65: {  	_ =	sdelay $0x3  }
.LBB3_1:
0x66: {  	[dreg:$0x12] =	wrdreg s6  }
0x67: {  	s5 =	rddreg [dreg:$0x3];
	s14 =	simm.s32 $0x10000  }
0x68: {  	[tilespmem:s14], [sflag:$0x1] =	stream.linear.gather [hbm4b:s5+s13], $0x200, $0x38;
	[tilespmem:$0x17600] =	vst v63  }
0x69: {  	_ =	swait.ge [sflag:s30], $0x200  }
0x6a: {  	[sflag:s30] =	ssyncset.done $0x0  }
0x6b: {  	[sflag:s30] =	ssyncadd.s32 $0xFFFFFE00  }
0x6c: {  	s7 =	simm.s32 $0x10200;
	s21 =	rddreg [dreg:$0x4]  }
0x6d: {  	[tilespmem:s7], [sflag:$0x1] =	stream.linear.gather [hbm4b:s21+s13], $0x200, $0x38;
	[tilespmem:$0x17600] =	vst v63  }
0x6e: {  	_ =	swait.ge [sflag:s30], $0x200  }
0x6f: {  	[sflag:s30] =	ssyncset.done $0x0  }
0x70: {  	[sflag:s30] =	ssyncadd.s32 $0xFFFFFE00  }
0x71: {  	s8 =	simm.s32 $0x10400;
	s23 =	rddreg [dreg:$0x5]  }
0x72: {  	[tilespmem:s8], [sflag:$0x1] =	stream.linear.gather [hbm4b:s23+s13], $0x200, $0x38;
	[tilespmem:$0x17600] =	vst v63  }
0x73: {  	_ =	swait.ge [sflag:s30], $0x200  }
0x74: {  	[sflag:s30] =	ssyncset.done $0x0  }
0x75: {  	s29 =	rddreg [dreg:$0x10];
	[sflag:s30] =	ssyncadd.s32 $0xFFFFFE00  }
0x76: {  	[tilespmem:s13], [sflag:$0x1] =	stream.linear.gather [hbm4b:s29+s13], $0x10000, $0x38;
	[tilespmem:$0x17600] =	vst v63  }
0x77: {  	_ =	swait.ge [sflag:s30], $0x10000  }
.Ltmp2:
0x78: {  	[sflag:s30] =	ssyncset.done $0x0;
	(pc) =	sbr.rel @p2 .LBB3_6-.Ltmp2, $4  }
0x79: {  	[sflag:s30] =	ssyncadd.s32 $0xFFFF0000  }
0x7a: {  	v2 =	vld.idx.msk [tilespmem:v0+s14+$0x0], $0xffff  }
0x7b: {  	v3 =	vld.idx.msk [tilespmem:v0+s7+$0x0], $0xffff  }
0x7c: {  	v4 =	vld.idx.msk [tilespmem:v0+s8+$0x0], $0xffff  }
0x7d: {  	_ =	sdelay $0x3  }
0x7e: {  	s14 =	simm.s32 $0x0;
	s21 =	simm.s32 $0x0;
	v5 =	vadd.s32 $0x1, v4  }
.LBB3_3:
0x7f: {  	s23 =	sshll.u32 s21, $0x9  }
0x80: {  	s5 =	sadd.s32 s0, s23  }
0x81: {  	[tilespmem:s4], [sflag:$0x1] =	stream.linear.gather [hbm4b:s5+s14], $0x1000, $0x38;
	[tilespmem:$0x17600] =	vst v63  }
0x82: {  	_ =	swait.ge [sflag:s30], $0x1000  }
0x83: {  	[sflag:s30] =	ssyncset.done $0x0  }
0x84: {  	s11 =	sadd.s32 s1, s23;
	[sflag:s30] =	ssyncadd.s32 $0xFFFFF000  }
0x85: {  	[tilespmem:s31], [sflag:$0x1] =	stream.linear.gather [hbm4b:s11+s14], $0x1000, $0x38;
	[tilespmem:$0x17600] =	vst v63  }
0x86: {  	_ =	swait.ge [sflag:s30], $0x1000  }
0x87: {  	[sflag:s30] =	ssyncset.done $0x0  }
0x88: {  	s11 =	simm.s32 $0x0;
	[sflag:s30] =	ssyncadd.s32 $0xFFFFF000  }
0x89: {  	v7 =	vld [tilespmem:s11+$0x10600]  }
0x8a: {  	v12 =	vld [tilespmem:s11+$0x11600];
	_ =	sdelay $0x3  }
0x8b: {  	v6 =	vmul.f32 v7, v3  }
0x8c: {  	v8 =	vmul.f32 v12, v3  }
0x8d: {  	s29 =	simm.s32 $0x10;
	v6 =	vtrunc.f32 v6  }
0x8e: {  	v11 =	vld [tilespmem:s29+$0x10600];
	v9 =	vcvt.f32.s32 v6;
	v6 =	vtrunc.f32 v8  }
0x8f: {  	v6 =	vcvt.f32.s32 v6  }
0x90: {  	v8 =	vcvt.s32.f32 v9;
	v10 =	vmul.u32 v9, v4  }
0x91: {  	v13 =	vcvt.s32.f32 v6  }
0x92: {  	v14 =	vmul.u32 $0x9E3779B1, v6;
	v8 =	vmul.f32 v8, v2;
	v10 =	vadd.s32 v6, v10;
	v6 =	vld [tilespmem:s29+$0x11600]  }
0x93: {  	v20 =	vmul.f32 v11, v3;
	v18 =	vadd.s32 $0x1, v9;
	v15 =	vmul.f32 v13, v2  }
0x94: {  	v16 =	vxor.u32 v9, v14;
	v17 =	vadd.s32 $0x9E3779B1, v14;
	v13 =	vadd.f32 v8, v2  }
0x95: {  	v21 =	vadd.s32 $0x1, v10;
	v22 =	vadd.s32 v4, v10;
	v19 =	vxor.u32 v18, v17  }
0x96: {  	v9 =	vxor.u32 v9, v17;
	v18 =	vxor.u32 v18, v14;
	v13 =	vsub.f32 v13, v8  }
0x97: {  	v17 =	vand.u32 $0xFFFF, v19;
	v9 =	vand.u32 $0xFFFF, v9;
	v14 =	vmul.f32 v6, v3  }
0x98: {  	p4 =	slt.u32 s16, $0x1A;
	v18 =	vand.u32 $0xFFFF, v18;
	(erf) = vrcp.f32 v13;
	v13 =	vtrunc.f32 v20  }
0x99: {  	v20 =	vpsel p4, v21, v9;
	v21 =	vsub.f32 v7, v8;
	v9 =	vadd.f32 v15, v2  }
0x9a: {  	v7 =	vand.u32 $0xFFFF, v16;
	v19 =	vcvt.f32.s32 v13;
	v8 =	vtrunc.f32 v14  }
0x9b: {  	v24 =	vpsel p4, v10, v7;
	v8 =	vcvt.f32.s32 v8;
	v9 =	vsub.f32 v9, v15  }
0x9c: {  	p5 =	por p4, p4;
	v7 =	vadd.s32 v5, v10;
	v13 =	vcvt.s32.f32 v19;
	v10 =	vmul.u32 v19, v4  }
0x9d: {  	s5 =	simm.s32 $0x20;
	v25 =	vpsel p5, v7, v17;
	v14 =	vmul.u32 $0x9E3779B1, v8;
	(erf) = vrcp.f32 v9  }
0x9e: {  	v16 =	vmul.f32 v13, v2;
	v13 =	vcvt.s32.f32 v8;
	v17 =	vadd.s32 v8, v10;
	v8 =	vld [tilespmem:s5+$0x10600]  }
0x9f: {  	v12 =	vsub.f32 v12, v15;
	v18 =	vpsel p5, v22, v18;
	v7 =	vld [tilespmem:s5+$0x11600]  }
0xa0: {  	v26 =	vadd.s32 $0x1, v19;
	v23 =	vxor.u32 v19, v14;
	v9 =	vadd.f32 v16, v2  }
0xa1: {  	v10 =	vadd.s32 $0x9E3779B1, v14;
	v27 =	vadd.s32 $0x1, v17;
	v14 =	vxor.u32 v26, v14  }
0xa2: {  	v15 =	vadd.s32 v4, v17;
	v13 =	vmul.f32 v13, v2;
	v9 =	vsub.f32 v9, v16  }
0xa3: {  	v28 =	vxor.u32 v26, v10;
	v10 =	vxor.u32 v19, v10;
	v19 =	vmul.f32 v8, v3  }
0xa4: {  	(erf) = vrcp.f32 v9;
	v9 =	vsub.f32 v11, v16;
	v16 =	vmul.f32 v7, v3  }
0xa5: {  	v29 =	vand.u32 $0xFFFF, v28;
	v11 =	vand.u32 $0xFFFF, v23;
	v23 =	vpop (erf);
	v19 =	vtrunc.f32 v19  }
0xa6: {  	v10 =	vand.u32 $0xFFFF, v10;
	v26 =	vtrunc.f32 v16;
	v16 =	vmul.f32 v23, v21  }
0xa7: {  	v10 =	vpsel p4, v27, v10;
	v27 =	vpop (erf);
	v21 =	vcvt.f32.s32 v19;
	v32 =	vcvt.f32.s32 v26  }
0xa8: {  	v11 =	vpsel p4, v17, v11;
	v23 =	vmul.f32 v27, v12;
	v12 =	vadd.f32 v13, v2  }
0xa9: {  	v17 =	vadd.s32 v5, v17;
	v27 =	vld.idx.msk [tilespmem:v20+s13+$0x0], $0xffff;
	v19 =	vcvt.s32.f32 v21;
	v20 =	vcvt.s32.f32 v32  }
0xaa: {  	v17 =	vpsel p5, v17, v29;
	v33 =	vmul.u32 v21, v4;
	v30 =	vsub.f32 v12, v13  }
0xab: {  	v28 =	vld.idx.msk [tilespmem:v24+s13+$0x0], $0xffff;
	v22 =	vsub.f32 $1.000000000e+00, v16;
	v24 =	vmul.u32 $0x9E3779B1, v32;
	v19 =	vmul.f32 v19, v2  }
0xac: {  	v29 =	vld.idx.msk [tilespmem:v18+s13+$0x0], $0xffff;
	v26 =	vsub.f32 $1.000000000e+00, v23;
	v18 =	vadd.s32 v32, v33;
	(erf) = vrcp.f32 v30  }
0xad: {  	s6 =	simm.s32 $0xC0;
	v12 =	vmul.f32 v20, v2;
	v30 =	vld.idx.msk [tilespmem:v25+s13+$0x0], $0xffff;
	v25 =	vxor.u32 v21, v24;
	v31 =	vadd.f32 v19, v2;
	v20 =	vpop (erf)  }
.LBB3_4:
0xae: {  	s7 =	sshra.s32 s6, $0x2;
	p6 =	sne.s32 s6, $0x3FC0;
	s6 =	sadd.s32 $0x40, s6;
	v32 =	vadd.s32 $0x1, v18;
	v33 =	vadd.s32 $0x9E3779B1, v24;
	v34 =	vadd.s32 $0x1, v21  }
0xaf: {  	v27 =	vmul.f32 v23, v27;
	v31 =	vsub.f32 v31, v19;
	v35 =	vxor.u32 v34, v33  }
0xb0: {  	v21 =	vxor.u32 v21, v33;
	v28 =	vmul.f32 v26, v28;
	v36 =	vld [tilespmem:s7+$0x11600];
	v33 =	vand.u32 $0xFFFF, v35  }
0xb1: {  	v21 =	vand.u32 $0xFFFF, v21;
	v26 =	vmul.f32 v26, v29;
	v35 =	vld [tilespmem:s7+$0x10600];
	(erf) = vrcp.f32 v31  }
0xb2: {  	v24 =	vxor.u32 v34, v24;
	v29 =	vpsel p4, v32, v21;
	v21 =	vmul.f32 v23, v30  }
0xb3: {  	v19 =	vsub.f32 v8, v19;
	v8 =	vand.u32 $0xFFFF, v25;
	v23 =	vadd.f32 v28, v27  }
0xb4: {  	v13 =	vsub.f32 v6, v13;
	v6 =	vmovc v7;
	v25 =	vpsel p4, v18, v8;
	v32 =	vadd.f32 v26, v21  }
0xb5: {  	v34 =	vand.u32 $0xFFFF, v14;
	v22 =	vmul.f32 v23, v22;
	v21 =	vmul.f32 v36, v3;
	v26 =	vpop (erf)  }
0xb6: {  	v27 =	vadd.s32 v4, v18;
	v28 =	vmul.f32 v32, v16;
	v7 =	vmovc v36;
	v23 =	vmul.f32 v35, v3  }
0xb7: {  	v14 =	vmovc v24;
	v31 =	vpsel p5, v15, v34;
	p5 =	por p4, p4;
	v16 =	vmul.f32 v20, v9;
	v8 =	vmovc v35;
	v30 =	vtrunc.f32 v21  }
0xb8: {  	v15 =	vmovc v27;
	v9 =	vmovc v19;
	v24 =	vadd.f32 v28, v22;
	v34 =	vtrunc.f32 v23;
	v23 =	vmul.f32 v26, v13  }
0xb9: {  	v19 =	vadd.f32 v12, v2;
	v22 =	vsub.f32 $1.000000000e+00, v16;
	v13 =	vmovc v12;
	v21 =	vcvt.f32.s32 v34  }
0xba: {  	v32 =	vcvt.f32.s32 v30;
	v12 =	vadd.s32 v5, v18;
	v20 =	vpop (erf);
	v26 =	vsub.f32 $1.000000000e+00, v23;
	[tilespmem:s11+$0x12600] =	vst v24;
	s11 =	smov.u32 s29;
	s29 =	smov.u32 s5;
	s5 =	smov.u32 s7  }
.Ltmp3:
0xbb: {  	v33 =	vpsel p5, v12, v33;
	v18 =	vcvt.s32.f32 v21;
	v34 =	vmul.u32 v21, v4;
	v27 =	vld.idx.msk [tilespmem:v10+s13+$0x0], $0xffff;
	v10 =	vmovc v29;
	(pc) =	sbr.rel @p6 .LBB3_4-.Ltmp3, $4  }
0xbc: {  	v30 =	vsub.f32 v19, v13;
	v12 =	vcvt.s32.f32 v32;
	v28 =	vld.idx.msk [tilespmem:v11+s13+$0x0], $0xffff;
	v11 =	vmov v25  }
0xbd: {  	v24 =	vmul.u32 $0x9E3779B1, v32;
	v19 =	vmul.f32 v18, v2;
	v29 =	vld.idx.msk [tilespmem:v31+s13+$0x0], $0xffff  }
0xbe: {  	v12 =	vmul.f32 v12, v2;
	(erf) = vrcp.f32 v30;
	v30 =	vld.idx.msk [tilespmem:v17+s13+$0x0], $0xffff;
	v17 =	vmov v33  }
0xbf: {  	v25 =	vxor.u32 v21, v24;
	v18 =	vadd.s32 v32, v34;
	v31 =	vadd.f32 v19, v2  }
0xc0: {  	_ =	sdelay $0x1  }
0xc1: {  	v27 =	vmul.f32 v23, v27;
	v28 =	vmul.f32 v26, v28  }
0xc2: {  	v38 =	vmul.f32 v26, v29;
	v39 =	vmul.f32 v23, v30;
	_ =	sdelay $0x1  }
0xc3: {  	v27 =	vadd.f32 v28, v27;
	v23 =	vadd.f32 v38, v39;
	_ =	sdelay $0x1  }
0xc4: {  	v22 =	vmul.f32 v27, v22;
	v16 =	vmul.f32 v23, v16  }
0xc5: {  	v14 =	vand.u32 $0xFFFF, v14  }
0xc6: {  	v14 =	vpsel p5, v15, v14;
	v40 =	vadd.f32 v16, v22;
	_ =	sdelay $0x1  }
0xc7: {  	[tilespmem:s11+$0x12600] =	vst v40  }
0xc8: {  	v10 =	vld.idx.msk [tilespmem:v10+s13+$0x0], $0xffff  }
0xc9: {  	v6 =	vsub.f32 v6, v13;
	v11 =	vld.idx.msk [tilespmem:v11+s13+$0x0], $0xffff  }
0xca: {  	v41 =	vpop (erf);
	v14 =	vld.idx.msk [tilespmem:v14+s13+$0x0], $0xffff  }
0xcb: {  	v6 =	vmul.f32 v41, v6;
	v42 =	vld.idx.msk [tilespmem:v17+s13+$0x0], $0xffff  }
0xcc: {  	v43 =	vadd.s32 $0x1, v18;
	v46 =	vsub.f32 v31, v19  }
0xcd: {  	v44 =	vadd.s32 $0x9E3779B1, v24;
	v49 =	vadd.f32 v12, v2;
	v47 =	vsub.f32 $1.000000000e+00, v6  }
0xce: {  	v45 =	vadd.s32 $0x1, v21;
	v9 =	vmul.f32 v20, v9;
	(erf) = vrcp.f32 v46  }
0xcf: {  	v20 =	vsub.f32 v49, v12;
	v10 =	vmul.f32 v6, v10;
	v11 =	vmul.f32 v47, v11  }
0xd0: {  	v54 =	vand.u32 $0xFFFF, v25;
	v14 =	vmul.f32 v47, v14;
	v6 =	vmul.f32 v6, v42  }
0xd1: {  	v56 =	vadd.s32 v4, v18;
	v51 =	vsub.f32 $1.000000000e+00, v9;
	(erf) = vrcp.f32 v20  }
0xd2: {  	v16 =	vxor.u32 v21, v44;
	v10 =	vadd.f32 v11, v10;
	v6 =	vadd.f32 v14, v6  }
0xd3: {  	v57 =	vadd.s32 v5, v18;
	v53 =	vxor.u32 v45, v24;
	v50 =	vand.u32 $0xFFFF, v16  }
0xd4: {  	v13 =	vpsel p4, v43, v50;
	v10 =	vmul.f32 v10, v51;
	v6 =	vmul.f32 v6, v9  }
0xd5: {  	p0 =	por p4, p4;
	v48 =	vxor.u32 v45, v44;
	v55 =	vpsel p4, v18, v54;
	v14 =	vand.u32 $0xFFFF, v53  }
0xd6: {  	v52 =	vand.u32 $0xFFFF, v48;
	v14 =	vpsel p0, v56, v14;
	v6 =	vadd.f32 v6, v10  }
0xd7: {  	v58 =	vpsel p0, v57, v52  }
0xd8: {  	[tilespmem:s29+$0x12600] =	vst v6  }
0xd9: {  	v6 =	vld.idx.msk [tilespmem:v13+s13+$0x0], $0xffff  }
0xda: {  	v7 =	vsub.f32 v7, v12;
	v59 =	vpop (erf);
	v9 =	vld.idx.msk [tilespmem:v55+s13+$0x0], $0xffff  }
0xdb: {  	v60 =	vpop (erf);
	v61 =	vld.idx.msk [tilespmem:v14+s13+$0x0], $0xffff  }
0xdc: {  	v7 =	vmul.f32 v60, v7;
	v10 =	vld.idx.msk [tilespmem:v58+s13+$0x0], $0xffff  }
0xdd: {  	v8 =	vsub.f32 v8, v19  }
0xde: {  	v12 =	vsub.f32 $1.000000000e+00, v7  }
0xdf: {  	v8 =	vmul.f32 v59, v8  }
0xe0: {  	v6 =	vmul.f32 v7, v6;
	v9 =	vmul.f32 v12, v9  }
0xe1: {  	v62 =	vmul.f32 v12, v61;
	v7 =	vmul.f32 v7, v10  }
0xe2: {  	v63 =	vsub.f32 $1.000000000e+00, v8  }
0xe3: {  	v6 =	vadd.f32 v9, v6;
	v7 =	vadd.f32 v62, v7;
	_ =	sdelay $0x1  }
0xe4: {  	v6 =	vmul.f32 v6, v63;
	v7 =	vmul.f32 v7, v8;
	_ =	sdelay $0x1  }
0xe5: {  	s21 =	sadd.s32 $0x1, s21;
	v6 =	vadd.f32 v7, v6  }
0xe6: {  	p0 =	sne.s32 s21, $0x40  }
.Ltmp4:
0xe7: {  	s29 =	sadd.s32 s23, s20;
	[tilespmem:s5+$0x12600] =	vst v6;
	(pc) =	sbr.rel @p0 .LBB3_3-.Ltmp4, $4  }
0xe8: {  	[hbm4b:s29+s13] =	stream.linear.scatter [tilespmem:s3], [sflag:$0x1], $0x1000, $0x38;
	[tilespmem:$0x17600] =	vst v63  }
0xe9: {  	_ =	swait.ge [sflag:s30], $0x1000  }
0xea: {  	[sflag:s30] =	ssyncset.done $0x0  }
0xeb: {  	[sflag:s30] =	ssyncadd.s32 $0xFFFFF000  }
.LBB3_6:
0xec: {  	s5 =	rddreg [dreg:$0xf]  }
0xed: {  	p0 =	sne.s32 s5, $0x0  }
.Ltmp5:
0xee: {  	_ = 	snop;
	(pc) =	sbr.rel @p0 .LBB3_11-.Ltmp5, $1  }
0xef: {  	_ =	sdelay $0x3  }
0xf0: {  	v5 =	vadd.s32 $0x1, v4;
	s5 =	simm.s32 $0x0;
	s14 =	simm.s32 $0x0  }
.LBB3_8:
0xf1: {  	s11 =	sshll.u32 s14, $0x9  }
0xf2: {  	s21 =	simm.s32 $0x10600;
	s6 =	sadd.s32 s0, s11  }
0xf3: {  	[tilespmem:s21], [sflag:$0x1] =	stream.linear.gather [hbm4b:s6+s5], $0x1000, $0x38;
	[tilespmem:$0x17600] =	vst v63  }
0xf4: {  	_ =	swait.ge [sflag:s30], $0x1000  }
0xf5: {  	[sflag:s30] =	ssyncset.done $0x0  }
0xf6: {  	s23 =	simm.s32 $0x11600;
	s8 =	sadd.s32 s1, s11;
	[sflag:s30] =	ssyncadd.s32 $0xFFFFF000  }
0xf7: {  	[tilespmem:s23], [sflag:$0x1] =	stream.linear.gather [hbm4b:s8+s5], $0x1000, $0x38;
	[tilespmem:$0x17600] =	vst v63  }
0xf8: {  	_ =	swait.ge [sflag:s30], $0x1000  }
0xf9: {  	[sflag:s30] =	ssyncset.done $0x0  }
0xfa: {  	[sflag:s30] =	ssyncadd.s32 $0xFFFFF000  }
0xfb: {  	v10 =	vld [tilespmem:s23+$0x0];
	_ =	sdelay $0x1  }
0xfc: {  	v11 =	vld [tilespmem:s21+$0x0];
	_ =	sdelay $0x2  }
0xfd: {  	v6 =	vmul.f32 v10, v3;
	_ =	sdelay $0x1  }
0xfe: {  	v7 =	vmul.f32 v11, v3;
	v6 =	vtrunc.f32 v6  }
0xff: {  	v6 =	vcvt.f32.s32 v6  }
0x100: {  	v7 =	vtrunc.f32 v7  }
0x101: {  	v7 =	vcvt.f32.s32 v7;
	v8 =	vcvt.s32.f32 v6;
	_ =	sdelay $0x1  }
0x102: {  	v9 =	vcvt.s32.f32 v7;
	v13 =	vmul.u32 v7, v4;
	v12 =	vmul.f32 v8, v2  }
0x103: {  	v8 =	vmul.u32 $0x9E3779B1, v6  }
0x104: {  	v16 =	vmul.f32 v9, v2;
	v13 =	vadd.s32 v6, v13;
	v14 =	vadd.f32 v12, v2  }
0x105: {  	v9 =	vadd.s32 $0x1, v7;
	v17 =	vadd.s32 v5, v13;
	v15 =	vadd.s32 $0x9E3779B1, v8  }
0x106: {  	v18 =	vadd.f32 v16, v2;
	v6 =	vsub.f32 v14, v12;
	v14 =	vxor.u32 v9, v15  }
0x107: {  	p4 =	slt.u32 s16, $0x1A;
	v15 =	vxor.u32 v7, v15;
	v7 =	vxor.u32 v7, v8;
	v14 =	vand.u32 $0xFFFF, v14  }
0x108: {  	(erf) = vrcp.f32 v6;
	v6 =	vpsel p4, v17, v14;
	v14 =	vsub.f32 v18, v16  }
0x109: {  	v8 =	vxor.u32 v9, v8;
	v7 =	vand.u32 $0xFFFF, v7;
	v9 =	vand.u32 $0xFFFF, v15  }
0x10a: {  	v17 =	vadd.s32 $0x1, v13;
	v7 =	vpsel p4, v13, v7;
	(erf) = vrcp.f32 v14  }
0x10b: {  	v8 =	vand.u32 $0xFFFF, v8;
	v13 =	vadd.s32 v4, v13;
	v9 =	vpsel p4, v17, v9  }
0x10c: {  	v8 =	vpsel p4, v13, v8;
	_ =	sdelay $0x1  }
0x10d: {  	v13 =	vld.idx.msk [tilespmem:v6+s13+$0x0], $0xffff  }
0x10e: {  	v10 =	vsub.f32 v10, v12;
	v12 =	vld.idx.msk [tilespmem:v7+s13+$0x0], $0xffff  }
0x10f: {  	v14 =	vld.idx.msk [tilespmem:v9+s13+$0x0], $0xffff  }
0x110: {  	v17 =	vld.idx.msk [tilespmem:v8+s13+$0x0], $0xffff;
	v15 =	vpop (erf)  }
0x111: {  	v15 =	vmul.f32 v15, v10;
	v10 =	vsub.f32 v11, v16  }
0x112: {  	v11 =	vpop (erf)  }
0x113: {  	v16 =	vsub.f32 $1.000000000e+00, v15;
	v10 =	vmul.f32 v11, v10  }
0x114: {  	v11 =	vmul.f32 v15, v14;
	v13 =	vmul.f32 v15, v13  }
0x115: {  	v14 =	vmov s5;
	v12 =	vmul.f32 v16, v12;
	v16 =	vmul.f32 v16, v17  }
0x116: {  	v17 =	vshll.u32 v14, $0x2;
	v14 =	vsub.f32 $1.000000000e+00, v10  }
0x117: {  	v15 =	vadd.f32 v12, v11;
	v11 =	vor.u32 v1, v17;
	v16 =	vadd.f32 v16, v13  }
0x118: {  	s29 =	simm.s32 $0x12600;
	s7 =	simm.s32 $0x10;
	s6 =	simm.s32 $0x12600;
	v13 =	vor.u32 $0x1, v11;
	v12 =	vor.u32 $0x2, v11  }
.LBB3_9:
0x119: {  	v14 =	vmul.f32 v15, v14;
	v10 =	vmul.f32 v16, v10;
	s21 =	sadd.s32 $0x10, s21;
	s23 =	sadd.s32 $0x10, s23;
	s29 =	sadd.s32 $0x10, s29  }
0x11a: {  	p5 =	sne.s32 s7, $0xFF0;
	v15 =	vor.u32 $0x3, v11;
	s8 =	smov.u32 s7;
	s7 =	sadd.s32 $0x10, s7  }
0x11b: {  	v10 =	vadd.f32 v10, v14;
	_ =	sdelay $0x1  }
0x11c: {  	[tilespmem:s6+$0x0] =	vst v10;
	s6 =	smov.u32 s29  }
0x11d: {  	[tilespmem:v11+s2+$0x0] =	vst.idx.msk $0xffff, v7  }
0x11e: {  	[tilespmem:v13+s2+$0x0] =	vst.idx.msk $0xffff, v9  }
0x11f: {  	[tilespmem:v12+s2+$0x0] =	vst.idx.msk $0xffff, v8  }
0x120: {  	[tilespmem:v15+s2+$0x0] =	vst.idx.msk $0xffff, v6  }
0x121: {  	v7 =	vld [tilespmem:s23+$0x0]  }
0x122: {  	v10 =	vld [tilespmem:s21+$0x0];
	_ =	sdelay $0x3  }
0x123: {  	v6 =	vmul.f32 v7, v3  }
0x124: {  	v8 =	vmul.f32 v10, v3  }
0x125: {  	v6 =	vtrunc.f32 v6  }
0x126: {  	v8 =	vtrunc.f32 v8;
	v6 =	vcvt.f32.s32 v6  }
0x127: {  	v8 =	vcvt.f32.s32 v8  }
0x128: {  	v9 =	vcvt.s32.f32 v6;
	v11 =	vmul.u32 $0x9E3779B1, v6  }
0x129: {  	v12 =	vcvt.s32.f32 v8;
	v13 =	vmul.u32 v8, v4  }
0x12a: {  	v15 =	vadd.s32 $0x1, v8;
	v9 =	vmul.f32 v9, v2;
	v14 =	vadd.s32 $0x9E3779B1, v11  }
0x12b: {  	v12 =	vmul.f32 v12, v2;
	v13 =	vadd.s32 v6, v13;
	v6 =	vxor.u32 v15, v14  }
0x12c: {  	v16 =	vadd.f32 v9, v2;
	v17 =	vadd.s32 v5, v13;
	v6 =	vand.u32 $0xFFFF, v6  }
0x12d: {  	v14 =	vxor.u32 v8, v14;
	v18 =	vadd.f32 v12, v2;
	v6 =	vpsel p4, v17, v6  }
0x12e: {  	v15 =	vxor.u32 v15, v11;
	v17 =	vadd.s32 $0x1, v13;
	v16 =	vsub.f32 v16, v9  }
0x12f: {  	v19 =	vsub.f32 v7, v9;
	v7 =	vxor.u32 v8, v11;
	v18 =	vsub.f32 v18, v12  }
0x130: {  	v8 =	vand.u32 $0xFFFF, v15;
	v7 =	vand.u32 $0xFFFF, v7;
	(erf) = vrcp.f32 v16  }
0x131: {  	v11 =	vadd.s32 v4, v13;
	v9 =	vand.u32 $0xFFFF, v14;
	v7 =	vpsel p4, v13, v7  }
0x132: {  	v8 =	vpsel p4, v11, v8;
	v9 =	vpsel p4, v17, v9;
	(erf) = vrcp.f32 v18  }
0x133: {  	v10 =	vsub.f32 v10, v12;
	_ =	sdelay $0x1  }
0x134: {  	v11 =	vld.idx.msk [tilespmem:v6+s13+$0x0], $0xffff  }
0x135: {  	v12 =	vld.idx.msk [tilespmem:v7+s13+$0x0], $0xffff  }
0x136: {  	v13 =	vld.idx.msk [tilespmem:v9+s13+$0x0], $0xffff  }
0x137: {  	v14 =	vld.idx.msk [tilespmem:v8+s13+$0x0], $0xffff  }
0x138: {  	v15 =	vpop (erf)  }
0x139: {  	v15 =	vmul.f32 v15, v19  }
0x13a: {  	v16 =	vpop (erf)  }
0x13b: {  	v10 =	vmul.f32 v16, v10;
	v16 =	vsub.f32 $1.000000000e+00, v15;
	v11 =	vmul.f32 v15, v11  }
.Ltmp6:
0x13c: {  	v13 =	vmul.f32 v15, v13;
	v15 =	vmov s8;
	(pc) =	sbr.rel @p5 .LBB3_9-.Ltmp6, $4  }
0x13d: {  	v12 =	vmul.f32 v16, v12;
	v16 =	vmul.f32 v16, v14;
	v14 =	vsub.f32 $1.000000000e+00, v10  }
0x13e: {  	v17 =	vshll.u32 v15, $0x2  }
0x13f: {  	v15 =	vadd.f32 v12, v13;
	v16 =	vadd.f32 v16, v11;
	v11 =	vor.u32 v1, v17  }
0x140: {  	v13 =	vor.u32 $0x1, v11;
	v12 =	vor.u32 $0x2, v11  }
0x141: {  	v14 =	vmul.f32 v15, v14;
	v10 =	vmul.f32 v16, v10;
	_ =	sdelay $0x1  }
0x142: {  	v10 =	vadd.f32 v10, v14  }
0x143: {  	v63 =	vor.u32 $0x3, v11  }
0x144: {  	[tilespmem:s6+$0x0] =	vst v10  }
0x145: {  	[tilespmem:v11+s2+$0x0] =	vst.idx.msk $0xffff, v7  }
0x146: {  	[tilespmem:v13+s2+$0x0] =	vst.idx.msk $0xffff, v9  }
0x147: {  	[tilespmem:v12+s2+$0x0] =	vst.idx.msk $0xffff, v8  }
0x148: {  	s23 =	sadd.s32 s11, s20;
	[tilespmem:v63+s2+$0x0] =	vst.idx.msk $0xffff, v6  }
0x149: {  	[hbm4b:s23+s13] =	stream.linear.scatter [tilespmem:s3], [sflag:$0x1], $0x1000, $0x38;
	[tilespmem:$0x17600] =	vst v63  }
0x14a: {  	_ =	swait.ge [sflag:s30], $0x1000  }
0x14b: {  	[sflag:s30] =	ssyncset.done $0x0  }
0x14c: {  	s29 =	sshll.u32 s14, $0xB;
	s14 =	sadd.s32 $0x1, s14;
	[sflag:s30] =	ssyncadd.s32 $0xFFFFF000  }
0x14d: {  	p0 =	sne.s32 s14, $0x40;
	s7 =	rddreg [dreg:$0x7]  }
.Ltmp7:
0x14e: {  	s6 =	sadd.s32 s7, s29;
	(pc) =	sbr.rel @p0 .LBB3_8-.Ltmp7, $4  }
0x14f: {  	[hbm4b:s6+s13] =	stream.linear.scatter [tilespmem:s2], [sflag:$0x1], $0x4000, $0x38;
	[tilespmem:$0x17600] =	vst v63  }
0x150: {  	_ =	swait.ge [sflag:s30], $0x4000  }
0x151: {  	[sflag:s30] =	ssyncset.done $0x0  }
0x152: {  	[sflag:s30] =	ssyncadd.s32 $0xFFFFC000  }
.LBB3_11:
.Ltmp8:
0x153: {  	(pc) =	sbr.rel @!p1 .LBB3_16-.Ltmp8, $1  }
0x154: {  	_ =	sdelay $0x3  }
0x155: {  	v5 =	vadd.s32 $0x1, v4;
	s5 =	simm.s32 $0x0;
	s14 =	simm.s32 $0x0  }
.LBB3_13:
0x156: {  	s11 =	sshll.u32 s14, $0x9  }
0x157: {  	s21 =	simm.s32 $0x10600;
	s6 =	sadd.s32 s0, s11  }
0x158: {  	[tilespmem:s21], [sflag:$0x1] =	stream.linear.gather [hbm4b:s6+s5], $0x1000, $0x38;
	[tilespmem:$0x17600] =	vst v63  }
0x159: {  	_ =	swait.ge [sflag:s30], $0x1000  }
0x15a: {  	[sflag:s30] =	ssyncset.done $0x0  }
0x15b: {  	s23 =	simm.s32 $0x11600;
	s8 =	sadd.s32 s1, s11;
	[sflag:s30] =	ssyncadd.s32 $0xFFFFF000  }
0x15c: {  	[tilespmem:s23], [sflag:$0x1] =	stream.linear.gather [hbm4b:s8+s5], $0x1000, $0x38;
	[tilespmem:$0x17600] =	vst v63  }
0x15d: {  	_ =	swait.ge [sflag:s30], $0x1000  }
0x15e: {  	[sflag:s30] =	ssyncset.done $0x0  }
0x15f: {  	[sflag:s30] =	ssyncadd.s32 $0xFFFFF000  }
0x160: {  	v10 =	vld [tilespmem:s23+$0x0];
	_ =	sdelay $0x1  }
0x161: {  	v11 =	vld [tilespmem:s21+$0x0];
	_ =	sdelay $0x2  }
0x162: {  	v6 =	vmul.f32 v10, v3;
	_ =	sdelay $0x1  }
0x163: {  	v7 =	vmul.f32 v11, v3;
	v6 =	vtrunc.f32 v6  }
0x164: {  	v6 =	vcvt.f32.s32 v6  }
0x165: {  	v7 =	vtrunc.f32 v7  }
0x166: {  	v7 =	vcvt.f32.s32 v7;
	v8 =	vcvt.s32.f32 v6;
	_ =	sdelay $0x1  }
0x167: {  	v9 =	vcvt.s32.f32 v7;
	v13 =	vmul.u32 v7, v4;
	v12 =	vmul.f32 v8, v2  }
0x168: {  	v8 =	vmul.u32 $0x9E3779B1, v6  }
0x169: {  	v16 =	vmul.f32 v9, v2;
	v13 =	vadd.s32 v6, v13;
	v14 =	vadd.f32 v12, v2  }
0x16a: {  	v9 =	vadd.s32 $0x1, v7;
	v17 =	vadd.s32 v5, v13;
	v15 =	vadd.s32 $0x9E3779B1, v8  }
0x16b: {  	v18 =	vadd.f32 v16, v2;
	v6 =	vsub.f32 v14, v12;
	v14 =	vxor.u32 v9, v15  }
0x16c: {  	p4 =	slt.u32 s16, $0x1A;
	v15 =	vxor.u32 v7, v15;
	v7 =	vxor.u32 v7, v8;
	v14 =	vand.u32 $0xFFFF, v14  }
0x16d: {  	(erf) = vrcp.f32 v6;
	v6 =	vpsel p4, v17, v14;
	v14 =	vsub.f32 v18, v16  }
0x16e: {  	v8 =	vxor.u32 v9, v8;
	v7 =	vand.u32 $0xFFFF, v7;
	v9 =	vand.u32 $0xFFFF, v15  }
0x16f: {  	v17 =	vadd.s32 $0x1, v13;
	v7 =	vpsel p4, v13, v7;
	(erf) = vrcp.f32 v14  }
0x170: {  	v8 =	vand.u32 $0xFFFF, v8;
	v13 =	vadd.s32 v4, v13;
	v9 =	vpsel p4, v17, v9  }
0x171: {  	v8 =	vpsel p4, v13, v8;
	_ =	sdelay $0x1  }
0x172: {  	v13 =	vld.idx.msk [tilespmem:v6+s13+$0x0], $0xffff  }
0x173: {  	v10 =	vsub.f32 v10, v12;
	v12 =	vld.idx.msk [tilespmem:v7+s13+$0x0], $0xffff  }
0x174: {  	v14 =	vld.idx.msk [tilespmem:v9+s13+$0x0], $0xffff  }
0x175: {  	v17 =	vld.idx.msk [tilespmem:v8+s13+$0x0], $0xffff;
	v15 =	vpop (erf)  }
0x176: {  	v15 =	vmul.f32 v15, v10;
	v10 =	vsub.f32 v11, v16  }
0x177: {  	v11 =	vpop (erf)  }
0x178: {  	v16 =	vsub.f32 $1.000000000e+00, v15;
	v10 =	vmul.f32 v11, v10  }
0x179: {  	v11 =	vmul.f32 v15, v14;
	v13 =	vmul.f32 v15, v13  }
0x17a: {  	v14 =	vmov s5;
	v12 =	vmul.f32 v16, v12;
	v16 =	vmul.f32 v16, v17  }
0x17b: {  	v17 =	vshll.u32 v14, $0x2;
	v14 =	vsub.f32 $1.000000000e+00, v10  }
0x17c: {  	v15 =	vadd.f32 v12, v11;
	v11 =	vor.u32 v1, v17;
	v16 =	vadd.f32 v16, v13  }
0x17d: {  	s29 =	simm.s32 $0x12600;
	s7 =	simm.s32 $0x10;
	s6 =	simm.s32 $0x12600;
	v13 =	vor.u32 $0x1, v11;
	v12 =	vor.u32 $0x2, v11  }
.LBB3_14:
0x17e: {  	v14 =	vmul.f32 v15, v14;
	v10 =	vmul.f32 v16, v10;
	s21 =	sadd.s32 $0x10, s21;
	s23 =	sadd.s32 $0x10, s23;
	s29 =	sadd.s32 $0x10, s29  }
0x17f: {  	p5 =	sne.s32 s7, $0xFF0;
	v15 =	vor.u32 $0x3, v11;
	s8 =	smov.u32 s7;
	s7 =	sadd.s32 $0x10, s7  }
0x180: {  	v10 =	vadd.f32 v10, v14;
	_ =	sdelay $0x1  }
0x181: {  	[tilespmem:s6+$0x0] =	vst v10;
	s6 =	smov.u32 s29  }
0x182: {  	[tilespmem:v11+s2+$0x0] =	vst.idx.msk $0xffff, v7  }
0x183: {  	[tilespmem:v13+s2+$0x0] =	vst.idx.msk $0xffff, v9  }
0x184: {  	[tilespmem:v12+s2+$0x0] =	vst.idx.msk $0xffff, v8  }
0x185: {  	[tilespmem:v15+s2+$0x0] =	vst.idx.msk $0xffff, v6  }
0x186: {  	v7 =	vld [tilespmem:s23+$0x0]  }
0x187: {  	v10 =	vld [tilespmem:s21+$0x0];
	_ =	sdelay $0x3  }
0x188: {  	v6 =	vmul.f32 v7, v3  }
0x189: {  	v8 =	vmul.f32 v10, v3  }
0x18a: {  	v6 =	vtrunc.f32 v6  }
0x18b: {  	v8 =	vtrunc.f32 v8;
	v6 =	vcvt.f32.s32 v6  }
0x18c: {  	v8 =	vcvt.f32.s32 v8  }
0x18d: {  	v9 =	vcvt.s32.f32 v6;
	v11 =	vmul.u32 $0x9E3779B1, v6  }
0x18e: {  	v12 =	vcvt.s32.f32 v8;
	v13 =	vmul.u32 v8, v4  }
0x18f: {  	v15 =	vadd.s32 $0x1, v8;
	v9 =	vmul.f32 v9, v2;
	v14 =	vadd.s32 $0x9E3779B1, v11  }
0x190: {  	v12 =	vmul.f32 v12, v2;
	v13 =	vadd.s32 v6, v13;
	v6 =	vxor.u32 v15, v14  }
0x191: {  	v16 =	vadd.f32 v9, v2;
	v17 =	vadd.s32 v5, v13;
	v6 =	vand.u32 $0xFFFF, v6  }
0x192: {  	v14 =	vxor.u32 v8, v14;
	v18 =	vadd.f32 v12, v2;
	v6 =	vpsel p4, v17, v6  }
0x193: {  	v15 =	vxor.u32 v15, v11;
	v17 =	vadd.s32 $0x1, v13;
	v16 =	vsub.f32 v16, v9  }
0x194: {  	v19 =	vsub.f32 v7, v9;
	v7 =	vxor.u32 v8, v11;
	v18 =	vsub.f32 v18, v12  }
0x195: {  	v8 =	vand.u32 $0xFFFF, v15;
	v7 =	vand.u32 $0xFFFF, v7;
	(erf) = vrcp.f32 v16  }
0x196: {  	v11 =	vadd.s32 v4, v13;
	v9 =	vand.u32 $0xFFFF, v14;
	v7 =	vpsel p4, v13, v7  }
0x197: {  	v8 =	vpsel p4, v11, v8;
	v9 =	vpsel p4, v17, v9;
	(erf) = vrcp.f32 v18  }
0x198: {  	v10 =	vsub.f32 v10, v12;
	_ =	sdelay $0x1  }
0x199: {  	v11 =	vld.idx.msk [tilespmem:v6+s13+$0x0], $0xffff  }
0x19a: {  	v12 =	vld.idx.msk [tilespmem:v7+s13+$0x0], $0xffff  }
0x19b: {  	v13 =	vld.idx.msk [tilespmem:v9+s13+$0x0], $0xffff  }
0x19c: {  	v14 =	vld.idx.msk [tilespmem:v8+s13+$0x0], $0xffff  }
0x19d: {  	v15 =	vpop (erf)  }
0x19e: {  	v15 =	vmul.f32 v15, v19  }
0x19f: {  	v16 =	vpop (erf)  }
0x1a0: {  	v10 =	vmul.f32 v16, v10;
	v16 =	vsub.f32 $1.000000000e+00, v15;
	v11 =	vmul.f32 v15, v11  }
.Ltmp9:
0x1a1: {  	v13 =	vmul.f32 v15, v13;
	v15 =	vmov s8;
	(pc) =	sbr.rel @p5 .LBB3_14-.Ltmp9, $4  }
0x1a2: {  	v12 =	vmul.f32 v16, v12;
	v16 =	vmul.f32 v16, v14;
	v14 =	vsub.f32 $1.000000000e+00, v10  }
0x1a3: {  	v17 =	vshll.u32 v15, $0x2  }
0x1a4: {  	v15 =	vadd.f32 v12, v13;
	v16 =	vadd.f32 v16, v11;
	v11 =	vor.u32 v1, v17  }
0x1a5: {  	v13 =	vor.u32 $0x1, v11;
	v12 =	vor.u32 $0x2, v11  }
0x1a6: {  	v14 =	vmul.f32 v15, v14;
	v10 =	vmul.f32 v16, v10;
	_ =	sdelay $0x1  }
0x1a7: {  	v10 =	vadd.f32 v10, v14  }
0x1a8: {  	v63 =	vor.u32 $0x3, v11  }
0x1a9: {  	[tilespmem:s6+$0x0] =	vst v10  }
0x1aa: {  	[tilespmem:v11+s2+$0x0] =	vst.idx.msk $0xffff, v7  }
0x1ab: {  	[tilespmem:v13+s2+$0x0] =	vst.idx.msk $0xffff, v9  }
0x1ac: {  	[tilespmem:v12+s2+$0x0] =	vst.idx.msk $0xffff, v8  }
0x1ad: {  	s23 =	sadd.s32 s11, s20;
	[tilespmem:v63+s2+$0x0] =	vst.idx.msk $0xffff, v6  }
0x1ae: {  	[hbm4b:s23+s13] =	stream.linear.scatter [tilespmem:s3], [sflag:$0x1], $0x1000, $0x38;
	[tilespmem:$0x17600] =	vst v63  }
0x1af: {  	_ =	swait.ge [sflag:s30], $0x1000  }
0x1b0: {  	[sflag:s30] =	ssyncset.done $0x0  }
0x1b1: {  	s29 =	sshll.u32 s14, $0xB;
	s14 =	sadd.s32 $0x1, s14;
	[sflag:s30] =	ssyncadd.s32 $0xFFFFF000  }
0x1b2: {  	p0 =	sne.s32 s14, $0x40;
	s7 =	rddreg [dreg:$0x8]  }
.Ltmp10:
0x1b3: {  	s6 =	sadd.s32 s7, s29;
	(pc) =	sbr.rel @p0 .LBB3_13-.Ltmp10, $4  }
0x1b4: {  	[hbm4b:s6+s13] =	stream.linear.scatter [tilespmem:s2], [sflag:$0x1], $0x4000, $0x38;
	[tilespmem:$0x17600] =	vst v63  }
0x1b5: {  	_ =	swait.ge [sflag:s30], $0x4000  }
0x1b6: {  	[sflag:s30] =	ssyncset.done $0x0  }
0x1b7: {  	[sflag:s30] =	ssyncadd.s32 $0xFFFFC000  }
.LBB3_16:
0x1b8: {  	s5 =	sld [smem:$0x7E7];
	_ =	sdelay $0x2  }
0x1b9: {  	p0 =	seq.s32 s5, $0x1  }
.Ltmp11:
0x1ba: {  	_ = 	snop;
	(pc) =	sbr.rel @!p0 .LBB3_21-.Ltmp11, $1  }
0x1bb: {  	_ =	sdelay $0x3  }
0x1bc: {  	v5 =	vadd.s32 $0x1, v4;
	s5 =	simm.s32 $0x0;
	s14 =	simm.s32 $0x0  }
.LBB3_18:
0x1bd: {  	s11 =	sshll.u32 s14, $0x9  }
0x1be: {  	s21 =	simm.s32 $0x10600;
	s6 =	sadd.s32 s0, s11  }
0x1bf: {  	[tilespmem:s21], [sflag:$0x1] =	stream.linear.gather [hbm4b:s6+s5], $0x1000, $0x38;
	[tilespmem:$0x17600] =	vst v63  }
0x1c0: {  	_ =	swait.ge [sflag:s30], $0x1000  }
0x1c1: {  	[sflag:s30] =	ssyncset.done $0x0  }
0x1c2: {  	s23 =	simm.s32 $0x11600;
	s8 =	sadd.s32 s1, s11;
	[sflag:s30] =	ssyncadd.s32 $0xFFFFF000  }
0x1c3: {  	[tilespmem:s23], [sflag:$0x1] =	stream.linear.gather [hbm4b:s8+s5], $0x1000, $0x38;
	[tilespmem:$0x17600] =	vst v63  }
0x1c4: {  	_ =	swait.ge [sflag:s30], $0x1000  }
0x1c5: {  	[sflag:s30] =	ssyncset.done $0x0  }
0x1c6: {  	[sflag:s30] =	ssyncadd.s32 $0xFFFFF000  }
0x1c7: {  	v10 =	vld [tilespmem:s23+$0x0];
	_ =	sdelay $0x1  }
0x1c8: {  	v11 =	vld [tilespmem:s21+$0x0];
	_ =	sdelay $0x2  }
0x1c9: {  	v6 =	vmul.f32 v10, v3;
	_ =	sdelay $0x1  }
0x1ca: {  	v7 =	vmul.f32 v11, v3;
	v6 =	vtrunc.f32 v6  }
0x1cb: {  	v6 =	vcvt.f32.s32 v6  }
0x1cc: {  	v7 =	vtrunc.f32 v7  }
0x1cd: {  	v7 =	vcvt.f32.s32 v7;
	v8 =	vcvt.s32.f32 v6;
	_ =	sdelay $0x1  }
0x1ce: {  	v9 =	vcvt.s32.f32 v7;
	v13 =	vmul.u32 v7, v4;
	v12 =	vmul.f32 v8, v2  }
0x1cf: {  	v8 =	vmul.u32 $0x9E3779B1, v6  }
0x1d0: {  	v16 =	vmul.f32 v9, v2;
	v13 =	vadd.s32 v6, v13;
	v14 =	vadd.f32 v12, v2  }
0x1d1: {  	v9 =	vadd.s32 $0x1, v7;
	v17 =	vadd.s32 v5, v13;
	v15 =	vadd.s32 $0x9E3779B1, v8  }
0x1d2: {  	v18 =	vadd.f32 v16, v2;
	v6 =	vsub.f32 v14, v12;
	v14 =	vxor.u32 v9, v15  }
0x1d3: {  	p4 =	slt.u32 s16, $0x1A;
	v15 =	vxor.u32 v7, v15;
	v7 =	vxor.u32 v7, v8;
	v14 =	vand.u32 $0xFFFF, v14  }
0x1d4: {  	(erf) = vrcp.f32 v6;
	v6 =	vpsel p4, v17, v14;
	v14 =	vsub.f32 v18, v16  }
0x1d5: {  	v8 =	vxor.u32 v9, v8;
	v7 =	vand.u32 $0xFFFF, v7;
	v9 =	vand.u32 $0xFFFF, v15  }
0x1d6: {  	v17 =	vadd.s32 $0x1, v13;
	v7 =	vpsel p4, v13, v7;
	(erf) = vrcp.f32 v14  }
0x1d7: {  	v8 =	vand.u32 $0xFFFF, v8;
	v13 =	vadd.s32 v4, v13;
	v9 =	vpsel p4, v17, v9  }
0x1d8: {  	v8 =	vpsel p4, v13, v8;
	_ =	sdelay $0x1  }
0x1d9: {  	v13 =	vld.idx.msk [tilespmem:v6+s13+$0x0], $0xffff  }
0x1da: {  	v10 =	vsub.f32 v10, v12;
	v12 =	vld.idx.msk [tilespmem:v7+s13+$0x0], $0xffff  }
0x1db: {  	v14 =	vld.idx.msk [tilespmem:v9+s13+$0x0], $0xffff  }
0x1dc: {  	v17 =	vld.idx.msk [tilespmem:v8+s13+$0x0], $0xffff;
	v15 =	vpop (erf)  }
0x1dd: {  	v15 =	vmul.f32 v15, v10;
	v10 =	vsub.f32 v11, v16  }
0x1de: {  	v11 =	vpop (erf)  }
0x1df: {  	v16 =	vsub.f32 $1.000000000e+00, v15;
	v10 =	vmul.f32 v11, v10  }
0x1e0: {  	v11 =	vmul.f32 v15, v14;
	v13 =	vmul.f32 v15, v13  }
0x1e1: {  	v14 =	vmov s5;
	v12 =	vmul.f32 v16, v12;
	v16 =	vmul.f32 v16, v17  }
0x1e2: {  	v17 =	vshll.u32 v14, $0x2;
	v14 =	vsub.f32 $1.000000000e+00, v10  }
0x1e3: {  	v15 =	vadd.f32 v12, v11;
	v11 =	vor.u32 v1, v17;
	v16 =	vadd.f32 v16, v13  }
0x1e4: {  	s29 =	simm.s32 $0x12600;
	s7 =	simm.s32 $0x10;
	s6 =	simm.s32 $0x12600;
	v13 =	vor.u32 $0x1, v11;
	v12 =	vor.u32 $0x2, v11  }
.LBB3_19:
0x1e5: {  	v14 =	vmul.f32 v15, v14;
	v10 =	vmul.f32 v16, v10;
	s21 =	sadd.s32 $0x10, s21;
	s23 =	sadd.s32 $0x10, s23;
	s29 =	sadd.s32 $0x10, s29  }
0x1e6: {  	p5 =	sne.s32 s7, $0xFF0;
	v15 =	vor.u32 $0x3, v11;
	s8 =	smov.u32 s7;
	s7 =	sadd.s32 $0x10, s7  }
0x1e7: {  	v10 =	vadd.f32 v10, v14;
	_ =	sdelay $0x1  }
0x1e8: {  	[tilespmem:s6+$0x0] =	vst v10;
	s6 =	smov.u32 s29  }
0x1e9: {  	[tilespmem:v11+s2+$0x0] =	vst.idx.msk $0xffff, v7  }
0x1ea: {  	[tilespmem:v13+s2+$0x0] =	vst.idx.msk $0xffff, v9  }
0x1eb: {  	[tilespmem:v12+s2+$0x0] =	vst.idx.msk $0xffff, v8  }
0x1ec: {  	[tilespmem:v15+s2+$0x0] =	vst.idx.msk $0xffff, v6  }
0x1ed: {  	v7 =	vld [tilespmem:s23+$0x0]  }
0x1ee: {  	v10 =	vld [tilespmem:s21+$0x0];
	_ =	sdelay $0x3  }
0x1ef: {  	v6 =	vmul.f32 v7, v3  }
0x1f0: {  	v8 =	vmul.f32 v10, v3  }
0x1f1: {  	v6 =	vtrunc.f32 v6  }
0x1f2: {  	v8 =	vtrunc.f32 v8;
	v6 =	vcvt.f32.s32 v6  }
0x1f3: {  	v8 =	vcvt.f32.s32 v8  }
0x1f4: {  	v9 =	vcvt.s32.f32 v6;
	v11 =	vmul.u32 $0x9E3779B1, v6  }
0x1f5: {  	v12 =	vcvt.s32.f32 v8;
	v13 =	vmul.u32 v8, v4  }
0x1f6: {  	v15 =	vadd.s32 $0x1, v8;
	v9 =	vmul.f32 v9, v2;
	v14 =	vadd.s32 $0x9E3779B1, v11  }
0x1f7: {  	v12 =	vmul.f32 v12, v2;
	v13 =	vadd.s32 v6, v13;
	v6 =	vxor.u32 v15, v14  }
0x1f8: {  	v16 =	vadd.f32 v9, v2;
	v17 =	vadd.s32 v5, v13;
	v6 =	vand.u32 $0xFFFF, v6  }
0x1f9: {  	v14 =	vxor.u32 v8, v14;
	v18 =	vadd.f32 v12, v2;
	v6 =	vpsel p4, v17, v6  }
0x1fa: {  	v15 =	vxor.u32 v15, v11;
	v17 =	vadd.s32 $0x1, v13;
	v16 =	vsub.f32 v16, v9  }
0x1fb: {  	v19 =	vsub.f32 v7, v9;
	v7 =	vxor.u32 v8, v11;
	v18 =	vsub.f32 v18, v12  }
0x1fc: {  	v8 =	vand.u32 $0xFFFF, v15;
	v7 =	vand.u32 $0xFFFF, v7;
	(erf) = vrcp.f32 v16  }
0x1fd: {  	v11 =	vadd.s32 v4, v13;
	v9 =	vand.u32 $0xFFFF, v14;
	v7 =	vpsel p4, v13, v7  }
0x1fe: {  	v8 =	vpsel p4, v11, v8;
	v9 =	vpsel p4, v17, v9;
	(erf) = vrcp.f32 v18  }
0x1ff: {  	v10 =	vsub.f32 v10, v12;
	_ =	sdelay $0x1  }
0x200: {  	v11 =	vld.idx.msk [tilespmem:v6+s13+$0x0], $0xffff  }
0x201: {  	v12 =	vld.idx.msk [tilespmem:v7+s13+$0x0], $0xffff  }
0x202: {  	v13 =	vld.idx.msk [tilespmem:v9+s13+$0x0], $0xffff  }
0x203: {  	v14 =	vld.idx.msk [tilespmem:v8+s13+$0x0], $0xffff  }
0x204: {  	v15 =	vpop (erf)  }
0x205: {  	v15 =	vmul.f32 v15, v19  }
0x206: {  	v16 =	vpop (erf)  }
0x207: {  	v10 =	vmul.f32 v16, v10;
	v16 =	vsub.f32 $1.000000000e+00, v15;
	v11 =	vmul.f32 v15, v11  }
.Ltmp12:
0x208: {  	v13 =	vmul.f32 v15, v13;
	v15 =	vmov s8;
	(pc) =	sbr.rel @p5 .LBB3_19-.Ltmp12, $4  }
0x209: {  	v12 =	vmul.f32 v16, v12;
	v16 =	vmul.f32 v16, v14;
	v14 =	vsub.f32 $1.000000000e+00, v10  }
0x20a: {  	v17 =	vshll.u32 v15, $0x2  }
0x20b: {  	v15 =	vadd.f32 v12, v13;
	v16 =	vadd.f32 v16, v11;
	v11 =	vor.u32 v1, v17  }
0x20c: {  	v13 =	vor.u32 $0x1, v11;
	v12 =	vor.u32 $0x2, v11  }
0x20d: {  	v14 =	vmul.f32 v15, v14;
	v10 =	vmul.f32 v16, v10;
	_ =	sdelay $0x1  }
0x20e: {  	v10 =	vadd.f32 v10, v14  }
0x20f: {  	v63 =	vor.u32 $0x3, v11  }
0x210: {  	[tilespmem:s6+$0x0] =	vst v10  }
0x211: {  	[tilespmem:v11+s2+$0x0] =	vst.idx.msk $0xffff, v7  }
0x212: {  	[tilespmem:v13+s2+$0x0] =	vst.idx.msk $0xffff, v9  }
0x213: {  	[tilespmem:v12+s2+$0x0] =	vst.idx.msk $0xffff, v8  }
0x214: {  	s23 =	sadd.s32 s11, s20;
	[tilespmem:v63+s2+$0x0] =	vst.idx.msk $0xffff, v6  }
0x215: {  	[hbm4b:s23+s13] =	stream.linear.scatter [tilespmem:s3], [sflag:$0x1], $0x1000, $0x38;
	[tilespmem:$0x17600] =	vst v63  }
0x216: {  	_ =	swait.ge [sflag:s30], $0x1000  }
0x217: {  	[sflag:s30] =	ssyncset.done $0x0  }
0x218: {  	s29 =	sshll.u32 s14, $0xB;
	s14 =	sadd.s32 $0x1, s14;
	[sflag:s30] =	ssyncadd.s32 $0xFFFFF000  }
0x219: {  	p0 =	sne.s32 s14, $0x40;
	s7 =	rddreg [dreg:$0x9]  }
.Ltmp13:
0x21a: {  	s6 =	sadd.s32 s7, s29;
	(pc) =	sbr.rel @p0 .LBB3_18-.Ltmp13, $4  }
0x21b: {  	[hbm4b:s6+s13] =	stream.linear.scatter [tilespmem:s2], [sflag:$0x1], $0x4000, $0x38;
	[tilespmem:$0x17600] =	vst v63  }
0x21c: {  	_ =	swait.ge [sflag:s30], $0x4000  }
0x21d: {  	[sflag:s30] =	ssyncset.done $0x0  }
0x21e: {  	[sflag:s30] =	ssyncadd.s32 $0xFFFFC000  }
.LBB3_21:
0x21f: {  	s5 =	sld [smem:$0x7E8];
	_ =	sdelay $0x2  }
0x220: {  	p0 =	seq.s32 s5, $0x1  }
.Ltmp14:
0x221: {  	_ = 	snop;
	(pc) =	sbr.rel @!p0 .LBB3_26-.Ltmp14, $1  }
0x222: {  	_ =	sdelay $0x3  }
0x223: {  	v5 =	vadd.s32 $0x1, v4;
	s5 =	simm.s32 $0x0;
	s14 =	simm.s32 $0x0  }
.LBB3_23:
0x224: {  	s11 =	sshll.u32 s14, $0x9  }
0x225: {  	s21 =	simm.s32 $0x10600;
	s6 =	sadd.s32 s0, s11  }
0x226: {  	[tilespmem:s21], [sflag:$0x1] =	stream.linear.gather [hbm4b:s6+s5], $0x1000, $0x38;
	[tilespmem:$0x17600] =	vst v63  }
0x227: {  	_ =	swait.ge [sflag:s30], $0x1000  }
0x228: {  	[sflag:s30] =	ssyncset.done $0x0  }
0x229: {  	s23 =	simm.s32 $0x11600;
	s8 =	sadd.s32 s1, s11;
	[sflag:s30] =	ssyncadd.s32 $0xFFFFF000  }
0x22a: {  	[tilespmem:s23], [sflag:$0x1] =	stream.linear.gather [hbm4b:s8+s5], $0x1000, $0x38;
	[tilespmem:$0x17600] =	vst v63  }
0x22b: {  	_ =	swait.ge [sflag:s30], $0x1000  }
0x22c: {  	[sflag:s30] =	ssyncset.done $0x0  }
0x22d: {  	[sflag:s30] =	ssyncadd.s32 $0xFFFFF000  }
0x22e: {  	v10 =	vld [tilespmem:s23+$0x0];
	_ =	sdelay $0x1  }
0x22f: {  	v11 =	vld [tilespmem:s21+$0x0];
	_ =	sdelay $0x2  }
0x230: {  	v6 =	vmul.f32 v10, v3;
	_ =	sdelay $0x1  }
0x231: {  	v7 =	vmul.f32 v11, v3;
	v6 =	vtrunc.f32 v6  }
0x232: {  	v6 =	vcvt.f32.s32 v6  }
0x233: {  	v7 =	vtrunc.f32 v7  }
0x234: {  	v7 =	vcvt.f32.s32 v7;
	v8 =	vcvt.s32.f32 v6;
	_ =	sdelay $0x1  }
0x235: {  	v9 =	vcvt.s32.f32 v7;
	v13 =	vmul.u32 v7, v4;
	v12 =	vmul.f32 v8, v2  }
0x236: {  	v8 =	vmul.u32 $0x9E3779B1, v6  }
0x237: {  	v16 =	vmul.f32 v9, v2;
	v13 =	vadd.s32 v6, v13;
	v14 =	vadd.f32 v12, v2  }
0x238: {  	v9 =	vadd.s32 $0x1, v7;
	v17 =	vadd.s32 v5, v13;
	v15 =	vadd.s32 $0x9E3779B1, v8  }
0x239: {  	v18 =	vadd.f32 v16, v2;
	v6 =	vsub.f32 v14, v12;
	v14 =	vxor.u32 v9, v15  }
0x23a: {  	p4 =	slt.u32 s16, $0x1A;
	v15 =	vxor.u32 v7, v15;
	v7 =	vxor.u32 v7, v8;
	v14 =	vand.u32 $0xFFFF, v14  }
0x23b: {  	(erf) = vrcp.f32 v6;
	v6 =	vpsel p4, v17, v14;
	v14 =	vsub.f32 v18, v16  }
0x23c: {  	v8 =	vxor.u32 v9, v8;
	v7 =	vand.u32 $0xFFFF, v7;
	v9 =	vand.u32 $0xFFFF, v15  }
0x23d: {  	v17 =	vadd.s32 $0x1, v13;
	v7 =	vpsel p4, v13, v7;
	(erf) = vrcp.f32 v14  }
0x23e: {  	v8 =	vand.u32 $0xFFFF, v8;
	v13 =	vadd.s32 v4, v13;
	v9 =	vpsel p4, v17, v9  }
0x23f: {  	v8 =	vpsel p4, v13, v8;
	_ =	sdelay $0x1  }
0x240: {  	v13 =	vld.idx.msk [tilespmem:v6+s13+$0x0], $0xffff  }
0x241: {  	v10 =	vsub.f32 v10, v12;
	v12 =	vld.idx.msk [tilespmem:v7+s13+$0x0], $0xffff  }
0x242: {  	v14 =	vld.idx.msk [tilespmem:v9+s13+$0x0], $0xffff  }
0x243: {  	v17 =	vld.idx.msk [tilespmem:v8+s13+$0x0], $0xffff;
	v15 =	vpop (erf)  }
0x244: {  	v15 =	vmul.f32 v15, v10;
	v10 =	vsub.f32 v11, v16  }
0x245: {  	v11 =	vpop (erf)  }
0x246: {  	v16 =	vsub.f32 $1.000000000e+00, v15;
	v10 =	vmul.f32 v11, v10  }
0x247: {  	v11 =	vmul.f32 v15, v14;
	v13 =	vmul.f32 v15, v13  }
0x248: {  	v14 =	vmov s5;
	v12 =	vmul.f32 v16, v12;
	v16 =	vmul.f32 v16, v17  }
0x249: {  	v17 =	vshll.u32 v14, $0x2;
	v14 =	vsub.f32 $1.000000000e+00, v10  }
0x24a: {  	v15 =	vadd.f32 v12, v11;
	v11 =	vor.u32 v1, v17;
	v16 =	vadd.f32 v16, v13  }
0x24b: {  	s29 =	simm.s32 $0x12600;
	s7 =	simm.s32 $0x10;
	s6 =	simm.s32 $0x12600;
	v13 =	vor.u32 $0x1, v11;
	v12 =	vor.u32 $0x2, v11  }
.LBB3_24:
0x24c: {  	v14 =	vmul.f32 v15, v14;
	v10 =	vmul.f32 v16, v10;
	s21 =	sadd.s32 $0x10, s21;
	s23 =	sadd.s32 $0x10, s23;
	s29 =	sadd.s32 $0x10, s29  }
0x24d: {  	p5 =	sne.s32 s7, $0xFF0;
	v15 =	vor.u32 $0x3, v11;
	s8 =	smov.u32 s7;
	s7 =	sadd.s32 $0x10, s7  }
0x24e: {  	v10 =	vadd.f32 v10, v14;
	_ =	sdelay $0x1  }
0x24f: {  	[tilespmem:s6+$0x0] =	vst v10;
	s6 =	smov.u32 s29  }
0x250: {  	[tilespmem:v11+s2+$0x0] =	vst.idx.msk $0xffff, v7  }
0x251: {  	[tilespmem:v13+s2+$0x0] =	vst.idx.msk $0xffff, v9  }
0x252: {  	[tilespmem:v12+s2+$0x0] =	vst.idx.msk $0xffff, v8  }
0x253: {  	[tilespmem:v15+s2+$0x0] =	vst.idx.msk $0xffff, v6  }
0x254: {  	v7 =	vld [tilespmem:s23+$0x0]  }
0x255: {  	v10 =	vld [tilespmem:s21+$0x0];
	_ =	sdelay $0x3  }
0x256: {  	v6 =	vmul.f32 v7, v3  }
0x257: {  	v8 =	vmul.f32 v10, v3  }
0x258: {  	v6 =	vtrunc.f32 v6  }
0x259: {  	v8 =	vtrunc.f32 v8;
	v6 =	vcvt.f32.s32 v6  }
0x25a: {  	v8 =	vcvt.f32.s32 v8  }
0x25b: {  	v9 =	vcvt.s32.f32 v6;
	v11 =	vmul.u32 $0x9E3779B1, v6  }
0x25c: {  	v12 =	vcvt.s32.f32 v8;
	v13 =	vmul.u32 v8, v4  }
0x25d: {  	v15 =	vadd.s32 $0x1, v8;
	v9 =	vmul.f32 v9, v2;
	v14 =	vadd.s32 $0x9E3779B1, v11  }
0x25e: {  	v12 =	vmul.f32 v12, v2;
	v13 =	vadd.s32 v6, v13;
	v6 =	vxor.u32 v15, v14  }
0x25f: {  	v16 =	vadd.f32 v9, v2;
	v17 =	vadd.s32 v5, v13;
	v6 =	vand.u32 $0xFFFF, v6  }
0x260: {  	v14 =	vxor.u32 v8, v14;
	v18 =	vadd.f32 v12, v2;
	v6 =	vpsel p4, v17, v6  }
0x261: {  	v15 =	vxor.u32 v15, v11;
	v17 =	vadd.s32 $0x1, v13;
	v16 =	vsub.f32 v16, v9  }
0x262: {  	v19 =	vsub.f32 v7, v9;
	v7 =	vxor.u32 v8, v11;
	v18 =	vsub.f32 v18, v12  }
0x263: {  	v8 =	vand.u32 $0xFFFF, v15;
	v7 =	vand.u32 $0xFFFF, v7;
	(erf) = vrcp.f32 v16  }
0x264: {  	v11 =	vadd.s32 v4, v13;
	v9 =	vand.u32 $0xFFFF, v14;
	v7 =	vpsel p4, v13, v7  }
0x265: {  	v8 =	vpsel p4, v11, v8;
	v9 =	vpsel p4, v17, v9;
	(erf) = vrcp.f32 v18  }
0x266: {  	v10 =	vsub.f32 v10, v12;
	_ =	sdelay $0x1  }
0x267: {  	v11 =	vld.idx.msk [tilespmem:v6+s13+$0x0], $0xffff  }
0x268: {  	v12 =	vld.idx.msk [tilespmem:v7+s13+$0x0], $0xffff  }
0x269: {  	v13 =	vld.idx.msk [tilespmem:v9+s13+$0x0], $0xffff  }
0x26a: {  	v14 =	vld.idx.msk [tilespmem:v8+s13+$0x0], $0xffff  }
0x26b: {  	v15 =	vpop (erf)  }
0x26c: {  	v15 =	vmul.f32 v15, v19  }
0x26d: {  	v16 =	vpop (erf)  }
0x26e: {  	v10 =	vmul.f32 v16, v10;
	v16 =	vsub.f32 $1.000000000e+00, v15;
	v11 =	vmul.f32 v15, v11  }
.Ltmp15:
0x26f: {  	v13 =	vmul.f32 v15, v13;
	v15 =	vmov s8;
	(pc) =	sbr.rel @p5 .LBB3_24-.Ltmp15, $4  }
0x270: {  	v12 =	vmul.f32 v16, v12;
	v16 =	vmul.f32 v16, v14;
	v14 =	vsub.f32 $1.000000000e+00, v10  }
0x271: {  	v17 =	vshll.u32 v15, $0x2  }
0x272: {  	v15 =	vadd.f32 v12, v13;
	v16 =	vadd.f32 v16, v11;
	v11 =	vor.u32 v1, v17  }
0x273: {  	v13 =	vor.u32 $0x1, v11;
	v12 =	vor.u32 $0x2, v11  }
0x274: {  	v14 =	vmul.f32 v15, v14;
	v10 =	vmul.f32 v16, v10;
	_ =	sdelay $0x1  }
0x275: {  	v10 =	vadd.f32 v10, v14  }
0x276: {  	v63 =	vor.u32 $0x3, v11  }
0x277: {  	[tilespmem:s6+$0x0] =	vst v10  }
0x278: {  	[tilespmem:v11+s2+$0x0] =	vst.idx.msk $0xffff, v7  }
0x279: {  	[tilespmem:v13+s2+$0x0] =	vst.idx.msk $0xffff, v9  }
0x27a: {  	[tilespmem:v12+s2+$0x0] =	vst.idx.msk $0xffff, v8  }
0x27b: {  	s23 =	sadd.s32 s11, s20;
	[tilespmem:v63+s2+$0x0] =	vst.idx.msk $0xffff, v6  }
0x27c: {  	[hbm4b:s23+s13] =	stream.linear.scatter [tilespmem:s3], [sflag:$0x1], $0x1000, $0x38;
	[tilespmem:$0x17600] =	vst v63  }
0x27d: {  	_ =	swait.ge [sflag:s30], $0x1000  }
0x27e: {  	[sflag:s30] =	ssyncset.done $0x0  }
0x27f: {  	s29 =	sshll.u32 s14, $0xB;
	s14 =	sadd.s32 $0x1, s14;
	[sflag:s30] =	ssyncadd.s32 $0xFFFFF000  }
0x280: {  	p0 =	sne.s32 s14, $0x40;
	s7 =	rddreg [dreg:$0xa]  }
.Ltmp16:
0x281: {  	s6 =	sadd.s32 s7, s29;
	(pc) =	sbr.rel @p0 .LBB3_23-.Ltmp16, $4  }
0x282: {  	[hbm4b:s6+s13] =	stream.linear.scatter [tilespmem:s2], [sflag:$0x1], $0x4000, $0x38;
	[tilespmem:$0x17600] =	vst v63  }
0x283: {  	_ =	swait.ge [sflag:s30], $0x4000  }
0x284: {  	[sflag:s30] =	ssyncset.done $0x0  }
0x285: {  	[sflag:s30] =	ssyncadd.s32 $0xFFFFC000  }
.LBB3_26:
0x286: {  	s5 =	sld [smem:$0x7E9];
	_ =	sdelay $0x2  }
0x287: {  	p0 =	seq.s32 s5, $0x1  }
.Ltmp17:
0x288: {  	_ = 	snop;
	(pc) =	sbr.rel @!p0 .LBB3_31-.Ltmp17, $1  }
0x289: {  	_ =	sdelay $0x3  }
0x28a: {  	v5 =	vadd.s32 $0x1, v4;
	s5 =	simm.s32 $0x0;
	s14 =	simm.s32 $0x0  }
.LBB3_28:
0x28b: {  	s11 =	sshll.u32 s14, $0x9  }
0x28c: {  	s21 =	simm.s32 $0x10600;
	s6 =	sadd.s32 s0, s11  }
0x28d: {  	[tilespmem:s21], [sflag:$0x1] =	stream.linear.gather [hbm4b:s6+s5], $0x1000, $0x38;
	[tilespmem:$0x17600] =	vst v63  }
0x28e: {  	_ =	swait.ge [sflag:s30], $0x1000  }
0x28f: {  	[sflag:s30] =	ssyncset.done $0x0  }
0x290: {  	s23 =	simm.s32 $0x11600;
	s8 =	sadd.s32 s1, s11;
	[sflag:s30] =	ssyncadd.s32 $0xFFFFF000  }
0x291: {  	[tilespmem:s23], [sflag:$0x1] =	stream.linear.gather [hbm4b:s8+s5], $0x1000, $0x38;
	[tilespmem:$0x17600] =	vst v63  }
0x292: {  	_ =	swait.ge [sflag:s30], $0x1000  }
0x293: {  	[sflag:s30] =	ssyncset.done $0x0  }
0x294: {  	[sflag:s30] =	ssyncadd.s32 $0xFFFFF000  }
0x295: {  	v10 =	vld [tilespmem:s23+$0x0];
	_ =	sdelay $0x1  }
0x296: {  	v11 =	vld [tilespmem:s21+$0x0];
	_ =	sdelay $0x2  }
0x297: {  	v6 =	vmul.f32 v10, v3;
	_ =	sdelay $0x1  }
0x298: {  	v7 =	vmul.f32 v11, v3;
	v6 =	vtrunc.f32 v6  }
0x299: {  	v6 =	vcvt.f32.s32 v6  }
0x29a: {  	v7 =	vtrunc.f32 v7  }
0x29b: {  	v7 =	vcvt.f32.s32 v7;
	v8 =	vcvt.s32.f32 v6;
	_ =	sdelay $0x1  }
0x29c: {  	v9 =	vcvt.s32.f32 v7;
	v13 =	vmul.u32 v7, v4;
	v12 =	vmul.f32 v8, v2  }
0x29d: {  	v8 =	vmul.u32 $0x9E3779B1, v6  }
0x29e: {  	v16 =	vmul.f32 v9, v2;
	v13 =	vadd.s32 v6, v13;
	v14 =	vadd.f32 v12, v2  }
0x29f: {  	v9 =	vadd.s32 $0x1, v7;
	v17 =	vadd.s32 v5, v13;
	v15 =	vadd.s32 $0x9E3779B1, v8  }
0x2a0: {  	v18 =	vadd.f32 v16, v2;
	v6 =	vsub.f32 v14, v12;
	v14 =	vxor.u32 v9, v15  }
0x2a1: {  	p4 =	slt.u32 s16, $0x1A;
	v15 =	vxor.u32 v7, v15;
	v7 =	vxor.u32 v7, v8;
	v14 =	vand.u32 $0xFFFF, v14  }
0x2a2: {  	(erf) = vrcp.f32 v6;
	v6 =	vpsel p4, v17, v14;
	v14 =	vsub.f32 v18, v16  }
0x2a3: {  	v8 =	vxor.u32 v9, v8;
	v7 =	vand.u32 $0xFFFF, v7;
	v9 =	vand.u32 $0xFFFF, v15  }
0x2a4: {  	v17 =	vadd.s32 $0x1, v13;
	v7 =	vpsel p4, v13, v7;
	(erf) = vrcp.f32 v14  }
0x2a5: {  	v8 =	vand.u32 $0xFFFF, v8;
	v13 =	vadd.s32 v4, v13;
	v9 =	vpsel p4, v17, v9  }
0x2a6: {  	v8 =	vpsel p4, v13, v8;
	_ =	sdelay $0x1  }
0x2a7: {  	v13 =	vld.idx.msk [tilespmem:v6+s13+$0x0], $0xffff  }
0x2a8: {  	v10 =	vsub.f32 v10, v12;
	v12 =	vld.idx.msk [tilespmem:v7+s13+$0x0], $0xffff  }
0x2a9: {  	v14 =	vld.idx.msk [tilespmem:v9+s13+$0x0], $0xffff  }
0x2aa: {  	v17 =	vld.idx.msk [tilespmem:v8+s13+$0x0], $0xffff;
	v15 =	vpop (erf)  }
0x2ab: {  	v15 =	vmul.f32 v15, v10;
	v10 =	vsub.f32 v11, v16  }
0x2ac: {  	v11 =	vpop (erf)  }
0x2ad: {  	v16 =	vsub.f32 $1.000000000e+00, v15;
	v10 =	vmul.f32 v11, v10  }
0x2ae: {  	v11 =	vmul.f32 v15, v14;
	v13 =	vmul.f32 v15, v13  }
0x2af: {  	v14 =	vmov s5;
	v12 =	vmul.f32 v16, v12;
	v16 =	vmul.f32 v16, v17  }
0x2b0: {  	v17 =	vshll.u32 v14, $0x2;
	v14 =	vsub.f32 $1.000000000e+00, v10  }
0x2b1: {  	v15 =	vadd.f32 v12, v11;
	v11 =	vor.u32 v1, v17;
	v16 =	vadd.f32 v16, v13  }
0x2b2: {  	s29 =	simm.s32 $0x12600;
	s7 =	simm.s32 $0x10;
	s6 =	simm.s32 $0x12600;
	v13 =	vor.u32 $0x1, v11;
	v12 =	vor.u32 $0x2, v11  }
.LBB3_29:
0x2b3: {  	v14 =	vmul.f32 v15, v14;
	v10 =	vmul.f32 v16, v10;
	s21 =	sadd.s32 $0x10, s21;
	s23 =	sadd.s32 $0x10, s23;
	s29 =	sadd.s32 $0x10, s29  }
0x2b4: {  	p5 =	sne.s32 s7, $0xFF0;
	v15 =	vor.u32 $0x3, v11;
	s8 =	smov.u32 s7;
	s7 =	sadd.s32 $0x10, s7  }
0x2b5: {  	v10 =	vadd.f32 v10, v14;
	_ =	sdelay $0x1  }
0x2b6: {  	[tilespmem:s6+$0x0] =	vst v10;
	s6 =	smov.u32 s29  }
0x2b7: {  	[tilespmem:v11+s2+$0x0] =	vst.idx.msk $0xffff, v7  }
0x2b8: {  	[tilespmem:v13+s2+$0x0] =	vst.idx.msk $0xffff, v9  }
0x2b9: {  	[tilespmem:v12+s2+$0x0] =	vst.idx.msk $0xffff, v8  }
0x2ba: {  	[tilespmem:v15+s2+$0x0] =	vst.idx.msk $0xffff, v6  }
0x2bb: {  	v7 =	vld [tilespmem:s23+$0x0]  }
0x2bc: {  	v10 =	vld [tilespmem:s21+$0x0];
	_ =	sdelay $0x3  }
0x2bd: {  	v6 =	vmul.f32 v7, v3  }
0x2be: {  	v8 =	vmul.f32 v10, v3  }
0x2bf: {  	v6 =	vtrunc.f32 v6  }
0x2c0: {  	v8 =	vtrunc.f32 v8;
	v6 =	vcvt.f32.s32 v6  }
0x2c1: {  	v8 =	vcvt.f32.s32 v8  }
0x2c2: {  	v9 =	vcvt.s32.f32 v6;
	v11 =	vmul.u32 $0x9E3779B1, v6  }
0x2c3: {  	v12 =	vcvt.s32.f32 v8;
	v13 =	vmul.u32 v8, v4  }
0x2c4: {  	v15 =	vadd.s32 $0x1, v8;
	v9 =	vmul.f32 v9, v2;
	v14 =	vadd.s32 $0x9E3779B1, v11  }
0x2c5: {  	v12 =	vmul.f32 v12, v2;
	v13 =	vadd.s32 v6, v13;
	v6 =	vxor.u32 v15, v14  }
0x2c6: {  	v16 =	vadd.f32 v9, v2;
	v17 =	vadd.s32 v5, v13;
	v6 =	vand.u32 $0xFFFF, v6  }
0x2c7: {  	v14 =	vxor.u32 v8, v14;
	v18 =	vadd.f32 v12, v2;
	v6 =	vpsel p4, v17, v6  }
0x2c8: {  	v15 =	vxor.u32 v15, v11;
	v17 =	vadd.s32 $0x1, v13;
	v16 =	vsub.f32 v16, v9  }
0x2c9: {  	v19 =	vsub.f32 v7, v9;
	v7 =	vxor.u32 v8, v11;
	v18 =	vsub.f32 v18, v12  }
0x2ca: {  	v8 =	vand.u32 $0xFFFF, v15;
	v7 =	vand.u32 $0xFFFF, v7;
	(erf) = vrcp.f32 v16  }
0x2cb: {  	v11 =	vadd.s32 v4, v13;
	v9 =	vand.u32 $0xFFFF, v14;
	v7 =	vpsel p4, v13, v7  }
0x2cc: {  	v8 =	vpsel p4, v11, v8;
	v9 =	vpsel p4, v17, v9;
	(erf) = vrcp.f32 v18  }
0x2cd: {  	v10 =	vsub.f32 v10, v12;
	_ =	sdelay $0x1  }
0x2ce: {  	v11 =	vld.idx.msk [tilespmem:v6+s13+$0x0], $0xffff  }
0x2cf: {  	v12 =	vld.idx.msk [tilespmem:v7+s13+$0x0], $0xffff  }
0x2d0: {  	v13 =	vld.idx.msk [tilespmem:v9+s13+$0x0], $0xffff  }
0x2d1: {  	v14 =	vld.idx.msk [tilespmem:v8+s13+$0x0], $0xffff  }
0x2d2: {  	v15 =	vpop (erf)  }
0x2d3: {  	v15 =	vmul.f32 v15, v19  }
0x2d4: {  	v16 =	vpop (erf)  }
0x2d5: {  	v10 =	vmul.f32 v16, v10;
	v16 =	vsub.f32 $1.000000000e+00, v15;
	v11 =	vmul.f32 v15, v11  }
.Ltmp18:
0x2d6: {  	v13 =	vmul.f32 v15, v13;
	v15 =	vmov s8;
	(pc) =	sbr.rel @p5 .LBB3_29-.Ltmp18, $4  }
0x2d7: {  	v12 =	vmul.f32 v16, v12;
	v16 =	vmul.f32 v16, v14;
	v14 =	vsub.f32 $1.000000000e+00, v10  }
0x2d8: {  	v17 =	vshll.u32 v15, $0x2  }
0x2d9: {  	v15 =	vadd.f32 v12, v13;
	v16 =	vadd.f32 v16, v11;
	v11 =	vor.u32 v1, v17  }
0x2da: {  	v13 =	vor.u32 $0x1, v11;
	v12 =	vor.u32 $0x2, v11  }
0x2db: {  	v14 =	vmul.f32 v15, v14;
	v10 =	vmul.f32 v16, v10;
	_ =	sdelay $0x1  }
0x2dc: {  	v10 =	vadd.f32 v10, v14  }
0x2dd: {  	v63 =	vor.u32 $0x3, v11  }
0x2de: {  	[tilespmem:s6+$0x0] =	vst v10  }
0x2df: {  	[tilespmem:v11+s2+$0x0] =	vst.idx.msk $0xffff, v7  }
0x2e0: {  	[tilespmem:v13+s2+$0x0] =	vst.idx.msk $0xffff, v9  }
0x2e1: {  	[tilespmem:v12+s2+$0x0] =	vst.idx.msk $0xffff, v8  }
0x2e2: {  	s23 =	sadd.s32 s11, s20;
	[tilespmem:v63+s2+$0x0] =	vst.idx.msk $0xffff, v6  }
0x2e3: {  	[hbm4b:s23+s13] =	stream.linear.scatter [tilespmem:s3], [sflag:$0x1], $0x1000, $0x38;
	[tilespmem:$0x17600] =	vst v63  }
0x2e4: {  	s29 =	sshll.u32 s14, $0xB;
	s14 =	sadd.s32 $0x1, s14;
	_ =	swait.ge [sflag:s30], $0x1000  }
0x2e5: {  	p0 =	sne.s32 s14, $0x40;
	[sflag:s30] =	ssyncset.done $0x0  }
.Ltmp19:
0x2e6: {  	s6 =	sadd.s32 s9, s29;
	[sflag:s30] =	ssyncadd.s32 $0xFFFFF000;
	(pc) =	sbr.rel @p0 .LBB3_28-.Ltmp19, $4  }
0x2e7: {  	[hbm4b:s6+s13] =	stream.linear.scatter [tilespmem:s2], [sflag:$0x1], $0x4000, $0x38;
	[tilespmem:$0x17600] =	vst v63  }
0x2e8: {  	_ =	swait.ge [sflag:s30], $0x4000  }
0x2e9: {  	[sflag:s30] =	ssyncset.done $0x0  }
0x2ea: {  	[sflag:s30] =	ssyncadd.s32 $0xFFFFC000  }
.LBB3_31:
0x2eb: {  	s5 =	sld [smem:$0x7EA];
	_ =	sdelay $0x2  }
0x2ec: {  	p0 =	seq.s32 s5, $0x1  }
.Ltmp20:
0x2ed: {  	_ = 	snop;
	(pc) =	sbr.rel @!p0 .LBB3_36-.Ltmp20, $1  }
0x2ee: {  	_ =	sdelay $0x3  }
0x2ef: {  	v5 =	vadd.s32 $0x1, v4;
	s5 =	simm.s32 $0x0;
	s14 =	simm.s32 $0x0  }
.LBB3_33:
0x2f0: {  	s11 =	sshll.u32 s14, $0x9  }
0x2f1: {  	s21 =	simm.s32 $0x10600;
	s6 =	sadd.s32 s0, s11  }
0x2f2: {  	[tilespmem:s21], [sflag:$0x1] =	stream.linear.gather [hbm4b:s6+s5], $0x1000, $0x38;
	[tilespmem:$0x17600] =	vst v63  }
0x2f3: {  	_ =	swait.ge [sflag:s30], $0x1000  }
0x2f4: {  	[sflag:s30] =	ssyncset.done $0x0  }
0x2f5: {  	s23 =	simm.s32 $0x11600;
	s8 =	sadd.s32 s1, s11;
	[sflag:s30] =	ssyncadd.s32 $0xFFFFF000  }
0x2f6: {  	[tilespmem:s23], [sflag:$0x1] =	stream.linear.gather [hbm4b:s8+s5], $0x1000, $0x38;
	[tilespmem:$0x17600] =	vst v63  }
0x2f7: {  	_ =	swait.ge [sflag:s30], $0x1000  }
0x2f8: {  	[sflag:s30] =	ssyncset.done $0x0  }
0x2f9: {  	[sflag:s30] =	ssyncadd.s32 $0xFFFFF000  }
0x2fa: {  	v10 =	vld [tilespmem:s23+$0x0];
	_ =	sdelay $0x1  }
0x2fb: {  	v11 =	vld [tilespmem:s21+$0x0];
	_ =	sdelay $0x2  }
0x2fc: {  	v6 =	vmul.f32 v10, v3;
	_ =	sdelay $0x1  }
0x2fd: {  	v7 =	vmul.f32 v11, v3;
	v6 =	vtrunc.f32 v6  }
0x2fe: {  	v6 =	vcvt.f32.s32 v6  }
0x2ff: {  	v7 =	vtrunc.f32 v7  }
0x300: {  	v7 =	vcvt.f32.s32 v7;
	v8 =	vcvt.s32.f32 v6;
	_ =	sdelay $0x1  }
0x301: {  	v9 =	vcvt.s32.f32 v7;
	v13 =	vmul.u32 v7, v4;
	v12 =	vmul.f32 v8, v2  }
0x302: {  	v8 =	vmul.u32 $0x9E3779B1, v6  }
0x303: {  	v16 =	vmul.f32 v9, v2;
	v13 =	vadd.s32 v6, v13;
	v14 =	vadd.f32 v12, v2  }
0x304: {  	v9 =	vadd.s32 $0x1, v7;
	v17 =	vadd.s32 v5, v13;
	v15 =	vadd.s32 $0x9E3779B1, v8  }
0x305: {  	v18 =	vadd.f32 v16, v2;
	v6 =	vsub.f32 v14, v12;
	v14 =	vxor.u32 v9, v15  }
0x306: {  	p4 =	slt.u32 s16, $0x1A;
	v15 =	vxor.u32 v7, v15;
	v7 =	vxor.u32 v7, v8;
	v14 =	vand.u32 $0xFFFF, v14  }
0x307: {  	(erf) = vrcp.f32 v6;
	v6 =	vpsel p4, v17, v14;
	v14 =	vsub.f32 v18, v16  }
0x308: {  	v8 =	vxor.u32 v9, v8;
	v7 =	vand.u32 $0xFFFF, v7;
	v9 =	vand.u32 $0xFFFF, v15  }
0x309: {  	v17 =	vadd.s32 $0x1, v13;
	v7 =	vpsel p4, v13, v7;
	(erf) = vrcp.f32 v14  }
0x30a: {  	v8 =	vand.u32 $0xFFFF, v8;
	v13 =	vadd.s32 v4, v13;
	v9 =	vpsel p4, v17, v9  }
0x30b: {  	v8 =	vpsel p4, v13, v8;
	_ =	sdelay $0x1  }
0x30c: {  	v13 =	vld.idx.msk [tilespmem:v6+s13+$0x0], $0xffff  }
0x30d: {  	v10 =	vsub.f32 v10, v12;
	v12 =	vld.idx.msk [tilespmem:v7+s13+$0x0], $0xffff  }
0x30e: {  	v14 =	vld.idx.msk [tilespmem:v9+s13+$0x0], $0xffff  }
0x30f: {  	v17 =	vld.idx.msk [tilespmem:v8+s13+$0x0], $0xffff;
	v15 =	vpop (erf)  }
0x310: {  	v15 =	vmul.f32 v15, v10;
	v10 =	vsub.f32 v11, v16  }
0x311: {  	v11 =	vpop (erf)  }
0x312: {  	v16 =	vsub.f32 $1.000000000e+00, v15;
	v10 =	vmul.f32 v11, v10  }
0x313: {  	v11 =	vmul.f32 v15, v14;
	v13 =	vmul.f32 v15, v13  }
0x314: {  	v14 =	vmov s5;
	v12 =	vmul.f32 v16, v12;
	v16 =	vmul.f32 v16, v17  }
0x315: {  	v17 =	vshll.u32 v14, $0x2;
	v14 =	vsub.f32 $1.000000000e+00, v10  }
0x316: {  	v15 =	vadd.f32 v12, v11;
	v11 =	vor.u32 v1, v17;
	v16 =	vadd.f32 v16, v13  }
0x317: {  	s29 =	simm.s32 $0x12600;
	s7 =	simm.s32 $0x10;
	s6 =	simm.s32 $0x12600;
	v13 =	vor.u32 $0x1, v11;
	v12 =	vor.u32 $0x2, v11  }
.LBB3_34:
0x318: {  	v14 =	vmul.f32 v15, v14;
	v10 =	vmul.f32 v16, v10;
	s21 =	sadd.s32 $0x10, s21;
	s23 =	sadd.s32 $0x10, s23;
	s29 =	sadd.s32 $0x10, s29  }
0x319: {  	p5 =	sne.s32 s7, $0xFF0;
	v15 =	vor.u32 $0x3, v11;
	s8 =	smov.u32 s7;
	s7 =	sadd.s32 $0x10, s7  }
0x31a: {  	v10 =	vadd.f32 v10, v14;
	_ =	sdelay $0x1  }
0x31b: {  	[tilespmem:s6+$0x0] =	vst v10;
	s6 =	smov.u32 s29  }
0x31c: {  	[tilespmem:v11+s2+$0x0] =	vst.idx.msk $0xffff, v7  }
0x31d: {  	[tilespmem:v13+s2+$0x0] =	vst.idx.msk $0xffff, v9  }
0x31e: {  	[tilespmem:v12+s2+$0x0] =	vst.idx.msk $0xffff, v8  }
0x31f: {  	[tilespmem:v15+s2+$0x0] =	vst.idx.msk $0xffff, v6  }
0x320: {  	v7 =	vld [tilespmem:s23+$0x0]  }
0x321: {  	v10 =	vld [tilespmem:s21+$0x0];
	_ =	sdelay $0x3  }
0x322: {  	v6 =	vmul.f32 v7, v3  }
0x323: {  	v8 =	vmul.f32 v10, v3  }
0x324: {  	v6 =	vtrunc.f32 v6  }
0x325: {  	v8 =	vtrunc.f32 v8;
	v6 =	vcvt.f32.s32 v6  }
0x326: {  	v8 =	vcvt.f32.s32 v8  }
0x327: {  	v9 =	vcvt.s32.f32 v6;
	v11 =	vmul.u32 $0x9E3779B1, v6  }
0x328: {  	v12 =	vcvt.s32.f32 v8;
	v13 =	vmul.u32 v8, v4  }
0x329: {  	v15 =	vadd.s32 $0x1, v8;
	v9 =	vmul.f32 v9, v2;
	v14 =	vadd.s32 $0x9E3779B1, v11  }
0x32a: {  	v12 =	vmul.f32 v12, v2;
	v13 =	vadd.s32 v6, v13;
	v6 =	vxor.u32 v15, v14  }
0x32b: {  	v16 =	vadd.f32 v9, v2;
	v17 =	vadd.s32 v5, v13;
	v6 =	vand.u32 $0xFFFF, v6  }
0x32c: {  	v14 =	vxor.u32 v8, v14;
	v18 =	vadd.f32 v12, v2;
	v6 =	vpsel p4, v17, v6  }
0x32d: {  	v15 =	vxor.u32 v15, v11;
	v17 =	vadd.s32 $0x1, v13;
	v16 =	vsub.f32 v16, v9  }
0x32e: {  	v19 =	vsub.f32 v7, v9;
	v7 =	vxor.u32 v8, v11;
	v18 =	vsub.f32 v18, v12  }
0x32f: {  	v8 =	vand.u32 $0xFFFF, v15;
	v7 =	vand.u32 $0xFFFF, v7;
	(erf) = vrcp.f32 v16  }
0x330: {  	v11 =	vadd.s32 v4, v13;
	v9 =	vand.u32 $0xFFFF, v14;
	v7 =	vpsel p4, v13, v7  }
0x331: {  	v8 =	vpsel p4, v11, v8;
	v9 =	vpsel p4, v17, v9;
	(erf) = vrcp.f32 v18  }
0x332: {  	v10 =	vsub.f32 v10, v12;
	_ =	sdelay $0x1  }
0x333: {  	v11 =	vld.idx.msk [tilespmem:v6+s13+$0x0], $0xffff  }
0x334: {  	v12 =	vld.idx.msk [tilespmem:v7+s13+$0x0], $0xffff  }
0x335: {  	v13 =	vld.idx.msk [tilespmem:v9+s13+$0x0], $0xffff  }
0x336: {  	v14 =	vld.idx.msk [tilespmem:v8+s13+$0x0], $0xffff  }
0x337: {  	v15 =	vpop (erf)  }
0x338: {  	v15 =	vmul.f32 v15, v19  }
0x339: {  	v16 =	vpop (erf)  }
0x33a: {  	v10 =	vmul.f32 v16, v10;
	v16 =	vsub.f32 $1.000000000e+00, v15;
	v11 =	vmul.f32 v15, v11  }
.Ltmp21:
0x33b: {  	v13 =	vmul.f32 v15, v13;
	v15 =	vmov s8;
	(pc) =	sbr.rel @p5 .LBB3_34-.Ltmp21, $4  }
0x33c: {  	v12 =	vmul.f32 v16, v12;
	v16 =	vmul.f32 v16, v14;
	v14 =	vsub.f32 $1.000000000e+00, v10  }
0x33d: {  	v17 =	vshll.u32 v15, $0x2  }
0x33e: {  	v15 =	vadd.f32 v12, v13;
	v16 =	vadd.f32 v16, v11;
	v11 =	vor.u32 v1, v17  }
0x33f: {  	v13 =	vor.u32 $0x1, v11;
	v12 =	vor.u32 $0x2, v11  }
0x340: {  	v14 =	vmul.f32 v15, v14;
	v10 =	vmul.f32 v16, v10;
	_ =	sdelay $0x1  }
0x341: {  	v10 =	vadd.f32 v10, v14  }
0x342: {  	v63 =	vor.u32 $0x3, v11  }
0x343: {  	[tilespmem:s6+$0x0] =	vst v10  }
0x344: {  	[tilespmem:v11+s2+$0x0] =	vst.idx.msk $0xffff, v7  }
0x345: {  	[tilespmem:v13+s2+$0x0] =	vst.idx.msk $0xffff, v9  }
0x346: {  	[tilespmem:v12+s2+$0x0] =	vst.idx.msk $0xffff, v8  }
0x347: {  	s23 =	sadd.s32 s11, s20;
	[tilespmem:v63+s2+$0x0] =	vst.idx.msk $0xffff, v6  }
0x348: {  	[hbm4b:s23+s13] =	stream.linear.scatter [tilespmem:s3], [sflag:$0x1], $0x1000, $0x38;
	[tilespmem:$0x17600] =	vst v63  }
0x349: {  	s29 =	sshll.u32 s14, $0xB;
	s14 =	sadd.s32 $0x1, s14;
	_ =	swait.ge [sflag:s30], $0x1000  }
0x34a: {  	p0 =	sne.s32 s14, $0x40;
	[sflag:s30] =	ssyncset.done $0x0  }
.Ltmp22:
0x34b: {  	s6 =	sadd.s32 s10, s29;
	[sflag:s30] =	ssyncadd.s32 $0xFFFFF000;
	(pc) =	sbr.rel @p0 .LBB3_33-.Ltmp22, $4  }
0x34c: {  	[hbm4b:s6+s13] =	stream.linear.scatter [tilespmem:s2], [sflag:$0x1], $0x4000, $0x38;
	[tilespmem:$0x17600] =	vst v63  }
0x34d: {  	_ =	swait.ge [sflag:s30], $0x4000  }
0x34e: {  	[sflag:s30] =	ssyncset.done $0x0  }
0x34f: {  	[sflag:s30] =	ssyncadd.s32 $0xFFFFC000  }
.LBB3_36:
0x350: {  	s5 =	sld [smem:$0x7EC];
	_ =	sdelay $0x2  }
0x351: {  	p0 =	seq.s32 s5, $0x1  }
.Ltmp23:
0x352: {  	_ = 	snop;
	(pc) =	sbr.rel @!p0 .LBB3_41-.Ltmp23, $1  }
0x353: {  	_ =	sdelay $0x3  }
0x354: {  	v5 =	vadd.s32 $0x1, v4;
	s5 =	simm.s32 $0x0;
	s14 =	simm.s32 $0x0  }
.LBB3_38:
0x355: {  	s11 =	sshll.u32 s14, $0x9  }
0x356: {  	s21 =	simm.s32 $0x10600;
	s6 =	sadd.s32 s0, s11  }
0x357: {  	[tilespmem:s21], [sflag:$0x1] =	stream.linear.gather [hbm4b:s6+s5], $0x1000, $0x38;
	[tilespmem:$0x17600] =	vst v63  }
0x358: {  	_ =	swait.ge [sflag:s30], $0x1000  }
0x359: {  	[sflag:s30] =	ssyncset.done $0x0  }
0x35a: {  	s23 =	simm.s32 $0x11600;
	s8 =	sadd.s32 s1, s11;
	[sflag:s30] =	ssyncadd.s32 $0xFFFFF000  }
0x35b: {  	[tilespmem:s23], [sflag:$0x1] =	stream.linear.gather [hbm4b:s8+s5], $0x1000, $0x38;
	[tilespmem:$0x17600] =	vst v63  }
0x35c: {  	_ =	swait.ge [sflag:s30], $0x1000  }
0x35d: {  	[sflag:s30] =	ssyncset.done $0x0  }
0x35e: {  	[sflag:s30] =	ssyncadd.s32 $0xFFFFF000  }
0x35f: {  	v10 =	vld [tilespmem:s23+$0x0];
	_ =	sdelay $0x1  }
0x360: {  	v11 =	vld [tilespmem:s21+$0x0];
	_ =	sdelay $0x2  }
0x361: {  	v6 =	vmul.f32 v10, v3;
	_ =	sdelay $0x1  }
0x362: {  	v7 =	vmul.f32 v11, v3;
	v6 =	vtrunc.f32 v6  }
0x363: {  	v6 =	vcvt.f32.s32 v6  }
0x364: {  	v7 =	vtrunc.f32 v7  }
0x365: {  	v7 =	vcvt.f32.s32 v7;
	v8 =	vcvt.s32.f32 v6;
	_ =	sdelay $0x1  }
0x366: {  	v9 =	vcvt.s32.f32 v7;
	v13 =	vmul.u32 v7, v4;
	v12 =	vmul.f32 v8, v2  }
0x367: {  	v8 =	vmul.u32 $0x9E3779B1, v6  }
0x368: {  	v16 =	vmul.f32 v9, v2;
	v13 =	vadd.s32 v6, v13;
	v14 =	vadd.f32 v12, v2  }
0x369: {  	v9 =	vadd.s32 $0x1, v7;
	v17 =	vadd.s32 v5, v13;
	v15 =	vadd.s32 $0x9E3779B1, v8  }
0x36a: {  	v18 =	vadd.f32 v16, v2;
	v6 =	vsub.f32 v14, v12;
	v14 =	vxor.u32 v9, v15  }
0x36b: {  	p4 =	slt.u32 s16, $0x1A;
	v15 =	vxor.u32 v7, v15;
	v7 =	vxor.u32 v7, v8;
	v14 =	vand.u32 $0xFFFF, v14  }
0x36c: {  	(erf) = vrcp.f32 v6;
	v6 =	vpsel p4, v17, v14;
	v14 =	vsub.f32 v18, v16  }
0x36d: {  	v8 =	vxor.u32 v9, v8;
	v7 =	vand.u32 $0xFFFF, v7;
	v9 =	vand.u32 $0xFFFF, v15  }
0x36e: {  	v17 =	vadd.s32 $0x1, v13;
	v7 =	vpsel p4, v13, v7;
	(erf) = vrcp.f32 v14  }
0x36f: {  	v8 =	vand.u32 $0xFFFF, v8;
	v13 =	vadd.s32 v4, v13;
	v9 =	vpsel p4, v17, v9  }
0x370: {  	v8 =	vpsel p4, v13, v8;
	_ =	sdelay $0x1  }
0x371: {  	v13 =	vld.idx.msk [tilespmem:v6+s13+$0x0], $0xffff  }
0x372: {  	v10 =	vsub.f32 v10, v12;
	v12 =	vld.idx.msk [tilespmem:v7+s13+$0x0], $0xffff  }
0x373: {  	v14 =	vld.idx.msk [tilespmem:v9+s13+$0x0], $0xffff  }
0x374: {  	v17 =	vld.idx.msk [tilespmem:v8+s13+$0x0], $0xffff;
	v15 =	vpop (erf)  }
0x375: {  	v15 =	vmul.f32 v15, v10;
	v10 =	vsub.f32 v11, v16  }
0x376: {  	v11 =	vpop (erf)  }
0x377: {  	v16 =	vsub.f32 $1.000000000e+00, v15;
	v10 =	vmul.f32 v11, v10  }
0x378: {  	v11 =	vmul.f32 v15, v14;
	v13 =	vmul.f32 v15, v13  }
0x379: {  	v14 =	vmov s5;
	v12 =	vmul.f32 v16, v12;
	v16 =	vmul.f32 v16, v17  }
0x37a: {  	v17 =	vshll.u32 v14, $0x2;
	v14 =	vsub.f32 $1.000000000e+00, v10  }
0x37b: {  	v15 =	vadd.f32 v12, v11;
	v11 =	vor.u32 v1, v17;
	v16 =	vadd.f32 v16, v13  }
0x37c: {  	s29 =	simm.s32 $0x12600;
	s7 =	simm.s32 $0x10;
	s6 =	simm.s32 $0x12600;
	v13 =	vor.u32 $0x1, v11;
	v12 =	vor.u32 $0x2, v11  }
.LBB3_39:
0x37d: {  	v14 =	vmul.f32 v15, v14;
	v10 =	vmul.f32 v16, v10;
	s21 =	sadd.s32 $0x10, s21;
	s23 =	sadd.s32 $0x10, s23;
	s29 =	sadd.s32 $0x10, s29  }
0x37e: {  	p5 =	sne.s32 s7, $0xFF0;
	v15 =	vor.u32 $0x3, v11;
	s8 =	smov.u32 s7;
	s7 =	sadd.s32 $0x10, s7  }
0x37f: {  	v10 =	vadd.f32 v10, v14;
	_ =	sdelay $0x1  }
0x380: {  	[tilespmem:s6+$0x0] =	vst v10;
	s6 =	smov.u32 s29  }
0x381: {  	[tilespmem:v11+s2+$0x0] =	vst.idx.msk $0xffff, v7  }
0x382: {  	[tilespmem:v13+s2+$0x0] =	vst.idx.msk $0xffff, v9  }
0x383: {  	[tilespmem:v12+s2+$0x0] =	vst.idx.msk $0xffff, v8  }
0x384: {  	[tilespmem:v15+s2+$0x0] =	vst.idx.msk $0xffff, v6  }
0x385: {  	v7 =	vld [tilespmem:s23+$0x0]  }
0x386: {  	v10 =	vld [tilespmem:s21+$0x0];
	_ =	sdelay $0x3  }
0x387: {  	v6 =	vmul.f32 v7, v3  }
0x388: {  	v8 =	vmul.f32 v10, v3  }
0x389: {  	v6 =	vtrunc.f32 v6  }
0x38a: {  	v8 =	vtrunc.f32 v8;
	v6 =	vcvt.f32.s32 v6  }
0x38b: {  	v8 =	vcvt.f32.s32 v8  }
0x38c: {  	v9 =	vcvt.s32.f32 v6;
	v11 =	vmul.u32 $0x9E3779B1, v6  }
0x38d: {  	v12 =	vcvt.s32.f32 v8;
	v13 =	vmul.u32 v8, v4  }
0x38e: {  	v15 =	vadd.s32 $0x1, v8;
	v9 =	vmul.f32 v9, v2;
	v14 =	vadd.s32 $0x9E3779B1, v11  }
0x38f: {  	v12 =	vmul.f32 v12, v2;
	v13 =	vadd.s32 v6, v13;
	v6 =	vxor.u32 v15, v14  }
0x390: {  	v16 =	vadd.f32 v9, v2;
	v17 =	vadd.s32 v5, v13;
	v6 =	vand.u32 $0xFFFF, v6  }
0x391: {  	v14 =	vxor.u32 v8, v14;
	v18 =	vadd.f32 v12, v2;
	v6 =	vpsel p4, v17, v6  }
0x392: {  	v15 =	vxor.u32 v15, v11;
	v17 =	vadd.s32 $0x1, v13;
	v16 =	vsub.f32 v16, v9  }
0x393: {  	v19 =	vsub.f32 v7, v9;
	v7 =	vxor.u32 v8, v11;
	v18 =	vsub.f32 v18, v12  }
0x394: {  	v8 =	vand.u32 $0xFFFF, v15;
	v7 =	vand.u32 $0xFFFF, v7;
	(erf) = vrcp.f32 v16  }
0x395: {  	v11 =	vadd.s32 v4, v13;
	v9 =	vand.u32 $0xFFFF, v14;
	v7 =	vpsel p4, v13, v7  }
0x396: {  	v8 =	vpsel p4, v11, v8;
	v9 =	vpsel p4, v17, v9;
	(erf) = vrcp.f32 v18  }
0x397: {  	v10 =	vsub.f32 v10, v12;
	_ =	sdelay $0x1  }
0x398: {  	v11 =	vld.idx.msk [tilespmem:v6+s13+$0x0], $0xffff  }
0x399: {  	v12 =	vld.idx.msk [tilespmem:v7+s13+$0x0], $0xffff  }
0x39a: {  	v13 =	vld.idx.msk [tilespmem:v9+s13+$0x0], $0xffff  }
0x39b: {  	v14 =	vld.idx.msk [tilespmem:v8+s13+$0x0], $0xffff  }
0x39c: {  	v15 =	vpop (erf)  }
0x39d: {  	v15 =	vmul.f32 v15, v19  }
0x39e: {  	v16 =	vpop (erf)  }
0x39f: {  	v10 =	vmul.f32 v16, v10;
	v16 =	vsub.f32 $1.000000000e+00, v15;
	v11 =	vmul.f32 v15, v11  }
.Ltmp24:
0x3a0: {  	v13 =	vmul.f32 v15, v13;
	v15 =	vmov s8;
	(pc) =	sbr.rel @p5 .LBB3_39-.Ltmp24, $4  }
0x3a1: {  	v12 =	vmul.f32 v16, v12;
	v16 =	vmul.f32 v16, v14;
	v14 =	vsub.f32 $1.000000000e+00, v10  }
0x3a2: {  	v17 =	vshll.u32 v15, $0x2  }
0x3a3: {  	v15 =	vadd.f32 v12, v13;
	v16 =	vadd.f32 v16, v11;
	v11 =	vor.u32 v1, v17  }
0x3a4: {  	v13 =	vor.u32 $0x1, v11;
	v12 =	vor.u32 $0x2, v11  }
0x3a5: {  	v14 =	vmul.f32 v15, v14;
	v10 =	vmul.f32 v16, v10;
	_ =	sdelay $0x1  }
0x3a6: {  	v10 =	vadd.f32 v10, v14  }
0x3a7: {  	v63 =	vor.u32 $0x3, v11  }
0x3a8: {  	[tilespmem:s6+$0x0] =	vst v10  }
0x3a9: {  	[tilespmem:v11+s2+$0x0] =	vst.idx.msk $0xffff, v7  }
0x3aa: {  	[tilespmem:v13+s2+$0x0] =	vst.idx.msk $0xffff, v9  }
0x3ab: {  	[tilespmem:v12+s2+$0x0] =	vst.idx.msk $0xffff, v8  }
0x3ac: {  	s23 =	sadd.s32 s11, s20;
	[tilespmem:v63+s2+$0x0] =	vst.idx.msk $0xffff, v6  }
0x3ad: {  	[hbm4b:s23+s13] =	stream.linear.scatter [tilespmem:s3], [sflag:$0x1], $0x1000, $0x38;
	[tilespmem:$0x17600] =	vst v63  }
0x3ae: {  	s29 =	sshll.u32 s14, $0xB;
	s14 =	sadd.s32 $0x1, s14;
	_ =	swait.ge [sflag:s30], $0x1000  }
0x3af: {  	p0 =	sne.s32 s14, $0x40;
	[sflag:s30] =	ssyncset.done $0x0  }
.Ltmp25:
0x3b0: {  	s6 =	sadd.s32 s12, s29;
	[sflag:s30] =	ssyncadd.s32 $0xFFFFF000;
	(pc) =	sbr.rel @p0 .LBB3_38-.Ltmp25, $4  }
0x3b1: {  	[hbm4b:s6+s13] =	stream.linear.scatter [tilespmem:s2], [sflag:$0x1], $0x4000, $0x38;
	[tilespmem:$0x17600] =	vst v63  }
0x3b2: {  	_ =	swait.ge [sflag:s30], $0x4000  }
0x3b3: {  	[sflag:s30] =	ssyncset.done $0x0  }
0x3b4: {  	[sflag:s30] =	ssyncadd.s32 $0xFFFFC000  }
.LBB3_41:
0x3b5: {  	s5 =	sld [smem:$0x7EF];
	_ =	sdelay $0x2  }
0x3b6: {  	p0 =	seq.s32 s5, $0x1  }
.Ltmp26:
0x3b7: {  	_ = 	snop;
	(pc) =	sbr.rel @!p0 .LBB3_46-.Ltmp26, $1  }
0x3b8: {  	_ =	sdelay $0x3  }
0x3b9: {  	v5 =	vadd.s32 $0x1, v4;
	s5 =	simm.s32 $0x0;
	s14 =	simm.s32 $0x0  }
.LBB3_43:
0x3ba: {  	s11 =	sshll.u32 s14, $0x9  }
0x3bb: {  	s21 =	simm.s32 $0x10600;
	s6 =	sadd.s32 s0, s11  }
0x3bc: {  	[tilespmem:s21], [sflag:$0x1] =	stream.linear.gather [hbm4b:s6+s5], $0x1000, $0x38;
	[tilespmem:$0x17600] =	vst v63  }
0x3bd: {  	_ =	swait.ge [sflag:s30], $0x1000  }
0x3be: {  	[sflag:s30] =	ssyncset.done $0x0  }
0x3bf: {  	s23 =	simm.s32 $0x11600;
	s8 =	sadd.s32 s1, s11;
	[sflag:s30] =	ssyncadd.s32 $0xFFFFF000  }
0x3c0: {  	[tilespmem:s23], [sflag:$0x1] =	stream.linear.gather [hbm4b:s8+s5], $0x1000, $0x38;
	[tilespmem:$0x17600] =	vst v63  }
0x3c1: {  	_ =	swait.ge [sflag:s30], $0x1000  }
0x3c2: {  	[sflag:s30] =	ssyncset.done $0x0  }
0x3c3: {  	[sflag:s30] =	ssyncadd.s32 $0xFFFFF000  }
0x3c4: {  	v10 =	vld [tilespmem:s23+$0x0];
	_ =	sdelay $0x1  }
0x3c5: {  	v11 =	vld [tilespmem:s21+$0x0];
	_ =	sdelay $0x2  }
0x3c6: {  	v6 =	vmul.f32 v10, v3;
	_ =	sdelay $0x1  }
0x3c7: {  	v7 =	vmul.f32 v11, v3;
	v6 =	vtrunc.f32 v6  }
0x3c8: {  	v6 =	vcvt.f32.s32 v6  }
0x3c9: {  	v7 =	vtrunc.f32 v7  }
0x3ca: {  	v7 =	vcvt.f32.s32 v7;
	v8 =	vcvt.s32.f32 v6;
	_ =	sdelay $0x1  }
0x3cb: {  	v9 =	vcvt.s32.f32 v7;
	v13 =	vmul.u32 v7, v4;
	v12 =	vmul.f32 v8, v2  }
0x3cc: {  	v8 =	vmul.u32 $0x9E3779B1, v6  }
0x3cd: {  	v16 =	vmul.f32 v9, v2;
	v13 =	vadd.s32 v6, v13;
	v14 =	vadd.f32 v12, v2  }
0x3ce: {  	v9 =	vadd.s32 $0x1, v7;
	v17 =	vadd.s32 v5, v13;
	v15 =	vadd.s32 $0x9E3779B1, v8  }
0x3cf: {  	v18 =	vadd.f32 v16, v2;
	v6 =	vsub.f32 v14, v12;
	v14 =	vxor.u32 v9, v15  }
0x3d0: {  	p4 =	slt.u32 s16, $0x1A;
	v15 =	vxor.u32 v7, v15;
	v7 =	vxor.u32 v7, v8;
	v14 =	vand.u32 $0xFFFF, v14  }
0x3d1: {  	(erf) = vrcp.f32 v6;
	v6 =	vpsel p4, v17, v14;
	v14 =	vsub.f32 v18, v16  }
0x3d2: {  	v8 =	vxor.u32 v9, v8;
	v7 =	vand.u32 $0xFFFF, v7;
	v9 =	vand.u32 $0xFFFF, v15  }
0x3d3: {  	v17 =	vadd.s32 $0x1, v13;
	v7 =	vpsel p4, v13, v7;
	(erf) = vrcp.f32 v14  }
0x3d4: {  	v8 =	vand.u32 $0xFFFF, v8;
	v13 =	vadd.s32 v4, v13;
	v9 =	vpsel p4, v17, v9  }
0x3d5: {  	v8 =	vpsel p4, v13, v8;
	_ =	sdelay $0x1  }
0x3d6: {  	v13 =	vld.idx.msk [tilespmem:v6+s13+$0x0], $0xffff  }
0x3d7: {  	v10 =	vsub.f32 v10, v12;
	v12 =	vld.idx.msk [tilespmem:v7+s13+$0x0], $0xffff  }
0x3d8: {  	v14 =	vld.idx.msk [tilespmem:v9+s13+$0x0], $0xffff  }
0x3d9: {  	v17 =	vld.idx.msk [tilespmem:v8+s13+$0x0], $0xffff;
	v15 =	vpop (erf)  }
0x3da: {  	v15 =	vmul.f32 v15, v10;
	v10 =	vsub.f32 v11, v16  }
0x3db: {  	v11 =	vpop (erf)  }
0x3dc: {  	v16 =	vsub.f32 $1.000000000e+00, v15;
	v10 =	vmul.f32 v11, v10  }
0x3dd: {  	v11 =	vmul.f32 v15, v14;
	v13 =	vmul.f32 v15, v13  }
0x3de: {  	v14 =	vmov s5;
	v12 =	vmul.f32 v16, v12;
	v16 =	vmul.f32 v16, v17  }
0x3df: {  	v17 =	vshll.u32 v14, $0x2;
	v14 =	vsub.f32 $1.000000000e+00, v10  }
0x3e0: {  	v15 =	vadd.f32 v12, v11;
	v11 =	vor.u32 v1, v17;
	v16 =	vadd.f32 v16, v13  }
0x3e1: {  	s29 =	simm.s32 $0x12600;
	s7 =	simm.s32 $0x10;
	s6 =	simm.s32 $0x12600;
	v13 =	vor.u32 $0x1, v11;
	v12 =	vor.u32 $0x2, v11  }
.LBB3_44:
0x3e2: {  	v14 =	vmul.f32 v15, v14;
	v10 =	vmul.f32 v16, v10;
	s21 =	sadd.s32 $0x10, s21;
	s23 =	sadd.s32 $0x10, s23;
	s29 =	sadd.s32 $0x10, s29  }
0x3e3: {  	p5 =	sne.s32 s7, $0xFF0;
	v15 =	vor.u32 $0x3, v11;
	s8 =	smov.u32 s7;
	s7 =	sadd.s32 $0x10, s7  }
0x3e4: {  	v10 =	vadd.f32 v10, v14;
	_ =	sdelay $0x1  }
0x3e5: {  	[tilespmem:s6+$0x0] =	vst v10;
	s6 =	smov.u32 s29  }
0x3e6: {  	[tilespmem:v11+s2+$0x0] =	vst.idx.msk $0xffff, v7  }
0x3e7: {  	[tilespmem:v13+s2+$0x0] =	vst.idx.msk $0xffff, v9  }
0x3e8: {  	[tilespmem:v12+s2+$0x0] =	vst.idx.msk $0xffff, v8  }
0x3e9: {  	[tilespmem:v15+s2+$0x0] =	vst.idx.msk $0xffff, v6  }
0x3ea: {  	v7 =	vld [tilespmem:s23+$0x0]  }
0x3eb: {  	v10 =	vld [tilespmem:s21+$0x0];
	_ =	sdelay $0x3  }
0x3ec: {  	v6 =	vmul.f32 v7, v3  }
0x3ed: {  	v8 =	vmul.f32 v10, v3  }
0x3ee: {  	v6 =	vtrunc.f32 v6  }
0x3ef: {  	v8 =	vtrunc.f32 v8;
	v6 =	vcvt.f32.s32 v6  }
0x3f0: {  	v8 =	vcvt.f32.s32 v8  }
0x3f1: {  	v9 =	vcvt.s32.f32 v6;
	v11 =	vmul.u32 $0x9E3779B1, v6  }
0x3f2: {  	v12 =	vcvt.s32.f32 v8;
	v13 =	vmul.u32 v8, v4  }
0x3f3: {  	v15 =	vadd.s32 $0x1, v8;
	v9 =	vmul.f32 v9, v2;
	v14 =	vadd.s32 $0x9E3779B1, v11  }
0x3f4: {  	v12 =	vmul.f32 v12, v2;
	v13 =	vadd.s32 v6, v13;
	v6 =	vxor.u32 v15, v14  }
0x3f5: {  	v16 =	vadd.f32 v9, v2;
	v17 =	vadd.s32 v5, v13;
	v6 =	vand.u32 $0xFFFF, v6  }
0x3f6: {  	v14 =	vxor.u32 v8, v14;
	v18 =	vadd.f32 v12, v2;
	v6 =	vpsel p4, v17, v6  }
0x3f7: {  	v15 =	vxor.u32 v15, v11;
	v17 =	vadd.s32 $0x1, v13;
	v16 =	vsub.f32 v16, v9  }
0x3f8: {  	v19 =	vsub.f32 v7, v9;
	v7 =	vxor.u32 v8, v11;
	v18 =	vsub.f32 v18, v12  }
0x3f9: {  	v8 =	vand.u32 $0xFFFF, v15;
	v7 =	vand.u32 $0xFFFF, v7;
	(erf) = vrcp.f32 v16  }
0x3fa: {  	v11 =	vadd.s32 v4, v13;
	v9 =	vand.u32 $0xFFFF, v14;
	v7 =	vpsel p4, v13, v7  }
0x3fb: {  	v8 =	vpsel p4, v11, v8;
	v9 =	vpsel p4, v17, v9;
	(erf) = vrcp.f32 v18  }
0x3fc: {  	v10 =	vsub.f32 v10, v12;
	_ =	sdelay $0x1  }
0x3fd: {  	v11 =	vld.idx.msk [tilespmem:v6+s13+$0x0], $0xffff  }
0x3fe: {  	v12 =	vld.idx.msk [tilespmem:v7+s13+$0x0], $0xffff  }
0x3ff: {  	v13 =	vld.idx.msk [tilespmem:v9+s13+$0x0], $0xffff  }
0x400: {  	v14 =	vld.idx.msk [tilespmem:v8+s13+$0x0], $0xffff  }
0x401: {  	v15 =	vpop (erf)  }
0x402: {  	v15 =	vmul.f32 v15, v19  }
0x403: {  	v16 =	vpop (erf)  }
0x404: {  	v10 =	vmul.f32 v16, v10;
	v16 =	vsub.f32 $1.000000000e+00, v15;
	v11 =	vmul.f32 v15, v11  }
.Ltmp27:
0x405: {  	v13 =	vmul.f32 v15, v13;
	v15 =	vmov s8;
	(pc) =	sbr.rel @p5 .LBB3_44-.Ltmp27, $4  }
0x406: {  	v12 =	vmul.f32 v16, v12;
	v16 =	vmul.f32 v16, v14;
	v14 =	vsub.f32 $1.000000000e+00, v10  }
0x407: {  	v17 =	vshll.u32 v15, $0x2  }
0x408: {  	v15 =	vadd.f32 v12, v13;
	v16 =	vadd.f32 v16, v11;
	v11 =	vor.u32 v1, v17  }
0x409: {  	v13 =	vor.u32 $0x1, v11;
	v12 =	vor.u32 $0x2, v11  }
0x40a: {  	v14 =	vmul.f32 v15, v14;
	v10 =	vmul.f32 v16, v10;
	_ =	sdelay $0x1  }
0x40b: {  	v10 =	vadd.f32 v10, v14  }
0x40c: {  	v63 =	vor.u32 $0x3, v11  }
0x40d: {  	[tilespmem:s6+$0x0] =	vst v10  }
0x40e: {  	[tilespmem:v11+s2+$0x0] =	vst.idx.msk $0xffff, v7  }
0x40f: {  	[tilespmem:v13+s2+$0x0] =	vst.idx.msk $0xffff, v9  }
0x410: {  	[tilespmem:v12+s2+$0x0] =	vst.idx.msk $0xffff, v8  }
0x411: {  	s23 =	sadd.s32 s11, s20;
	[tilespmem:v63+s2+$0x0] =	vst.idx.msk $0xffff, v6  }
0x412: {  	[hbm4b:s23+s13] =	stream.linear.scatter [tilespmem:s3], [sflag:$0x1], $0x1000, $0x38;
	[tilespmem:$0x17600] =	vst v63  }
0x413: {  	s29 =	sshll.u32 s14, $0xB;
	s14 =	sadd.s32 $0x1, s14;
	_ =	swait.ge [sflag:s30], $0x1000  }
0x414: {  	p0 =	sne.s32 s14, $0x40;
	[sflag:s30] =	ssyncset.done $0x0  }
.Ltmp28:
0x415: {  	s6 =	sadd.s32 s15, s29;
	[sflag:s30] =	ssyncadd.s32 $0xFFFFF000;
	(pc) =	sbr.rel @p0 .LBB3_43-.Ltmp28, $4  }
0x416: {  	[hbm4b:s6+s13] =	stream.linear.scatter [tilespmem:s2], [sflag:$0x1], $0x4000, $0x38;
	[tilespmem:$0x17600] =	vst v63  }
0x417: {  	_ =	swait.ge [sflag:s30], $0x4000  }
0x418: {  	[sflag:s30] =	ssyncset.done $0x0  }
0x419: {  	[sflag:s30] =	ssyncadd.s32 $0xFFFFC000  }
.LBB3_46:
0x41a: {  	s5 =	sld [smem:$0x7F0];
	_ =	sdelay $0x2  }
0x41b: {  	p0 =	seq.s32 s5, $0x1  }
.Ltmp29:
0x41c: {  	_ = 	snop;
	(pc) =	sbr.rel @!p0 .LBB3_51-.Ltmp29, $1  }
0x41d: {  	_ =	sdelay $0x3  }
0x41e: {  	v5 =	vadd.s32 $0x1, v4;
	s5 =	simm.s32 $0x0;
	s14 =	simm.s32 $0x0  }
.LBB3_48:
0x41f: {  	s11 =	sshll.u32 s14, $0x9  }
0x420: {  	s21 =	simm.s32 $0x10600;
	s6 =	sadd.s32 s0, s11  }
0x421: {  	[tilespmem:s21], [sflag:$0x1] =	stream.linear.gather [hbm4b:s6+s5], $0x1000, $0x38;
	[tilespmem:$0x17600] =	vst v63  }
0x422: {  	_ =	swait.ge [sflag:s30], $0x1000  }
0x423: {  	[sflag:s30] =	ssyncset.done $0x0  }
0x424: {  	s23 =	simm.s32 $0x11600;
	s8 =	sadd.s32 s1, s11;
	[sflag:s30] =	ssyncadd.s32 $0xFFFFF000  }
0x425: {  	[tilespmem:s23], [sflag:$0x1] =	stream.linear.gather [hbm4b:s8+s5], $0x1000, $0x38;
	[tilespmem:$0x17600] =	vst v63  }
0x426: {  	_ =	swait.ge [sflag:s30], $0x1000  }
0x427: {  	[sflag:s30] =	ssyncset.done $0x0  }
0x428: {  	[sflag:s30] =	ssyncadd.s32 $0xFFFFF000  }
0x429: {  	v10 =	vld [tilespmem:s23+$0x0];
	_ =	sdelay $0x1  }
0x42a: {  	v11 =	vld [tilespmem:s21+$0x0];
	_ =	sdelay $0x2  }
0x42b: {  	v6 =	vmul.f32 v10, v3;
	_ =	sdelay $0x1  }
0x42c: {  	v7 =	vmul.f32 v11, v3;
	v6 =	vtrunc.f32 v6  }
0x42d: {  	v6 =	vcvt.f32.s32 v6  }
0x42e: {  	v7 =	vtrunc.f32 v7  }
0x42f: {  	v7 =	vcvt.f32.s32 v7;
	v8 =	vcvt.s32.f32 v6;
	_ =	sdelay $0x1  }
0x430: {  	v9 =	vcvt.s32.f32 v7;
	v13 =	vmul.u32 v7, v4;
	v12 =	vmul.f32 v8, v2  }
0x431: {  	v8 =	vmul.u32 $0x9E3779B1, v6  }
0x432: {  	v16 =	vmul.f32 v9, v2;
	v13 =	vadd.s32 v6, v13;
	v14 =	vadd.f32 v12, v2  }
0x433: {  	v9 =	vadd.s32 $0x1, v7;
	v17 =	vadd.s32 v5, v13;
	v15 =	vadd.s32 $0x9E3779B1, v8  }
0x434: {  	v18 =	vadd.f32 v16, v2;
	v6 =	vsub.f32 v14, v12;
	v14 =	vxor.u32 v9, v15  }
0x435: {  	p4 =	slt.u32 s16, $0x1A;
	v15 =	vxor.u32 v7, v15;
	v7 =	vxor.u32 v7, v8;
	v14 =	vand.u32 $0xFFFF, v14  }
0x436: {  	(erf) = vrcp.f32 v6;
	v6 =	vpsel p4, v17, v14;
	v14 =	vsub.f32 v18, v16  }
0x437: {  	v8 =	vxor.u32 v9, v8;
	v7 =	vand.u32 $0xFFFF, v7;
	v9 =	vand.u32 $0xFFFF, v15  }
0x438: {  	v17 =	vadd.s32 $0x1, v13;
	v7 =	vpsel p4, v13, v7;
	(erf) = vrcp.f32 v14  }
0x439: {  	v8 =	vand.u32 $0xFFFF, v8;
	v13 =	vadd.s32 v4, v13;
	v9 =	vpsel p4, v17, v9  }
0x43a: {  	v8 =	vpsel p4, v13, v8;
	_ =	sdelay $0x1  }
0x43b: {  	v13 =	vld.idx.msk [tilespmem:v6+s13+$0x0], $0xffff  }
0x43c: {  	v10 =	vsub.f32 v10, v12;
	v12 =	vld.idx.msk [tilespmem:v7+s13+$0x0], $0xffff  }
0x43d: {  	v14 =	vld.idx.msk [tilespmem:v9+s13+$0x0], $0xffff  }
0x43e: {  	v17 =	vld.idx.msk [tilespmem:v8+s13+$0x0], $0xffff;
	v15 =	vpop (erf)  }
0x43f: {  	v15 =	vmul.f32 v15, v10;
	v10 =	vsub.f32 v11, v16  }
0x440: {  	v11 =	vpop (erf)  }
0x441: {  	v16 =	vsub.f32 $1.000000000e+00, v15;
	v10 =	vmul.f32 v11, v10  }
0x442: {  	v11 =	vmul.f32 v15, v14;
	v13 =	vmul.f32 v15, v13  }
0x443: {  	v14 =	vmov s5;
	v12 =	vmul.f32 v16, v12;
	v16 =	vmul.f32 v16, v17  }
0x444: {  	v17 =	vshll.u32 v14, $0x2;
	v14 =	vsub.f32 $1.000000000e+00, v10  }
0x445: {  	v15 =	vadd.f32 v12, v11;
	v11 =	vor.u32 v1, v17;
	v16 =	vadd.f32 v16, v13  }
0x446: {  	s29 =	simm.s32 $0x12600;
	s7 =	simm.s32 $0x10;
	s6 =	simm.s32 $0x12600;
	v13 =	vor.u32 $0x1, v11;
	v12 =	vor.u32 $0x2, v11  }
.LBB3_49:
0x447: {  	v14 =	vmul.f32 v15, v14;
	v10 =	vmul.f32 v16, v10;
	s21 =	sadd.s32 $0x10, s21;
	s23 =	sadd.s32 $0x10, s23;
	s29 =	sadd.s32 $0x10, s29  }
0x448: {  	p5 =	sne.s32 s7, $0xFF0;
	v15 =	vor.u32 $0x3, v11;
	s8 =	smov.u32 s7;
	s7 =	sadd.s32 $0x10, s7  }
0x449: {  	v10 =	vadd.f32 v10, v14;
	_ =	sdelay $0x1  }
0x44a: {  	[tilespmem:s6+$0x0] =	vst v10;
	s6 =	smov.u32 s29  }
0x44b: {  	[tilespmem:v11+s2+$0x0] =	vst.idx.msk $0xffff, v7  }
0x44c: {  	[tilespmem:v13+s2+$0x0] =	vst.idx.msk $0xffff, v9  }
0x44d: {  	[tilespmem:v12+s2+$0x0] =	vst.idx.msk $0xffff, v8  }
0x44e: {  	[tilespmem:v15+s2+$0x0] =	vst.idx.msk $0xffff, v6  }
0x44f: {  	v7 =	vld [tilespmem:s23+$0x0]  }
0x450: {  	v10 =	vld [tilespmem:s21+$0x0];
	_ =	sdelay $0x3  }
0x451: {  	v6 =	vmul.f32 v7, v3  }
0x452: {  	v8 =	vmul.f32 v10, v3  }
0x453: {  	v6 =	vtrunc.f32 v6  }
0x454: {  	v8 =	vtrunc.f32 v8;
	v6 =	vcvt.f32.s32 v6  }
0x455: {  	v8 =	vcvt.f32.s32 v8  }
0x456: {  	v9 =	vcvt.s32.f32 v6;
	v11 =	vmul.u32 $0x9E3779B1, v6  }
0x457: {  	v12 =	vcvt.s32.f32 v8;
	v13 =	vmul.u32 v8, v4  }
0x458: {  	v15 =	vadd.s32 $0x1, v8;
	v9 =	vmul.f32 v9, v2;
	v14 =	vadd.s32 $0x9E3779B1, v11  }
0x459: {  	v12 =	vmul.f32 v12, v2;
	v13 =	vadd.s32 v6, v13;
	v6 =	vxor.u32 v15, v14  }
0x45a: {  	v16 =	vadd.f32 v9, v2;
	v17 =	vadd.s32 v5, v13;
	v6 =	vand.u32 $0xFFFF, v6  }
0x45b: {  	v14 =	vxor.u32 v8, v14;
	v18 =	vadd.f32 v12, v2;
	v6 =	vpsel p4, v17, v6  }
0x45c: {  	v15 =	vxor.u32 v15, v11;
	v17 =	vadd.s32 $0x1, v13;
	v16 =	vsub.f32 v16, v9  }
0x45d: {  	v19 =	vsub.f32 v7, v9;
	v7 =	vxor.u32 v8, v11;
	v18 =	vsub.f32 v18, v12  }
0x45e: {  	v8 =	vand.u32 $0xFFFF, v15;
	v7 =	vand.u32 $0xFFFF, v7;
	(erf) = vrcp.f32 v16  }
0x45f: {  	v11 =	vadd.s32 v4, v13;
	v9 =	vand.u32 $0xFFFF, v14;
	v7 =	vpsel p4, v13, v7  }
0x460: {  	v8 =	vpsel p4, v11, v8;
	v9 =	vpsel p4, v17, v9;
	(erf) = vrcp.f32 v18  }
0x461: {  	v10 =	vsub.f32 v10, v12;
	_ =	sdelay $0x1  }
0x462: {  	v11 =	vld.idx.msk [tilespmem:v6+s13+$0x0], $0xffff  }
0x463: {  	v12 =	vld.idx.msk [tilespmem:v7+s13+$0x0], $0xffff  }
0x464: {  	v13 =	vld.idx.msk [tilespmem:v9+s13+$0x0], $0xffff  }
0x465: {  	v14 =	vld.idx.msk [tilespmem:v8+s13+$0x0], $0xffff  }
0x466: {  	v15 =	vpop (erf)  }
0x467: {  	v15 =	vmul.f32 v15, v19  }
0x468: {  	v16 =	vpop (erf)  }
0x469: {  	v10 =	vmul.f32 v16, v10;
	v16 =	vsub.f32 $1.000000000e+00, v15;
	v11 =	vmul.f32 v15, v11  }
.Ltmp30:
0x46a: {  	v13 =	vmul.f32 v15, v13;
	v15 =	vmov s8;
	(pc) =	sbr.rel @p5 .LBB3_49-.Ltmp30, $4  }
0x46b: {  	v12 =	vmul.f32 v16, v12;
	v16 =	vmul.f32 v16, v14;
	v14 =	vsub.f32 $1.000000000e+00, v10  }
0x46c: {  	v17 =	vshll.u32 v15, $0x2  }
0x46d: {  	v15 =	vadd.f32 v12, v13;
	v16 =	vadd.f32 v16, v11;
	v11 =	vor.u32 v1, v17  }
0x46e: {  	v13 =	vor.u32 $0x1, v11;
	v12 =	vor.u32 $0x2, v11  }
0x46f: {  	v14 =	vmul.f32 v15, v14;
	v10 =	vmul.f32 v16, v10;
	_ =	sdelay $0x1  }
0x470: {  	v10 =	vadd.f32 v10, v14  }
0x471: {  	v63 =	vor.u32 $0x3, v11  }
0x472: {  	[tilespmem:s6+$0x0] =	vst v10  }
0x473: {  	[tilespmem:v11+s2+$0x0] =	vst.idx.msk $0xffff, v7  }
0x474: {  	[tilespmem:v13+s2+$0x0] =	vst.idx.msk $0xffff, v9  }
0x475: {  	[tilespmem:v12+s2+$0x0] =	vst.idx.msk $0xffff, v8  }
0x476: {  	s23 =	sadd.s32 s11, s20;
	[tilespmem:v63+s2+$0x0] =	vst.idx.msk $0xffff, v6  }
0x477: {  	[hbm4b:s23+s13] =	stream.linear.scatter [tilespmem:s3], [sflag:$0x1], $0x1000, $0x38;
	[tilespmem:$0x17600] =	vst v63  }
0x478: {  	s29 =	sshll.u32 s14, $0xB;
	s14 =	sadd.s32 $0x1, s14;
	_ =	swait.ge [sflag:s30], $0x1000  }
0x479: {  	p0 =	sne.s32 s14, $0x40;
	[sflag:s30] =	ssyncset.done $0x0  }
.Ltmp31:
0x47a: {  	s6 =	sadd.s32 s17, s29;
	[sflag:s30] =	ssyncadd.s32 $0xFFFFF000;
	(pc) =	sbr.rel @p0 .LBB3_48-.Ltmp31, $4  }
0x47b: {  	[hbm4b:s6+s13] =	stream.linear.scatter [tilespmem:s2], [sflag:$0x1], $0x4000, $0x38;
	[tilespmem:$0x17600] =	vst v63  }
0x47c: {  	_ =	swait.ge [sflag:s30], $0x4000  }
0x47d: {  	[sflag:s30] =	ssyncset.done $0x0  }
0x47e: {  	[sflag:s30] =	ssyncadd.s32 $0xFFFFC000  }
.LBB3_51:
0x47f: {  	s5 =	sld [smem:$0x7F2];
	_ =	sdelay $0x2  }
0x480: {  	p0 =	seq.s32 s5, $0x1  }
.Ltmp32:
0x481: {  	_ = 	snop;
	(pc) =	sbr.rel @!p0 .LBB3_56-.Ltmp32, $1  }
0x482: {  	_ =	sdelay $0x3  }
0x483: {  	v5 =	vadd.s32 $0x1, v4;
	s5 =	simm.s32 $0x0;
	s14 =	simm.s32 $0x0  }
.LBB3_53:
0x484: {  	s11 =	sshll.u32 s14, $0x9  }
0x485: {  	s21 =	simm.s32 $0x10600;
	s6 =	sadd.s32 s0, s11  }
0x486: {  	[tilespmem:s21], [sflag:$0x1] =	stream.linear.gather [hbm4b:s6+s5], $0x1000, $0x38;
	[tilespmem:$0x17600] =	vst v63  }
0x487: {  	_ =	swait.ge [sflag:s30], $0x1000  }
0x488: {  	[sflag:s30] =	ssyncset.done $0x0  }
0x489: {  	s23 =	simm.s32 $0x11600;
	s8 =	sadd.s32 s1, s11;
	[sflag:s30] =	ssyncadd.s32 $0xFFFFF000  }
0x48a: {  	[tilespmem:s23], [sflag:$0x1] =	stream.linear.gather [hbm4b:s8+s5], $0x1000, $0x38;
	[tilespmem:$0x17600] =	vst v63  }
0x48b: {  	_ =	swait.ge [sflag:s30], $0x1000  }
0x48c: {  	[sflag:s30] =	ssyncset.done $0x0  }
0x48d: {  	[sflag:s30] =	ssyncadd.s32 $0xFFFFF000  }
0x48e: {  	v10 =	vld [tilespmem:s23+$0x0];
	_ =	sdelay $0x1  }
0x48f: {  	v11 =	vld [tilespmem:s21+$0x0];
	_ =	sdelay $0x2  }
0x490: {  	v6 =	vmul.f32 v10, v3;
	_ =	sdelay $0x1  }
0x491: {  	v7 =	vmul.f32 v11, v3;
	v6 =	vtrunc.f32 v6  }
0x492: {  	v6 =	vcvt.f32.s32 v6  }
0x493: {  	v7 =	vtrunc.f32 v7  }
0x494: {  	v7 =	vcvt.f32.s32 v7;
	v8 =	vcvt.s32.f32 v6;
	_ =	sdelay $0x1  }
0x495: {  	v9 =	vcvt.s32.f32 v7;
	v13 =	vmul.u32 v7, v4;
	v12 =	vmul.f32 v8, v2  }
0x496: {  	v8 =	vmul.u32 $0x9E3779B1, v6  }
0x497: {  	v16 =	vmul.f32 v9, v2;
	v13 =	vadd.s32 v6, v13;
	v14 =	vadd.f32 v12, v2  }
0x498: {  	v9 =	vadd.s32 $0x1, v7;
	v17 =	vadd.s32 v5, v13;
	v15 =	vadd.s32 $0x9E3779B1, v8  }
0x499: {  	v18 =	vadd.f32 v16, v2;
	v6 =	vsub.f32 v14, v12;
	v14 =	vxor.u32 v9, v15  }
0x49a: {  	p4 =	slt.u32 s16, $0x1A;
	v15 =	vxor.u32 v7, v15;
	v7 =	vxor.u32 v7, v8;
	v14 =	vand.u32 $0xFFFF, v14  }
0x49b: {  	(erf) = vrcp.f32 v6;
	v6 =	vpsel p4, v17, v14;
	v14 =	vsub.f32 v18, v16  }
0x49c: {  	v8 =	vxor.u32 v9, v8;
	v7 =	vand.u32 $0xFFFF, v7;
	v9 =	vand.u32 $0xFFFF, v15  }
0x49d: {  	v17 =	vadd.s32 $0x1, v13;
	v7 =	vpsel p4, v13, v7;
	(erf) = vrcp.f32 v14  }
0x49e: {  	v8 =	vand.u32 $0xFFFF, v8;
	v13 =	vadd.s32 v4, v13;
	v9 =	vpsel p4, v17, v9  }
0x49f: {  	v8 =	vpsel p4, v13, v8;
	_ =	sdelay $0x1  }
0x4a0: {  	v13 =	vld.idx.msk [tilespmem:v6+s13+$0x0], $0xffff  }
0x4a1: {  	v10 =	vsub.f32 v10, v12;
	v12 =	vld.idx.msk [tilespmem:v7+s13+$0x0], $0xffff  }
0x4a2: {  	v14 =	vld.idx.msk [tilespmem:v9+s13+$0x0], $0xffff  }
0x4a3: {  	v17 =	vld.idx.msk [tilespmem:v8+s13+$0x0], $0xffff;
	v15 =	vpop (erf)  }
0x4a4: {  	v15 =	vmul.f32 v15, v10;
	v10 =	vsub.f32 v11, v16  }
0x4a5: {  	v11 =	vpop (erf)  }
0x4a6: {  	v16 =	vsub.f32 $1.000000000e+00, v15;
	v10 =	vmul.f32 v11, v10  }
0x4a7: {  	v11 =	vmul.f32 v15, v14;
	v13 =	vmul.f32 v15, v13  }
0x4a8: {  	v14 =	vmov s5;
	v12 =	vmul.f32 v16, v12;
	v16 =	vmul.f32 v16, v17  }
0x4a9: {  	v17 =	vshll.u32 v14, $0x2;
	v14 =	vsub.f32 $1.000000000e+00, v10  }
0x4aa: {  	v15 =	vadd.f32 v12, v11;
	v11 =	vor.u32 v1, v17;
	v16 =	vadd.f32 v16, v13  }
0x4ab: {  	s29 =	simm.s32 $0x12600;
	s7 =	simm.s32 $0x10;
	s6 =	simm.s32 $0x12600;
	v13 =	vor.u32 $0x1, v11;
	v12 =	vor.u32 $0x2, v11  }
.LBB3_54:
0x4ac: {  	v14 =	vmul.f32 v15, v14;
	v10 =	vmul.f32 v16, v10;
	s21 =	sadd.s32 $0x10, s21;
	s23 =	sadd.s32 $0x10, s23;
	s29 =	sadd.s32 $0x10, s29  }
0x4ad: {  	p5 =	sne.s32 s7, $0xFF0;
	v15 =	vor.u32 $0x3, v11;
	s8 =	smov.u32 s7;
	s7 =	sadd.s32 $0x10, s7  }
0x4ae: {  	v10 =	vadd.f32 v10, v14;
	_ =	sdelay $0x1  }
0x4af: {  	[tilespmem:s6+$0x0] =	vst v10;
	s6 =	smov.u32 s29  }
0x4b0: {  	[tilespmem:v11+s2+$0x0] =	vst.idx.msk $0xffff, v7  }
0x4b1: {  	[tilespmem:v13+s2+$0x0] =	vst.idx.msk $0xffff, v9  }
0x4b2: {  	[tilespmem:v12+s2+$0x0] =	vst.idx.msk $0xffff, v8  }
0x4b3: {  	[tilespmem:v15+s2+$0x0] =	vst.idx.msk $0xffff, v6  }
0x4b4: {  	v7 =	vld [tilespmem:s23+$0x0]  }
0x4b5: {  	v10 =	vld [tilespmem:s21+$0x0];
	_ =	sdelay $0x3  }
0x4b6: {  	v6 =	vmul.f32 v7, v3  }
0x4b7: {  	v8 =	vmul.f32 v10, v3  }
0x4b8: {  	v6 =	vtrunc.f32 v6  }
0x4b9: {  	v8 =	vtrunc.f32 v8;
	v6 =	vcvt.f32.s32 v6  }
0x4ba: {  	v8 =	vcvt.f32.s32 v8  }
0x4bb: {  	v9 =	vcvt.s32.f32 v6;
	v11 =	vmul.u32 $0x9E3779B1, v6  }
0x4bc: {  	v12 =	vcvt.s32.f32 v8;
	v13 =	vmul.u32 v8, v4  }
0x4bd: {  	v15 =	vadd.s32 $0x1, v8;
	v9 =	vmul.f32 v9, v2;
	v14 =	vadd.s32 $0x9E3779B1, v11  }
0x4be: {  	v12 =	vmul.f32 v12, v2;
	v13 =	vadd.s32 v6, v13;
	v6 =	vxor.u32 v15, v14  }
0x4bf: {  	v16 =	vadd.f32 v9, v2;
	v17 =	vadd.s32 v5, v13;
	v6 =	vand.u32 $0xFFFF, v6  }
0x4c0: {  	v14 =	vxor.u32 v8, v14;
	v18 =	vadd.f32 v12, v2;
	v6 =	vpsel p4, v17, v6  }
0x4c1: {  	v15 =	vxor.u32 v15, v11;
	v17 =	vadd.s32 $0x1, v13;
	v16 =	vsub.f32 v16, v9  }
0x4c2: {  	v19 =	vsub.f32 v7, v9;
	v7 =	vxor.u32 v8, v11;
	v18 =	vsub.f32 v18, v12  }
0x4c3: {  	v8 =	vand.u32 $0xFFFF, v15;
	v7 =	vand.u32 $0xFFFF, v7;
	(erf) = vrcp.f32 v16  }
0x4c4: {  	v11 =	vadd.s32 v4, v13;
	v9 =	vand.u32 $0xFFFF, v14;
	v7 =	vpsel p4, v13, v7  }
0x4c5: {  	v8 =	vpsel p4, v11, v8;
	v9 =	vpsel p4, v17, v9;
	(erf) = vrcp.f32 v18  }
0x4c6: {  	v10 =	vsub.f32 v10, v12;
	_ =	sdelay $0x1  }
0x4c7: {  	v11 =	vld.idx.msk [tilespmem:v6+s13+$0x0], $0xffff  }
0x4c8: {  	v12 =	vld.idx.msk [tilespmem:v7+s13+$0x0], $0xffff  }
0x4c9: {  	v13 =	vld.idx.msk [tilespmem:v9+s13+$0x0], $0xffff  }
0x4ca: {  	v14 =	vld.idx.msk [tilespmem:v8+s13+$0x0], $0xffff  }
0x4cb: {  	v15 =	vpop (erf)  }
0x4cc: {  	v15 =	vmul.f32 v15, v19  }
0x4cd: {  	v16 =	vpop (erf)  }
0x4ce: {  	v10 =	vmul.f32 v16, v10;
	v16 =	vsub.f32 $1.000000000e+00, v15;
	v11 =	vmul.f32 v15, v11  }
.Ltmp33:
0x4cf: {  	v13 =	vmul.f32 v15, v13;
	v15 =	vmov s8;
	(pc) =	sbr.rel @p5 .LBB3_54-.Ltmp33, $4  }
0x4d0: {  	v12 =	vmul.f32 v16, v12;
	v16 =	vmul.f32 v16, v14;
	v14 =	vsub.f32 $1.000000000e+00, v10  }
0x4d1: {  	v17 =	vshll.u32 v15, $0x2  }
0x4d2: {  	v15 =	vadd.f32 v12, v13;
	v16 =	vadd.f32 v16, v11;
	v11 =	vor.u32 v1, v17  }
0x4d3: {  	v13 =	vor.u32 $0x1, v11;
	v12 =	vor.u32 $0x2, v11  }
0x4d4: {  	v14 =	vmul.f32 v15, v14;
	v10 =	vmul.f32 v16, v10;
	_ =	sdelay $0x1  }
0x4d5: {  	v10 =	vadd.f32 v10, v14  }
0x4d6: {  	v63 =	vor.u32 $0x3, v11  }
0x4d7: {  	[tilespmem:s6+$0x0] =	vst v10  }
0x4d8: {  	[tilespmem:v11+s2+$0x0] =	vst.idx.msk $0xffff, v7  }
0x4d9: {  	[tilespmem:v13+s2+$0x0] =	vst.idx.msk $0xffff, v9  }
0x4da: {  	[tilespmem:v12+s2+$0x0] =	vst.idx.msk $0xffff, v8  }
0x4db: {  	s23 =	sadd.s32 s11, s20;
	[tilespmem:v63+s2+$0x0] =	vst.idx.msk $0xffff, v6  }
0x4dc: {  	[hbm4b:s23+s13] =	stream.linear.scatter [tilespmem:s3], [sflag:$0x1], $0x1000, $0x38;
	[tilespmem:$0x17600] =	vst v63  }
0x4dd: {  	s29 =	sshll.u32 s14, $0xB;
	s14 =	sadd.s32 $0x1, s14;
	_ =	swait.ge [sflag:s30], $0x1000  }
0x4de: {  	p0 =	sne.s32 s14, $0x40;
	[sflag:s30] =	ssyncset.done $0x0  }
.Ltmp34:
0x4df: {  	s6 =	sadd.s32 s18, s29;
	[sflag:s30] =	ssyncadd.s32 $0xFFFFF000;
	(pc) =	sbr.rel @p0 .LBB3_53-.Ltmp34, $4  }
0x4e0: {  	[hbm4b:s6+s13] =	stream.linear.scatter [tilespmem:s2], [sflag:$0x1], $0x4000, $0x38;
	[tilespmem:$0x17600] =	vst v63  }
0x4e1: {  	_ =	swait.ge [sflag:s30], $0x4000  }
0x4e2: {  	[sflag:s30] =	ssyncset.done $0x0  }
0x4e3: {  	[sflag:s30] =	ssyncadd.s32 $0xFFFFC000  }
.LBB3_56:
0x4e4: {  	s5 =	sld [smem:$0x7F5];
	_ =	sdelay $0x2  }
0x4e5: {  	p0 =	seq.s32 s5, $0x1  }
.Ltmp35:
0x4e6: {  	_ = 	snop;
	(pc) =	sbr.rel @!p0 .LBB3_61-.Ltmp35, $1  }
0x4e7: {  	_ =	sdelay $0x3  }
0x4e8: {  	v5 =	vadd.s32 $0x1, v4;
	s5 =	simm.s32 $0x0;
	s14 =	simm.s32 $0x0  }
.LBB3_58:
0x4e9: {  	s11 =	sshll.u32 s14, $0x9  }
0x4ea: {  	s21 =	simm.s32 $0x10600;
	s6 =	sadd.s32 s0, s11  }
0x4eb: {  	[tilespmem:s21], [sflag:$0x1] =	stream.linear.gather [hbm4b:s6+s5], $0x1000, $0x38;
	[tilespmem:$0x17600] =	vst v63  }
0x4ec: {  	_ =	swait.ge [sflag:s30], $0x1000  }
0x4ed: {  	[sflag:s30] =	ssyncset.done $0x0  }
0x4ee: {  	s23 =	simm.s32 $0x11600;
	s8 =	sadd.s32 s1, s11;
	[sflag:s30] =	ssyncadd.s32 $0xFFFFF000  }
0x4ef: {  	[tilespmem:s23], [sflag:$0x1] =	stream.linear.gather [hbm4b:s8+s5], $0x1000, $0x38;
	[tilespmem:$0x17600] =	vst v63  }
0x4f0: {  	_ =	swait.ge [sflag:s30], $0x1000  }
0x4f1: {  	[sflag:s30] =	ssyncset.done $0x0  }
0x4f2: {  	[sflag:s30] =	ssyncadd.s32 $0xFFFFF000  }
0x4f3: {  	v10 =	vld [tilespmem:s23+$0x0];
	_ =	sdelay $0x1  }
0x4f4: {  	v11 =	vld [tilespmem:s21+$0x0];
	_ =	sdelay $0x2  }
0x4f5: {  	v6 =	vmul.f32 v10, v3;
	_ =	sdelay $0x1  }
0x4f6: {  	v7 =	vmul.f32 v11, v3;
	v6 =	vtrunc.f32 v6  }
0x4f7: {  	v6 =	vcvt.f32.s32 v6  }
0x4f8: {  	v7 =	vtrunc.f32 v7  }
0x4f9: {  	v7 =	vcvt.f32.s32 v7;
	v8 =	vcvt.s32.f32 v6;
	_ =	sdelay $0x1  }
0x4fa: {  	v9 =	vcvt.s32.f32 v7;
	v13 =	vmul.u32 v7, v4;
	v12 =	vmul.f32 v8, v2  }
0x4fb: {  	v8 =	vmul.u32 $0x9E3779B1, v6  }
0x4fc: {  	v16 =	vmul.f32 v9, v2;
	v13 =	vadd.s32 v6, v13;
	v14 =	vadd.f32 v12, v2  }
0x4fd: {  	v9 =	vadd.s32 $0x1, v7;
	v17 =	vadd.s32 v5, v13;
	v15 =	vadd.s32 $0x9E3779B1, v8  }
0x4fe: {  	v18 =	vadd.f32 v16, v2;
	v6 =	vsub.f32 v14, v12;
	v14 =	vxor.u32 v9, v15  }
0x4ff: {  	p4 =	slt.u32 s16, $0x1A;
	v15 =	vxor.u32 v7, v15;
	v7 =	vxor.u32 v7, v8;
	v14 =	vand.u32 $0xFFFF, v14  }
0x500: {  	(erf) = vrcp.f32 v6;
	v6 =	vpsel p4, v17, v14;
	v14 =	vsub.f32 v18, v16  }
0x501: {  	v8 =	vxor.u32 v9, v8;
	v7 =	vand.u32 $0xFFFF, v7;
	v9 =	vand.u32 $0xFFFF, v15  }
0x502: {  	v17 =	vadd.s32 $0x1, v13;
	v7 =	vpsel p4, v13, v7;
	(erf) = vrcp.f32 v14  }
0x503: {  	v8 =	vand.u32 $0xFFFF, v8;
	v13 =	vadd.s32 v4, v13;
	v9 =	vpsel p4, v17, v9  }
0x504: {  	v8 =	vpsel p4, v13, v8;
	_ =	sdelay $0x1  }
0x505: {  	v13 =	vld.idx.msk [tilespmem:v6+s13+$0x0], $0xffff  }
0x506: {  	v10 =	vsub.f32 v10, v12;
	v12 =	vld.idx.msk [tilespmem:v7+s13+$0x0], $0xffff  }
0x507: {  	v14 =	vld.idx.msk [tilespmem:v9+s13+$0x0], $0xffff  }
0x508: {  	v17 =	vld.idx.msk [tilespmem:v8+s13+$0x0], $0xffff;
	v15 =	vpop (erf)  }
0x509: {  	v15 =	vmul.f32 v15, v10;
	v10 =	vsub.f32 v11, v16  }
0x50a: {  	v11 =	vpop (erf)  }
0x50b: {  	v16 =	vsub.f32 $1.000000000e+00, v15;
	v10 =	vmul.f32 v11, v10  }
0x50c: {  	v11 =	vmul.f32 v15, v14;
	v13 =	vmul.f32 v15, v13  }
0x50d: {  	v14 =	vmov s5;
	v12 =	vmul.f32 v16, v12;
	v16 =	vmul.f32 v16, v17  }
0x50e: {  	v17 =	vshll.u32 v14, $0x2;
	v14 =	vsub.f32 $1.000000000e+00, v10  }
0x50f: {  	v15 =	vadd.f32 v12, v11;
	v11 =	vor.u32 v1, v17;
	v16 =	vadd.f32 v16, v13  }
0x510: {  	s29 =	simm.s32 $0x12600;
	s7 =	simm.s32 $0x10;
	s6 =	simm.s32 $0x12600;
	v13 =	vor.u32 $0x1, v11;
	v12 =	vor.u32 $0x2, v11  }
.LBB3_59:
0x511: {  	v14 =	vmul.f32 v15, v14;
	v10 =	vmul.f32 v16, v10;
	s21 =	sadd.s32 $0x10, s21;
	s23 =	sadd.s32 $0x10, s23;
	s29 =	sadd.s32 $0x10, s29  }
0x512: {  	p5 =	sne.s32 s7, $0xFF0;
	v15 =	vor.u32 $0x3, v11;
	s8 =	smov.u32 s7;
	s7 =	sadd.s32 $0x10, s7  }
0x513: {  	v10 =	vadd.f32 v10, v14;
	_ =	sdelay $0x1  }
0x514: {  	[tilespmem:s6+$0x0] =	vst v10;
	s6 =	smov.u32 s29  }
0x515: {  	[tilespmem:v11+s2+$0x0] =	vst.idx.msk $0xffff, v7  }
0x516: {  	[tilespmem:v13+s2+$0x0] =	vst.idx.msk $0xffff, v9  }
0x517: {  	[tilespmem:v12+s2+$0x0] =	vst.idx.msk $0xffff, v8  }
0x518: {  	[tilespmem:v15+s2+$0x0] =	vst.idx.msk $0xffff, v6  }
0x519: {  	v7 =	vld [tilespmem:s23+$0x0]  }
0x51a: {  	v10 =	vld [tilespmem:s21+$0x0];
	_ =	sdelay $0x3  }
0x51b: {  	v6 =	vmul.f32 v7, v3  }
0x51c: {  	v8 =	vmul.f32 v10, v3  }
0x51d: {  	v6 =	vtrunc.f32 v6  }
0x51e: {  	v8 =	vtrunc.f32 v8;
	v6 =	vcvt.f32.s32 v6  }
0x51f: {  	v8 =	vcvt.f32.s32 v8  }
0x520: {  	v9 =	vcvt.s32.f32 v6;
	v11 =	vmul.u32 $0x9E3779B1, v6  }
0x521: {  	v12 =	vcvt.s32.f32 v8;
	v13 =	vmul.u32 v8, v4  }
0x522: {  	v15 =	vadd.s32 $0x1, v8;
	v9 =	vmul.f32 v9, v2;
	v14 =	vadd.s32 $0x9E3779B1, v11  }
0x523: {  	v12 =	vmul.f32 v12, v2;
	v13 =	vadd.s32 v6, v13;
	v6 =	vxor.u32 v15, v14  }
0x524: {  	v16 =	vadd.f32 v9, v2;
	v17 =	vadd.s32 v5, v13;
	v6 =	vand.u32 $0xFFFF, v6  }
0x525: {  	v14 =	vxor.u32 v8, v14;
	v18 =	vadd.f32 v12, v2;
	v6 =	vpsel p4, v17, v6  }
0x526: {  	v15 =	vxor.u32 v15, v11;
	v17 =	vadd.s32 $0x1, v13;
	v16 =	vsub.f32 v16, v9  }
0x527: {  	v19 =	vsub.f32 v7, v9;
	v7 =	vxor.u32 v8, v11;
	v18 =	vsub.f32 v18, v12  }
0x528: {  	v8 =	vand.u32 $0xFFFF, v15;
	v7 =	vand.u32 $0xFFFF, v7;
	(erf) = vrcp.f32 v16  }
0x529: {  	v11 =	vadd.s32 v4, v13;
	v9 =	vand.u32 $0xFFFF, v14;
	v7 =	vpsel p4, v13, v7  }
0x52a: {  	v8 =	vpsel p4, v11, v8;
	v9 =	vpsel p4, v17, v9;
	(erf) = vrcp.f32 v18  }
0x52b: {  	v10 =	vsub.f32 v10, v12;
	_ =	sdelay $0x1  }
0x52c: {  	v11 =	vld.idx.msk [tilespmem:v6+s13+$0x0], $0xffff  }
0x52d: {  	v12 =	vld.idx.msk [tilespmem:v7+s13+$0x0], $0xffff  }
0x52e: {  	v13 =	vld.idx.msk [tilespmem:v9+s13+$0x0], $0xffff  }
0x52f: {  	v14 =	vld.idx.msk [tilespmem:v8+s13+$0x0], $0xffff  }
0x530: {  	v15 =	vpop (erf)  }
0x531: {  	v15 =	vmul.f32 v15, v19  }
0x532: {  	v16 =	vpop (erf)  }
0x533: {  	v10 =	vmul.f32 v16, v10;
	v16 =	vsub.f32 $1.000000000e+00, v15;
	v11 =	vmul.f32 v15, v11  }
.Ltmp36:
0x534: {  	v13 =	vmul.f32 v15, v13;
	v15 =	vmov s8;
	(pc) =	sbr.rel @p5 .LBB3_59-.Ltmp36, $4  }
0x535: {  	v12 =	vmul.f32 v16, v12;
	v16 =	vmul.f32 v16, v14;
	v14 =	vsub.f32 $1.000000000e+00, v10  }
0x536: {  	v17 =	vshll.u32 v15, $0x2  }
0x537: {  	v15 =	vadd.f32 v12, v13;
	v16 =	vadd.f32 v16, v11;
	v11 =	vor.u32 v1, v17  }
0x538: {  	v13 =	vor.u32 $0x1, v11;
	v12 =	vor.u32 $0x2, v11  }
0x539: {  	v14 =	vmul.f32 v15, v14;
	v10 =	vmul.f32 v16, v10;
	_ =	sdelay $0x1  }
0x53a: {  	v10 =	vadd.f32 v10, v14  }
0x53b: {  	v63 =	vor.u32 $0x3, v11  }
0x53c: {  	[tilespmem:s6+$0x0] =	vst v10  }
0x53d: {  	[tilespmem:v11+s2+$0x0] =	vst.idx.msk $0xffff, v7  }
0x53e: {  	[tilespmem:v13+s2+$0x0] =	vst.idx.msk $0xffff, v9  }
0x53f: {  	[tilespmem:v12+s2+$0x0] =	vst.idx.msk $0xffff, v8  }
0x540: {  	s23 =	sadd.s32 s11, s20;
	[tilespmem:v63+s2+$0x0] =	vst.idx.msk $0xffff, v6  }
0x541: {  	[hbm4b:s23+s13] =	stream.linear.scatter [tilespmem:s3], [sflag:$0x1], $0x1000, $0x38;
	[tilespmem:$0x17600] =	vst v63  }
0x542: {  	s29 =	sshll.u32 s14, $0xB;
	s14 =	sadd.s32 $0x1, s14;
	_ =	swait.ge [sflag:s30], $0x1000  }
0x543: {  	p0 =	sne.s32 s14, $0x40;
	[sflag:s30] =	ssyncset.done $0x0  }
.Ltmp37:
0x544: {  	s6 =	sadd.s32 s19, s29;
	[sflag:s30] =	ssyncadd.s32 $0xFFFFF000;
	(pc) =	sbr.rel @p0 .LBB3_58-.Ltmp37, $4  }
0x545: {  	[hbm4b:s6+s13] =	stream.linear.scatter [tilespmem:s2], [sflag:$0x1], $0x4000, $0x38;
	[tilespmem:$0x17600] =	vst v63  }
0x546: {  	_ =	swait.ge [sflag:s30], $0x4000  }
0x547: {  	[sflag:s30] =	ssyncset.done $0x0  }
0x548: {  	[sflag:s30] =	ssyncadd.s32 $0xFFFFC000  }
.LBB3_61:
0x549: {  	s5 =	sld [smem:$0x7F6];
	_ =	sdelay $0x2  }
0x54a: {  	p0 =	seq.s32 s5, $0x1  }
.Ltmp38:
0x54b: {  	_ = 	snop;
	(pc) =	sbr.rel @!p0 .LBB3_66-.Ltmp38, $1  }
0x54c: {  	_ =	sdelay $0x3  }
0x54d: {  	v5 =	vadd.s32 $0x1, v4;
	s5 =	simm.s32 $0x0;
	s14 =	simm.s32 $0x0  }
.LBB3_63:
0x54e: {  	s11 =	sshll.u32 s14, $0x9  }
0x54f: {  	s21 =	simm.s32 $0x10600;
	s6 =	sadd.s32 s0, s11  }
0x550: {  	[tilespmem:s21], [sflag:$0x1] =	stream.linear.gather [hbm4b:s6+s5], $0x1000, $0x38;
	[tilespmem:$0x17600] =	vst v63  }
0x551: {  	_ =	swait.ge [sflag:s30], $0x1000  }
0x552: {  	[sflag:s30] =	ssyncset.done $0x0  }
0x553: {  	s23 =	simm.s32 $0x11600;
	s8 =	sadd.s32 s1, s11;
	[sflag:s30] =	ssyncadd.s32 $0xFFFFF000  }
0x554: {  	[tilespmem:s23], [sflag:$0x1] =	stream.linear.gather [hbm4b:s8+s5], $0x1000, $0x38;
	[tilespmem:$0x17600] =	vst v63  }
0x555: {  	_ =	swait.ge [sflag:s30], $0x1000  }
0x556: {  	[sflag:s30] =	ssyncset.done $0x0  }
0x557: {  	[sflag:s30] =	ssyncadd.s32 $0xFFFFF000  }
0x558: {  	v10 =	vld [tilespmem:s23+$0x0];
	_ =	sdelay $0x1  }
0x559: {  	v11 =	vld [tilespmem:s21+$0x0];
	_ =	sdelay $0x2  }
0x55a: {  	v6 =	vmul.f32 v10, v3;
	_ =	sdelay $0x1  }
0x55b: {  	v7 =	vmul.f32 v11, v3;
	v6 =	vtrunc.f32 v6  }
0x55c: {  	v6 =	vcvt.f32.s32 v6  }
0x55d: {  	v7 =	vtrunc.f32 v7  }
0x55e: {  	v7 =	vcvt.f32.s32 v7;
	v8 =	vcvt.s32.f32 v6;
	_ =	sdelay $0x1  }
0x55f: {  	v9 =	vcvt.s32.f32 v7;
	v13 =	vmul.u32 v7, v4;
	v12 =	vmul.f32 v8, v2  }
0x560: {  	v8 =	vmul.u32 $0x9E3779B1, v6  }
0x561: {  	v16 =	vmul.f32 v9, v2;
	v13 =	vadd.s32 v6, v13;
	v14 =	vadd.f32 v12, v2  }
0x562: {  	v9 =	vadd.s32 $0x1, v7;
	v17 =	vadd.s32 v5, v13;
	v15 =	vadd.s32 $0x9E3779B1, v8  }
0x563: {  	v18 =	vadd.f32 v16, v2;
	v6 =	vsub.f32 v14, v12;
	v14 =	vxor.u32 v9, v15  }
0x564: {  	p4 =	slt.u32 s16, $0x1A;
	v15 =	vxor.u32 v7, v15;
	v7 =	vxor.u32 v7, v8;
	v14 =	vand.u32 $0xFFFF, v14  }
0x565: {  	(erf) = vrcp.f32 v6;
	v6 =	vpsel p4, v17, v14;
	v14 =	vsub.f32 v18, v16  }
0x566: {  	v8 =	vxor.u32 v9, v8;
	v7 =	vand.u32 $0xFFFF, v7;
	v9 =	vand.u32 $0xFFFF, v15  }
0x567: {  	v17 =	vadd.s32 $0x1, v13;
	v7 =	vpsel p4, v13, v7;
	(erf) = vrcp.f32 v14  }
0x568: {  	v8 =	vand.u32 $0xFFFF, v8;
	v13 =	vadd.s32 v4, v13;
	v9 =	vpsel p4, v17, v9  }
0x569: {  	v8 =	vpsel p4, v13, v8;
	_ =	sdelay $0x1  }
0x56a: {  	v13 =	vld.idx.msk [tilespmem:v6+s13+$0x0], $0xffff  }
0x56b: {  	v10 =	vsub.f32 v10, v12;
	v12 =	vld.idx.msk [tilespmem:v7+s13+$0x0], $0xffff  }
0x56c: {  	v14 =	vld.idx.msk [tilespmem:v9+s13+$0x0], $0xffff  }
0x56d: {  	v17 =	vld.idx.msk [tilespmem:v8+s13+$0x0], $0xffff;
	v15 =	vpop (erf)  }
0x56e: {  	v15 =	vmul.f32 v15, v10;
	v10 =	vsub.f32 v11, v16  }
0x56f: {  	v11 =	vpop (erf)  }
0x570: {  	v16 =	vsub.f32 $1.000000000e+00, v15;
	v10 =	vmul.f32 v11, v10  }
0x571: {  	v11 =	vmul.f32 v15, v14;
	v13 =	vmul.f32 v15, v13  }
0x572: {  	v14 =	vmov s5;
	v12 =	vmul.f32 v16, v12;
	v16 =	vmul.f32 v16, v17  }
0x573: {  	v17 =	vshll.u32 v14, $0x2;
	v14 =	vsub.f32 $1.000000000e+00, v10  }
0x574: {  	v15 =	vadd.f32 v12, v11;
	v11 =	vor.u32 v1, v17;
	v16 =	vadd.f32 v16, v13  }
0x575: {  	s29 =	simm.s32 $0x12600;
	s7 =	simm.s32 $0x10;
	s6 =	simm.s32 $0x12600;
	v13 =	vor.u32 $0x1, v11;
	v12 =	vor.u32 $0x2, v11  }
.LBB3_64:
0x576: {  	v14 =	vmul.f32 v15, v14;
	v10 =	vmul.f32 v16, v10;
	s21 =	sadd.s32 $0x10, s21;
	s23 =	sadd.s32 $0x10, s23;
	s29 =	sadd.s32 $0x10, s29  }
0x577: {  	p5 =	sne.s32 s7, $0xFF0;
	v15 =	vor.u32 $0x3, v11;
	s8 =	smov.u32 s7;
	s7 =	sadd.s32 $0x10, s7  }
0x578: {  	v10 =	vadd.f32 v10, v14;
	_ =	sdelay $0x1  }
0x579: {  	[tilespmem:s6+$0x0] =	vst v10;
	s6 =	smov.u32 s29  }
0x57a: {  	[tilespmem:v11+s2+$0x0] =	vst.idx.msk $0xffff, v7  }
0x57b: {  	[tilespmem:v13+s2+$0x0] =	vst.idx.msk $0xffff, v9  }
0x57c: {  	[tilespmem:v12+s2+$0x0] =	vst.idx.msk $0xffff, v8  }
0x57d: {  	[tilespmem:v15+s2+$0x0] =	vst.idx.msk $0xffff, v6  }
0x57e: {  	v7 =	vld [tilespmem:s23+$0x0]  }
0x57f: {  	v10 =	vld [tilespmem:s21+$0x0];
	_ =	sdelay $0x3  }
0x580: {  	v6 =	vmul.f32 v7, v3  }
0x581: {  	v8 =	vmul.f32 v10, v3  }
0x582: {  	v6 =	vtrunc.f32 v6  }
0x583: {  	v8 =	vtrunc.f32 v8;
	v6 =	vcvt.f32.s32 v6  }
0x584: {  	v8 =	vcvt.f32.s32 v8  }
0x585: {  	v9 =	vcvt.s32.f32 v6;
	v11 =	vmul.u32 $0x9E3779B1, v6  }
0x586: {  	v12 =	vcvt.s32.f32 v8;
	v13 =	vmul.u32 v8, v4  }
0x587: {  	v15 =	vadd.s32 $0x1, v8;
	v9 =	vmul.f32 v9, v2;
	v14 =	vadd.s32 $0x9E3779B1, v11  }
0x588: {  	v12 =	vmul.f32 v12, v2;
	v13 =	vadd.s32 v6, v13;
	v6 =	vxor.u32 v15, v14  }
0x589: {  	v16 =	vadd.f32 v9, v2;
	v17 =	vadd.s32 v5, v13;
	v6 =	vand.u32 $0xFFFF, v6  }
0x58a: {  	v14 =	vxor.u32 v8, v14;
	v18 =	vadd.f32 v12, v2;
	v6 =	vpsel p4, v17, v6  }
0x58b: {  	v15 =	vxor.u32 v15, v11;
	v17 =	vadd.s32 $0x1, v13;
	v16 =	vsub.f32 v16, v9  }
0x58c: {  	v19 =	vsub.f32 v7, v9;
	v7 =	vxor.u32 v8, v11;
	v18 =	vsub.f32 v18, v12  }
0x58d: {  	v8 =	vand.u32 $0xFFFF, v15;
	v7 =	vand.u32 $0xFFFF, v7;
	(erf) = vrcp.f32 v16  }
0x58e: {  	v11 =	vadd.s32 v4, v13;
	v9 =	vand.u32 $0xFFFF, v14;
	v7 =	vpsel p4, v13, v7  }
0x58f: {  	v8 =	vpsel p4, v11, v8;
	v9 =	vpsel p4, v17, v9;
	(erf) = vrcp.f32 v18  }
0x590: {  	v10 =	vsub.f32 v10, v12;
	_ =	sdelay $0x1  }
0x591: {  	v11 =	vld.idx.msk [tilespmem:v6+s13+$0x0], $0xffff  }
0x592: {  	v12 =	vld.idx.msk [tilespmem:v7+s13+$0x0], $0xffff  }
0x593: {  	v13 =	vld.idx.msk [tilespmem:v9+s13+$0x0], $0xffff  }
0x594: {  	v14 =	vld.idx.msk [tilespmem:v8+s13+$0x0], $0xffff  }
0x595: {  	v15 =	vpop (erf)  }
0x596: {  	v15 =	vmul.f32 v15, v19  }
0x597: {  	v16 =	vpop (erf)  }
0x598: {  	v10 =	vmul.f32 v16, v10;
	v16 =	vsub.f32 $1.000000000e+00, v15;
	v11 =	vmul.f32 v15, v11  }
.Ltmp39:
0x599: {  	v13 =	vmul.f32 v15, v13;
	v15 =	vmov s8;
	(pc) =	sbr.rel @p5 .LBB3_64-.Ltmp39, $4  }
0x59a: {  	v12 =	vmul.f32 v16, v12;
	v16 =	vmul.f32 v16, v14;
	v14 =	vsub.f32 $1.000000000e+00, v10  }
0x59b: {  	v17 =	vshll.u32 v15, $0x2  }
0x59c: {  	v15 =	vadd.f32 v12, v13;
	v16 =	vadd.f32 v16, v11;
	v11 =	vor.u32 v1, v17  }
0x59d: {  	v13 =	vor.u32 $0x1, v11;
	v12 =	vor.u32 $0x2, v11  }
0x59e: {  	v14 =	vmul.f32 v15, v14;
	v10 =	vmul.f32 v16, v10;
	_ =	sdelay $0x1  }
0x59f: {  	v10 =	vadd.f32 v10, v14  }
0x5a0: {  	v63 =	vor.u32 $0x3, v11  }
0x5a1: {  	[tilespmem:s6+$0x0] =	vst v10  }
0x5a2: {  	[tilespmem:v11+s2+$0x0] =	vst.idx.msk $0xffff, v7  }
0x5a3: {  	[tilespmem:v13+s2+$0x0] =	vst.idx.msk $0xffff, v9  }
0x5a4: {  	[tilespmem:v12+s2+$0x0] =	vst.idx.msk $0xffff, v8  }
0x5a5: {  	s23 =	sadd.s32 s11, s20;
	[tilespmem:v63+s2+$0x0] =	vst.idx.msk $0xffff, v6  }
0x5a6: {  	[hbm4b:s23+s13] =	stream.linear.scatter [tilespmem:s3], [sflag:$0x1], $0x1000, $0x38;
	[tilespmem:$0x17600] =	vst v63  }
0x5a7: {  	s29 =	sshll.u32 s14, $0xB;
	s14 =	sadd.s32 $0x1, s14;
	_ =	swait.ge [sflag:s30], $0x1000  }
0x5a8: {  	p0 =	sne.s32 s14, $0x40;
	[sflag:s30] =	ssyncset.done $0x0  }
.Ltmp40:
0x5a9: {  	s6 =	sadd.s32 s22, s29;
	[sflag:s30] =	ssyncadd.s32 $0xFFFFF000;
	(pc) =	sbr.rel @p0 .LBB3_63-.Ltmp40, $4  }
0x5aa: {  	[hbm4b:s6+s13] =	stream.linear.scatter [tilespmem:s2], [sflag:$0x1], $0x4000, $0x38;
	[tilespmem:$0x17600] =	vst v63  }
0x5ab: {  	_ =	swait.ge [sflag:s30], $0x4000  }
0x5ac: {  	[sflag:s30] =	ssyncset.done $0x0  }
0x5ad: {  	[sflag:s30] =	ssyncadd.s32 $0xFFFFC000  }
.LBB3_66:
0x5ae: {  	s5 =	sld [smem:$0x7F8];
	_ =	sdelay $0x2  }
0x5af: {  	p0 =	seq.s32 s5, $0x1  }
.Ltmp41:
0x5b0: {  	_ = 	snop;
	(pc) =	sbr.rel @!p0 .LBB3_71-.Ltmp41, $1  }
0x5b1: {  	_ =	sdelay $0x3  }
0x5b2: {  	v5 =	vadd.s32 $0x1, v4;
	s5 =	simm.s32 $0x0;
	s14 =	simm.s32 $0x0  }
.LBB3_68:
0x5b3: {  	s11 =	sshll.u32 s14, $0x9  }
0x5b4: {  	s21 =	simm.s32 $0x10600;
	s6 =	sadd.s32 s0, s11  }
0x5b5: {  	[tilespmem:s21], [sflag:$0x1] =	stream.linear.gather [hbm4b:s6+s5], $0x1000, $0x38;
	[tilespmem:$0x17600] =	vst v63  }
0x5b6: {  	_ =	swait.ge [sflag:s30], $0x1000  }
0x5b7: {  	[sflag:s30] =	ssyncset.done $0x0  }
0x5b8: {  	s23 =	simm.s32 $0x11600;
	s8 =	sadd.s32 s1, s11;
	[sflag:s30] =	ssyncadd.s32 $0xFFFFF000  }
0x5b9: {  	[tilespmem:s23], [sflag:$0x1] =	stream.linear.gather [hbm4b:s8+s5], $0x1000, $0x38;
	[tilespmem:$0x17600] =	vst v63  }
0x5ba: {  	_ =	swait.ge [sflag:s30], $0x1000  }
0x5bb: {  	[sflag:s30] =	ssyncset.done $0x0  }
0x5bc: {  	[sflag:s30] =	ssyncadd.s32 $0xFFFFF000  }
0x5bd: {  	v10 =	vld [tilespmem:s23+$0x0];
	_ =	sdelay $0x1  }
0x5be: {  	v11 =	vld [tilespmem:s21+$0x0];
	_ =	sdelay $0x2  }
0x5bf: {  	v6 =	vmul.f32 v10, v3;
	_ =	sdelay $0x1  }
0x5c0: {  	v7 =	vmul.f32 v11, v3;
	v6 =	vtrunc.f32 v6  }
0x5c1: {  	v6 =	vcvt.f32.s32 v6  }
0x5c2: {  	v7 =	vtrunc.f32 v7  }
0x5c3: {  	v7 =	vcvt.f32.s32 v7;
	v8 =	vcvt.s32.f32 v6;
	_ =	sdelay $0x1  }
0x5c4: {  	v9 =	vcvt.s32.f32 v7;
	v13 =	vmul.u32 v7, v4;
	v12 =	vmul.f32 v8, v2  }
0x5c5: {  	v8 =	vmul.u32 $0x9E3779B1, v6  }
0x5c6: {  	v16 =	vmul.f32 v9, v2;
	v13 =	vadd.s32 v6, v13;
	v14 =	vadd.f32 v12, v2  }
0x5c7: {  	v9 =	vadd.s32 $0x1, v7;
	v17 =	vadd.s32 v5, v13;
	v15 =	vadd.s32 $0x9E3779B1, v8  }
0x5c8: {  	v18 =	vadd.f32 v16, v2;
	v6 =	vsub.f32 v14, v12;
	v14 =	vxor.u32 v9, v15  }
0x5c9: {  	p4 =	slt.u32 s16, $0x1A;
	v15 =	vxor.u32 v7, v15;
	v7 =	vxor.u32 v7, v8;
	v14 =	vand.u32 $0xFFFF, v14  }
0x5ca: {  	(erf) = vrcp.f32 v6;
	v6 =	vpsel p4, v17, v14;
	v14 =	vsub.f32 v18, v16  }
0x5cb: {  	v8 =	vxor.u32 v9, v8;
	v7 =	vand.u32 $0xFFFF, v7;
	v9 =	vand.u32 $0xFFFF, v15  }
0x5cc: {  	v17 =	vadd.s32 $0x1, v13;
	v7 =	vpsel p4, v13, v7;
	(erf) = vrcp.f32 v14  }
0x5cd: {  	v8 =	vand.u32 $0xFFFF, v8;
	v13 =	vadd.s32 v4, v13;
	v9 =	vpsel p4, v17, v9  }
0x5ce: {  	v8 =	vpsel p4, v13, v8;
	_ =	sdelay $0x1  }
0x5cf: {  	v13 =	vld.idx.msk [tilespmem:v6+s13+$0x0], $0xffff  }
0x5d0: {  	v10 =	vsub.f32 v10, v12;
	v12 =	vld.idx.msk [tilespmem:v7+s13+$0x0], $0xffff  }
0x5d1: {  	v14 =	vld.idx.msk [tilespmem:v9+s13+$0x0], $0xffff  }
0x5d2: {  	v17 =	vld.idx.msk [tilespmem:v8+s13+$0x0], $0xffff;
	v15 =	vpop (erf)  }
0x5d3: {  	v15 =	vmul.f32 v15, v10;
	v10 =	vsub.f32 v11, v16  }
0x5d4: {  	v11 =	vpop (erf)  }
0x5d5: {  	v16 =	vsub.f32 $1.000000000e+00, v15;
	v10 =	vmul.f32 v11, v10  }
0x5d6: {  	v11 =	vmul.f32 v15, v14;
	v13 =	vmul.f32 v15, v13  }
0x5d7: {  	v14 =	vmov s5;
	v12 =	vmul.f32 v16, v12;
	v16 =	vmul.f32 v16, v17  }
0x5d8: {  	v17 =	vshll.u32 v14, $0x2;
	v14 =	vsub.f32 $1.000000000e+00, v10  }
0x5d9: {  	v15 =	vadd.f32 v12, v11;
	v11 =	vor.u32 v1, v17;
	v16 =	vadd.f32 v16, v13  }
0x5da: {  	s29 =	simm.s32 $0x12600;
	s7 =	simm.s32 $0x10;
	s6 =	simm.s32 $0x12600;
	v13 =	vor.u32 $0x1, v11;
	v12 =	vor.u32 $0x2, v11  }
.LBB3_69:
0x5db: {  	v14 =	vmul.f32 v15, v14;
	v10 =	vmul.f32 v16, v10;
	s21 =	sadd.s32 $0x10, s21;
	s23 =	sadd.s32 $0x10, s23;
	s29 =	sadd.s32 $0x10, s29  }
0x5dc: {  	p5 =	sne.s32 s7, $0xFF0;
	v15 =	vor.u32 $0x3, v11;
	s8 =	smov.u32 s7;
	s7 =	sadd.s32 $0x10, s7  }
0x5dd: {  	v10 =	vadd.f32 v10, v14;
	_ =	sdelay $0x1  }
0x5de: {  	[tilespmem:s6+$0x0] =	vst v10;
	s6 =	smov.u32 s29  }
0x5df: {  	[tilespmem:v11+s2+$0x0] =	vst.idx.msk $0xffff, v7  }
0x5e0: {  	[tilespmem:v13+s2+$0x0] =	vst.idx.msk $0xffff, v9  }
0x5e1: {  	[tilespmem:v12+s2+$0x0] =	vst.idx.msk $0xffff, v8  }
0x5e2: {  	[tilespmem:v15+s2+$0x0] =	vst.idx.msk $0xffff, v6  }
0x5e3: {  	v7 =	vld [tilespmem:s23+$0x0]  }
0x5e4: {  	v10 =	vld [tilespmem:s21+$0x0];
	_ =	sdelay $0x3  }
0x5e5: {  	v6 =	vmul.f32 v7, v3  }
0x5e6: {  	v8 =	vmul.f32 v10, v3  }
0x5e7: {  	v6 =	vtrunc.f32 v6  }
0x5e8: {  	v8 =	vtrunc.f32 v8;
	v6 =	vcvt.f32.s32 v6  }
0x5e9: {  	v8 =	vcvt.f32.s32 v8  }
0x5ea: {  	v9 =	vcvt.s32.f32 v6;
	v11 =	vmul.u32 $0x9E3779B1, v6  }
0x5eb: {  	v12 =	vcvt.s32.f32 v8;
	v13 =	vmul.u32 v8, v4  }
0x5ec: {  	v15 =	vadd.s32 $0x1, v8;
	v9 =	vmul.f32 v9, v2;
	v14 =	vadd.s32 $0x9E3779B1, v11  }
0x5ed: {  	v12 =	vmul.f32 v12, v2;
	v13 =	vadd.s32 v6, v13;
	v6 =	vxor.u32 v15, v14  }
0x5ee: {  	v16 =	vadd.f32 v9, v2;
	v17 =	vadd.s32 v5, v13;
	v6 =	vand.u32 $0xFFFF, v6  }
0x5ef: {  	v14 =	vxor.u32 v8, v14;
	v18 =	vadd.f32 v12, v2;
	v6 =	vpsel p4, v17, v6  }
0x5f0: {  	v15 =	vxor.u32 v15, v11;
	v17 =	vadd.s32 $0x1, v13;
	v16 =	vsub.f32 v16, v9  }
0x5f1: {  	v19 =	vsub.f32 v7, v9;
	v7 =	vxor.u32 v8, v11;
	v18 =	vsub.f32 v18, v12  }
0x5f2: {  	v8 =	vand.u32 $0xFFFF, v15;
	v7 =	vand.u32 $0xFFFF, v7;
	(erf) = vrcp.f32 v16  }
0x5f3: {  	v11 =	vadd.s32 v4, v13;
	v9 =	vand.u32 $0xFFFF, v14;
	v7 =	vpsel p4, v13, v7  }
0x5f4: {  	v8 =	vpsel p4, v11, v8;
	v9 =	vpsel p4, v17, v9;
	(erf) = vrcp.f32 v18  }
0x5f5: {  	v10 =	vsub.f32 v10, v12;
	_ =	sdelay $0x1  }
0x5f6: {  	v11 =	vld.idx.msk [tilespmem:v6+s13+$0x0], $0xffff  }
0x5f7: {  	v12 =	vld.idx.msk [tilespmem:v7+s13+$0x0], $0xffff  }
0x5f8: {  	v13 =	vld.idx.msk [tilespmem:v9+s13+$0x0], $0xffff  }
0x5f9: {  	v14 =	vld.idx.msk [tilespmem:v8+s13+$0x0], $0xffff  }
0x5fa: {  	v15 =	vpop (erf)  }
0x5fb: {  	v15 =	vmul.f32 v15, v19  }
0x5fc: {  	v16 =	vpop (erf)  }
0x5fd: {  	v10 =	vmul.f32 v16, v10;
	v16 =	vsub.f32 $1.000000000e+00, v15;
	v11 =	vmul.f32 v15, v11  }
.Ltmp42:
0x5fe: {  	v13 =	vmul.f32 v15, v13;
	v15 =	vmov s8;
	(pc) =	sbr.rel @p5 .LBB3_69-.Ltmp42, $4  }
0x5ff: {  	v12 =	vmul.f32 v16, v12;
	v16 =	vmul.f32 v16, v14;
	v14 =	vsub.f32 $1.000000000e+00, v10  }
0x600: {  	v17 =	vshll.u32 v15, $0x2  }
0x601: {  	v15 =	vadd.f32 v12, v13;
	v16 =	vadd.f32 v16, v11;
	v11 =	vor.u32 v1, v17  }
0x602: {  	v13 =	vor.u32 $0x1, v11;
	v12 =	vor.u32 $0x2, v11  }
0x603: {  	v14 =	vmul.f32 v15, v14;
	v10 =	vmul.f32 v16, v10;
	_ =	sdelay $0x1  }
0x604: {  	v10 =	vadd.f32 v10, v14  }
0x605: {  	v63 =	vor.u32 $0x3, v11  }
0x606: {  	[tilespmem:s6+$0x0] =	vst v10  }
0x607: {  	[tilespmem:v11+s2+$0x0] =	vst.idx.msk $0xffff, v7  }
0x608: {  	[tilespmem:v13+s2+$0x0] =	vst.idx.msk $0xffff, v9  }
0x609: {  	[tilespmem:v12+s2+$0x0] =	vst.idx.msk $0xffff, v8  }
0x60a: {  	s23 =	sadd.s32 s11, s20;
	[tilespmem:v63+s2+$0x0] =	vst.idx.msk $0xffff, v6  }
0x60b: {  	[hbm4b:s23+s13] =	stream.linear.scatter [tilespmem:s3], [sflag:$0x1], $0x1000, $0x38;
	[tilespmem:$0x17600] =	vst v63  }
0x60c: {  	s29 =	sshll.u32 s14, $0xB;
	s14 =	sadd.s32 $0x1, s14;
	_ =	swait.ge [sflag:s30], $0x1000  }
0x60d: {  	p0 =	sne.s32 s14, $0x40;
	[sflag:s30] =	ssyncset.done $0x0  }
.Ltmp43:
0x60e: {  	s6 =	sadd.s32 s24, s29;
	[sflag:s30] =	ssyncadd.s32 $0xFFFFF000;
	(pc) =	sbr.rel @p0 .LBB3_68-.Ltmp43, $4  }
0x60f: {  	[hbm4b:s6+s13] =	stream.linear.scatter [tilespmem:s2], [sflag:$0x1], $0x4000, $0x38;
	[tilespmem:$0x17600] =	vst v63  }
0x610: {  	_ =	swait.ge [sflag:s30], $0x4000  }
0x611: {  	[sflag:s30] =	ssyncset.done $0x0  }
0x612: {  	[sflag:s30] =	ssyncadd.s32 $0xFFFFC000  }
.LBB3_71:
0x613: {  	s5 =	sld [smem:$0x7FB];
	_ =	sdelay $0x2  }
0x614: {  	p0 =	seq.s32 s5, $0x1  }
.Ltmp44:
0x615: {  	_ = 	snop;
	(pc) =	sbr.rel @!p0 .LBB3_76-.Ltmp44, $1  }
0x616: {  	_ =	sdelay $0x3  }
0x617: {  	v5 =	vadd.s32 $0x1, v4;
	s5 =	simm.s32 $0x0;
	s14 =	simm.s32 $0x0  }
.LBB3_73:
0x618: {  	s11 =	sshll.u32 s14, $0x9  }
0x619: {  	s21 =	simm.s32 $0x10600;
	s6 =	sadd.s32 s0, s11  }
0x61a: {  	[tilespmem:s21], [sflag:$0x1] =	stream.linear.gather [hbm4b:s6+s5], $0x1000, $0x38;
	[tilespmem:$0x17600] =	vst v63  }
0x61b: {  	_ =	swait.ge [sflag:s30], $0x1000  }
0x61c: {  	[sflag:s30] =	ssyncset.done $0x0  }
0x61d: {  	s23 =	simm.s32 $0x11600;
	s8 =	sadd.s32 s1, s11;
	[sflag:s30] =	ssyncadd.s32 $0xFFFFF000  }
0x61e: {  	[tilespmem:s23], [sflag:$0x1] =	stream.linear.gather [hbm4b:s8+s5], $0x1000, $0x38;
	[tilespmem:$0x17600] =	vst v63  }
0x61f: {  	_ =	swait.ge [sflag:s30], $0x1000  }
0x620: {  	[sflag:s30] =	ssyncset.done $0x0  }
0x621: {  	[sflag:s30] =	ssyncadd.s32 $0xFFFFF000  }
0x622: {  	v10 =	vld [tilespmem:s23+$0x0];
	_ =	sdelay $0x1  }
0x623: {  	v11 =	vld [tilespmem:s21+$0x0];
	_ =	sdelay $0x2  }
0x624: {  	v6 =	vmul.f32 v10, v3;
	_ =	sdelay $0x1  }
0x625: {  	v7 =	vmul.f32 v11, v3;
	v6 =	vtrunc.f32 v6  }
0x626: {  	v6 =	vcvt.f32.s32 v6  }
0x627: {  	v7 =	vtrunc.f32 v7  }
0x628: {  	v7 =	vcvt.f32.s32 v7;
	v8 =	vcvt.s32.f32 v6;
	_ =	sdelay $0x1  }
0x629: {  	v9 =	vcvt.s32.f32 v7;
	v13 =	vmul.u32 v7, v4;
	v12 =	vmul.f32 v8, v2  }
0x62a: {  	v8 =	vmul.u32 $0x9E3779B1, v6  }
0x62b: {  	v16 =	vmul.f32 v9, v2;
	v13 =	vadd.s32 v6, v13;
	v14 =	vadd.f32 v12, v2  }
0x62c: {  	v9 =	vadd.s32 $0x1, v7;
	v17 =	vadd.s32 v5, v13;
	v15 =	vadd.s32 $0x9E3779B1, v8  }
0x62d: {  	v18 =	vadd.f32 v16, v2;
	v6 =	vsub.f32 v14, v12;
	v14 =	vxor.u32 v9, v15  }
0x62e: {  	p4 =	slt.u32 s16, $0x1A;
	v15 =	vxor.u32 v7, v15;
	v7 =	vxor.u32 v7, v8;
	v14 =	vand.u32 $0xFFFF, v14  }
0x62f: {  	(erf) = vrcp.f32 v6;
	v6 =	vpsel p4, v17, v14;
	v14 =	vsub.f32 v18, v16  }
0x630: {  	v8 =	vxor.u32 v9, v8;
	v7 =	vand.u32 $0xFFFF, v7;
	v9 =	vand.u32 $0xFFFF, v15  }
0x631: {  	v17 =	vadd.s32 $0x1, v13;
	v7 =	vpsel p4, v13, v7;
	(erf) = vrcp.f32 v14  }
0x632: {  	v8 =	vand.u32 $0xFFFF, v8;
	v13 =	vadd.s32 v4, v13;
	v9 =	vpsel p4, v17, v9  }
0x633: {  	v8 =	vpsel p4, v13, v8;
	_ =	sdelay $0x1  }
0x634: {  	v13 =	vld.idx.msk [tilespmem:v6+s13+$0x0], $0xffff  }
0x635: {  	v10 =	vsub.f32 v10, v12;
	v12 =	vld.idx.msk [tilespmem:v7+s13+$0x0], $0xffff  }
0x636: {  	v14 =	vld.idx.msk [tilespmem:v9+s13+$0x0], $0xffff  }
0x637: {  	v17 =	vld.idx.msk [tilespmem:v8+s13+$0x0], $0xffff;
	v15 =	vpop (erf)  }
0x638: {  	v15 =	vmul.f32 v15, v10;
	v10 =	vsub.f32 v11, v16  }
0x639: {  	v11 =	vpop (erf)  }
0x63a: {  	v16 =	vsub.f32 $1.000000000e+00, v15;
	v10 =	vmul.f32 v11, v10  }
0x63b: {  	v11 =	vmul.f32 v15, v14;
	v13 =	vmul.f32 v15, v13  }
0x63c: {  	v14 =	vmov s5;
	v12 =	vmul.f32 v16, v12;
	v16 =	vmul.f32 v16, v17  }
0x63d: {  	v17 =	vshll.u32 v14, $0x2;
	v14 =	vsub.f32 $1.000000000e+00, v10  }
0x63e: {  	v15 =	vadd.f32 v12, v11;
	v11 =	vor.u32 v1, v17;
	v16 =	vadd.f32 v16, v13  }
0x63f: {  	s29 =	simm.s32 $0x12600;
	s7 =	simm.s32 $0x10;
	s6 =	simm.s32 $0x12600;
	v13 =	vor.u32 $0x1, v11;
	v12 =	vor.u32 $0x2, v11  }
.LBB3_74:
0x640: {  	v14 =	vmul.f32 v15, v14;
	v10 =	vmul.f32 v16, v10;
	s21 =	sadd.s32 $0x10, s21;
	s23 =	sadd.s32 $0x10, s23;
	s29 =	sadd.s32 $0x10, s29  }
0x641: {  	p5 =	sne.s32 s7, $0xFF0;
	v15 =	vor.u32 $0x3, v11;
	s8 =	smov.u32 s7;
	s7 =	sadd.s32 $0x10, s7  }
0x642: {  	v10 =	vadd.f32 v10, v14;
	_ =	sdelay $0x1  }
0x643: {  	[tilespmem:s6+$0x0] =	vst v10;
	s6 =	smov.u32 s29  }
0x644: {  	[tilespmem:v11+s2+$0x0] =	vst.idx.msk $0xffff, v7  }
0x645: {  	[tilespmem:v13+s2+$0x0] =	vst.idx.msk $0xffff, v9  }
0x646: {  	[tilespmem:v12+s2+$0x0] =	vst.idx.msk $0xffff, v8  }
0x647: {  	[tilespmem:v15+s2+$0x0] =	vst.idx.msk $0xffff, v6  }
0x648: {  	v7 =	vld [tilespmem:s23+$0x0]  }
0x649: {  	v10 =	vld [tilespmem:s21+$0x0];
	_ =	sdelay $0x3  }
0x64a: {  	v6 =	vmul.f32 v7, v3  }
0x64b: {  	v8 =	vmul.f32 v10, v3  }
0x64c: {  	v6 =	vtrunc.f32 v6  }
0x64d: {  	v8 =	vtrunc.f32 v8;
	v6 =	vcvt.f32.s32 v6  }
0x64e: {  	v8 =	vcvt.f32.s32 v8  }
0x64f: {  	v9 =	vcvt.s32.f32 v6;
	v11 =	vmul.u32 $0x9E3779B1, v6  }
0x650: {  	v12 =	vcvt.s32.f32 v8;
	v13 =	vmul.u32 v8, v4  }
0x651: {  	v15 =	vadd.s32 $0x1, v8;
	v9 =	vmul.f32 v9, v2;
	v14 =	vadd.s32 $0x9E3779B1, v11  }
0x652: {  	v12 =	vmul.f32 v12, v2;
	v13 =	vadd.s32 v6, v13;
	v6 =	vxor.u32 v15, v14  }
0x653: {  	v16 =	vadd.f32 v9, v2;
	v17 =	vadd.s32 v5, v13;
	v6 =	vand.u32 $0xFFFF, v6  }
0x654: {  	v14 =	vxor.u32 v8, v14;
	v18 =	vadd.f32 v12, v2;
	v6 =	vpsel p4, v17, v6  }
0x655: {  	v15 =	vxor.u32 v15, v11;
	v17 =	vadd.s32 $0x1, v13;
	v16 =	vsub.f32 v16, v9  }
0x656: {  	v19 =	vsub.f32 v7, v9;
	v7 =	vxor.u32 v8, v11;
	v18 =	vsub.f32 v18, v12  }
0x657: {  	v8 =	vand.u32 $0xFFFF, v15;
	v7 =	vand.u32 $0xFFFF, v7;
	(erf) = vrcp.f32 v16  }
0x658: {  	v11 =	vadd.s32 v4, v13;
	v9 =	vand.u32 $0xFFFF, v14;
	v7 =	vpsel p4, v13, v7  }
0x659: {  	v8 =	vpsel p4, v11, v8;
	v9 =	vpsel p4, v17, v9;
	(erf) = vrcp.f32 v18  }
0x65a: {  	v10 =	vsub.f32 v10, v12;
	_ =	sdelay $0x1  }
0x65b: {  	v11 =	vld.idx.msk [tilespmem:v6+s13+$0x0], $0xffff  }
0x65c: {  	v12 =	vld.idx.msk [tilespmem:v7+s13+$0x0], $0xffff  }
0x65d: {  	v13 =	vld.idx.msk [tilespmem:v9+s13+$0x0], $0xffff  }
0x65e: {  	v14 =	vld.idx.msk [tilespmem:v8+s13+$0x0], $0xffff  }
0x65f: {  	v15 =	vpop (erf)  }
0x660: {  	v15 =	vmul.f32 v15, v19  }
0x661: {  	v16 =	vpop (erf)  }
0x662: {  	v10 =	vmul.f32 v16, v10;
	v16 =	vsub.f32 $1.000000000e+00, v15;
	v11 =	vmul.f32 v15, v11  }
.Ltmp45:
0x663: {  	v13 =	vmul.f32 v15, v13;
	v15 =	vmov s8;
	(pc) =	sbr.rel @p5 .LBB3_74-.Ltmp45, $4  }
0x664: {  	v12 =	vmul.f32 v16, v12;
	v16 =	vmul.f32 v16, v14;
	v14 =	vsub.f32 $1.000000000e+00, v10  }
0x665: {  	v17 =	vshll.u32 v15, $0x2  }
0x666: {  	v15 =	vadd.f32 v12, v13;
	v16 =	vadd.f32 v16, v11;
	v11 =	vor.u32 v1, v17  }
0x667: {  	v13 =	vor.u32 $0x1, v11;
	v12 =	vor.u32 $0x2, v11  }
0x668: {  	v14 =	vmul.f32 v15, v14;
	v10 =	vmul.f32 v16, v10;
	_ =	sdelay $0x1  }
0x669: {  	v10 =	vadd.f32 v10, v14  }
0x66a: {  	v63 =	vor.u32 $0x3, v11  }
0x66b: {  	[tilespmem:s6+$0x0] =	vst v10  }
0x66c: {  	[tilespmem:v11+s2+$0x0] =	vst.idx.msk $0xffff, v7  }
0x66d: {  	[tilespmem:v13+s2+$0x0] =	vst.idx.msk $0xffff, v9  }
0x66e: {  	[tilespmem:v12+s2+$0x0] =	vst.idx.msk $0xffff, v8  }
0x66f: {  	s23 =	sadd.s32 s11, s20;
	[tilespmem:v63+s2+$0x0] =	vst.idx.msk $0xffff, v6  }
0x670: {  	[hbm4b:s23+s13] =	stream.linear.scatter [tilespmem:s3], [sflag:$0x1], $0x1000, $0x38;
	[tilespmem:$0x17600] =	vst v63  }
0x671: {  	s29 =	sshll.u32 s14, $0xB;
	s14 =	sadd.s32 $0x1, s14;
	_ =	swait.ge [sflag:s30], $0x1000  }
0x672: {  	p0 =	sne.s32 s14, $0x40;
	[sflag:s30] =	ssyncset.done $0x0  }
.Ltmp46:
0x673: {  	s6 =	sadd.s32 s25, s29;
	[sflag:s30] =	ssyncadd.s32 $0xFFFFF000;
	(pc) =	sbr.rel @p0 .LBB3_73-.Ltmp46, $4  }
0x674: {  	[hbm4b:s6+s13] =	stream.linear.scatter [tilespmem:s2], [sflag:$0x1], $0x4000, $0x38;
	[tilespmem:$0x17600] =	vst v63  }
0x675: {  	_ =	swait.ge [sflag:s30], $0x4000  }
0x676: {  	[sflag:s30] =	ssyncset.done $0x0  }
0x677: {  	[sflag:s30] =	ssyncadd.s32 $0xFFFFC000  }
.LBB3_76:
0x678: {  	s5 =	sld [smem:$0x7FC];
	_ =	sdelay $0x2  }
0x679: {  	p0 =	seq.s32 s5, $0x1  }
.Ltmp47:
0x67a: {  	_ = 	snop;
	(pc) =	sbr.rel @!p0 .LBB3_81-.Ltmp47, $1  }
0x67b: {  	_ =	sdelay $0x3  }
0x67c: {  	v5 =	vadd.s32 $0x1, v4;
	s5 =	simm.s32 $0x0;
	s14 =	simm.s32 $0x0  }
.LBB3_78:
0x67d: {  	s11 =	sshll.u32 s14, $0x9  }
0x67e: {  	s21 =	simm.s32 $0x10600;
	s6 =	sadd.s32 s0, s11  }
0x67f: {  	[tilespmem:s21], [sflag:$0x1] =	stream.linear.gather [hbm4b:s6+s5], $0x1000, $0x38;
	[tilespmem:$0x17600] =	vst v63  }
0x680: {  	_ =	swait.ge [sflag:s30], $0x1000  }
0x681: {  	[sflag:s30] =	ssyncset.done $0x0  }
0x682: {  	s23 =	simm.s32 $0x11600;
	s8 =	sadd.s32 s1, s11;
	[sflag:s30] =	ssyncadd.s32 $0xFFFFF000  }
0x683: {  	[tilespmem:s23], [sflag:$0x1] =	stream.linear.gather [hbm4b:s8+s5], $0x1000, $0x38;
	[tilespmem:$0x17600] =	vst v63  }
0x684: {  	_ =	swait.ge [sflag:s30], $0x1000  }
0x685: {  	[sflag:s30] =	ssyncset.done $0x0  }
0x686: {  	[sflag:s30] =	ssyncadd.s32 $0xFFFFF000  }
0x687: {  	v10 =	vld [tilespmem:s23+$0x0];
	_ =	sdelay $0x1  }
0x688: {  	v11 =	vld [tilespmem:s21+$0x0];
	_ =	sdelay $0x2  }
0x689: {  	v6 =	vmul.f32 v10, v3;
	_ =	sdelay $0x1  }
0x68a: {  	v7 =	vmul.f32 v11, v3;
	v6 =	vtrunc.f32 v6  }
0x68b: {  	v6 =	vcvt.f32.s32 v6  }
0x68c: {  	v7 =	vtrunc.f32 v7  }
0x68d: {  	v7 =	vcvt.f32.s32 v7;
	v8 =	vcvt.s32.f32 v6;
	_ =	sdelay $0x1  }
0x68e: {  	v9 =	vcvt.s32.f32 v7;
	v13 =	vmul.u32 v7, v4;
	v12 =	vmul.f32 v8, v2  }
0x68f: {  	v8 =	vmul.u32 $0x9E3779B1, v6  }
0x690: {  	v16 =	vmul.f32 v9, v2;
	v13 =	vadd.s32 v6, v13;
	v14 =	vadd.f32 v12, v2  }
0x691: {  	v9 =	vadd.s32 $0x1, v7;
	v17 =	vadd.s32 v5, v13;
	v15 =	vadd.s32 $0x9E3779B1, v8  }
0x692: {  	v18 =	vadd.f32 v16, v2;
	v6 =	vsub.f32 v14, v12;
	v14 =	vxor.u32 v9, v15  }
0x693: {  	p4 =	slt.u32 s16, $0x1A;
	v15 =	vxor.u32 v7, v15;
	v7 =	vxor.u32 v7, v8;
	v14 =	vand.u32 $0xFFFF, v14  }
0x694: {  	(erf) = vrcp.f32 v6;
	v6 =	vpsel p4, v17, v14;
	v14 =	vsub.f32 v18, v16  }
0x695: {  	v8 =	vxor.u32 v9, v8;
	v7 =	vand.u32 $0xFFFF, v7;
	v9 =	vand.u32 $0xFFFF, v15  }
0x696: {  	v17 =	vadd.s32 $0x1, v13;
	v7 =	vpsel p4, v13, v7;
	(erf) = vrcp.f32 v14  }
0x697: {  	v8 =	vand.u32 $0xFFFF, v8;
	v13 =	vadd.s32 v4, v13;
	v9 =	vpsel p4, v17, v9  }
0x698: {  	v8 =	vpsel p4, v13, v8;
	_ =	sdelay $0x1  }
0x699: {  	v13 =	vld.idx.msk [tilespmem:v6+s13+$0x0], $0xffff  }
0x69a: {  	v10 =	vsub.f32 v10, v12;
	v12 =	vld.idx.msk [tilespmem:v7+s13+$0x0], $0xffff  }
0x69b: {  	v14 =	vld.idx.msk [tilespmem:v9+s13+$0x0], $0xffff  }
0x69c: {  	v17 =	vld.idx.msk [tilespmem:v8+s13+$0x0], $0xffff;
	v15 =	vpop (erf)  }
0x69d: {  	v15 =	vmul.f32 v15, v10;
	v10 =	vsub.f32 v11, v16  }
0x69e: {  	v11 =	vpop (erf)  }
0x69f: {  	v16 =	vsub.f32 $1.000000000e+00, v15;
	v10 =	vmul.f32 v11, v10  }
0x6a0: {  	v11 =	vmul.f32 v15, v14;
	v13 =	vmul.f32 v15, v13  }
0x6a1: {  	v14 =	vmov s5;
	v12 =	vmul.f32 v16, v12;
	v16 =	vmul.f32 v16, v17  }
0x6a2: {  	v17 =	vshll.u32 v14, $0x2;
	v14 =	vsub.f32 $1.000000000e+00, v10  }
0x6a3: {  	v15 =	vadd.f32 v12, v11;
	v11 =	vor.u32 v1, v17;
	v16 =	vadd.f32 v16, v13  }
0x6a4: {  	s29 =	simm.s32 $0x12600;
	s7 =	simm.s32 $0x10;
	s6 =	simm.s32 $0x12600;
	v13 =	vor.u32 $0x1, v11;
	v12 =	vor.u32 $0x2, v11  }
.LBB3_79:
0x6a5: {  	v14 =	vmul.f32 v15, v14;
	v10 =	vmul.f32 v16, v10;
	s21 =	sadd.s32 $0x10, s21;
	s23 =	sadd.s32 $0x10, s23;
	s29 =	sadd.s32 $0x10, s29  }
0x6a6: {  	p5 =	sne.s32 s7, $0xFF0;
	v15 =	vor.u32 $0x3, v11;
	s8 =	smov.u32 s7;
	s7 =	sadd.s32 $0x10, s7  }
0x6a7: {  	v10 =	vadd.f32 v10, v14;
	_ =	sdelay $0x1  }
0x6a8: {  	[tilespmem:s6+$0x0] =	vst v10;
	s6 =	smov.u32 s29  }
0x6a9: {  	[tilespmem:v11+s2+$0x0] =	vst.idx.msk $0xffff, v7  }
0x6aa: {  	[tilespmem:v13+s2+$0x0] =	vst.idx.msk $0xffff, v9  }
0x6ab: {  	[tilespmem:v12+s2+$0x0] =	vst.idx.msk $0xffff, v8  }
0x6ac: {  	[tilespmem:v15+s2+$0x0] =	vst.idx.msk $0xffff, v6  }
0x6ad: {  	v7 =	vld [tilespmem:s23+$0x0]  }
0x6ae: {  	v10 =	vld [tilespmem:s21+$0x0];
	_ =	sdelay $0x3  }
0x6af: {  	v6 =	vmul.f32 v7, v3  }
0x6b0: {  	v8 =	vmul.f32 v10, v3  }
0x6b1: {  	v6 =	vtrunc.f32 v6  }
0x6b2: {  	v8 =	vtrunc.f32 v8;
	v6 =	vcvt.f32.s32 v6  }
0x6b3: {  	v8 =	vcvt.f32.s32 v8  }
0x6b4: {  	v9 =	vcvt.s32.f32 v6;
	v11 =	vmul.u32 $0x9E3779B1, v6  }
0x6b5: {  	v12 =	vcvt.s32.f32 v8;
	v13 =	vmul.u32 v8, v4  }
0x6b6: {  	v15 =	vadd.s32 $0x1, v8;
	v9 =	vmul.f32 v9, v2;
	v14 =	vadd.s32 $0x9E3779B1, v11  }
0x6b7: {  	v12 =	vmul.f32 v12, v2;
	v13 =	vadd.s32 v6, v13;
	v6 =	vxor.u32 v15, v14  }
0x6b8: {  	v16 =	vadd.f32 v9, v2;
	v17 =	vadd.s32 v5, v13;
	v6 =	vand.u32 $0xFFFF, v6  }
0x6b9: {  	v14 =	vxor.u32 v8, v14;
	v18 =	vadd.f32 v12, v2;
	v6 =	vpsel p4, v17, v6  }
0x6ba: {  	v15 =	vxor.u32 v15, v11;
	v17 =	vadd.s32 $0x1, v13;
	v16 =	vsub.f32 v16, v9  }
0x6bb: {  	v19 =	vsub.f32 v7, v9;
	v7 =	vxor.u32 v8, v11;
	v18 =	vsub.f32 v18, v12  }
0x6bc: {  	v8 =	vand.u32 $0xFFFF, v15;
	v7 =	vand.u32 $0xFFFF, v7;
	(erf) = vrcp.f32 v16  }
0x6bd: {  	v11 =	vadd.s32 v4, v13;
	v9 =	vand.u32 $0xFFFF, v14;
	v7 =	vpsel p4, v13, v7  }
0x6be: {  	v8 =	vpsel p4, v11, v8;
	v9 =	vpsel p4, v17, v9;
	(erf) = vrcp.f32 v18  }
0x6bf: {  	v10 =	vsub.f32 v10, v12;
	_ =	sdelay $0x1  }
0x6c0: {  	v11 =	vld.idx.msk [tilespmem:v6+s13+$0x0], $0xffff  }
0x6c1: {  	v12 =	vld.idx.msk [tilespmem:v7+s13+$0x0], $0xffff  }
0x6c2: {  	v13 =	vld.idx.msk [tilespmem:v9+s13+$0x0], $0xffff  }
0x6c3: {  	v14 =	vld.idx.msk [tilespmem:v8+s13+$0x0], $0xffff  }
0x6c4: {  	v15 =	vpop (erf)  }
0x6c5: {  	v15 =	vmul.f32 v15, v19  }
0x6c6: {  	v16 =	vpop (erf)  }
0x6c7: {  	v10 =	vmul.f32 v16, v10;
	v16 =	vsub.f32 $1.000000000e+00, v15;
	v11 =	vmul.f32 v15, v11  }
.Ltmp48:
0x6c8: {  	v13 =	vmul.f32 v15, v13;
	v15 =	vmov s8;
	(pc) =	sbr.rel @p5 .LBB3_79-.Ltmp48, $4  }
0x6c9: {  	v12 =	vmul.f32 v16, v12;
	v16 =	vmul.f32 v16, v14;
	v14 =	vsub.f32 $1.000000000e+00, v10  }
0x6ca: {  	v17 =	vshll.u32 v15, $0x2  }
0x6cb: {  	v15 =	vadd.f32 v12, v13;
	v16 =	vadd.f32 v16, v11;
	v11 =	vor.u32 v1, v17  }
0x6cc: {  	v13 =	vor.u32 $0x1, v11;
	v12 =	vor.u32 $0x2, v11  }
0x6cd: {  	v14 =	vmul.f32 v15, v14;
	v10 =	vmul.f32 v16, v10;
	_ =	sdelay $0x1  }
0x6ce: {  	v10 =	vadd.f32 v10, v14  }
0x6cf: {  	v63 =	vor.u32 $0x3, v11  }
0x6d0: {  	[tilespmem:s6+$0x0] =	vst v10  }
0x6d1: {  	[tilespmem:v11+s2+$0x0] =	vst.idx.msk $0xffff, v7  }
0x6d2: {  	[tilespmem:v13+s2+$0x0] =	vst.idx.msk $0xffff, v9  }
0x6d3: {  	[tilespmem:v12+s2+$0x0] =	vst.idx.msk $0xffff, v8  }
0x6d4: {  	s23 =	sadd.s32 s11, s20;
	[tilespmem:v63+s2+$0x0] =	vst.idx.msk $0xffff, v6  }
0x6d5: {  	[hbm4b:s23+s13] =	stream.linear.scatter [tilespmem:s3], [sflag:$0x1], $0x1000, $0x38;
	[tilespmem:$0x17600] =	vst v63  }
0x6d6: {  	s29 =	sshll.u32 s14, $0xB;
	s14 =	sadd.s32 $0x1, s14;
	_ =	swait.ge [sflag:s30], $0x1000  }
0x6d7: {  	p0 =	sne.s32 s14, $0x40;
	[sflag:s30] =	ssyncset.done $0x0  }
.Ltmp49:
0x6d8: {  	s6 =	sadd.s32 s26, s29;
	[sflag:s30] =	ssyncadd.s32 $0xFFFFF000;
	(pc) =	sbr.rel @p0 .LBB3_78-.Ltmp49, $4  }
0x6d9: {  	[hbm4b:s6+s13] =	stream.linear.scatter [tilespmem:s2], [sflag:$0x1], $0x4000, $0x38;
	[tilespmem:$0x17600] =	vst v63  }
0x6da: {  	_ =	swait.ge [sflag:s30], $0x4000  }
0x6db: {  	[sflag:s30] =	ssyncset.done $0x0  }
0x6dc: {  	[sflag:s30] =	ssyncadd.s32 $0xFFFFC000  }
.LBB3_81:
.Ltmp50:
0x6dd: {  	(pc) =	sbr.rel @!p3 .LBB3_86-.Ltmp50, $1  }
0x6de: {  	_ =	sdelay $0x3  }
0x6df: {  	v5 =	vadd.s32 $0x1, v4;
	s5 =	simm.s32 $0x0;
	s14 =	simm.s32 $0x0  }
.LBB3_83:
0x6e0: {  	s11 =	sshll.u32 s14, $0x9  }
0x6e1: {  	s21 =	simm.s32 $0x10600;
	s6 =	sadd.s32 s0, s11  }
0x6e2: {  	[tilespmem:s21], [sflag:$0x1] =	stream.linear.gather [hbm4b:s6+s5], $0x1000, $0x38;
	[tilespmem:$0x17600] =	vst v63  }
0x6e3: {  	_ =	swait.ge [sflag:s30], $0x1000  }
0x6e4: {  	[sflag:s30] =	ssyncset.done $0x0  }
0x6e5: {  	s23 =	simm.s32 $0x11600;
	s8 =	sadd.s32 s1, s11;
	[sflag:s30] =	ssyncadd.s32 $0xFFFFF000  }
0x6e6: {  	[tilespmem:s23], [sflag:$0x1] =	stream.linear.gather [hbm4b:s8+s5], $0x1000, $0x38;
	[tilespmem:$0x17600] =	vst v63  }
0x6e7: {  	_ =	swait.ge [sflag:s30], $0x1000  }
0x6e8: {  	[sflag:s30] =	ssyncset.done $0x0  }
0x6e9: {  	[sflag:s30] =	ssyncadd.s32 $0xFFFFF000  }
0x6ea: {  	v10 =	vld [tilespmem:s23+$0x0];
	_ =	sdelay $0x1  }
0x6eb: {  	v11 =	vld [tilespmem:s21+$0x0];
	_ =	sdelay $0x2  }
0x6ec: {  	v6 =	vmul.f32 v10, v3;
	_ =	sdelay $0x1  }
0x6ed: {  	v7 =	vmul.f32 v11, v3;
	v6 =	vtrunc.f32 v6  }
0x6ee: {  	v6 =	vcvt.f32.s32 v6  }
0x6ef: {  	v7 =	vtrunc.f32 v7  }
0x6f0: {  	v7 =	vcvt.f32.s32 v7;
	v8 =	vcvt.s32.f32 v6;
	_ =	sdelay $0x1  }
0x6f1: {  	v9 =	vcvt.s32.f32 v7;
	v13 =	vmul.u32 v7, v4;
	v12 =	vmul.f32 v8, v2  }
0x6f2: {  	v8 =	vmul.u32 $0x9E3779B1, v6  }
0x6f3: {  	v16 =	vmul.f32 v9, v2;
	v13 =	vadd.s32 v6, v13;
	v14 =	vadd.f32 v12, v2  }
0x6f4: {  	v9 =	vadd.s32 $0x1, v7;
	v17 =	vadd.s32 v5, v13;
	v15 =	vadd.s32 $0x9E3779B1, v8  }
0x6f5: {  	v18 =	vadd.f32 v16, v2;
	v6 =	vsub.f32 v14, v12;
	v14 =	vxor.u32 v9, v15  }
0x6f6: {  	p4 =	slt.u32 s16, $0x1A;
	v15 =	vxor.u32 v7, v15;
	v7 =	vxor.u32 v7, v8;
	v14 =	vand.u32 $0xFFFF, v14  }
0x6f7: {  	(erf) = vrcp.f32 v6;
	v6 =	vpsel p4, v17, v14;
	v14 =	vsub.f32 v18, v16  }
0x6f8: {  	v8 =	vxor.u32 v9, v8;
	v7 =	vand.u32 $0xFFFF, v7;
	v9 =	vand.u32 $0xFFFF, v15  }
0x6f9: {  	v17 =	vadd.s32 $0x1, v13;
	v7 =	vpsel p4, v13, v7;
	(erf) = vrcp.f32 v14  }
0x6fa: {  	v8 =	vand.u32 $0xFFFF, v8;
	v13 =	vadd.s32 v4, v13;
	v9 =	vpsel p4, v17, v9  }
0x6fb: {  	v8 =	vpsel p4, v13, v8;
	_ =	sdelay $0x1  }
0x6fc: {  	v13 =	vld.idx.msk [tilespmem:v6+s13+$0x0], $0xffff  }
0x6fd: {  	v10 =	vsub.f32 v10, v12;
	v12 =	vld.idx.msk [tilespmem:v7+s13+$0x0], $0xffff  }
0x6fe: {  	v14 =	vld.idx.msk [tilespmem:v9+s13+$0x0], $0xffff  }
0x6ff: {  	v17 =	vld.idx.msk [tilespmem:v8+s13+$0x0], $0xffff;
	v15 =	vpop (erf)  }
0x700: {  	v15 =	vmul.f32 v15, v10;
	v10 =	vsub.f32 v11, v16  }
0x701: {  	v11 =	vpop (erf)  }
0x702: {  	v16 =	vsub.f32 $1.000000000e+00, v15;
	v10 =	vmul.f32 v11, v10  }
0x703: {  	v11 =	vmul.f32 v15, v14;
	v13 =	vmul.f32 v15, v13  }
0x704: {  	v14 =	vmov s5;
	v12 =	vmul.f32 v16, v12;
	v16 =	vmul.f32 v16, v17  }
0x705: {  	v17 =	vshll.u32 v14, $0x2;
	v14 =	vsub.f32 $1.000000000e+00, v10  }
0x706: {  	v15 =	vadd.f32 v12, v11;
	v11 =	vor.u32 v1, v17;
	v16 =	vadd.f32 v16, v13  }
0x707: {  	s29 =	simm.s32 $0x12600;
	s7 =	simm.s32 $0x10;
	s6 =	simm.s32 $0x12600;
	v13 =	vor.u32 $0x1, v11;
	v12 =	vor.u32 $0x2, v11  }
.LBB3_84:
0x708: {  	v14 =	vmul.f32 v15, v14;
	v10 =	vmul.f32 v16, v10;
	s21 =	sadd.s32 $0x10, s21;
	s23 =	sadd.s32 $0x10, s23;
	s29 =	sadd.s32 $0x10, s29  }
0x709: {  	p5 =	sne.s32 s7, $0xFF0;
	v15 =	vor.u32 $0x3, v11;
	s8 =	smov.u32 s7;
	s7 =	sadd.s32 $0x10, s7  }
0x70a: {  	v10 =	vadd.f32 v10, v14;
	_ =	sdelay $0x1  }
0x70b: {  	[tilespmem:s6+$0x0] =	vst v10;
	s6 =	smov.u32 s29  }
0x70c: {  	[tilespmem:v11+s2+$0x0] =	vst.idx.msk $0xffff, v7  }
0x70d: {  	[tilespmem:v13+s2+$0x0] =	vst.idx.msk $0xffff, v9  }
0x70e: {  	[tilespmem:v12+s2+$0x0] =	vst.idx.msk $0xffff, v8  }
0x70f: {  	[tilespmem:v15+s2+$0x0] =	vst.idx.msk $0xffff, v6  }
0x710: {  	v7 =	vld [tilespmem:s23+$0x0]  }
0x711: {  	v10 =	vld [tilespmem:s21+$0x0];
	_ =	sdelay $0x3  }
0x712: {  	v6 =	vmul.f32 v7, v3  }
0x713: {  	v8 =	vmul.f32 v10, v3  }
0x714: {  	v6 =	vtrunc.f32 v6  }
0x715: {  	v8 =	vtrunc.f32 v8;
	v6 =	vcvt.f32.s32 v6  }
0x716: {  	v8 =	vcvt.f32.s32 v8  }
0x717: {  	v9 =	vcvt.s32.f32 v6;
	v11 =	vmul.u32 $0x9E3779B1, v6  }
0x718: {  	v12 =	vcvt.s32.f32 v8;
	v13 =	vmul.u32 v8, v4  }
0x719: {  	v15 =	vadd.s32 $0x1, v8;
	v9 =	vmul.f32 v9, v2;
	v14 =	vadd.s32 $0x9E3779B1, v11  }
0x71a: {  	v12 =	vmul.f32 v12, v2;
	v13 =	vadd.s32 v6, v13;
	v6 =	vxor.u32 v15, v14  }
0x71b: {  	v16 =	vadd.f32 v9, v2;
	v17 =	vadd.s32 v5, v13;
	v6 =	vand.u32 $0xFFFF, v6  }
0x71c: {  	v14 =	vxor.u32 v8, v14;
	v18 =	vadd.f32 v12, v2;
	v6 =	vpsel p4, v17, v6  }
0x71d: {  	v15 =	vxor.u32 v15, v11;
	v17 =	vadd.s32 $0x1, v13;
	v16 =	vsub.f32 v16, v9  }
0x71e: {  	v19 =	vsub.f32 v7, v9;
	v7 =	vxor.u32 v8, v11;
	v18 =	vsub.f32 v18, v12  }
0x71f: {  	v8 =	vand.u32 $0xFFFF, v15;
	v7 =	vand.u32 $0xFFFF, v7;
	(erf) = vrcp.f32 v16  }
0x720: {  	v11 =	vadd.s32 v4, v13;
	v9 =	vand.u32 $0xFFFF, v14;
	v7 =	vpsel p4, v13, v7  }
0x721: {  	v8 =	vpsel p4, v11, v8;
	v9 =	vpsel p4, v17, v9;
	(erf) = vrcp.f32 v18  }
0x722: {  	v10 =	vsub.f32 v10, v12;
	_ =	sdelay $0x1  }
0x723: {  	v11 =	vld.idx.msk [tilespmem:v6+s13+$0x0], $0xffff  }
0x724: {  	v12 =	vld.idx.msk [tilespmem:v7+s13+$0x0], $0xffff  }
0x725: {  	v13 =	vld.idx.msk [tilespmem:v9+s13+$0x0], $0xffff  }
0x726: {  	v14 =	vld.idx.msk [tilespmem:v8+s13+$0x0], $0xffff  }
0x727: {  	v15 =	vpop (erf)  }
0x728: {  	v15 =	vmul.f32 v15, v19  }
0x729: {  	v16 =	vpop (erf)  }
0x72a: {  	v10 =	vmul.f32 v16, v10;
	v16 =	vsub.f32 $1.000000000e+00, v15;
	v11 =	vmul.f32 v15, v11  }
.Ltmp51:
0x72b: {  	v13 =	vmul.f32 v15, v13;
	v15 =	vmov s8;
	(pc) =	sbr.rel @p5 .LBB3_84-.Ltmp51, $4  }
0x72c: {  	v12 =	vmul.f32 v16, v12;
	v16 =	vmul.f32 v16, v14;
	v14 =	vsub.f32 $1.000000000e+00, v10  }
0x72d: {  	v17 =	vshll.u32 v15, $0x2  }
0x72e: {  	v15 =	vadd.f32 v12, v13;
	v16 =	vadd.f32 v16, v11;
	v11 =	vor.u32 v1, v17  }
0x72f: {  	v13 =	vor.u32 $0x1, v11;
	v12 =	vor.u32 $0x2, v11  }
0x730: {  	v14 =	vmul.f32 v15, v14;
	v10 =	vmul.f32 v16, v10;
	_ =	sdelay $0x1  }
0x731: {  	v10 =	vadd.f32 v10, v14  }
0x732: {  	v63 =	vor.u32 $0x3, v11  }
0x733: {  	[tilespmem:s6+$0x0] =	vst v10  }
0x734: {  	[tilespmem:v11+s2+$0x0] =	vst.idx.msk $0xffff, v7  }
0x735: {  	[tilespmem:v13+s2+$0x0] =	vst.idx.msk $0xffff, v9  }
0x736: {  	[tilespmem:v12+s2+$0x0] =	vst.idx.msk $0xffff, v8  }
0x737: {  	s23 =	sadd.s32 s11, s20;
	[tilespmem:v63+s2+$0x0] =	vst.idx.msk $0xffff, v6  }
0x738: {  	[hbm4b:s23+s13] =	stream.linear.scatter [tilespmem:s3], [sflag:$0x1], $0x1000, $0x38;
	[tilespmem:$0x17600] =	vst v63  }
0x739: {  	_ =	swait.ge [sflag:s30], $0x1000  }
0x73a: {  	s29 =	sshll.u32 s14, $0xB;
	s14 =	sadd.s32 $0x1, s14;
	[sflag:s30] =	ssyncset.done $0x0  }
0x73b: {  	p0 =	sne.s32 s14, $0x40;
	s6 =	sadd.s32 s28, s29;
	[sflag:s30] =	ssyncadd.s32 $0xFFFFF000  }
0x73c: {  	[hbm4b:s6+s13] =	stream.linear.scatter [tilespmem:s2], [sflag:$0x1], $0x4000, $0x38;
	[tilespmem:$0x17600] =	vst v63  }
.Ltmp52:
0x73d: {  	_ = 	snop;
	(pc) =	sbr.rel @p0 .LBB3_83-.Ltmp52, $4  }
.Ltmp53:
0x73e: {  	_ = 	snop;
	(pc) =	sbr.rel @!p0 .LBB3_86-.Ltmp53, $4  }
0x73f: {  	_ =	swait.ge [sflag:s30], $0x4000  }
0x740: {  	[sflag:s30] =	ssyncset.done $0x0  }
0x741: {  	[sflag:s30] =	ssyncadd.s32 $0xFFFFC000  }
0x742: {  	_ = 	snop  }
.LBB3_87:
0x743: {  	_ =	sfence.sel $0x180000  }
0x744: {  	[bflag:$0x0] =	sbarrier.arrive $0xFFFF  }
0x745: {  	_ =	strace $0x90000047  }
0x746: {  	s0 =	stileid.u32;
	[bflag:$0x2] =	sbarrier.arrive $0xFFFF  }
0x747: {  	p0 =	sne.s32 s0, $0x0;
	s0 =	rddreg [dreg:$0xe]  }
0x748: {  	s0 =	sadd.s32 @!p0 $0x100000, s0  }
0x749: {  	[sflag:s0] =	ssyncadd.tile.s32 @!p0 $0x1;
	_ =	shalt  }
.Lfunc_end3:
_tile_overlayer_lowered:
.L_overlay_start_3:
0x74a: {  	(tag) =	ssettag $0x3  }
0x74b: {  	s0 =	rddreg [dreg:$0x0];
	s2 =	stileid.u32  }
0x74c: {  	s1 =	rddreg [dreg:$0x1];
	p0 =	sne.s32 s2, $0x0  }
0x74d: {  	s3 =	rddreg [dreg:$0x2];
	[bflag:$0x3] =	sbarrier.arrive $0xFFFF;
	s2 =	simm.s32 @!p0 $0x1C01  }
0x74e: {  	[timem:s3], [sflag:s2] =	dma.local @!p0 [hbm:s0], s1  }
0x74f: {  	s0 =	simm.s32 @!p0 $0x1  }
0x750: {  	_ =	swait.ge @!p0 [sflag:s0], s1  }
0x751: {  	s1 =	ssub.s32 @!p0 $0x0, s1;
	[sflag:s0] =	ssyncset.done @!p0 $0x0  }
0x752: {  	[sflag:s0] =	ssyncadd.s32 @!p0 s1  }
0x753: {  	[bflag:$0x3] =	sbarrier.arrive $0xFFFF  }
0x754: {  	_ =	shalt  }

</sc_bundles>
